<compile_context>
chip_gen: v7x
topology: tpu7x:2x2x1
jax: 0.10.2.dev20260603
libtpu: 0.0.44.dev20260713+nightly
codegen_flags: <defaults>
</compile_context>

<pallas_src>
import functools

import jax
import jax.numpy as jnp
from jax import lax
from jax.experimental import pallas as pl
from jax.experimental.pallas import tpu as pltpu
from jax.experimental.pallas import tpu_sc as plsc

N = 10000
E = 320000
D = 128
DE = 16
DEP = 128

NC = 2
NS = 16
NW = NC * NS
K = 128
EP = 327680
EPW = EP // NW
NCHUNK = EPW // K
NPH = 2
H = NCHUNK // NPH
NP = 10240
PAD_DST = N + 8
RPS = NP // NS

BR = 1000
G = N // BR


def _sc_mesh():
    return plsc.VectorSubcoreMesh(core_axis_name="c", subcore_axis_name="s")



def _gather_segsum(h, src3, dst3, zeros, linear=False):

    @functools.partial(
        pl.kernel,
        mesh=_sc_mesh(),
        out_type=jax.ShapeDtypeStruct((NC, NP, D), jnp.float32),
        scratch_types=[
            pltpu.VMEM((H, K), jnp.int32),
            pltpu.VMEM((H, K), jnp.int32),
            pltpu.VMEM((K, D), jnp.float32),
            pltpu.VMEM((K, D), jnp.float32),
            pltpu.VMEM_SHARED((NP, D), jnp.float32),
            pltpu.SemaphoreType.DMA,
            pltpu.SemaphoreType.DMA,
        ],
    )
    def seg(h_hbm, src_hbm, dst_hbm, z_hbm, out_hbm,
            sidx, didx, rows0, rows1, acc, sem0, sem1):
        c = lax.axis_index("c")
        s = lax.axis_index("s")
        wid = s * NC + c
        pltpu.sync_copy(z_hbm, acc.at[pl.ds(s * RPS, RPS)])
        plsc.subcore_barrier()

        def phase(ph, carry):
            if not linear:
                pltpu.sync_copy(src_hbm.at[wid, pl.ds(ph * H, H)], sidx)
            pltpu.sync_copy(dst_hbm.at[wid, pl.ds(ph * H, H)], didx)

            def gsrc(jj):
                if linear:
                    off = pl.multiple_of((wid * NCHUNK + ph * H + jj) * K, 8)
                    return h_hbm.at[pl.ds(off, K)]
                return h_hbm.at[sidx.at[jj]]

            pltpu.async_copy(gsrc(0), rows0, sem0)
            pltpu.async_copy(gsrc(1), rows1, sem1)

            def body(i, carry2):
                j = 2 * i
                pltpu.make_async_copy(gsrc(j), rows0, sem0).wait()
                pltpu.sync_copy(rows0, acc.at[didx.at[j]], add=True)

                @pl.when(j + 2 < H)
                def _():
                    pltpu.async_copy(gsrc(j + 2), rows0, sem0)

                pltpu.make_async_copy(gsrc(j + 1), rows1, sem1).wait()
                pltpu.sync_copy(rows1, acc.at[didx.at[j + 1]], add=True)

                @pl.when(j + 3 < H)
                def _():
                    pltpu.async_copy(gsrc(j + 3), rows1, sem1)

                return carry2

            lax.fori_loop(0, H // 2, body, 0)
            return carry

        lax.fori_loop(0, NPH, phase, 0)
        plsc.subcore_barrier()
        pltpu.sync_copy(acc.at[pl.ds(s * RPS, RPS)],
                        out_hbm.at[c, pl.ds(s * RPS, RPS)])

    return seg(h, src3, dst3, zeros)



def _p_spec():
    return pl.BlockSpec((NC, BR, D), lambda i: (0, i, 0))


def _ea_spec():
    return pl.BlockSpec((NC, BR, DEP), lambda i: (0, i, 0))


def _row_spec(d=D):
    return pl.BlockSpec((BR, d), lambda i: (i, 0))


def _full_spec(a, b):
    return pl.BlockSpec((a, b), lambda i: (0, 0))


def _smem_spec(n):
    return pl.BlockSpec(memory_space=pltpu.SMEM)


def _tc_matmul(x, w):
    def body(x_ref, w_ref, o_ref):
        o_ref[...] = jnp.dot(x_ref[...], w_ref[...],
                             preferred_element_type=jnp.float32)

    return pl.pallas_call(
        body,
        grid=(G,),
        in_specs=[_row_spec(), _full_spec(D, D)],
        out_specs=_row_spec(),
        out_shape=jax.ShapeDtypeStruct((N, D), jnp.float32),
    )(x, w)


def _tc_step(p, eap, we, wn, terms, skw):
    nt = len(terms)

    def body(*refs):
        p_ref, ea_ref, we_ref, wn_ref = refs[:4]
        t_refs = refs[4:4 + nt]
        skw_ref = refs[4 + nt]
        t_ref, h_ref = refs[5 + nt:]
        ea = ea_ref[0] + ea_ref[1]
        agg = (p_ref[0] + p_ref[1]
               + jnp.dot(ea, we_ref[...], preferred_element_type=jnp.float32))
        xk = jnp.maximum(agg, 0.0)
        if nt:
            xkw = skw_ref[0] * t_refs[0][...]
            for j in range(1, nt):
                xkw = xkw + skw_ref[j] * t_refs[j][...]
            xkw = xkw + skw_ref[nt] * xk
        else:
            xkw = xk
        t_ref[...] = xkw
        h_ref[...] = jnp.dot(xkw, wn_ref[...],
                             preferred_element_type=jnp.float32)

    return pl.pallas_call(
        body,
        grid=(G,),
        in_specs=[_p_spec(), _ea_spec(), _full_spec(DEP, D), _full_spec(D, D)]
                 + [_row_spec() for _ in range(nt)] + [_smem_spec(nt + 1)],
        out_specs=[_row_spec(), _row_spec()],
        out_shape=[jax.ShapeDtypeStruct((N, D), jnp.float32),
                   jax.ShapeDtypeStruct((N, D), jnp.float32)],
    )(p, eap, we, wn, *terms, skw)


def _tc_last(p, eap, we):
    def body(p_ref, ea_ref, we_ref, o_ref):
        ea = ea_ref[0] + ea_ref[1]
        agg = (p_ref[0] + p_ref[1]
               + jnp.dot(ea, we_ref[...], preferred_element_type=jnp.float32))
        o_ref[...] = jnp.maximum(agg, 0.0)

    return pl.pallas_call(
        body,
        grid=(G,),
        in_specs=[_p_spec(), _ea_spec(), _full_spec(DEP, D)],
        out_specs=_row_spec(),
        out_shape=jax.ShapeDtypeStruct((N, D), jnp.float32),
    )(p, eap, we)



def kernel(x, edge_index, edge_attr, params):
    L = params['layers']
    w = params['skip']

    npad = EP - E
    pad_pos = jnp.arange(npad, dtype=jnp.int32)
    pad_dst = N + pad_pos % (NP - N)
    pad_src = pad_pos % N
    src3 = jnp.concatenate(
        [edge_index[0], pad_src]).reshape(NW, NCHUNK, K)
    dst3 = jnp.concatenate(
        [edge_index[1], pad_dst]).reshape(NW, NCHUNK, K)
    ea2 = jnp.concatenate(
        [jnp.concatenate([edge_attr, jnp.zeros((npad, DE), jnp.float32)]),
         jnp.ones((EP, 1), jnp.float32),
         jnp.zeros((EP, DEP - DE - 1), jnp.float32)], axis=1)
    z128 = jnp.zeros((RPS, D), jnp.float32)

    def packed_we(l):
        p = L[l]
        return (jnp.zeros((DEP, D), jnp.float32)
                .at[:DE].set(p['We'])
                .at[DE].set(p['bn'] + p['be']))

    eap = _gather_segsum(ea2, src3, dst3, z128, linear=True)

    agg_layers = [0, 1, 2, 3, 3, 4, 5]
    nxt_layers = [1, 2, 3, 3, 4, 5, 7]
    skips = [
        [],
        [w['w2_1'], w['w2_2']],
        [w['w3_1'], w['w3_2'], w['w3_3']],
        [w['w4_1'], w['w4_2'], w['w4_3'], w['w4_4']],
        [w['w5_1'], w['w5_2'], w['w5_3'], w['w5_4'], w['w5_5']],
        [w['w6_1'], w['w6_2'], w['w6_3'], w['w6_4'], w['w6_5'], w['w6_6']],
        [w['w7_1'], w['w7_2'], w['w7_3'], w['w7_4'], w['w7_5'], w['w7_6'],
         w['w7_7']],
    ]

    h = _tc_matmul(x, L[0]['Wn'])
    terms = []
    for k in range(7):
        p = _gather_segsum(h, src3, dst3, z128)
        skw = jnp.stack(skips[k]) if skips[k] else jnp.ones((1,), jnp.float32)
        xkw, h = _tc_step(p, eap, packed_we(agg_layers[k]),
                          L[nxt_layers[k]]['Wn'], terms, skw)
        terms.append(xkw)
    p = _gather_segsum(h, src3, dst3, z128)
    return _tc_last(p, eap, packed_we(7))

# --- scband reference (transcript-rebuilt; emitter-appended) ---
"""Pipeline reference for scband-gnn-5866925326819 (READ-ONLY COPY).

The authoritative reference and input builder live on the scoring server;
editing this copy changes nothing except your own understanding.
"""

import jax, jax.numpy as jnp
import numpy as np

N_NODES = 10000
N_EDGES = 320000
D_NODE = 128
D_EDGE = 16
HIDDEN = 128
D_OUT = 128

_SKIP_VALS = {
    'w2_1': 0.6, 'w2_2': 0.4,
    'w3_1': 0.6, 'w3_2': 0.4, 'w3_3': 0.2,
    'w4_1': 0.6, 'w4_2': 0.4, 'w4_3': 0.2, 'w4_4': 0.2,
    'w5_1': 0.6, 'w5_2': 0.4, 'w5_3': 0.2, 'w5_4': 0.2, 'w5_5': 0.2,
    'w6_1': 0.6, 'w6_2': 0.4, 'w6_3': 0.2, 'w6_4': 0.2, 'w6_5': 0.2, 'w6_6': 0.2,
    'w7_1': 0.6, 'w7_2': 0.4, 'w7_3': 0.2, 'w7_4': 0.2, 'w7_5': 0.2, 'w7_6': 0.2, 'w7_7': 0.2,
}


def _layer_params(key, in_f, edge_f, out_f):
    k1, k2 = jax.random.split(key)
    return {
        'Wn': jax.random.normal(k1, (in_f, out_f), jnp.float32) / np.sqrt(in_f),
        'bn': jnp.zeros((out_f,), jnp.float32),
        'We': jax.random.normal(k2, (edge_f, out_f), jnp.float32) / np.sqrt(edge_f),
        'be': jnp.zeros((out_f,), jnp.float32),
    }


def setup_inputs(seed: int = 0) -> dict:
    key = jax.random.key(seed)
    ks = jax.random.split(key, 11)
    x = jax.random.normal(ks[0], (N_NODES, D_NODE), jnp.float32)
    edge_index = jax.random.randint(ks[1], (2, N_EDGES), 0, N_NODES, dtype=jnp.int32)
    edge_attr = jax.random.normal(ks[2], (N_EDGES, D_EDGE), jnp.float32)
    dims = [(D_NODE, D_EDGE, HIDDEN)] + [(HIDDEN, D_EDGE, HIDDEN)] * 6 + [(HIDDEN, D_EDGE, D_OUT)]
    layers = [_layer_params(ks[3 + i], a, b, c) for i, (a, b, c) in enumerate(dims)]
    skip = {k: jnp.float32(v) for k, v in _SKIP_VALS.items()}
    params = {'layers': layers, 'skip': skip}
    return {'x': x, 'edge_index': edge_index, 'edge_attr': edge_attr, 'params': params}


def _apply_layer(p, x, edge_attr, src, dst):
    # CustomGraphLayer: message = Linear(x_src) + Linear(edge_attr); sum-aggregate at dst; ReLU
    msg = x[src] @ p['Wn'] + p['bn'] + edge_attr @ p['We'] + p['be']
    agg = jax.ops.segment_sum(msg, dst, num_segments=N_NODES)
    return jax.nn.relu(agg)


def reference(x, edge_index, edge_attr, params):
    src = edge_index[0]
    dst = edge_index[1]
    L = params['layers']
    w = params['skip']
    x1 = _apply_layer(L[0], x, edge_attr, src, dst)
    x2 = _apply_layer(L[1], x1, edge_attr, src, dst)
    x2w = x1 * w['w2_1'] + x2 * w['w2_2']
    x3 = _apply_layer(L[2], x2w, edge_attr, src, dst)
    x3w = x1 * w['w3_1'] + x2w * w['w3_2'] + x3 * w['w3_3']
    x4 = _apply_layer(L[3], x3w, edge_attr, src, dst)
    x4w = x1 * w['w4_1'] + x2w * w['w4_2'] + x3w * w['w4_3'] + x4 * w['w4_4']
    x5 = _apply_layer(L[3], x4w, edge_attr, src, dst)  # torch code reuses layer4
    x5w = x1 * w['w5_1'] + x2w * w['w5_2'] + x3w * w['w5_3'] + x4w * w['w5_4'] + x5 * w['w5_5']
    x6 = _apply_layer(L[4], x5w, edge_attr, src, dst)  # torch layer5
    x6w = x1 * w['w6_1'] + x2w * w['w6_2'] + x3w * w['w6_3'] + x4w * w['w6_4'] + x5w * w['w6_5'] + x6 * w['w6_6']
    x7 = _apply_layer(L[5], x6w, edge_attr, src, dst)  # torch layer6 (layer7 is never called)
    x7w = x1 * w['w7_1'] + x2w * w['w7_2'] + x3w * w['w7_3'] + x4w * w['w7_4'] + x5w * w['w7_5'] + x6w * w['w7_6'] + x7 * w['w7_7']
    out = _apply_layer(L[7], x7w, edge_attr, src, dst)
    return out

if __name__ == "__main__":
    import jax
    _d = setup_inputs()
    print(jax.jit(kernel)(*tuple(_d.values())))

</pallas_src>

<mosaic_0001>
#map = affine_map<(d0, d1) -> (0, 0)>
#map1 = affine_map<(d0, d1) -> (0, 0, 0)>
module attributes {stable_mosaic.version = 14 : i64} {
  func.func @seg(%arg0: i32, %arg1: i32, %arg2: memref<10000x128xf32, #tpu.memory_space<hbm>>, %arg3: memref<32x80x128xi32, #tpu.memory_space<hbm>>, %arg4: memref<32x80x128xi32, #tpu.memory_space<hbm>>, %arg5: memref<640x128xf32, #tpu.memory_space<hbm>>, %arg6: memref<2x10240x128xf32, #tpu.memory_space<hbm>>, %arg7: memref<40x128xi32, #tpu.memory_space<vmem>>, %arg8: memref<40x128xi32, #tpu.memory_space<vmem>>, %arg9: memref<128x128xf32, #tpu.memory_space<vmem>>, %arg10: memref<128x128xf32, #tpu.memory_space<vmem>>, %arg11: memref<10240x128xf32, #tpu.memory_space<vmem_shared>>, %arg12: memref<!tpu.dma_semaphore, #tpu.memory_space<semaphore_mem>>, %arg13: memref<!tpu.dma_semaphore, #tpu.memory_space<semaphore_mem>>) attributes {dimension_semantics = [#tpu.dimension_semantics<core_parallel>, #tpu.dimension_semantics<subcore_parallel>], iteration_bounds = array<i64: 2, 16>, scalar_prefetch = 0 : i64, scratch_operands = 7 : i64, tpu.core_type = #tpu.core_type<sc_vector_subcore>, window_params = [{transform_indices = #map}, {transform_indices = #map1}, {transform_indices = #map1}, {transform_indices = #map}, {transform_indices = #map1}]} {
    %mul3A = arith.constant 2 : i32
    %mul3A_0 = arith.muli %arg1, %mul3A : i32
    %add3A = arith.addi %mul3A_0, %arg0 : i32
    %mul3A_1 = arith.constant 640 : i32
    %mul3A_2 = arith.muli %arg1, %mul3A_1 : i32
    "tpu.region"() ({
      %run_scoped3A = tpu.sem_alloc : memref<!tpu.dma_semaphore, #tpu.memory_space<semaphore_mem>>
      %dma_start3A = arith.constant 0 : i32
      %dma_start3A_13 = tpu.memref_slice %arg11[%mul3A_2, %dma_start3A] : memref<10240x128xf32, #tpu.memory_space<vmem_shared>> -> memref<640x128xf32, #tpu.memory_space<vmem_shared>>
      tpu.enqueue_dma source(%arg5 : memref<640x128xf32, #tpu.memory_space<hbm>>) target(%dma_start3A_13 : memref<640x128xf32, #tpu.memory_space<vmem_shared>>) target_semaphore(%run_scoped3A : memref<!tpu.dma_semaphore, #tpu.memory_space<semaphore_mem>>)
      %dma_wait3A = arith.constant 0 : i32
      %dma_wait3A_14 = tpu.memref_slice %arg11[%mul3A_2, %dma_wait3A] : memref<10240x128xf32, #tpu.memory_space<vmem_shared>> -> memref<640x128xf32, #tpu.memory_space<vmem_shared>>
      tpu.wait_dma2 semaphore(%run_scoped3A : memref<!tpu.dma_semaphore, #tpu.memory_space<semaphore_mem>>) src(%arg5 : memref<640x128xf32, #tpu.memory_space<hbm>>) dst(%dma_wait3A_14 : memref<640x128xf32, #tpu.memory_space<vmem_shared>>)
      tpu.yield
    }) : () -> ()
    %barrier3A = arith.constant 0 : index
    tpu.barrier barrier_id(%barrier3A)
    %scan3A = arith.constant 0 : i32
    %scan3A_3 = arith.constant 0 : i32
    %scan3A_4 = arith.constant 2 : i32
    %scan3A_5 = arith.addi %scan3A_3, %scan3A_4 : i32
    %scan3A_6 = arith.constant 1 : i32
    scf.for %scan3A_13 = %scan3A_3 to %scan3A_5 step %scan3A_6  : i32 {
      %mul3A_14 = arith.constant 40 : i32
      %mul3A_15 = arith.muli %scan3A_13, %mul3A_14 : i32
      "tpu.region"() ({
        %run_scoped3A = tpu.sem_alloc : memref<!tpu.dma_semaphore, #tpu.memory_space<semaphore_mem>>
        %dma_start3A_37 = arith.constant 0 : i32
        %dma_start3A_38 = tpu.memref_slice %arg3[%add3A, %mul3A_15, %dma_start3A_37] : memref<32x80x128xi32, #tpu.memory_space<hbm>> -> memref<1x40x128xi32, #tpu.memory_space<hbm>>
        %dma_start3A_39 = tpu.memref_squeeze %dma_start3A_38 : memref<1x40x128xi32, #tpu.memory_space<hbm>> -> memref<40x128xi32, #tpu.memory_space<hbm>>
        %dma_start3A_40 = arith.constant 0 : i32
        %dma_start3A_41 = tpu.memref_slice %arg3[%add3A, %mul3A_15, %dma_start3A_40] : memref<32x80x128xi32, #tpu.memory_space<hbm>> -> memref<1x40x128xi32, #tpu.memory_space<hbm>>
        %dma_start3A_42 = tpu.memref_squeeze %dma_start3A_41 : memref<1x40x128xi32, #tpu.memory_space<hbm>> -> memref<40x128xi32, #tpu.memory_space<hbm>>
        tpu.enqueue_dma source(%dma_start3A_42 : memref<40x128xi32, #tpu.memory_space<hbm>>) target(%arg7 : memref<40x128xi32, #tpu.memory_space<vmem>>) target_semaphore(%run_scoped3A : memref<!tpu.dma_semaphore, #tpu.memory_space<semaphore_mem>>)
        %dma_wait3A = arith.constant 0 : i32
        %dma_wait3A_43 = tpu.memref_slice %arg3[%add3A, %mul3A_15, %dma_wait3A] : memref<32x80x128xi32, #tpu.memory_space<hbm>> -> memref<1x40x128xi32, #tpu.memory_space<hbm>>
        %dma_wait3A_44 = tpu.memref_squeeze %dma_wait3A_43 : memref<1x40x128xi32, #tpu.memory_space<hbm>> -> memref<40x128xi32, #tpu.memory_space<hbm>>
        %dma_wait3A_45 = arith.constant 0 : i32
        %dma_wait3A_46 = tpu.memref_slice %arg3[%add3A, %mul3A_15, %dma_wait3A_45] : memref<32x80x128xi32, #tpu.memory_space<hbm>> -> memref<1x40x128xi32, #tpu.memory_space<hbm>>
        %dma_wait3A_47 = tpu.memref_squeeze %dma_wait3A_46 : memref<1x40x128xi32, #tpu.memory_space<hbm>> -> memref<40x128xi32, #tpu.memory_space<hbm>>
        tpu.wait_dma2 semaphore(%run_scoped3A : memref<!tpu.dma_semaphore, #tpu.memory_space<semaphore_mem>>) src(%dma_wait3A_47 : memref<40x128xi32, #tpu.memory_space<hbm>>) dst(%arg7 : memref<40x128xi32, #tpu.memory_space<vmem>>)
        tpu.yield
      }) : () -> ()
      %mul3A_16 = arith.constant 40 : i32
      %mul3A_17 = arith.muli %scan3A_13, %mul3A_16 : i32
      "tpu.region"() ({
        %run_scoped3A = tpu.sem_alloc : memref<!tpu.dma_semaphore, #tpu.memory_space<semaphore_mem>>
        %dma_start3A_37 = arith.constant 0 : i32
        %dma_start3A_38 = tpu.memref_slice %arg4[%add3A, %mul3A_17, %dma_start3A_37] : memref<32x80x128xi32, #tpu.memory_space<hbm>> -> memref<1x40x128xi32, #tpu.memory_space<hbm>>
        %dma_start3A_39 = tpu.memref_squeeze %dma_start3A_38 : memref<1x40x128xi32, #tpu.memory_space<hbm>> -> memref<40x128xi32, #tpu.memory_space<hbm>>
        %dma_start3A_40 = arith.constant 0 : i32
        %dma_start3A_41 = tpu.memref_slice %arg4[%add3A, %mul3A_17, %dma_start3A_40] : memref<32x80x128xi32, #tpu.memory_space<hbm>> -> memref<1x40x128xi32, #tpu.memory_space<hbm>>
        %dma_start3A_42 = tpu.memref_squeeze %dma_start3A_41 : memref<1x40x128xi32, #tpu.memory_space<hbm>> -> memref<40x128xi32, #tpu.memory_space<hbm>>
        tpu.enqueue_dma source(%dma_start3A_42 : memref<40x128xi32, #tpu.memory_space<hbm>>) target(%arg8 : memref<40x128xi32, #tpu.memory_space<vmem>>) target_semaphore(%run_scoped3A : memref<!tpu.dma_semaphore, #tpu.memory_space<semaphore_mem>>)
        %dma_wait3A = arith.constant 0 : i32
        %dma_wait3A_43 = tpu.memref_slice %arg4[%add3A, %mul3A_17, %dma_wait3A] : memref<32x80x128xi32, #tpu.memory_space<hbm>> -> memref<1x40x128xi32, #tpu.memory_space<hbm>>
        %dma_wait3A_44 = tpu.memref_squeeze %dma_wait3A_43 : memref<1x40x128xi32, #tpu.memory_space<hbm>> -> memref<40x128xi32, #tpu.memory_space<hbm>>
        %dma_wait3A_45 = arith.constant 0 : i32
        %dma_wait3A_46 = tpu.memref_slice %arg4[%add3A, %mul3A_17, %dma_wait3A_45] : memref<32x80x128xi32, #tpu.memory_space<hbm>> -> memref<1x40x128xi32, #tpu.memory_space<hbm>>
        %dma_wait3A_47 = tpu.memref_squeeze %dma_wait3A_46 : memref<1x40x128xi32, #tpu.memory_space<hbm>> -> memref<40x128xi32, #tpu.memory_space<hbm>>
        tpu.wait_dma2 semaphore(%run_scoped3A : memref<!tpu.dma_semaphore, #tpu.memory_space<semaphore_mem>>) src(%dma_wait3A_47 : memref<40x128xi32, #tpu.memory_space<hbm>>) dst(%arg8 : memref<40x128xi32, #tpu.memory_space<vmem>>)
        tpu.yield
      }) : () -> ()
      %dma_start3A = arith.constant 0 : i32
      %dma_start3A_18 = arith.constant 0 : i32
      %dma_start3A_19 = tpu.memref_slice %arg7[%dma_start3A, %dma_start3A_18] : memref<40x128xi32, #tpu.memory_space<vmem>> -> memref<1x128xi32, #tpu.memory_space<vmem>>
      %dma_start3A_20 = tpu.memref_squeeze %dma_start3A_19 : memref<1x128xi32, #tpu.memory_space<vmem>> -> memref<128xi32, #tpu.memory_space<vmem>>
      %dma_start3A_21 = arith.constant 0 : i32
      %dma_start3A_22 = arith.constant 0 : i32
      %dma_start3A_23 = tpu.memref_slice %arg2[%dma_start3A_21, %dma_start3A_22] : memref<10000x128xf32, #tpu.memory_space<hbm>> -> memref<10000x128xf32, #tpu.memory_space<hbm>>
      tpu.enqueue_indirect_dma source(%dma_start3A_23 : memref<10000x128xf32, #tpu.memory_space<hbm>>) target(%arg9 : memref<128x128xf32, #tpu.memory_space<vmem>>) offsets(%dma_start3A_20 : memref<128xi32, #tpu.memory_space<vmem>>) semaphore(%arg12 : memref<!tpu.dma_semaphore, #tpu.memory_space<semaphore_mem>>)
      %dma_start3A_24 = arith.constant 1 : i32
      %dma_start3A_25 = arith.constant 0 : i32
      %dma_start3A_26 = tpu.memref_slice %arg7[%dma_start3A_24, %dma_start3A_25] : memref<40x128xi32, #tpu.memory_space<vmem>> -> memref<1x128xi32, #tpu.memory_space<vmem>>
      %dma_start3A_27 = tpu.memref_squeeze %dma_start3A_26 : memref<1x128xi32, #tpu.memory_space<vmem>> -> memref<128xi32, #tpu.memory_space<vmem>>
      %dma_start3A_28 = arith.constant 0 : i32
      %dma_start3A_29 = arith.constant 0 : i32
      %dma_start3A_30 = tpu.memref_slice %arg2[%dma_start3A_28, %dma_start3A_29] : memref<10000x128xf32, #tpu.memory_space<hbm>> -> memref<10000x128xf32, #tpu.memory_space<hbm>>
      tpu.enqueue_indirect_dma source(%dma_start3A_30 : memref<10000x128xf32, #tpu.memory_space<hbm>>) target(%arg10 : memref<128x128xf32, #tpu.memory_space<vmem>>) offsets(%dma_start3A_27 : memref<128xi32, #tpu.memory_space<vmem>>) semaphore(%arg13 : memref<!tpu.dma_semaphore, #tpu.memory_space<semaphore_mem>>)
      %scan3A_31 = arith.constant 0 : i32
      %scan3A_32 = arith.constant 0 : i32
      %scan3A_33 = arith.constant 20 : i32
      %scan3A_34 = arith.addi %scan3A_32, %scan3A_33 : i32
      %scan3A_35 = arith.constant 1 : i32
      scf.for %scan3A_37 = %scan3A_32 to %scan3A_34 step %scan3A_35  : i32 {
        %mul3A_38 = arith.constant 2 : i32
        %mul3A_39 = arith.muli %mul3A_38, %scan3A_37 : i32
        %dma_wait3A = arith.constant 0 : i32
        %dma_wait3A_40 = tpu.memref_slice %arg7[%mul3A_39, %dma_wait3A] : memref<40x128xi32, #tpu.memory_space<vmem>> -> memref<1x128xi32, #tpu.memory_space<vmem>>
        %dma_wait3A_41 = tpu.memref_squeeze %dma_wait3A_40 : memref<1x128xi32, #tpu.memory_space<vmem>> -> memref<128xi32, #tpu.memory_space<vmem>>
        %dma_wait3A_42 = arith.constant 0 : i32
        %dma_wait3A_43 = arith.constant 0 : i32
        %dma_wait3A_44 = tpu.memref_slice %arg2[%dma_wait3A_42, %dma_wait3A_43] : memref<10000x128xf32, #tpu.memory_space<hbm>> -> memref<10000x128xf32, #tpu.memory_space<hbm>>
        tpu.wait_indirect_dma semaphore(%arg12 : memref<!tpu.dma_semaphore, #tpu.memory_space<semaphore_mem>>) src(%dma_wait3A_44 : memref<10000x128xf32, #tpu.memory_space<hbm>>) dst(%arg9 : memref<128x128xf32, #tpu.memory_space<vmem>>)
        "tpu.region"() ({
          %run_scoped3A = tpu.sem_alloc : memref<!tpu.dma_semaphore, #tpu.memory_space<semaphore_mem>>
          %dma_start3A_66 = arith.constant 0 : i32
          %dma_start3A_67 = tpu.memref_slice %arg8[%mul3A_39, %dma_start3A_66] : memref<40x128xi32, #tpu.memory_space<vmem>> -> memref<1x128xi32, #tpu.memory_space<vmem>>
          %dma_start3A_68 = tpu.memref_squeeze %dma_start3A_67 : memref<1x128xi32, #tpu.memory_space<vmem>> -> memref<128xi32, #tpu.memory_space<vmem>>
          %dma_start3A_69 = arith.constant 0 : i32
          %dma_start3A_70 = arith.constant 0 : i32
          %dma_start3A_71 = tpu.memref_slice %arg11[%dma_start3A_69, %dma_start3A_70] : memref<10240x128xf32, #tpu.memory_space<vmem_shared>> -> memref<10240x128xf32, #tpu.memory_space<vmem_shared>>
          tpu.enqueue_indirect_dma source(%arg9 : memref<128x128xf32, #tpu.memory_space<vmem>>) target(%dma_start3A_71 : memref<10240x128xf32, #tpu.memory_space<vmem_shared>>) offsets(%dma_start3A_68 : memref<128xi32, #tpu.memory_space<vmem>>) semaphore(%run_scoped3A : memref<!tpu.dma_semaphore, #tpu.memory_space<semaphore_mem>>) {add = true}
          %dma_wait3A_72 = arith.constant 0 : i32
          %dma_wait3A_73 = tpu.memref_slice %arg8[%mul3A_39, %dma_wait3A_72] : memref<40x128xi32, #tpu.memory_space<vmem>> -> memref<1x128xi32, #tpu.memory_space<vmem>>
          %dma_wait3A_74 = tpu.memref_squeeze %dma_wait3A_73 : memref<1x128xi32, #tpu.memory_space<vmem>> -> memref<128xi32, #tpu.memory_space<vmem>>
          %dma_wait3A_75 = arith.constant 0 : i32
          %dma_wait3A_76 = arith.constant 0 : i32
          %dma_wait3A_77 = tpu.memref_slice %arg11[%dma_wait3A_75, %dma_wait3A_76] : memref<10240x128xf32, #tpu.memory_space<vmem_shared>> -> memref<10240x128xf32, #tpu.memory_space<vmem_shared>>
          tpu.wait_indirect_dma semaphore(%run_scoped3A : memref<!tpu.dma_semaphore, #tpu.memory_space<semaphore_mem>>) src(%arg9 : memref<128x128xf32, #tpu.memory_space<vmem>>) dst(%dma_wait3A_77 : memref<10240x128xf32, #tpu.memory_space<vmem_shared>>)
          tpu.yield
        }) : () -> ()
        %add3A_45 = arith.constant 2 : i32
        %add3A_46 = arith.addi %mul3A_39, %add3A_45 : i32
        %lt3A = arith.constant 40 : i32
        %lt3A_47 = arith.cmpi slt, %add3A_46, %lt3A : i32
        %convert_element_type3A = arith.extui %lt3A_47 : i1 to i32
        %cond3A = arith.constant 0 : i32
        %cond3A_48 = arith.cmpi ne, %convert_element_type3A, %cond3A : i32
        scf.if %cond3A_48 {
          %add3A_66 = arith.constant 2 : i32
          %add3A_67 = arith.addi %mul3A_39, %add3A_66 : i32
          %dma_start3A_68 = arith.constant 0 : i32
          %dma_start3A_69 = tpu.memref_slice %arg7[%add3A_67, %dma_start3A_68] : memref<40x128xi32, #tpu.memory_space<vmem>> -> memref<1x128xi32, #tpu.memory_space<vmem>>
          %dma_start3A_70 = tpu.memref_squeeze %dma_start3A_69 : memref<1x128xi32, #tpu.memory_space<vmem>> -> memref<128xi32, #tpu.memory_space<vmem>>
          %dma_start3A_71 = arith.constant 0 : i32
          %dma_start3A_72 = arith.constant 0 : i32
          %dma_start3A_73 = tpu.memref_slice %arg2[%dma_start3A_71, %dma_start3A_72] : memref<10000x128xf32, #tpu.memory_space<hbm>> -> memref<10000x128xf32, #tpu.memory_space<hbm>>
          tpu.enqueue_indirect_dma source(%dma_start3A_73 : memref<10000x128xf32, #tpu.memory_space<hbm>>) target(%arg9 : memref<128x128xf32, #tpu.memory_space<vmem>>) offsets(%dma_start3A_70 : memref<128xi32, #tpu.memory_space<vmem>>) semaphore(%arg12 : memref<!tpu.dma_semaphore, #tpu.memory_space<semaphore_mem>>)
        } else {
        }
        %add3A_49 = arith.constant 1 : i32
        %add3A_50 = arith.addi %mul3A_39, %add3A_49 : i32
        %dma_wait3A_51 = arith.constant 0 : i32
        %dma_wait3A_52 = tpu.memref_slice %arg7[%add3A_50, %dma_wait3A_51] : memref<40x128xi32, #tpu.memory_space<vmem>> -> memref<1x128xi32, #tpu.memory_space<vmem>>
        %dma_wait3A_53 = tpu.memref_squeeze %dma_wait3A_52 : memref<1x128xi32, #tpu.memory_space<vmem>> -> memref<128xi32, #tpu.memory_space<vmem>>
        %dma_wait3A_54 = arith.constant 0 : i32
        %dma_wait3A_55 = arith.constant 0 : i32
        %dma_wait3A_56 = tpu.memref_slice %arg2[%dma_wait3A_54, %dma_wait3A_55] : memref<10000x128xf32, #tpu.memory_space<hbm>> -> memref<10000x128xf32, #tpu.memory_space<hbm>>
        tpu.wait_indirect_dma semaphore(%arg13 : memref<!tpu.dma_semaphore, #tpu.memory_space<semaphore_mem>>) src(%dma_wait3A_56 : memref<10000x128xf32, #tpu.memory_space<hbm>>) dst(%arg10 : memref<128x128xf32, #tpu.memory_space<vmem>>)
        %add3A_57 = arith.constant 1 : i32
        %add3A_58 = arith.addi %mul3A_39, %add3A_57 : i32
        "tpu.region"() ({
          %run_scoped3A = tpu.sem_alloc : memref<!tpu.dma_semaphore, #tpu.memory_space<semaphore_mem>>
          %dma_start3A_66 = arith.constant 0 : i32
          %dma_start3A_67 = tpu.memref_slice %arg8[%add3A_58, %dma_start3A_66] : memref<40x128xi32, #tpu.memory_space<vmem>> -> memref<1x128xi32, #tpu.memory_space<vmem>>
          %dma_start3A_68 = tpu.memref_squeeze %dma_start3A_67 : memref<1x128xi32, #tpu.memory_space<vmem>> -> memref<128xi32, #tpu.memory_space<vmem>>
          %dma_start3A_69 = arith.constant 0 : i32
          %dma_start3A_70 = arith.constant 0 : i32
          %dma_start3A_71 = tpu.memref_slice %arg11[%dma_start3A_69, %dma_start3A_70] : memref<10240x128xf32, #tpu.memory_space<vmem_shared>> -> memref<10240x128xf32, #tpu.memory_space<vmem_shared>>
          tpu.enqueue_indirect_dma source(%arg10 : memref<128x128xf32, #tpu.memory_space<vmem>>) target(%dma_start3A_71 : memref<10240x128xf32, #tpu.memory_space<vmem_shared>>) offsets(%dma_start3A_68 : memref<128xi32, #tpu.memory_space<vmem>>) semaphore(%run_scoped3A : memref<!tpu.dma_semaphore, #tpu.memory_space<semaphore_mem>>) {add = true}
          %dma_wait3A_72 = arith.constant 0 : i32
          %dma_wait3A_73 = tpu.memref_slice %arg8[%add3A_58, %dma_wait3A_72] : memref<40x128xi32, #tpu.memory_space<vmem>> -> memref<1x128xi32, #tpu.memory_space<vmem>>
          %dma_wait3A_74 = tpu.memref_squeeze %dma_wait3A_73 : memref<1x128xi32, #tpu.memory_space<vmem>> -> memref<128xi32, #tpu.memory_space<vmem>>
          %dma_wait3A_75 = arith.constant 0 : i32
          %dma_wait3A_76 = arith.constant 0 : i32
          %dma_wait3A_77 = tpu.memref_slice %arg11[%dma_wait3A_75, %dma_wait3A_76] : memref<10240x128xf32, #tpu.memory_space<vmem_shared>> -> memref<10240x128xf32, #tpu.memory_space<vmem_shared>>
          tpu.wait_indirect_dma semaphore(%run_scoped3A : memref<!tpu.dma_semaphore, #tpu.memory_space<semaphore_mem>>) src(%arg10 : memref<128x128xf32, #tpu.memory_space<vmem>>) dst(%dma_wait3A_77 : memref<10240x128xf32, #tpu.memory_space<vmem_shared>>)
          tpu.yield
        }) : () -> ()
        %add3A_59 = arith.constant 3 : i32
        %add3A_60 = arith.addi %mul3A_39, %add3A_59 : i32
        %lt3A_61 = arith.constant 40 : i32
        %lt3A_62 = arith.cmpi slt, %add3A_60, %lt3A_61 : i32
        %convert_element_type3A_63 = arith.extui %lt3A_62 : i1 to i32
        %cond3A_64 = arith.constant 0 : i32
        %cond3A_65 = arith.cmpi ne, %convert_element_type3A_63, %cond3A_64 : i32
        scf.if %cond3A_65 {
          %add3A_66 = arith.constant 3 : i32
          %add3A_67 = arith.addi %mul3A_39, %add3A_66 : i32
          %dma_start3A_68 = arith.constant 0 : i32
          %dma_start3A_69 = tpu.memref_slice %arg7[%add3A_67, %dma_start3A_68] : memref<40x128xi32, #tpu.memory_space<vmem>> -> memref<1x128xi32, #tpu.memory_space<vmem>>
          %dma_start3A_70 = tpu.memref_squeeze %dma_start3A_69 : memref<1x128xi32, #tpu.memory_space<vmem>> -> memref<128xi32, #tpu.memory_space<vmem>>
          %dma_start3A_71 = arith.constant 0 : i32
          %dma_start3A_72 = arith.constant 0 : i32
          %dma_start3A_73 = tpu.memref_slice %arg2[%dma_start3A_71, %dma_start3A_72] : memref<10000x128xf32, #tpu.memory_space<hbm>> -> memref<10000x128xf32, #tpu.memory_space<hbm>>
          tpu.enqueue_indirect_dma source(%dma_start3A_73 : memref<10000x128xf32, #tpu.memory_space<hbm>>) target(%arg10 : memref<128x128xf32, #tpu.memory_space<vmem>>) offsets(%dma_start3A_70 : memref<128xi32, #tpu.memory_space<vmem>>) semaphore(%arg13 : memref<!tpu.dma_semaphore, #tpu.memory_space<semaphore_mem>>)
        } else {
        }
      }
      %scan3A_36 = arith.constant 20 : i32
    }
    %scan3A_7 = arith.constant 2 : i32
    %barrier3A_8 = arith.constant 0 : index
    tpu.barrier barrier_id(%barrier3A_8)
    %mul3A_9 = arith.constant 640 : i32
    %mul3A_10 = arith.muli %arg1, %mul3A_9 : i32
    %mul3A_11 = arith.constant 640 : i32
    %mul3A_12 = arith.muli %arg1, %mul3A_11 : i32
    "tpu.region"() ({
      %run_scoped3A = tpu.sem_alloc : memref<!tpu.dma_semaphore, #tpu.memory_space<semaphore_mem>>
      %dma_start3A = arith.constant 0 : i32
      %dma_start3A_13 = tpu.memref_slice %arg6[%arg0, %mul3A_12, %dma_start3A] : memref<2x10240x128xf32, #tpu.memory_space<hbm>> -> memref<1x640x128xf32, #tpu.memory_space<hbm>>
      %dma_start3A_14 = tpu.memref_squeeze %dma_start3A_13 : memref<1x640x128xf32, #tpu.memory_space<hbm>> -> memref<640x128xf32, #tpu.memory_space<hbm>>
      %dma_start3A_15 = arith.constant 0 : i32
      %dma_start3A_16 = tpu.memref_slice %arg11[%mul3A_10, %dma_start3A_15] : memref<10240x128xf32, #tpu.memory_space<vmem_shared>> -> memref<640x128xf32, #tpu.memory_space<vmem_shared>>
      tpu.enqueue_dma source(%dma_start3A_16 : memref<640x128xf32, #tpu.memory_space<vmem_shared>>) target(%dma_start3A_14 : memref<640x128xf32, #tpu.memory_space<hbm>>) target_semaphore(%run_scoped3A : memref<!tpu.dma_semaphore, #tpu.memory_space<semaphore_mem>>)
      %dma_wait3A = arith.constant 0 : i32
      %dma_wait3A_17 = tpu.memref_slice %arg6[%arg0, %mul3A_12, %dma_wait3A] : memref<2x10240x128xf32, #tpu.memory_space<hbm>> -> memref<1x640x128xf32, #tpu.memory_space<hbm>>
      %dma_wait3A_18 = tpu.memref_squeeze %dma_wait3A_17 : memref<1x640x128xf32, #tpu.memory_space<hbm>> -> memref<640x128xf32, #tpu.memory_space<hbm>>
      %dma_wait3A_19 = arith.constant 0 : i32
      %dma_wait3A_20 = tpu.memref_slice %arg11[%mul3A_10, %dma_wait3A_19] : memref<10240x128xf32, #tpu.memory_space<vmem_shared>> -> memref<640x128xf32, #tpu.memory_space<vmem_shared>>
      tpu.wait_dma2 semaphore(%run_scoped3A : memref<!tpu.dma_semaphore, #tpu.memory_space<semaphore_mem>>) src(%dma_wait3A_20 : memref<640x128xf32, #tpu.memory_space<vmem_shared>>) dst(%dma_wait3A_18 : memref<640x128xf32, #tpu.memory_space<hbm>>)
      tpu.yield
    }) : () -> ()
    return
  }
}

#map = affine_map<(d0, d1) -> (0, 0)>
#map1 = affine_map<(d0, d1) -> (0, 0, 0)>
module attributes {stable_mosaic.version = 14 : i64} {
  func.func @seg(%arg0: i32, %arg1: i32, %arg2: memref<327680x128xf32, #tpu.memory_space<hbm>>, %arg3: memref<32x80x128xi32, #tpu.memory_space<hbm>>, %arg4: memref<32x80x128xi32, #tpu.memory_space<hbm>>, %arg5: memref<640x128xf32, #tpu.memory_space<hbm>>, %arg6: memref<2x10240x128xf32, #tpu.memory_space<hbm>>, %arg7: memref<40x128xi32, #tpu.memory_space<vmem>>, %arg8: memref<40x128xi32, #tpu.memory_space<vmem>>, %arg9: memref<128x128xf32, #tpu.memory_space<vmem>>, %arg10: memref<128x128xf32, #tpu.memory_space<vmem>>, %arg11: memref<10240x128xf32, #tpu.memory_space<vmem_shared>>, %arg12: memref<!tpu.dma_semaphore, #tpu.memory_space<semaphore_mem>>, %arg13: memref<!tpu.dma_semaphore, #tpu.memory_space<semaphore_mem>>) attributes {dimension_semantics = [#tpu.dimension_semantics<core_parallel>, #tpu.dimension_semantics<subcore_parallel>], iteration_bounds = array<i64: 2, 16>, scalar_prefetch = 0 : i64, scratch_operands = 7 : i64, tpu.core_type = #tpu.core_type<sc_vector_subcore>, window_params = [{transform_indices = #map}, {transform_indices = #map1}, {transform_indices = #map1}, {transform_indices = #map}, {transform_indices = #map1}]} {
    %mul3A = arith.constant 2 : i32
    %mul3A_0 = arith.muli %arg1, %mul3A : i32
    %add3A = arith.addi %mul3A_0, %arg0 : i32
    %mul3A_1 = arith.constant 640 : i32
    %mul3A_2 = arith.muli %arg1, %mul3A_1 : i32
    "tpu.region"() ({
      %run_scoped3A = tpu.sem_alloc : memref<!tpu.dma_semaphore, #tpu.memory_space<semaphore_mem>>
      %dma_start3A = arith.constant 0 : i32
      %dma_start3A_13 = tpu.memref_slice %arg11[%mul3A_2, %dma_start3A] : memref<10240x128xf32, #tpu.memory_space<vmem_shared>> -> memref<640x128xf32, #tpu.memory_space<vmem_shared>>
      tpu.enqueue_dma source(%arg5 : memref<640x128xf32, #tpu.memory_space<hbm>>) target(%dma_start3A_13 : memref<640x128xf32, #tpu.memory_space<vmem_shared>>) target_semaphore(%run_scoped3A : memref<!tpu.dma_semaphore, #tpu.memory_space<semaphore_mem>>)
      %dma_wait3A = arith.constant 0 : i32
      %dma_wait3A_14 = tpu.memref_slice %arg11[%mul3A_2, %dma_wait3A] : memref<10240x128xf32, #tpu.memory_space<vmem_shared>> -> memref<640x128xf32, #tpu.memory_space<vmem_shared>>
      tpu.wait_dma2 semaphore(%run_scoped3A : memref<!tpu.dma_semaphore, #tpu.memory_space<semaphore_mem>>) src(%arg5 : memref<640x128xf32, #tpu.memory_space<hbm>>) dst(%dma_wait3A_14 : memref<640x128xf32, #tpu.memory_space<vmem_shared>>)
      tpu.yield
    }) : () -> ()
    %barrier3A = arith.constant 0 : index
    tpu.barrier barrier_id(%barrier3A)
    %scan3A = arith.constant 0 : i32
    %scan3A_3 = arith.constant 0 : i32
    %scan3A_4 = arith.constant 2 : i32
    %scan3A_5 = arith.addi %scan3A_3, %scan3A_4 : i32
    %scan3A_6 = arith.constant 1 : i32
    scf.for %scan3A_13 = %scan3A_3 to %scan3A_5 step %scan3A_6  : i32 {
      %mul3A_14 = arith.constant 40 : i32
      %mul3A_15 = arith.muli %scan3A_13, %mul3A_14 : i32
      "tpu.region"() ({
        %run_scoped3A = tpu.sem_alloc : memref<!tpu.dma_semaphore, #tpu.memory_space<semaphore_mem>>
        %dma_start3A_48 = arith.constant 0 : i32
        %dma_start3A_49 = tpu.memref_slice %arg4[%add3A, %mul3A_15, %dma_start3A_48] : memref<32x80x128xi32, #tpu.memory_space<hbm>> -> memref<1x40x128xi32, #tpu.memory_space<hbm>>
        %dma_start3A_50 = tpu.memref_squeeze %dma_start3A_49 : memref<1x40x128xi32, #tpu.memory_space<hbm>> -> memref<40x128xi32, #tpu.memory_space<hbm>>
        %dma_start3A_51 = arith.constant 0 : i32
        %dma_start3A_52 = tpu.memref_slice %arg4[%add3A, %mul3A_15, %dma_start3A_51] : memref<32x80x128xi32, #tpu.memory_space<hbm>> -> memref<1x40x128xi32, #tpu.memory_space<hbm>>
        %dma_start3A_53 = tpu.memref_squeeze %dma_start3A_52 : memref<1x40x128xi32, #tpu.memory_space<hbm>> -> memref<40x128xi32, #tpu.memory_space<hbm>>
        tpu.enqueue_dma source(%dma_start3A_53 : memref<40x128xi32, #tpu.memory_space<hbm>>) target(%arg8 : memref<40x128xi32, #tpu.memory_space<vmem>>) target_semaphore(%run_scoped3A : memref<!tpu.dma_semaphore, #tpu.memory_space<semaphore_mem>>)
        %dma_wait3A = arith.constant 0 : i32
        %dma_wait3A_54 = tpu.memref_slice %arg4[%add3A, %mul3A_15, %dma_wait3A] : memref<32x80x128xi32, #tpu.memory_space<hbm>> -> memref<1x40x128xi32, #tpu.memory_space<hbm>>
        %dma_wait3A_55 = tpu.memref_squeeze %dma_wait3A_54 : memref<1x40x128xi32, #tpu.memory_space<hbm>> -> memref<40x128xi32, #tpu.memory_space<hbm>>
        %dma_wait3A_56 = arith.constant 0 : i32
        %dma_wait3A_57 = tpu.memref_slice %arg4[%add3A, %mul3A_15, %dma_wait3A_56] : memref<32x80x128xi32, #tpu.memory_space<hbm>> -> memref<1x40x128xi32, #tpu.memory_space<hbm>>
        %dma_wait3A_58 = tpu.memref_squeeze %dma_wait3A_57 : memref<1x40x128xi32, #tpu.memory_space<hbm>> -> memref<40x128xi32, #tpu.memory_space<hbm>>
        tpu.wait_dma2 semaphore(%run_scoped3A : memref<!tpu.dma_semaphore, #tpu.memory_space<semaphore_mem>>) src(%dma_wait3A_58 : memref<40x128xi32, #tpu.memory_space<hbm>>) dst(%arg8 : memref<40x128xi32, #tpu.memory_space<vmem>>)
        tpu.yield
      }) : () -> ()
      %mul3A_16 = arith.constant 80 : i32
      %mul3A_17 = arith.muli %add3A, %mul3A_16 : i32
      %mul3A_18 = arith.constant 40 : i32
      %mul3A_19 = arith.muli %scan3A_13, %mul3A_18 : i32
      %add3A_20 = arith.addi %mul3A_17, %mul3A_19 : i32
      %add3A_21 = arith.constant 0 : i32
      %add3A_22 = arith.addi %add3A_20, %add3A_21 : i32
      %mul3A_23 = arith.constant 128 : i32
      %mul3A_24 = arith.muli %add3A_22, %mul3A_23 : i32
      %multiple_of3A = tpu.assume_multiple %mul3A_24, 8 : i32
      %dma_start3A = arith.constant 0 : i32
      %dma_start3A_25 = tpu.memref_slice %arg2[%multiple_of3A, %dma_start3A] : memref<327680x128xf32, #tpu.memory_space<hbm>> -> memref<128x128xf32, #tpu.memory_space<hbm>>
      %dma_start3A_26 = arith.constant 0 : i32
      %dma_start3A_27 = tpu.memref_slice %arg2[%multiple_of3A, %dma_start3A_26] : memref<327680x128xf32, #tpu.memory_space<hbm>> -> memref<128x128xf32, #tpu.memory_space<hbm>>
      tpu.enqueue_dma source(%dma_start3A_27 : memref<128x128xf32, #tpu.memory_space<hbm>>) target(%arg9 : memref<128x128xf32, #tpu.memory_space<vmem>>) target_semaphore(%arg12 : memref<!tpu.dma_semaphore, #tpu.memory_space<semaphore_mem>>)
      %mul3A_28 = arith.constant 80 : i32
      %mul3A_29 = arith.muli %add3A, %mul3A_28 : i32
      %mul3A_30 = arith.constant 40 : i32
      %mul3A_31 = arith.muli %scan3A_13, %mul3A_30 : i32
      %add3A_32 = arith.addi %mul3A_29, %mul3A_31 : i32
      %add3A_33 = arith.constant 1 : i32
      %add3A_34 = arith.addi %add3A_32, %add3A_33 : i32
      %mul3A_35 = arith.constant 128 : i32
      %mul3A_36 = arith.muli %add3A_34, %mul3A_35 : i32
      %multiple_of3A_37 = tpu.assume_multiple %mul3A_36, 8 : i32
      %dma_start3A_38 = arith.constant 0 : i32
      %dma_start3A_39 = tpu.memref_slice %arg2[%multiple_of3A_37, %dma_start3A_38] : memref<327680x128xf32, #tpu.memory_space<hbm>> -> memref<128x128xf32, #tpu.memory_space<hbm>>
      %dma_start3A_40 = arith.constant 0 : i32
      %dma_start3A_41 = tpu.memref_slice %arg2[%multiple_of3A_37, %dma_start3A_40] : memref<327680x128xf32, #tpu.memory_space<hbm>> -> memref<128x128xf32, #tpu.memory_space<hbm>>
      tpu.enqueue_dma source(%dma_start3A_41 : memref<128x128xf32, #tpu.memory_space<hbm>>) target(%arg10 : memref<128x128xf32, #tpu.memory_space<vmem>>) target_semaphore(%arg13 : memref<!tpu.dma_semaphore, #tpu.memory_space<semaphore_mem>>)
      %scan3A_42 = arith.constant 0 : i32
      %scan3A_43 = arith.constant 0 : i32
      %scan3A_44 = arith.constant 20 : i32
      %scan3A_45 = arith.addi %scan3A_43, %scan3A_44 : i32
      %scan3A_46 = arith.constant 1 : i32
      scf.for %scan3A_48 = %scan3A_43 to %scan3A_45 step %scan3A_46  : i32 {
        %mul3A_49 = arith.constant 2 : i32
        %mul3A_50 = arith.muli %mul3A_49, %scan3A_48 : i32
        %mul3A_51 = arith.constant 80 : i32
        %mul3A_52 = arith.muli %add3A, %mul3A_51 : i32
        %mul3A_53 = arith.constant 40 : i32
        %mul3A_54 = arith.muli %scan3A_13, %mul3A_53 : i32
        %add3A_55 = arith.addi %mul3A_52, %mul3A_54 : i32
        %add3A_56 = arith.addi %add3A_55, %mul3A_50 : i32
        %mul3A_57 = arith.constant 128 : i32
        %mul3A_58 = arith.muli %add3A_56, %mul3A_57 : i32
        %multiple_of3A_59 = tpu.assume_multiple %mul3A_58, 8 : i32
        %dma_wait3A = arith.constant 0 : i32
        %dma_wait3A_60 = tpu.memref_slice %arg2[%multiple_of3A_59, %dma_wait3A] : memref<327680x128xf32, #tpu.memory_space<hbm>> -> memref<128x128xf32, #tpu.memory_space<hbm>>
        %dma_wait3A_61 = arith.constant 0 : i32
        %dma_wait3A_62 = tpu.memref_slice %arg2[%multiple_of3A_59, %dma_wait3A_61] : memref<327680x128xf32, #tpu.memory_space<hbm>> -> memref<128x128xf32, #tpu.memory_space<hbm>>
        tpu.wait_dma2 semaphore(%arg12 : memref<!tpu.dma_semaphore, #tpu.memory_space<semaphore_mem>>) src(%dma_wait3A_62 : memref<128x128xf32, #tpu.memory_space<hbm>>) dst(%arg9 : memref<128x128xf32, #tpu.memory_space<vmem>>)
        "tpu.region"() ({
          %run_scoped3A = tpu.sem_alloc : memref<!tpu.dma_semaphore, #tpu.memory_space<semaphore_mem>>
          %dma_start3A_91 = arith.constant 0 : i32
          %dma_start3A_92 = tpu.memref_slice %arg8[%mul3A_50, %dma_start3A_91] : memref<40x128xi32, #tpu.memory_space<vmem>> -> memref<1x128xi32, #tpu.memory_space<vmem>>
          %dma_start3A_93 = tpu.memref_squeeze %dma_start3A_92 : memref<1x128xi32, #tpu.memory_space<vmem>> -> memref<128xi32, #tpu.memory_space<vmem>>
          %dma_start3A_94 = arith.constant 0 : i32
          %dma_start3A_95 = arith.constant 0 : i32
          %dma_start3A_96 = tpu.memref_slice %arg11[%dma_start3A_94, %dma_start3A_95] : memref<10240x128xf32, #tpu.memory_space<vmem_shared>> -> memref<10240x128xf32, #tpu.memory_space<vmem_shared>>
          tpu.enqueue_indirect_dma source(%arg9 : memref<128x128xf32, #tpu.memory_space<vmem>>) target(%dma_start3A_96 : memref<10240x128xf32, #tpu.memory_space<vmem_shared>>) offsets(%dma_start3A_93 : memref<128xi32, #tpu.memory_space<vmem>>) semaphore(%run_scoped3A : memref<!tpu.dma_semaphore, #tpu.memory_space<semaphore_mem>>) {add = true}
          %dma_wait3A_97 = arith.constant 0 : i32
          %dma_wait3A_98 = tpu.memref_slice %arg8[%mul3A_50, %dma_wait3A_97] : memref<40x128xi32, #tpu.memory_space<vmem>> -> memref<1x128xi32, #tpu.memory_space<vmem>>
          %dma_wait3A_99 = tpu.memref_squeeze %dma_wait3A_98 : memref<1x128xi32, #tpu.memory_space<vmem>> -> memref<128xi32, #tpu.memory_space<vmem>>
          %dma_wait3A_100 = arith.constant 0 : i32
          %dma_wait3A_101 = arith.constant 0 : i32
          %dma_wait3A_102 = tpu.memref_slice %arg11[%dma_wait3A_100, %dma_wait3A_101] : memref<10240x128xf32, #tpu.memory_space<vmem_shared>> -> memref<10240x128xf32, #tpu.memory_space<vmem_shared>>
          tpu.wait_indirect_dma semaphore(%run_scoped3A : memref<!tpu.dma_semaphore, #tpu.memory_space<semaphore_mem>>) src(%arg9 : memref<128x128xf32, #tpu.memory_space<vmem>>) dst(%dma_wait3A_102 : memref<10240x128xf32, #tpu.memory_space<vmem_shared>>)
          tpu.yield
        }) : () -> ()
        %add3A_63 = arith.constant 2 : i32
        %add3A_64 = arith.addi %mul3A_50, %add3A_63 : i32
        %lt3A = arith.constant 40 : i32
        %lt3A_65 = arith.cmpi slt, %add3A_64, %lt3A : i32
        %convert_element_type3A = arith.extui %lt3A_65 : i1 to i32
        %cond3A = arith.constant 0 : i32
        %cond3A_66 = arith.cmpi ne, %convert_element_type3A, %cond3A : i32
        scf.if %cond3A_66 {
          %add3A_91 = arith.constant 2 : i32
          %add3A_92 = arith.addi %mul3A_50, %add3A_91 : i32
          %mul3A_93 = arith.constant 80 : i32
          %mul3A_94 = arith.muli %add3A, %mul3A_93 : i32
          %mul3A_95 = arith.constant 40 : i32
          %mul3A_96 = arith.muli %scan3A_13, %mul3A_95 : i32
          %add3A_97 = arith.addi %mul3A_94, %mul3A_96 : i32
          %add3A_98 = arith.addi %add3A_97, %add3A_92 : i32
          %mul3A_99 = arith.constant 128 : i32
          %mul3A_100 = arith.muli %add3A_98, %mul3A_99 : i32
          %multiple_of3A_101 = tpu.assume_multiple %mul3A_100, 8 : i32
          %dma_start3A_102 = arith.constant 0 : i32
          %dma_start3A_103 = tpu.memref_slice %arg2[%multiple_of3A_101, %dma_start3A_102] : memref<327680x128xf32, #tpu.memory_space<hbm>> -> memref<128x128xf32, #tpu.memory_space<hbm>>
          %dma_start3A_104 = arith.constant 0 : i32
          %dma_start3A_105 = tpu.memref_slice %arg2[%multiple_of3A_101, %dma_start3A_104] : memref<327680x128xf32, #tpu.memory_space<hbm>> -> memref<128x128xf32, #tpu.memory_space<hbm>>
          tpu.enqueue_dma source(%dma_start3A_105 : memref<128x128xf32, #tpu.memory_space<hbm>>) target(%arg9 : memref<128x128xf32, #tpu.memory_space<vmem>>) target_semaphore(%arg12 : memref<!tpu.dma_semaphore, #tpu.memory_space<semaphore_mem>>)
        } else {
        }
        %add3A_67 = arith.constant 1 : i32
        %add3A_68 = arith.addi %mul3A_50, %add3A_67 : i32
        %mul3A_69 = arith.constant 80 : i32
        %mul3A_70 = arith.muli %add3A, %mul3A_69 : i32
        %mul3A_71 = arith.constant 40 : i32
        %mul3A_72 = arith.muli %scan3A_13, %mul3A_71 : i32
        %add3A_73 = arith.addi %mul3A_70, %mul3A_72 : i32
        %add3A_74 = arith.addi %add3A_73, %add3A_68 : i32
        %mul3A_75 = arith.constant 128 : i32
        %mul3A_76 = arith.muli %add3A_74, %mul3A_75 : i32
        %multiple_of3A_77 = tpu.assume_multiple %mul3A_76, 8 : i32
        %dma_wait3A_78 = arith.constant 0 : i32
        %dma_wait3A_79 = tpu.memref_slice %arg2[%multiple_of3A_77, %dma_wait3A_78] : memref<327680x128xf32, #tpu.memory_space<hbm>> -> memref<128x128xf32, #tpu.memory_space<hbm>>
        %dma_wait3A_80 = arith.constant 0 : i32
        %dma_wait3A_81 = tpu.memref_slice %arg2[%multiple_of3A_77, %dma_wait3A_80] : memref<327680x128xf32, #tpu.memory_space<hbm>> -> memref<128x128xf32, #tpu.memory_space<hbm>>
        tpu.wait_dma2 semaphore(%arg13 : memref<!tpu.dma_semaphore, #tpu.memory_space<semaphore_mem>>) src(%dma_wait3A_81 : memref<128x128xf32, #tpu.memory_space<hbm>>) dst(%arg10 : memref<128x128xf32, #tpu.memory_space<vmem>>)
        %add3A_82 = arith.constant 1 : i32
        %add3A_83 = arith.addi %mul3A_50, %add3A_82 : i32
        "tpu.region"() ({
          %run_scoped3A = tpu.sem_alloc : memref<!tpu.dma_semaphore, #tpu.memory_space<semaphore_mem>>
          %dma_start3A_91 = arith.constant 0 : i32
          %dma_start3A_92 = tpu.memref_slice %arg8[%add3A_83, %dma_start3A_91] : memref<40x128xi32, #tpu.memory_space<vmem>> -> memref<1x128xi32, #tpu.memory_space<vmem>>
          %dma_start3A_93 = tpu.memref_squeeze %dma_start3A_92 : memref<1x128xi32, #tpu.memory_space<vmem>> -> memref<128xi32, #tpu.memory_space<vmem>>
          %dma_start3A_94 = arith.constant 0 : i32
          %dma_start3A_95 = arith.constant 0 : i32
          %dma_start3A_96 = tpu.memref_slice %arg11[%dma_start3A_94, %dma_start3A_95] : memref<10240x128xf32, #tpu.memory_space<vmem_shared>> -> memref<10240x128xf32, #tpu.memory_space<vmem_shared>>
          tpu.enqueue_indirect_dma source(%arg10 : memref<128x128xf32, #tpu.memory_space<vmem>>) target(%dma_start3A_96 : memref<10240x128xf32, #tpu.memory_space<vmem_shared>>) offsets(%dma_start3A_93 : memref<128xi32, #tpu.memory_space<vmem>>) semaphore(%run_scoped3A : memref<!tpu.dma_semaphore, #tpu.memory_space<semaphore_mem>>) {add = true}
          %dma_wait3A_97 = arith.constant 0 : i32
          %dma_wait3A_98 = tpu.memref_slice %arg8[%add3A_83, %dma_wait3A_97] : memref<40x128xi32, #tpu.memory_space<vmem>> -> memref<1x128xi32, #tpu.memory_space<vmem>>
          %dma_wait3A_99 = tpu.memref_squeeze %dma_wait3A_98 : memref<1x128xi32, #tpu.memory_space<vmem>> -> memref<128xi32, #tpu.memory_space<vmem>>
          %dma_wait3A_100 = arith.constant 0 : i32
          %dma_wait3A_101 = arith.constant 0 : i32
          %dma_wait3A_102 = tpu.memref_slice %arg11[%dma_wait3A_100, %dma_wait3A_101] : memref<10240x128xf32, #tpu.memory_space<vmem_shared>> -> memref<10240x128xf32, #tpu.memory_space<vmem_shared>>
          tpu.wait_indirect_dma semaphore(%run_scoped3A : memref<!tpu.dma_semaphore, #tpu.memory_space<semaphore_mem>>) src(%arg10 : memref<128x128xf32, #tpu.memory_space<vmem>>) dst(%dma_wait3A_102 : memref<10240x128xf32, #tpu.memory_space<vmem_shared>>)
          tpu.yield
        }) : () -> ()
        %add3A_84 = arith.constant 3 : i32
        %add3A_85 = arith.addi %mul3A_50, %add3A_84 : i32
        %lt3A_86 = arith.constant 40 : i32
        %lt3A_87 = arith.cmpi slt, %add3A_85, %lt3A_86 : i32
        %convert_element_type3A_88 = arith.extui %lt3A_87 : i1 to i32
        %cond3A_89 = arith.constant 0 : i32
        %cond3A_90 = arith.cmpi ne, %convert_element_type3A_88, %cond3A_89 : i32
        scf.if %cond3A_90 {
          %add3A_91 = arith.constant 3 : i32
          %add3A_92 = arith.addi %mul3A_50, %add3A_91 : i32
          %mul3A_93 = arith.constant 80 : i32
          %mul3A_94 = arith.muli %add3A, %mul3A_93 : i32
          %mul3A_95 = arith.constant 40 : i32
          %mul3A_96 = arith.muli %scan3A_13, %mul3A_95 : i32
          %add3A_97 = arith.addi %mul3A_94, %mul3A_96 : i32
          %add3A_98 = arith.addi %add3A_97, %add3A_92 : i32
          %mul3A_99 = arith.constant 128 : i32
          %mul3A_100 = arith.muli %add3A_98, %mul3A_99 : i32
          %multiple_of3A_101 = tpu.assume_multiple %mul3A_100, 8 : i32
          %dma_start3A_102 = arith.constant 0 : i32
          %dma_start3A_103 = tpu.memref_slice %arg2[%multiple_of3A_101, %dma_start3A_102] : memref<327680x128xf32, #tpu.memory_space<hbm>> -> memref<128x128xf32, #tpu.memory_space<hbm>>
          %dma_start3A_104 = arith.constant 0 : i32
          %dma_start3A_105 = tpu.memref_slice %arg2[%multiple_of3A_101, %dma_start3A_104] : memref<327680x128xf32, #tpu.memory_space<hbm>> -> memref<128x128xf32, #tpu.memory_space<hbm>>
          tpu.enqueue_dma source(%dma_start3A_105 : memref<128x128xf32, #tpu.memory_space<hbm>>) target(%arg10 : memref<128x128xf32, #tpu.memory_space<vmem>>) target_semaphore(%arg13 : memref<!tpu.dma_semaphore, #tpu.memory_space<semaphore_mem>>)
        } else {
        }
      }
      %scan3A_47 = arith.constant 20 : i32
    }
    %scan3A_7 = arith.constant 2 : i32
    %barrier3A_8 = arith.constant 0 : index
    tpu.barrier barrier_id(%barrier3A_8)
    %mul3A_9 = arith.constant 640 : i32
    %mul3A_10 = arith.muli %arg1, %mul3A_9 : i32
    %mul3A_11 = arith.constant 640 : i32
    %mul3A_12 = arith.muli %arg1, %mul3A_11 : i32
    "tpu.region"() ({
      %run_scoped3A = tpu.sem_alloc : memref<!tpu.dma_semaphore, #tpu.memory_space<semaphore_mem>>
      %dma_start3A = arith.constant 0 : i32
      %dma_start3A_13 = tpu.memref_slice %arg6[%arg0, %mul3A_12, %dma_start3A] : memref<2x10240x128xf32, #tpu.memory_space<hbm>> -> memref<1x640x128xf32, #tpu.memory_space<hbm>>
      %dma_start3A_14 = tpu.memref_squeeze %dma_start3A_13 : memref<1x640x128xf32, #tpu.memory_space<hbm>> -> memref<640x128xf32, #tpu.memory_space<hbm>>
      %dma_start3A_15 = arith.constant 0 : i32
      %dma_start3A_16 = tpu.memref_slice %arg11[%mul3A_10, %dma_start3A_15] : memref<10240x128xf32, #tpu.memory_space<vmem_shared>> -> memref<640x128xf32, #tpu.memory_space<vmem_shared>>
      tpu.enqueue_dma source(%dma_start3A_16 : memref<640x128xf32, #tpu.memory_space<vmem_shared>>) target(%dma_start3A_14 : memref<640x128xf32, #tpu.memory_space<hbm>>) target_semaphore(%run_scoped3A : memref<!tpu.dma_semaphore, #tpu.memory_space<semaphore_mem>>)
      %dma_wait3A = arith.constant 0 : i32
      %dma_wait3A_17 = tpu.memref_slice %arg6[%arg0, %mul3A_12, %dma_wait3A] : memref<2x10240x128xf32, #tpu.memory_space<hbm>> -> memref<1x640x128xf32, #tpu.memory_space<hbm>>
      %dma_wait3A_18 = tpu.memref_squeeze %dma_wait3A_17 : memref<1x640x128xf32, #tpu.memory_space<hbm>> -> memref<640x128xf32, #tpu.memory_space<hbm>>
      %dma_wait3A_19 = arith.constant 0 : i32
      %dma_wait3A_20 = tpu.memref_slice %arg11[%mul3A_10, %dma_wait3A_19] : memref<10240x128xf32, #tpu.memory_space<vmem_shared>> -> memref<640x128xf32, #tpu.memory_space<vmem_shared>>
      tpu.wait_dma2 semaphore(%run_scoped3A : memref<!tpu.dma_semaphore, #tpu.memory_space<semaphore_mem>>) src(%dma_wait3A_20 : memref<640x128xf32, #tpu.memory_space<vmem_shared>>) dst(%dma_wait3A_18 : memref<640x128xf32, #tpu.memory_space<hbm>>)
      tpu.yield
    }) : () -> ()
    return
  }
}

#map = affine_map<(d0, d1) -> (0, 0)>
#map1 = affine_map<(d0, d1) -> (0, 0, 0)>
module attributes {stable_mosaic.version = 14 : i64} {
  func.func @seg(%arg0: i32, %arg1: i32, %arg2: memref<10000x128xf32, #tpu.memory_space<hbm>>, %arg3: memref<32x80x128xi32, #tpu.memory_space<hbm>>, %arg4: memref<32x80x128xi32, #tpu.memory_space<hbm>>, %arg5: memref<640x128xf32, #tpu.memory_space<hbm>>, %arg6: memref<2x10240x128xf32, #tpu.memory_space<hbm>>, %arg7: memref<40x128xi32, #tpu.memory_space<vmem>>, %arg8: memref<40x128xi32, #tpu.memory_space<vmem>>, %arg9: memref<128x128xf32, #tpu.memory_space<vmem>>, %arg10: memref<128x128xf32, #tpu.memory_space<vmem>>, %arg11: memref<10240x128xf32, #tpu.memory_space<vmem_shared>>, %arg12: memref<!tpu.dma_semaphore, #tpu.memory_space<semaphore_mem>>, %arg13: memref<!tpu.dma_semaphore, #tpu.memory_space<semaphore_mem>>) attributes {dimension_semantics = [#tpu.dimension_semantics<core_parallel>, #tpu.dimension_semantics<subcore_parallel>], iteration_bounds = array<i64: 2, 16>, scalar_prefetch = 0 : i64, scratch_operands = 7 : i64, tpu.core_type = #tpu.core_type<sc_vector_subcore>, window_params = [{transform_indices = #map}, {transform_indices = #map1}, {transform_indices = #map1}, {transform_indices = #map}, {transform_indices = #map1}]} {
    %mul3A = arith.constant 2 : i32
    %mul3A_0 = arith.muli %arg1, %mul3A : i32
    %add3A = arith.addi %mul3A_0, %arg0 : i32
    %mul3A_1 = arith.constant 640 : i32
    %mul3A_2 = arith.muli %arg1, %mul3A_1 : i32
    "tpu.region"() ({
      %run_scoped3A = tpu.sem_alloc : memref<!tpu.dma_semaphore, #tpu.memory_space<semaphore_mem>>
      %dma_start3A = arith.constant 0 : i32
      %dma_start3A_13 = tpu.memref_slice %arg11[%mul3A_2, %dma_start3A] : memref<10240x128xf32, #tpu.memory_space<vmem_shared>> -> memref<640x128xf32, #tpu.memory_space<vmem_shared>>
      tpu.enqueue_dma source(%arg5 : memref<640x128xf32, #tpu.memory_space<hbm>>) target(%dma_start3A_13 : memref<640x128xf32, #tpu.memory_space<vmem_shared>>) target_semaphore(%run_scoped3A : memref<!tpu.dma_semaphore, #tpu.memory_space<semaphore_mem>>)
      %dma_wait3A = arith.constant 0 : i32
      %dma_wait3A_14 = tpu.memref_slice %arg11[%mul3A_2, %dma_wait3A] : memref<10240x128xf32, #tpu.memory_space<vmem_shared>> -> memref<640x128xf32, #tpu.memory_space<vmem_shared>>
      tpu.wait_dma2 semaphore(%run_scoped3A : memref<!tpu.dma_semaphore, #tpu.memory_space<semaphore_mem>>) src(%arg5 : memref<640x128xf32, #tpu.memory_space<hbm>>) dst(%dma_wait3A_14 : memref<640x128xf32, #tpu.memory_space<vmem_shared>>)
      tpu.yield
    }) : () -> ()
    %barrier3A = arith.constant 0 : index
    tpu.barrier barrier_id(%barrier3A)
    %scan3A = arith.constant 0 : i32
    %scan3A_3 = arith.constant 0 : i32
    %scan3A_4 = arith.constant 2 : i32
    %scan3A_5 = arith.addi %scan3A_3, %scan3A_4 : i32
    %scan3A_6 = arith.constant 1 : i32
    scf.for %scan3A_13 = %scan3A_3 to %scan3A_5 step %scan3A_6  : i32 {
      %mul3A_14 = arith.constant 40 : i32
      %mul3A_15 = arith.muli %scan3A_13, %mul3A_14 : i32
      "tpu.region"() ({
        %run_scoped3A = tpu.sem_alloc : memref<!tpu.dma_semaphore, #tpu.memory_space<semaphore_mem>>
        %dma_start3A_37 = arith.constant 0 : i32
        %dma_start3A_38 = tpu.memref_slice %arg3[%add3A, %mul3A_15, %dma_start3A_37] : memref<32x80x128xi32, #tpu.memory_space<hbm>> -> memref<1x40x128xi32, #tpu.memory_space<hbm>>
        %dma_start3A_39 = tpu.memref_squeeze %dma_start3A_38 : memref<1x40x128xi32, #tpu.memory_space<hbm>> -> memref<40x128xi32, #tpu.memory_space<hbm>>
        %dma_start3A_40 = arith.constant 0 : i32
        %dma_start3A_41 = tpu.memref_slice %arg3[%add3A, %mul3A_15, %dma_start3A_40] : memref<32x80x128xi32, #tpu.memory_space<hbm>> -> memref<1x40x128xi32, #tpu.memory_space<hbm>>
        %dma_start3A_42 = tpu.memref_squeeze %dma_start3A_41 : memref<1x40x128xi32, #tpu.memory_space<hbm>> -> memref<40x128xi32, #tpu.memory_space<hbm>>
        tpu.enqueue_dma source(%dma_start3A_42 : memref<40x128xi32, #tpu.memory_space<hbm>>) target(%arg7 : memref<40x128xi32, #tpu.memory_space<vmem>>) target_semaphore(%run_scoped3A : memref<!tpu.dma_semaphore, #tpu.memory_space<semaphore_mem>>)
        %dma_wait3A = arith.constant 0 : i32
        %dma_wait3A_43 = tpu.memref_slice %arg3[%add3A, %mul3A_15, %dma_wait3A] : memref<32x80x128xi32, #tpu.memory_space<hbm>> -> memref<1x40x128xi32, #tpu.memory_space<hbm>>
        %dma_wait3A_44 = tpu.memref_squeeze %dma_wait3A_43 : memref<1x40x128xi32, #tpu.memory_space<hbm>> -> memref<40x128xi32, #tpu.memory_space<hbm>>
        %dma_wait3A_45 = arith.constant 0 : i32
        %dma_wait3A_46 = tpu.memref_slice %arg3[%add3A, %mul3A_15, %dma_wait3A_45] : memref<32x80x128xi32, #tpu.memory_space<hbm>> -> memref<1x40x128xi32, #tpu.memory_space<hbm>>
        %dma_wait3A_47 = tpu.memref_squeeze %dma_wait3A_46 : memref<1x40x128xi32, #tpu.memory_space<hbm>> -> memref<40x128xi32, #tpu.memory_space<hbm>>
        tpu.wait_dma2 semaphore(%run_scoped3A : memref<!tpu.dma_semaphore, #tpu.memory_space<semaphore_mem>>) src(%dma_wait3A_47 : memref<40x128xi32, #tpu.memory_space<hbm>>) dst(%arg7 : memref<40x128xi32, #tpu.memory_space<vmem>>)
        tpu.yield
      }) : () -> ()
      %mul3A_16 = arith.constant 40 : i32
      %mul3A_17 = arith.muli %scan3A_13, %mul3A_16 : i32
      "tpu.region"() ({
        %run_scoped3A = tpu.sem_alloc : memref<!tpu.dma_semaphore, #tpu.memory_space<semaphore_mem>>
        %dma_start3A_37 = arith.constant 0 : i32
        %dma_start3A_38 = tpu.memref_slice %arg4[%add3A, %mul3A_17, %dma_start3A_37] : memref<32x80x128xi32, #tpu.memory_space<hbm>> -> memref<1x40x128xi32, #tpu.memory_space<hbm>>
        %dma_start3A_39 = tpu.memref_squeeze %dma_start3A_38 : memref<1x40x128xi32, #tpu.memory_space<hbm>> -> memref<40x128xi32, #tpu.memory_space<hbm>>
        %dma_start3A_40 = arith.constant 0 : i32
        %dma_start3A_41 = tpu.memref_slice %arg4[%add3A, %mul3A_17, %dma_start3A_40] : memref<32x80x128xi32, #tpu.memory_space<hbm>> -> memref<1x40x128xi32, #tpu.memory_space<hbm>>
        %dma_start3A_42 = tpu.memref_squeeze %dma_start3A_41 : memref<1x40x128xi32, #tpu.memory_space<hbm>> -> memref<40x128xi32, #tpu.memory_space<hbm>>
        tpu.enqueue_dma source(%dma_start3A_42 : memref<40x128xi32, #tpu.memory_space<hbm>>) target(%arg8 : memref<40x128xi32, #tpu.memory_space<vmem>>) target_semaphore(%run_scoped3A : memref<!tpu.dma_semaphore, #tpu.memory_space<semaphore_mem>>)
        %dma_wait3A = arith.constant 0 : i32
        %dma_wait3A_43 = tpu.memref_slice %arg4[%add3A, %mul3A_17, %dma_wait3A] : memref<32x80x128xi32, #tpu.memory_space<hbm>> -> memref<1x40x128xi32, #tpu.memory_space<hbm>>
        %dma_wait3A_44 = tpu.memref_squeeze %dma_wait3A_43 : memref<1x40x128xi32, #tpu.memory_space<hbm>> -> memref<40x128xi32, #tpu.memory_space<hbm>>
        %dma_wait3A_45 = arith.constant 0 : i32
        %dma_wait3A_46 = tpu.memref_slice %arg4[%add3A, %mul3A_17, %dma_wait3A_45] : memref<32x80x128xi32, #tpu.memory_space<hbm>> -> memref<1x40x128xi32, #tpu.memory_space<hbm>>
        %dma_wait3A_47 = tpu.memref_squeeze %dma_wait3A_46 : memref<1x40x128xi32, #tpu.memory_space<hbm>> -> memref<40x128xi32, #tpu.memory_space<hbm>>
        tpu.wait_dma2 semaphore(%run_scoped3A : memref<!tpu.dma_semaphore, #tpu.memory_space<semaphore_mem>>) src(%dma_wait3A_47 : memref<40x128xi32, #tpu.memory_space<hbm>>) dst(%arg8 : memref<40x128xi32, #tpu.memory_space<vmem>>)
        tpu.yield
      }) : () -> ()
      %dma_start3A = arith.constant 0 : i32
      %dma_start3A_18 = arith.constant 0 : i32
      %dma_start3A_19 = tpu.memref_slice %arg7[%dma_start3A, %dma_start3A_18] : memref<40x128xi32, #tpu.memory_space<vmem>> -> memref<1x128xi32, #tpu.memory_space<vmem>>
      %dma_start3A_20 = tpu.memref_squeeze %dma_start3A_19 : memref<1x128xi32, #tpu.memory_space<vmem>> -> memref<128xi32, #tpu.memory_space<vmem>>
      %dma_start3A_21 = arith.constant 0 : i32
      %dma_start3A_22 = arith.constant 0 : i32
      %dma_start3A_23 = tpu.memref_slice %arg2[%dma_start3A_21, %dma_start3A_22] : memref<10000x128xf32, #tpu.memory_space<hbm>> -> memref<10000x128xf32, #tpu.memory_space<hbm>>
      tpu.enqueue_indirect_dma source(%dma_start3A_23 : memref<10000x128xf32, #tpu.memory_space<hbm>>) target(%arg9 : memref<128x128xf32, #tpu.memory_space<vmem>>) offsets(%dma_start3A_20 : memref<128xi32, #tpu.memory_space<vmem>>) semaphore(%arg12 : memref<!tpu.dma_semaphore, #tpu.memory_space<semaphore_mem>>)
      %dma_start3A_24 = arith.constant 1 : i32
      %dma_start3A_25 = arith.constant 0 : i32
      %dma_start3A_26 = tpu.memref_slice %arg7[%dma_start3A_24, %dma_start3A_25] : memref<40x128xi32, #tpu.memory_space<vmem>> -> memref<1x128xi32, #tpu.memory_space<vmem>>
      %dma_start3A_27 = tpu.memref_squeeze %dma_start3A_26 : memref<1x128xi32, #tpu.memory_space<vmem>> -> memref<128xi32, #tpu.memory_space<vmem>>
      %dma_start3A_28 = arith.constant 0 : i32
      %dma_start3A_29 = arith.constant 0 : i32
      %dma_start3A_30 = tpu.memref_slice %arg2[%dma_start3A_28, %dma_start3A_29] : memref<10000x128xf32, #tpu.memory_space<hbm>> -> memref<10000x128xf32, #tpu.memory_space<hbm>>
      tpu.enqueue_indirect_dma source(%dma_start3A_30 : memref<10000x128xf32, #tpu.memory_space<hbm>>) target(%arg10 : memref<128x128xf32, #tpu.memory_space<vmem>>) offsets(%dma_start3A_27 : memref<128xi32, #tpu.memory_space<vmem>>) semaphore(%arg13 : memref<!tpu.dma_semaphore, #tpu.memory_space<semaphore_mem>>)
      %scan3A_31 = arith.constant 0 : i32
      %scan3A_32 = arith.constant 0 : i32
      %scan3A_33 = arith.constant 20 : i32
      %scan3A_34 = arith.addi %scan3A_32, %scan3A_33 : i32
      %scan3A_35 = arith.constant 1 : i32
      scf.for %scan3A_37 = %scan3A_32 to %scan3A_34 step %scan3A_35  : i32 {
        %mul3A_38 = arith.constant 2 : i32
        %mul3A_39 = arith.muli %mul3A_38, %scan3A_37 : i32
        %dma_wait3A = arith.constant 0 : i32
        %dma_wait3A_40 = tpu.memref_slice %arg7[%mul3A_39, %dma_wait3A] : memref<40x128xi32, #tpu.memory_space<vmem>> -> memref<1x128xi32, #tpu.memory_space<vmem>>
        %dma_wait3A_41 = tpu.memref_squeeze %dma_wait3A_40 : memref<1x128xi32, #tpu.memory_space<vmem>> -> memref<128xi32, #tpu.memory_space<vmem>>
        %dma_wait3A_42 = arith.constant 0 : i32
        %dma_wait3A_43 = arith.constant 0 : i32
        %dma_wait3A_44 = tpu.memref_slice %arg2[%dma_wait3A_42, %dma_wait3A_43] : memref<10000x128xf32, #tpu.memory_space<hbm>> -> memref<10000x128xf32, #tpu.memory_space<hbm>>
        tpu.wait_indirect_dma semaphore(%arg12 : memref<!tpu.dma_semaphore, #tpu.memory_space<semaphore_mem>>) src(%dma_wait3A_44 : memref<10000x128xf32, #tpu.memory_space<hbm>>) dst(%arg9 : memref<128x128xf32, #tpu.memory_space<vmem>>)
        "tpu.region"() ({
          %run_scoped3A = tpu.sem_alloc : memref<!tpu.dma_semaphore, #tpu.memory_space<semaphore_mem>>
          %dma_start3A_66 = arith.constant 0 : i32
          %dma_start3A_67 = tpu.memref_slice %arg8[%mul3A_39, %dma_start3A_66] : memref<40x128xi32, #tpu.memory_space<vmem>> -> memref<1x128xi32, #tpu.memory_space<vmem>>
          %dma_start3A_68 = tpu.memref_squeeze %dma_start3A_67 : memref<1x128xi32, #tpu.memory_space<vmem>> -> memref<128xi32, #tpu.memory_space<vmem>>
          %dma_start3A_69 = arith.constant 0 : i32
          %dma_start3A_70 = arith.constant 0 : i32
          %dma_start3A_71 = tpu.memref_slice %arg11[%dma_start3A_69, %dma_start3A_70] : memref<10240x128xf32, #tpu.memory_space<vmem_shared>> -> memref<10240x128xf32, #tpu.memory_space<vmem_shared>>
          tpu.enqueue_indirect_dma source(%arg9 : memref<128x128xf32, #tpu.memory_space<vmem>>) target(%dma_start3A_71 : memref<10240x128xf32, #tpu.memory_space<vmem_shared>>) offsets(%dma_start3A_68 : memref<128xi32, #tpu.memory_space<vmem>>) semaphore(%run_scoped3A : memref<!tpu.dma_semaphore, #tpu.memory_space<semaphore_mem>>) {add = true}
          %dma_wait3A_72 = arith.constant 0 : i32
          %dma_wait3A_73 = tpu.memref_slice %arg8[%mul3A_39, %dma_wait3A_72] : memref<40x128xi32, #tpu.memory_space<vmem>> -> memref<1x128xi32, #tpu.memory_space<vmem>>
          %dma_wait3A_74 = tpu.memref_squeeze %dma_wait3A_73 : memref<1x128xi32, #tpu.memory_space<vmem>> -> memref<128xi32, #tpu.memory_space<vmem>>
          %dma_wait3A_75 = arith.constant 0 : i32
          %dma_wait3A_76 = arith.constant 0 : i32
          %dma_wait3A_77 = tpu.memref_slice %arg11[%dma_wait3A_75, %dma_wait3A_76] : memref<10240x128xf32, #tpu.memory_space<vmem_shared>> -> memref<10240x128xf32, #tpu.memory_space<vmem_shared>>
          tpu.wait_indirect_dma semaphore(%run_scoped3A : memref<!tpu.dma_semaphore, #tpu.memory_space<semaphore_mem>>) src(%arg9 : memref<128x128xf32, #tpu.memory_space<vmem>>) dst(%dma_wait3A_77 : memref<10240x128xf32, #tpu.memory_space<vmem_shared>>)
          tpu.yield
        }) : () -> ()
        %add3A_45 = arith.constant 2 : i32
        %add3A_46 = arith.addi %mul3A_39, %add3A_45 : i32
        %lt3A = arith.constant 40 : i32
        %lt3A_47 = arith.cmpi slt, %add3A_46, %lt3A : i32
        %convert_element_type3A = arith.extui %lt3A_47 : i1 to i32
        %cond3A = arith.constant 0 : i32
        %cond3A_48 = arith.cmpi ne, %convert_element_type3A, %cond3A : i32
        scf.if %cond3A_48 {
          %add3A_66 = arith.constant 2 : i32
          %add3A_67 = arith.addi %mul3A_39, %add3A_66 : i32
          %dma_start3A_68 = arith.constant 0 : i32
          %dma_start3A_69 = tpu.memref_slice %arg7[%add3A_67, %dma_start3A_68] : memref<40x128xi32, #tpu.memory_space<vmem>> -> memref<1x128xi32, #tpu.memory_space<vmem>>
          %dma_start3A_70 = tpu.memref_squeeze %dma_start3A_69 : memref<1x128xi32, #tpu.memory_space<vmem>> -> memref<128xi32, #tpu.memory_space<vmem>>
          %dma_start3A_71 = arith.constant 0 : i32
          %dma_start3A_72 = arith.constant 0 : i32
          %dma_start3A_73 = tpu.memref_slice %arg2[%dma_start3A_71, %dma_start3A_72] : memref<10000x128xf32, #tpu.memory_space<hbm>> -> memref<10000x128xf32, #tpu.memory_space<hbm>>
          tpu.enqueue_indirect_dma source(%dma_start3A_73 : memref<10000x128xf32, #tpu.memory_space<hbm>>) target(%arg9 : memref<128x128xf32, #tpu.memory_space<vmem>>) offsets(%dma_start3A_70 : memref<128xi32, #tpu.memory_space<vmem>>) semaphore(%arg12 : memref<!tpu.dma_semaphore, #tpu.memory_space<semaphore_mem>>)
        } else {
        }
        %add3A_49 = arith.constant 1 : i32
        %add3A_50 = arith.addi %mul3A_39, %add3A_49 : i32
        %dma_wait3A_51 = arith.constant 0 : i32
        %dma_wait3A_52 = tpu.memref_slice %arg7[%add3A_50, %dma_wait3A_51] : memref<40x128xi32, #tpu.memory_space<vmem>> -> memref<1x128xi32, #tpu.memory_space<vmem>>
        %dma_wait3A_53 = tpu.memref_squeeze %dma_wait3A_52 : memref<1x128xi32, #tpu.memory_space<vmem>> -> memref<128xi32, #tpu.memory_space<vmem>>
        %dma_wait3A_54 = arith.constant 0 : i32
        %dma_wait3A_55 = arith.constant 0 : i32
        %dma_wait3A_56 = tpu.memref_slice %arg2[%dma_wait3A_54, %dma_wait3A_55] : memref<10000x128xf32, #tpu.memory_space<hbm>> -> memref<10000x128xf32, #tpu.memory_space<hbm>>
        tpu.wait_indirect_dma semaphore(%arg13 : memref<!tpu.dma_semaphore, #tpu.memory_space<semaphore_mem>>) src(%dma_wait3A_56 : memref<10000x128xf32, #tpu.memory_space<hbm>>) dst(%arg10 : memref<128x128xf32, #tpu.memory_space<vmem>>)
        %add3A_57 = arith.constant 1 : i32
        %add3A_58 = arith.addi %mul3A_39, %add3A_57 : i32
        "tpu.region"() ({
          %run_scoped3A = tpu.sem_alloc : memref<!tpu.dma_semaphore, #tpu.memory_space<semaphore_mem>>
          %dma_start3A_66 = arith.constant 0 : i32
          %dma_start3A_67 = tpu.memref_slice %arg8[%add3A_58, %dma_start3A_66] : memref<40x128xi32, #tpu.memory_space<vmem>> -> memref<1x128xi32, #tpu.memory_space<vmem>>
          %dma_start3A_68 = tpu.memref_squeeze %dma_start3A_67 : memref<1x128xi32, #tpu.memory_space<vmem>> -> memref<128xi32, #tpu.memory_space<vmem>>
          %dma_start3A_69 = arith.constant 0 : i32
          %dma_start3A_70 = arith.constant 0 : i32
          %dma_start3A_71 = tpu.memref_slice %arg11[%dma_start3A_69, %dma_start3A_70] : memref<10240x128xf32, #tpu.memory_space<vmem_shared>> -> memref<10240x128xf32, #tpu.memory_space<vmem_shared>>
          tpu.enqueue_indirect_dma source(%arg10 : memref<128x128xf32, #tpu.memory_space<vmem>>) target(%dma_start3A_71 : memref<10240x128xf32, #tpu.memory_space<vmem_shared>>) offsets(%dma_start3A_68 : memref<128xi32, #tpu.memory_space<vmem>>) semaphore(%run_scoped3A : memref<!tpu.dma_semaphore, #tpu.memory_space<semaphore_mem>>) {add = true}
          %dma_wait3A_72 = arith.constant 0 : i32
          %dma_wait3A_73 = tpu.memref_slice %arg8[%add3A_58, %dma_wait3A_72] : memref<40x128xi32, #tpu.memory_space<vmem>> -> memref<1x128xi32, #tpu.memory_space<vmem>>
          %dma_wait3A_74 = tpu.memref_squeeze %dma_wait3A_73 : memref<1x128xi32, #tpu.memory_space<vmem>> -> memref<128xi32, #tpu.memory_space<vmem>>
          %dma_wait3A_75 = arith.constant 0 : i32
          %dma_wait3A_76 = arith.constant 0 : i32
          %dma_wait3A_77 = tpu.memref_slice %arg11[%dma_wait3A_75, %dma_wait3A_76] : memref<10240x128xf32, #tpu.memory_space<vmem_shared>> -> memref<10240x128xf32, #tpu.memory_space<vmem_shared>>
          tpu.wait_indirect_dma semaphore(%run_scoped3A : memref<!tpu.dma_semaphore, #tpu.memory_space<semaphore_mem>>) src(%arg10 : memref<128x128xf32, #tpu.memory_space<vmem>>) dst(%dma_wait3A_77 : memref<10240x128xf32, #tpu.memory_space<vmem_shared>>)
          tpu.yield
        }) : () -> ()
        %add3A_59 = arith.constant 3 : i32
        %add3A_60 = arith.addi %mul3A_39, %add3A_59 : i32
        %lt3A_61 = arith.constant 40 : i32
        %lt3A_62 = arith.cmpi slt, %add3A_60, %lt3A_61 : i32
        %convert_element_type3A_63 = arith.extui %lt3A_62 : i1 to i32
        %cond3A_64 = arith.constant 0 : i32
        %cond3A_65 = arith.cmpi ne, %convert_element_type3A_63, %cond3A_64 : i32
        scf.if %cond3A_65 {
          %add3A_66 = arith.constant 3 : i32
          %add3A_67 = arith.addi %mul3A_39, %add3A_66 : i32
          %dma_start3A_68 = arith.constant 0 : i32
          %dma_start3A_69 = tpu.memref_slice %arg7[%add3A_67, %dma_start3A_68] : memref<40x128xi32, #tpu.memory_space<vmem>> -> memref<1x128xi32, #tpu.memory_space<vmem>>
          %dma_start3A_70 = tpu.memref_squeeze %dma_start3A_69 : memref<1x128xi32, #tpu.memory_space<vmem>> -> memref<128xi32, #tpu.memory_space<vmem>>
          %dma_start3A_71 = arith.constant 0 : i32
          %dma_start3A_72 = arith.constant 0 : i32
          %dma_start3A_73 = tpu.memref_slice %arg2[%dma_start3A_71, %dma_start3A_72] : memref<10000x128xf32, #tpu.memory_space<hbm>> -> memref<10000x128xf32, #tpu.memory_space<hbm>>
          tpu.enqueue_indirect_dma source(%dma_start3A_73 : memref<10000x128xf32, #tpu.memory_space<hbm>>) target(%arg10 : memref<128x128xf32, #tpu.memory_space<vmem>>) offsets(%dma_start3A_70 : memref<128xi32, #tpu.memory_space<vmem>>) semaphore(%arg13 : memref<!tpu.dma_semaphore, #tpu.memory_space<semaphore_mem>>)
        } else {
        }
      }
      %scan3A_36 = arith.constant 20 : i32
    }
    %scan3A_7 = arith.constant 2 : i32
    %barrier3A_8 = arith.constant 0 : index
    tpu.barrier barrier_id(%barrier3A_8)
    %mul3A_9 = arith.constant 640 : i32
    %mul3A_10 = arith.muli %arg1, %mul3A_9 : i32
    %mul3A_11 = arith.constant 640 : i32
    %mul3A_12 = arith.muli %arg1, %mul3A_11 : i32
    "tpu.region"() ({
      %run_scoped3A = tpu.sem_alloc : memref<!tpu.dma_semaphore, #tpu.memory_space<semaphore_mem>>
      %dma_start3A = arith.constant 0 : i32
      %dma_start3A_13 = tpu.memref_slice %arg6[%arg0, %mul3A_12, %dma_start3A] : memref<2x10240x128xf32, #tpu.memory_space<hbm>> -> memref<1x640x128xf32, #tpu.memory_space<hbm>>
      %dma_start3A_14 = tpu.memref_squeeze %dma_start3A_13 : memref<1x640x128xf32, #tpu.memory_space<hbm>> -> memref<640x128xf32, #tpu.memory_space<hbm>>
      %dma_start3A_15 = arith.constant 0 : i32
      %dma_start3A_16 = tpu.memref_slice %arg11[%mul3A_10, %dma_start3A_15] : memref<10240x128xf32, #tpu.memory_space<vmem_shared>> -> memref<640x128xf32, #tpu.memory_space<vmem_shared>>
      tpu.enqueue_dma source(%dma_start3A_16 : memref<640x128xf32, #tpu.memory_space<vmem_shared>>) target(%dma_start3A_14 : memref<640x128xf32, #tpu.memory_space<hbm>>) target_semaphore(%run_scoped3A : memref<!tpu.dma_semaphore, #tpu.memory_space<semaphore_mem>>)
      %dma_wait3A = arith.constant 0 : i32
      %dma_wait3A_17 = tpu.memref_slice %arg6[%arg0, %mul3A_12, %dma_wait3A] : memref<2x10240x128xf32, #tpu.memory_space<hbm>> -> memref<1x640x128xf32, #tpu.memory_space<hbm>>
      %dma_wait3A_18 = tpu.memref_squeeze %dma_wait3A_17 : memref<1x640x128xf32, #tpu.memory_space<hbm>> -> memref<640x128xf32, #tpu.memory_space<hbm>>
      %dma_wait3A_19 = arith.constant 0 : i32
      %dma_wait3A_20 = tpu.memref_slice %arg11[%mul3A_10, %dma_wait3A_19] : memref<10240x128xf32, #tpu.memory_space<vmem_shared>> -> memref<640x128xf32, #tpu.memory_space<vmem_shared>>
      tpu.wait_dma2 semaphore(%run_scoped3A : memref<!tpu.dma_semaphore, #tpu.memory_space<semaphore_mem>>) src(%dma_wait3A_20 : memref<640x128xf32, #tpu.memory_space<vmem_shared>>) dst(%dma_wait3A_18 : memref<640x128xf32, #tpu.memory_space<hbm>>)
      tpu.yield
    }) : () -> ()
    return
  }
}

#map = affine_map<(d0, d1) -> (0, 0)>
#map1 = affine_map<(d0, d1) -> (0, 0, 0)>
module attributes {stable_mosaic.version = 14 : i64} {
  func.func @seg(%arg0: i32, %arg1: i32, %arg2: memref<10000x128xf32, #tpu.memory_space<hbm>>, %arg3: memref<32x80x128xi32, #tpu.memory_space<hbm>>, %arg4: memref<32x80x128xi32, #tpu.memory_space<hbm>>, %arg5: memref<640x128xf32, #tpu.memory_space<hbm>>, %arg6: memref<2x10240x128xf32, #tpu.memory_space<hbm>>, %arg7: memref<40x128xi32, #tpu.memory_space<vmem>>, %arg8: memref<40x128xi32, #tpu.memory_space<vmem>>, %arg9: memref<128x128xf32, #tpu.memory_space<vmem>>, %arg10: memref<128x128xf32, #tpu.memory_space<vmem>>, %arg11: memref<10240x128xf32, #tpu.memory_space<vmem_shared>>, %arg12: memref<!tpu.dma_semaphore, #tpu.memory_space<semaphore_mem>>, %arg13: memref<!tpu.dma_semaphore, #tpu.memory_space<semaphore_mem>>) attributes {dimension_semantics = [#tpu.dimension_semantics<core_parallel>, #tpu.dimension_semantics<subcore_parallel>], iteration_bounds = array<i64: 2, 16>, scalar_prefetch = 0 : i64, scratch_operands = 7 : i64, tpu.core_type = #tpu.core_type<sc_vector_subcore>, window_params = [{transform_indices = #map}, {transform_indices = #map1}, {transform_indices = #map1}, {transform_indices = #map}, {transform_indices = #map1}]} {
    %mul3A = arith.constant 2 : i32
    %mul3A_0 = arith.muli %arg1, %mul3A : i32
    %add3A = arith.addi %mul3A_0, %arg0 : i32
    %mul3A_1 = arith.constant 640 : i32
    %mul3A_2 = arith.muli %arg1, %mul3A_1 : i32
    "tpu.region"() ({
      %run_scoped3A = tpu.sem_alloc : memref<!tpu.dma_semaphore, #tpu.memory_space<semaphore_mem>>
      %dma_start3A = arith.constant 0 : i32
      %dma_start3A_13 = tpu.memref_slice %arg11[%mul3A_2, %dma_start3A] : memref<10240x128xf32, #tpu.memory_space<vmem_shared>> -> memref<640x128xf32, #tpu.memory_space<vmem_shared>>
      tpu.enqueue_dma source(%arg5 : memref<640x128xf32, #tpu.memory_space<hbm>>) target(%dma_start3A_13 : memref<640x128xf32, #tpu.memory_space<vmem_shared>>) target_semaphore(%run_scoped3A : memref<!tpu.dma_semaphore, #tpu.memory_space<semaphore_mem>>)
      %dma_wait3A = arith.constant 0 : i32
      %dma_wait3A_14 = tpu.memref_slice %arg11[%mul3A_2, %dma_wait3A] : memref<10240x128xf32, #tpu.memory_space<vmem_shared>> -> memref<640x128xf32, #tpu.memory_space<vmem_shared>>
      tpu.wait_dma2 semaphore(%run_scoped3A : memref<!tpu.dma_semaphore, #tpu.memory_space<semaphore_mem>>) src(%arg5 : memref<640x128xf32, #tpu.memory_space<hbm>>) dst(%dma_wait3A_14 : memref<640x128xf32, #tpu.memory_space<vmem_shared>>)
      tpu.yield
    }) : () -> ()
    %barrier3A = arith.constant 0 : index
    tpu.barrier barrier_id(%barrier3A)
    %scan3A = arith.constant 0 : i32
    %scan3A_3 = arith.constant 0 : i32
    %scan3A_4 = arith.constant 2 : i32
    %scan3A_5 = arith.addi %scan3A_3, %scan3A_4 : i32
    %scan3A_6 = arith.constant 1 : i32
    scf.for %scan3A_13 = %scan3A_3 to %scan3A_5 step %scan3A_6  : i32 {
      %mul3A_14 = arith.constant 40 : i32
      %mul3A_15 = arith.muli %scan3A_13, %mul3A_14 : i32
      "tpu.region"() ({
        %run_scoped3A = tpu.sem_alloc : memref<!tpu.dma_semaphore, #tpu.memory_space<semaphore_mem>>
        %dma_start3A_37 = arith.constant 0 : i32
        %dma_start3A_38 = tpu.memref_slice %arg3[%add3A, %mul3A_15, %dma_start3A_37] : memref<32x80x128xi32, #tpu.memory_space<hbm>> -> memref<1x40x128xi32, #tpu.memory_space<hbm>>
        %dma_start3A_39 = tpu.memref_squeeze %dma_start3A_38 : memref<1x40x128xi32, #tpu.memory_space<hbm>> -> memref<40x128xi32, #tpu.memory_space<hbm>>
        %dma_start3A_40 = arith.constant 0 : i32
        %dma_start3A_41 = tpu.memref_slice %arg3[%add3A, %mul3A_15, %dma_start3A_40] : memref<32x80x128xi32, #tpu.memory_space<hbm>> -> memref<1x40x128xi32, #tpu.memory_space<hbm>>
        %dma_start3A_42 = tpu.memref_squeeze %dma_start3A_41 : memref<1x40x128xi32, #tpu.memory_space<hbm>> -> memref<40x128xi32, #tpu.memory_space<hbm>>
        tpu.enqueue_dma source(%dma_start3A_42 : memref<40x128xi32, #tpu.memory_space<hbm>>) target(%arg7 : memref<40x128xi32, #tpu.memory_space<vmem>>) target_semaphore(%run_scoped3A : memref<!tpu.dma_semaphore, #tpu.memory_space<semaphore_mem>>)
        %dma_wait3A = arith.constant 0 : i32
        %dma_wait3A_43 = tpu.memref_slice %arg3[%add3A, %mul3A_15, %dma_wait3A] : memref<32x80x128xi32, #tpu.memory_space<hbm>> -> memref<1x40x128xi32, #tpu.memory_space<hbm>>
        %dma_wait3A_44 = tpu.memref_squeeze %dma_wait3A_43 : memref<1x40x128xi32, #tpu.memory_space<hbm>> -> memref<40x128xi32, #tpu.memory_space<hbm>>
        %dma_wait3A_45 = arith.constant 0 : i32
        %dma_wait3A_46 = tpu.memref_slice %arg3[%add3A, %mul3A_15, %dma_wait3A_45] : memref<32x80x128xi32, #tpu.memory_space<hbm>> -> memref<1x40x128xi32, #tpu.memory_space<hbm>>
        %dma_wait3A_47 = tpu.memref_squeeze %dma_wait3A_46 : memref<1x40x128xi32, #tpu.memory_space<hbm>> -> memref<40x128xi32, #tpu.memory_space<hbm>>
        tpu.wait_dma2 semaphore(%run_scoped3A : memref<!tpu.dma_semaphore, #tpu.memory_space<semaphore_mem>>) src(%dma_wait3A_47 : memref<40x128xi32, #tpu.memory_space<hbm>>) dst(%arg7 : memref<40x128xi32, #tpu.memory_space<vmem>>)
        tpu.yield
      }) : () -> ()
      %mul3A_16 = arith.constant 40 : i32
      %mul3A_17 = arith.muli %scan3A_13, %mul3A_16 : i32
      "tpu.region"() ({
        %run_scoped3A = tpu.sem_alloc : memref<!tpu.dma_semaphore, #tpu.memory_space<semaphore_mem>>
        %dma_start3A_37 = arith.constant 0 : i32
        %dma_start3A_38 = tpu.memref_slice %arg4[%add3A, %mul3A_17, %dma_start3A_37] : memref<32x80x128xi32, #tpu.memory_space<hbm>> -> memref<1x40x128xi32, #tpu.memory_space<hbm>>
        %dma_start3A_39 = tpu.memref_squeeze %dma_start3A_38 : memref<1x40x128xi32, #tpu.memory_space<hbm>> -> memref<40x128xi32, #tpu.memory_space<hbm>>
        %dma_start3A_40 = arith.constant 0 : i32
        %dma_start3A_41 = tpu.memref_slice %arg4[%add3A, %mul3A_17, %dma_start3A_40] : memref<32x80x128xi32, #tpu.memory_space<hbm>> -> memref<1x40x128xi32, #tpu.memory_space<hbm>>
        %dma_start3A_42 = tpu.memref_squeeze %dma_start3A_41 : memref<1x40x128xi32, #tpu.memory_space<hbm>> -> memref<40x128xi32, #tpu.memory_space<hbm>>
        tpu.enqueue_dma source(%dma_start3A_42 : memref<40x128xi32, #tpu.memory_space<hbm>>) target(%arg8 : memref<40x128xi32, #tpu.memory_space<vmem>>) target_semaphore(%run_scoped3A : memref<!tpu.dma_semaphore, #tpu.memory_space<semaphore_mem>>)
        %dma_wait3A = arith.constant 0 : i32
        %dma_wait3A_43 = tpu.memref_slice %arg4[%add3A, %mul3A_17, %dma_wait3A] : memref<32x80x128xi32, #tpu.memory_space<hbm>> -> memref<1x40x128xi32, #tpu.memory_space<hbm>>
        %dma_wait3A_44 = tpu.memref_squeeze %dma_wait3A_43 : memref<1x40x128xi32, #tpu.memory_space<hbm>> -> memref<40x128xi32, #tpu.memory_space<hbm>>
        %dma_wait3A_45 = arith.constant 0 : i32
        %dma_wait3A_46 = tpu.memref_slice %arg4[%add3A, %mul3A_17, %dma_wait3A_45] : memref<32x80x128xi32, #tpu.memory_space<hbm>> -> memref<1x40x128xi32, #tpu.memory_space<hbm>>
        %dma_wait3A_47 = tpu.memref_squeeze %dma_wait3A_46 : memref<1x40x128xi32, #tpu.memory_space<hbm>> -> memref<40x128xi32, #tpu.memory_space<hbm>>
        tpu.wait_dma2 semaphore(%run_scoped3A : memref<!tpu.dma_semaphore, #tpu.memory_space<semaphore_mem>>) src(%dma_wait3A_47 : memref<40x128xi32, #tpu.memory_space<hbm>>) dst(%arg8 : memref<40x128xi32, #tpu.memory_space<vmem>>)
        tpu.yield
      }) : () -> ()
      %dma_start3A = arith.constant 0 : i32
      %dma_start3A_18 = arith.constant 0 : i32
      %dma_start3A_19 = tpu.memref_slice %arg7[%dma_start3A, %dma_start3A_18] : memref<40x128xi32, #tpu.memory_space<vmem>> -> memref<1x128xi32, #tpu.memory_space<vmem>>
      %dma_start3A_20 = tpu.memref_squeeze %dma_start3A_19 : memref<1x128xi32, #tpu.memory_space<vmem>> -> memref<128xi32, #tpu.memory_space<vmem>>
      %dma_start3A_21 = arith.constant 0 : i32
      %dma_start3A_22 = arith.constant 0 : i32
      %dma_start3A_23 = tpu.memref_slice %arg2[%dma_start3A_21, %dma_start3A_22] : memref<10000x128xf32, #tpu.memory_space<hbm>> -> memref<10000x128xf32, #tpu.memory_space<hbm>>
      tpu.enqueue_indirect_dma source(%dma_start3A_23 : memref<10000x128xf32, #tpu.memory_space<hbm>>) target(%arg9 : memref<128x128xf32, #tpu.memory_space<vmem>>) offsets(%dma_start3A_20 : memref<128xi32, #tpu.memory_space<vmem>>) semaphore(%arg12 : memref<!tpu.dma_semaphore, #tpu.memory_space<semaphore_mem>>)
      %dma_start3A_24 = arith.constant 1 : i32
      %dma_start3A_25 = arith.constant 0 : i32
      %dma_start3A_26 = tpu.memref_slice %arg7[%dma_start3A_24, %dma_start3A_25] : memref<40x128xi32, #tpu.memory_space<vmem>> -> memref<1x128xi32, #tpu.memory_space<vmem>>
      %dma_start3A_27 = tpu.memref_squeeze %dma_start3A_26 : memref<1x128xi32, #tpu.memory_space<vmem>> -> memref<128xi32, #tpu.memory_space<vmem>>
      %dma_start3A_28 = arith.constant 0 : i32
      %dma_start3A_29 = arith.constant 0 : i32
      %dma_start3A_30 = tpu.memref_slice %arg2[%dma_start3A_28, %dma_start3A_29] : memref<10000x128xf32, #tpu.memory_space<hbm>> -> memref<10000x128xf32, #tpu.memory_space<hbm>>
      tpu.enqueue_indirect_dma source(%dma_start3A_30 : memref<10000x128xf32, #tpu.memory_space<hbm>>) target(%arg10 : memref<128x128xf32, #tpu.memory_space<vmem>>) offsets(%dma_start3A_27 : memref<128xi32, #tpu.memory_space<vmem>>) semaphore(%arg13 : memref<!tpu.dma_semaphore, #tpu.memory_space<semaphore_mem>>)
      %scan3A_31 = arith.constant 0 : i32
      %scan3A_32 = arith.constant 0 : i32
      %scan3A_33 = arith.constant 20 : i32
      %scan3A_34 = arith.addi %scan3A_32, %scan3A_33 : i32
      %scan3A_35 = arith.constant 1 : i32
      scf.for %scan3A_37 = %scan3A_32 to %scan3A_34 step %scan3A_35  : i32 {
        %mul3A_38 = arith.constant 2 : i32
        %mul3A_39 = arith.muli %mul3A_38, %scan3A_37 : i32
        %dma_wait3A = arith.constant 0 : i32
        %dma_wait3A_40 = tpu.memref_slice %arg7[%mul3A_39, %dma_wait3A] : memref<40x128xi32, #tpu.memory_space<vmem>> -> memref<1x128xi32, #tpu.memory_space<vmem>>
        %dma_wait3A_41 = tpu.memref_squeeze %dma_wait3A_40 : memref<1x128xi32, #tpu.memory_space<vmem>> -> memref<128xi32, #tpu.memory_space<vmem>>
        %dma_wait3A_42 = arith.constant 0 : i32
        %dma_wait3A_43 = arith.constant 0 : i32
        %dma_wait3A_44 = tpu.memref_slice %arg2[%dma_wait3A_42, %dma_wait3A_43] : memref<10000x128xf32, #tpu.memory_space<hbm>> -> memref<10000x128xf32, #tpu.memory_space<hbm>>
        tpu.wait_indirect_dma semaphore(%arg12 : memref<!tpu.dma_semaphore, #tpu.memory_space<semaphore_mem>>) src(%dma_wait3A_44 : memref<10000x128xf32, #tpu.memory_space<hbm>>) dst(%arg9 : memref<128x128xf32, #tpu.memory_space<vmem>>)
        "tpu.region"() ({
          %run_scoped3A = tpu.sem_alloc : memref<!tpu.dma_semaphore, #tpu.memory_space<semaphore_mem>>
          %dma_start3A_66 = arith.constant 0 : i32
          %dma_start3A_67 = tpu.memref_slice %arg8[%mul3A_39, %dma_start3A_66] : memref<40x128xi32, #tpu.memory_space<vmem>> -> memref<1x128xi32, #tpu.memory_space<vmem>>
          %dma_start3A_68 = tpu.memref_squeeze %dma_start3A_67 : memref<1x128xi32, #tpu.memory_space<vmem>> -> memref<128xi32, #tpu.memory_space<vmem>>
          %dma_start3A_69 = arith.constant 0 : i32
          %dma_start3A_70 = arith.constant 0 : i32
          %dma_start3A_71 = tpu.memref_slice %arg11[%dma_start3A_69, %dma_start3A_70] : memref<10240x128xf32, #tpu.memory_space<vmem_shared>> -> memref<10240x128xf32, #tpu.memory_space<vmem_shared>>
          tpu.enqueue_indirect_dma source(%arg9 : memref<128x128xf32, #tpu.memory_space<vmem>>) target(%dma_start3A_71 : memref<10240x128xf32, #tpu.memory_space<vmem_shared>>) offsets(%dma_start3A_68 : memref<128xi32, #tpu.memory_space<vmem>>) semaphore(%run_scoped3A : memref<!tpu.dma_semaphore, #tpu.memory_space<semaphore_mem>>) {add = true}
          %dma_wait3A_72 = arith.constant 0 : i32
          %dma_wait3A_73 = tpu.memref_slice %arg8[%mul3A_39, %dma_wait3A_72] : memref<40x128xi32, #tpu.memory_space<vmem>> -> memref<1x128xi32, #tpu.memory_space<vmem>>
          %dma_wait3A_74 = tpu.memref_squeeze %dma_wait3A_73 : memref<1x128xi32, #tpu.memory_space<vmem>> -> memref<128xi32, #tpu.memory_space<vmem>>
          %dma_wait3A_75 = arith.constant 0 : i32
          %dma_wait3A_76 = arith.constant 0 : i32
          %dma_wait3A_77 = tpu.memref_slice %arg11[%dma_wait3A_75, %dma_wait3A_76] : memref<10240x128xf32, #tpu.memory_space<vmem_shared>> -> memref<10240x128xf32, #tpu.memory_space<vmem_shared>>
          tpu.wait_indirect_dma semaphore(%run_scoped3A : memref<!tpu.dma_semaphore, #tpu.memory_space<semaphore_mem>>) src(%arg9 : memref<128x128xf32, #tpu.memory_space<vmem>>) dst(%dma_wait3A_77 : memref<10240x128xf32, #tpu.memory_space<vmem_shared>>)
          tpu.yield
        }) : () -> ()
        %add3A_45 = arith.constant 2 : i32
        %add3A_46 = arith.addi %mul3A_39, %add3A_45 : i32
        %lt3A = arith.constant 40 : i32
        %lt3A_47 = arith.cmpi slt, %add3A_46, %lt3A : i32
        %convert_element_type3A = arith.extui %lt3A_47 : i1 to i32
        %cond3A = arith.constant 0 : i32
        %cond3A_48 = arith.cmpi ne, %convert_element_type3A, %cond3A : i32
        scf.if %cond3A_48 {
          %add3A_66 = arith.constant 2 : i32
          %add3A_67 = arith.addi %mul3A_39, %add3A_66 : i32
          %dma_start3A_68 = arith.constant 0 : i32
          %dma_start3A_69 = tpu.memref_slice %arg7[%add3A_67, %dma_start3A_68] : memref<40x128xi32, #tpu.memory_space<vmem>> -> memref<1x128xi32, #tpu.memory_space<vmem>>
          %dma_start3A_70 = tpu.memref_squeeze %dma_start3A_69 : memref<1x128xi32, #tpu.memory_space<vmem>> -> memref<128xi32, #tpu.memory_space<vmem>>
          %dma_start3A_71 = arith.constant 0 : i32
          %dma_start3A_72 = arith.constant 0 : i32
          %dma_start3A_73 = tpu.memref_slice %arg2[%dma_start3A_71, %dma_start3A_72] : memref<10000x128xf32, #tpu.memory_space<hbm>> -> memref<10000x128xf32, #tpu.memory_space<hbm>>
          tpu.enqueue_indirect_dma source(%dma_start3A_73 : memref<10000x128xf32, #tpu.memory_space<hbm>>) target(%arg9 : memref<128x128xf32, #tpu.memory_space<vmem>>) offsets(%dma_start3A_70 : memref<128xi32, #tpu.memory_space<vmem>>) semaphore(%arg12 : memref<!tpu.dma_semaphore, #tpu.memory_space<semaphore_mem>>)
        } else {
        }
        %add3A_49 = arith.constant 1 : i32
        %add3A_50 = arith.addi %mul3A_39, %add3A_49 : i32
        %dma_wait3A_51 = arith.constant 0 : i32
        %dma_wait3A_52 = tpu.memref_slice %arg7[%add3A_50, %dma_wait3A_51] : memref<40x128xi32, #tpu.memory_space<vmem>> -> memref<1x128xi32, #tpu.memory_space<vmem>>
        %dma_wait3A_53 = tpu.memref_squeeze %dma_wait3A_52 : memref<1x128xi32, #tpu.memory_space<vmem>> -> memref<128xi32, #tpu.memory_space<vmem>>
        %dma_wait3A_54 = arith.constant 0 : i32
        %dma_wait3A_55 = arith.constant 0 : i32
        %dma_wait3A_56 = tpu.memref_slice %arg2[%dma_wait3A_54, %dma_wait3A_55] : memref<10000x128xf32, #tpu.memory_space<hbm>> -> memref<10000x128xf32, #tpu.memory_space<hbm>>
        tpu.wait_indirect_dma semaphore(%arg13 : memref<!tpu.dma_semaphore, #tpu.memory_space<semaphore_mem>>) src(%dma_wait3A_56 : memref<10000x128xf32, #tpu.memory_space<hbm>>) dst(%arg10 : memref<128x128xf32, #tpu.memory_space<vmem>>)
        %add3A_57 = arith.constant 1 : i32
        %add3A_58 = arith.addi %mul3A_39, %add3A_57 : i32
        "tpu.region"() ({
          %run_scoped3A = tpu.sem_alloc : memref<!tpu.dma_semaphore, #tpu.memory_space<semaphore_mem>>
          %dma_start3A_66 = arith.constant 0 : i32
          %dma_start3A_67 = tpu.memref_slice %arg8[%add3A_58, %dma_start3A_66] : memref<40x128xi32, #tpu.memory_space<vmem>> -> memref<1x128xi32, #tpu.memory_space<vmem>>
          %dma_start3A_68 = tpu.memref_squeeze %dma_start3A_67 : memref<1x128xi32, #tpu.memory_space<vmem>> -> memref<128xi32, #tpu.memory_space<vmem>>
          %dma_start3A_69 = arith.constant 0 : i32
          %dma_start3A_70 = arith.constant 0 : i32
          %dma_start3A_71 = tpu.memref_slice %arg11[%dma_start3A_69, %dma_start3A_70] : memref<10240x128xf32, #tpu.memory_space<vmem_shared>> -> memref<10240x128xf32, #tpu.memory_space<vmem_shared>>
          tpu.enqueue_indirect_dma source(%arg10 : memref<128x128xf32, #tpu.memory_space<vmem>>) target(%dma_start3A_71 : memref<10240x128xf32, #tpu.memory_space<vmem_shared>>) offsets(%dma_start3A_68 : memref<128xi32, #tpu.memory_space<vmem>>) semaphore(%run_scoped3A : memref<!tpu.dma_semaphore, #tpu.memory_space<semaphore_mem>>) {add = true}
          %dma_wait3A_72 = arith.constant 0 : i32
          %dma_wait3A_73 = tpu.memref_slice %arg8[%add3A_58, %dma_wait3A_72] : memref<40x128xi32, #tpu.memory_space<vmem>> -> memref<1x128xi32, #tpu.memory_space<vmem>>
          %dma_wait3A_74 = tpu.memref_squeeze %dma_wait3A_73 : memref<1x128xi32, #tpu.memory_space<vmem>> -> memref<128xi32, #tpu.memory_space<vmem>>
          %dma_wait3A_75 = arith.constant 0 : i32
          %dma_wait3A_76 = arith.constant 0 : i32
          %dma_wait3A_77 = tpu.memref_slice %arg11[%dma_wait3A_75, %dma_wait3A_76] : memref<10240x128xf32, #tpu.memory_space<vmem_shared>> -> memref<10240x128xf32, #tpu.memory_space<vmem_shared>>
          tpu.wait_indirect_dma semaphore(%run_scoped3A : memref<!tpu.dma_semaphore, #tpu.memory_space<semaphore_mem>>) src(%arg10 : memref<128x128xf32, #tpu.memory_space<vmem>>) dst(%dma_wait3A_77 : memref<10240x128xf32, #tpu.memory_space<vmem_shared>>)
          tpu.yield
        }) : () -> ()
        %add3A_59 = arith.constant 3 : i32
        %add3A_60 = arith.addi %mul3A_39, %add3A_59 : i32
        %lt3A_61 = arith.constant 40 : i32
        %lt3A_62 = arith.cmpi slt, %add3A_60, %lt3A_61 : i32
        %convert_element_type3A_63 = arith.extui %lt3A_62 : i1 to i32
        %cond3A_64 = arith.constant 0 : i32
        %cond3A_65 = arith.cmpi ne, %convert_element_type3A_63, %cond3A_64 : i32
        scf.if %cond3A_65 {
          %add3A_66 = arith.constant 3 : i32
          %add3A_67 = arith.addi %mul3A_39, %add3A_66 : i32
          %dma_start3A_68 = arith.constant 0 : i32
          %dma_start3A_69 = tpu.memref_slice %arg7[%add3A_67, %dma_start3A_68] : memref<40x128xi32, #tpu.memory_space<vmem>> -> memref<1x128xi32, #tpu.memory_space<vmem>>
          %dma_start3A_70 = tpu.memref_squeeze %dma_start3A_69 : memref<1x128xi32, #tpu.memory_space<vmem>> -> memref<128xi32, #tpu.memory_space<vmem>>
          %dma_start3A_71 = arith.constant 0 : i32
          %dma_start3A_72 = arith.constant 0 : i32
          %dma_start3A_73 = tpu.memref_slice %arg2[%dma_start3A_71, %dma_start3A_72] : memref<10000x128xf32, #tpu.memory_space<hbm>> -> memref<10000x128xf32, #tpu.memory_space<hbm>>
          tpu.enqueue_indirect_dma source(%dma_start3A_73 : memref<10000x128xf32, #tpu.memory_space<hbm>>) target(%arg10 : memref<128x128xf32, #tpu.memory_space<vmem>>) offsets(%dma_start3A_70 : memref<128xi32, #tpu.memory_space<vmem>>) semaphore(%arg13 : memref<!tpu.dma_semaphore, #tpu.memory_space<semaphore_mem>>)
        } else {
        }
      }
      %scan3A_36 = arith.constant 20 : i32
    }
    %scan3A_7 = arith.constant 2 : i32
    %barrier3A_8 = arith.constant 0 : index
    tpu.barrier barrier_id(%barrier3A_8)
    %mul3A_9 = arith.constant 640 : i32
    %mul3A_10 = arith.muli %arg1, %mul3A_9 : i32
    %mul3A_11 = arith.constant 640 : i32
    %mul3A_12 = arith.muli %arg1, %mul3A_11 : i32
    "tpu.region"() ({
      %run_scoped3A = tpu.sem_alloc : memref<!tpu.dma_semaphore, #tpu.memory_space<semaphore_mem>>
      %dma_start3A = arith.constant 0 : i32
      %dma_start3A_13 = tpu.memref_slice %arg6[%arg0, %mul3A_12, %dma_start3A] : memref<2x10240x128xf32, #tpu.memory_space<hbm>> -> memref<1x640x128xf32, #tpu.memory_space<hbm>>
      %dma_start3A_14 = tpu.memref_squeeze %dma_start3A_13 : memref<1x640x128xf32, #tpu.memory_space<hbm>> -> memref<640x128xf32, #tpu.memory_space<hbm>>
      %dma_start3A_15 = arith.constant 0 : i32
      %dma_start3A_16 = tpu.memref_slice %arg11[%mul3A_10, %dma_start3A_15] : memref<10240x128xf32, #tpu.memory_space<vmem_shared>> -> memref<640x128xf32, #tpu.memory_space<vmem_shared>>
      tpu.enqueue_dma source(%dma_start3A_16 : memref<640x128xf32, #tpu.memory_space<vmem_shared>>) target(%dma_start3A_14 : memref<640x128xf32, #tpu.memory_space<hbm>>) target_semaphore(%run_scoped3A : memref<!tpu.dma_semaphore, #tpu.memory_space<semaphore_mem>>)
      %dma_wait3A = arith.constant 0 : i32
      %dma_wait3A_17 = tpu.memref_slice %arg6[%arg0, %mul3A_12, %dma_wait3A] : memref<2x10240x128xf32, #tpu.memory_space<hbm>> -> memref<1x640x128xf32, #tpu.memory_space<hbm>>
      %dma_wait3A_18 = tpu.memref_squeeze %dma_wait3A_17 : memref<1x640x128xf32, #tpu.memory_space<hbm>> -> memref<640x128xf32, #tpu.memory_space<hbm>>
      %dma_wait3A_19 = arith.constant 0 : i32
      %dma_wait3A_20 = tpu.memref_slice %arg11[%mul3A_10, %dma_wait3A_19] : memref<10240x128xf32, #tpu.memory_space<vmem_shared>> -> memref<640x128xf32, #tpu.memory_space<vmem_shared>>
      tpu.wait_dma2 semaphore(%run_scoped3A : memref<!tpu.dma_semaphore, #tpu.memory_space<semaphore_mem>>) src(%dma_wait3A_20 : memref<640x128xf32, #tpu.memory_space<vmem_shared>>) dst(%dma_wait3A_18 : memref<640x128xf32, #tpu.memory_space<hbm>>)
      tpu.yield
    }) : () -> ()
    return
  }
}

#map = affine_map<(d0, d1) -> (0, 0)>
#map1 = affine_map<(d0, d1) -> (0, 0, 0)>
module attributes {stable_mosaic.version = 14 : i64} {
  func.func @seg(%arg0: i32, %arg1: i32, %arg2: memref<10000x128xf32, #tpu.memory_space<hbm>>, %arg3: memref<32x80x128xi32, #tpu.memory_space<hbm>>, %arg4: memref<32x80x128xi32, #tpu.memory_space<hbm>>, %arg5: memref<640x128xf32, #tpu.memory_space<hbm>>, %arg6: memref<2x10240x128xf32, #tpu.memory_space<hbm>>, %arg7: memref<40x128xi32, #tpu.memory_space<vmem>>, %arg8: memref<40x128xi32, #tpu.memory_space<vmem>>, %arg9: memref<128x128xf32, #tpu.memory_space<vmem>>, %arg10: memref<128x128xf32, #tpu.memory_space<vmem>>, %arg11: memref<10240x128xf32, #tpu.memory_space<vmem_shared>>, %arg12: memref<!tpu.dma_semaphore, #tpu.memory_space<semaphore_mem>>, %arg13: memref<!tpu.dma_semaphore, #tpu.memory_space<semaphore_mem>>) attributes {dimension_semantics = [#tpu.dimension_semantics<core_parallel>, #tpu.dimension_semantics<subcore_parallel>], iteration_bounds = array<i64: 2, 16>, scalar_prefetch = 0 : i64, scratch_operands = 7 : i64, tpu.core_type = #tpu.core_type<sc_vector_subcore>, window_params = [{transform_indices = #map}, {transform_indices = #map1}, {transform_indices = #map1}, {transform_indices = #map}, {transform_indices = #map1}]} {
    %mul3A = arith.constant 2 : i32
    %mul3A_0 = arith.muli %arg1, %mul3A : i32
    %add3A = arith.addi %mul3A_0, %arg0 : i32
    %mul3A_1 = arith.constant 640 : i32
    %mul3A_2 = arith.muli %arg1, %mul3A_1 : i32
    "tpu.region"() ({
      %run_scoped3A = tpu.sem_alloc : memref<!tpu.dma_semaphore, #tpu.memory_space<semaphore_mem>>
      %dma_start3A = arith.constant 0 : i32
      %dma_start3A_13 = tpu.memref_slice %arg11[%mul3A_2, %dma_start3A] : memref<10240x128xf32, #tpu.memory_space<vmem_shared>> -> memref<640x128xf32, #tpu.memory_space<vmem_shared>>
      tpu.enqueue_dma source(%arg5 : memref<640x128xf32, #tpu.memory_space<hbm>>) target(%dma_start3A_13 : memref<640x128xf32, #tpu.memory_space<vmem_shared>>) target_semaphore(%run_scoped3A : memref<!tpu.dma_semaphore, #tpu.memory_space<semaphore_mem>>)
      %dma_wait3A = arith.constant 0 : i32
      %dma_wait3A_14 = tpu.memref_slice %arg11[%mul3A_2, %dma_wait3A] : memref<10240x128xf32, #tpu.memory_space<vmem_shared>> -> memref<640x128xf32, #tpu.memory_space<vmem_shared>>
      tpu.wait_dma2 semaphore(%run_scoped3A : memref<!tpu.dma_semaphore, #tpu.memory_space<semaphore_mem>>) src(%arg5 : memref<640x128xf32, #tpu.memory_space<hbm>>) dst(%dma_wait3A_14 : memref<640x128xf32, #tpu.memory_space<vmem_shared>>)
      tpu.yield
    }) : () -> ()
    %barrier3A = arith.constant 0 : index
    tpu.barrier barrier_id(%barrier3A)
    %scan3A = arith.constant 0 : i32
    %scan3A_3 = arith.constant 0 : i32
    %scan3A_4 = arith.constant 2 : i32
    %scan3A_5 = arith.addi %scan3A_3, %scan3A_4 : i32
    %scan3A_6 = arith.constant 1 : i32
    scf.for %scan3A_13 = %scan3A_3 to %scan3A_5 step %scan3A_6  : i32 {
      %mul3A_14 = arith.constant 40 : i32
      %mul3A_15 = arith.muli %scan3A_13, %mul3A_14 : i32
      "tpu.region"() ({
        %run_scoped3A = tpu.sem_alloc : memref<!tpu.dma_semaphore, #tpu.memory_space<semaphore_mem>>
        %dma_start3A_37 = arith.constant 0 : i32
        %dma_start3A_38 = tpu.memref_slice %arg3[%add3A, %mul3A_15, %dma_start3A_37] : memref<32x80x128xi32, #tpu.memory_space<hbm>> -> memref<1x40x128xi32, #tpu.memory_space<hbm>>
        %dma_start3A_39 = tpu.memref_squeeze %dma_start3A_38 : memref<1x40x128xi32, #tpu.memory_space<hbm>> -> memref<40x128xi32, #tpu.memory_space<hbm>>
        %dma_start3A_40 = arith.constant 0 : i32
        %dma_start3A_41 = tpu.memref_slice %arg3[%add3A, %mul3A_15, %dma_start3A_40] : memref<32x80x128xi32, #tpu.memory_space<hbm>> -> memref<1x40x128xi32, #tpu.memory_space<hbm>>
        %dma_start3A_42 = tpu.memref_squeeze %dma_start3A_41 : memref<1x40x128xi32, #tpu.memory_space<hbm>> -> memref<40x128xi32, #tpu.memory_space<hbm>>
        tpu.enqueue_dma source(%dma_start3A_42 : memref<40x128xi32, #tpu.memory_space<hbm>>) target(%arg7 : memref<40x128xi32, #tpu.memory_space<vmem>>) target_semaphore(%run_scoped3A : memref<!tpu.dma_semaphore, #tpu.memory_space<semaphore_mem>>)
        %dma_wait3A = arith.constant 0 : i32
        %dma_wait3A_43 = tpu.memref_slice %arg3[%add3A, %mul3A_15, %dma_wait3A] : memref<32x80x128xi32, #tpu.memory_space<hbm>> -> memref<1x40x128xi32, #tpu.memory_space<hbm>>
        %dma_wait3A_44 = tpu.memref_squeeze %dma_wait3A_43 : memref<1x40x128xi32, #tpu.memory_space<hbm>> -> memref<40x128xi32, #tpu.memory_space<hbm>>
        %dma_wait3A_45 = arith.constant 0 : i32
        %dma_wait3A_46 = tpu.memref_slice %arg3[%add3A, %mul3A_15, %dma_wait3A_45] : memref<32x80x128xi32, #tpu.memory_space<hbm>> -> memref<1x40x128xi32, #tpu.memory_space<hbm>>
        %dma_wait3A_47 = tpu.memref_squeeze %dma_wait3A_46 : memref<1x40x128xi32, #tpu.memory_space<hbm>> -> memref<40x128xi32, #tpu.memory_space<hbm>>
        tpu.wait_dma2 semaphore(%run_scoped3A : memref<!tpu.dma_semaphore, #tpu.memory_space<semaphore_mem>>) src(%dma_wait3A_47 : memref<40x128xi32, #tpu.memory_space<hbm>>) dst(%arg7 : memref<40x128xi32, #tpu.memory_space<vmem>>)
        tpu.yield
      }) : () -> ()
      %mul3A_16 = arith.constant 40 : i32
      %mul3A_17 = arith.muli %scan3A_13, %mul3A_16 : i32
      "tpu.region"() ({
        %run_scoped3A = tpu.sem_alloc : memref<!tpu.dma_semaphore, #tpu.memory_space<semaphore_mem>>
        %dma_start3A_37 = arith.constant 0 : i32
        %dma_start3A_38 = tpu.memref_slice %arg4[%add3A, %mul3A_17, %dma_start3A_37] : memref<32x80x128xi32, #tpu.memory_space<hbm>> -> memref<1x40x128xi32, #tpu.memory_space<hbm>>
        %dma_start3A_39 = tpu.memref_squeeze %dma_start3A_38 : memref<1x40x128xi32, #tpu.memory_space<hbm>> -> memref<40x128xi32, #tpu.memory_space<hbm>>
        %dma_start3A_40 = arith.constant 0 : i32
        %dma_start3A_41 = tpu.memref_slice %arg4[%add3A, %mul3A_17, %dma_start3A_40] : memref<32x80x128xi32, #tpu.memory_space<hbm>> -> memref<1x40x128xi32, #tpu.memory_space<hbm>>
        %dma_start3A_42 = tpu.memref_squeeze %dma_start3A_41 : memref<1x40x128xi32, #tpu.memory_space<hbm>> -> memref<40x128xi32, #tpu.memory_space<hbm>>
        tpu.enqueue_dma source(%dma_start3A_42 : memref<40x128xi32, #tpu.memory_space<hbm>>) target(%arg8 : memref<40x128xi32, #tpu.memory_space<vmem>>) target_semaphore(%run_scoped3A : memref<!tpu.dma_semaphore, #tpu.memory_space<semaphore_mem>>)
        %dma_wait3A = arith.constant 0 : i32
        %dma_wait3A_43 = tpu.memref_slice %arg4[%add3A, %mul3A_17, %dma_wait3A] : memref<32x80x128xi32, #tpu.memory_space<hbm>> -> memref<1x40x128xi32, #tpu.memory_space<hbm>>
        %dma_wait3A_44 = tpu.memref_squeeze %dma_wait3A_43 : memref<1x40x128xi32, #tpu.memory_space<hbm>> -> memref<40x128xi32, #tpu.memory_space<hbm>>
        %dma_wait3A_45 = arith.constant 0 : i32
        %dma_wait3A_46 = tpu.memref_slice %arg4[%add3A, %mul3A_17, %dma_wait3A_45] : memref<32x80x128xi32, #tpu.memory_space<hbm>> -> memref<1x40x128xi32, #tpu.memory_space<hbm>>
        %dma_wait3A_47 = tpu.memref_squeeze %dma_wait3A_46 : memref<1x40x128xi32, #tpu.memory_space<hbm>> -> memref<40x128xi32, #tpu.memory_space<hbm>>
        tpu.wait_dma2 semaphore(%run_scoped3A : memref<!tpu.dma_semaphore, #tpu.memory_space<semaphore_mem>>) src(%dma_wait3A_47 : memref<40x128xi32, #tpu.memory_space<hbm>>) dst(%arg8 : memref<40x128xi32, #tpu.memory_space<vmem>>)
        tpu.yield
      }) : () -> ()
      %dma_start3A = arith.constant 0 : i32
      %dma_start3A_18 = arith.constant 0 : i32
      %dma_start3A_19 = tpu.memref_slice %arg7[%dma_start3A, %dma_start3A_18] : memref<40x128xi32, #tpu.memory_space<vmem>> -> memref<1x128xi32, #tpu.memory_space<vmem>>
      %dma_start3A_20 = tpu.memref_squeeze %dma_start3A_19 : memref<1x128xi32, #tpu.memory_space<vmem>> -> memref<128xi32, #tpu.memory_space<vmem>>
      %dma_start3A_21 = arith.constant 0 : i32
      %dma_start3A_22 = arith.constant 0 : i32
      %dma_start3A_23 = tpu.memref_slice %arg2[%dma_start3A_21, %dma_start3A_22] : memref<10000x128xf32, #tpu.memory_space<hbm>> -> memref<10000x128xf32, #tpu.memory_space<hbm>>
      tpu.enqueue_indirect_dma source(%dma_start3A_23 : memref<10000x128xf32, #tpu.memory_space<hbm>>) target(%arg9 : memref<128x128xf32, #tpu.memory_space<vmem>>) offsets(%dma_start3A_20 : memref<128xi32, #tpu.memory_space<vmem>>) semaphore(%arg12 : memref<!tpu.dma_semaphore, #tpu.memory_space<semaphore_mem>>)
      %dma_start3A_24 = arith.constant 1 : i32
      %dma_start3A_25 = arith.constant 0 : i32
      %dma_start3A_26 = tpu.memref_slice %arg7[%dma_start3A_24, %dma_start3A_25] : memref<40x128xi32, #tpu.memory_space<vmem>> -> memref<1x128xi32, #tpu.memory_space<vmem>>
      %dma_start3A_27 = tpu.memref_squeeze %dma_start3A_26 : memref<1x128xi32, #tpu.memory_space<vmem>> -> memref<128xi32, #tpu.memory_space<vmem>>
      %dma_start3A_28 = arith.constant 0 : i32
      %dma_start3A_29 = arith.constant 0 : i32
      %dma_start3A_30 = tpu.memref_slice %arg2[%dma_start3A_28, %dma_start3A_29] : memref<10000x128xf32, #tpu.memory_space<hbm>> -> memref<10000x128xf32, #tpu.memory_space<hbm>>
      tpu.enqueue_indirect_dma source(%dma_start3A_30 : memref<10000x128xf32, #tpu.memory_space<hbm>>) target(%arg10 : memref<128x128xf32, #tpu.memory_space<vmem>>) offsets(%dma_start3A_27 : memref<128xi32, #tpu.memory_space<vmem>>) semaphore(%arg13 : memref<!tpu.dma_semaphore, #tpu.memory_space<semaphore_mem>>)
      %scan3A_31 = arith.constant 0 : i32
      %scan3A_32 = arith.constant 0 : i32
      %scan3A_33 = arith.constant 20 : i32
      %scan3A_34 = arith.addi %scan3A_32, %scan3A_33 : i32
      %scan3A_35 = arith.constant 1 : i32
      scf.for %scan3A_37 = %scan3A_32 to %scan3A_34 step %scan3A_35  : i32 {
        %mul3A_38 = arith.constant 2 : i32
        %mul3A_39 = arith.muli %mul3A_38, %scan3A_37 : i32
        %dma_wait3A = arith.constant 0 : i32
        %dma_wait3A_40 = tpu.memref_slice %arg7[%mul3A_39, %dma_wait3A] : memref<40x128xi32, #tpu.memory_space<vmem>> -> memref<1x128xi32, #tpu.memory_space<vmem>>
        %dma_wait3A_41 = tpu.memref_squeeze %dma_wait3A_40 : memref<1x128xi32, #tpu.memory_space<vmem>> -> memref<128xi32, #tpu.memory_space<vmem>>
        %dma_wait3A_42 = arith.constant 0 : i32
        %dma_wait3A_43 = arith.constant 0 : i32
        %dma_wait3A_44 = tpu.memref_slice %arg2[%dma_wait3A_42, %dma_wait3A_43] : memref<10000x128xf32, #tpu.memory_space<hbm>> -> memref<10000x128xf32, #tpu.memory_space<hbm>>
        tpu.wait_indirect_dma semaphore(%arg12 : memref<!tpu.dma_semaphore, #tpu.memory_space<semaphore_mem>>) src(%dma_wait3A_44 : memref<10000x128xf32, #tpu.memory_space<hbm>>) dst(%arg9 : memref<128x128xf32, #tpu.memory_space<vmem>>)
        "tpu.region"() ({
          %run_scoped3A = tpu.sem_alloc : memref<!tpu.dma_semaphore, #tpu.memory_space<semaphore_mem>>
          %dma_start3A_66 = arith.constant 0 : i32
          %dma_start3A_67 = tpu.memref_slice %arg8[%mul3A_39, %dma_start3A_66] : memref<40x128xi32, #tpu.memory_space<vmem>> -> memref<1x128xi32, #tpu.memory_space<vmem>>
          %dma_start3A_68 = tpu.memref_squeeze %dma_start3A_67 : memref<1x128xi32, #tpu.memory_space<vmem>> -> memref<128xi32, #tpu.memory_space<vmem>>
          %dma_start3A_69 = arith.constant 0 : i32
          %dma_start3A_70 = arith.constant 0 : i32
          %dma_start3A_71 = tpu.memref_slice %arg11[%dma_start3A_69, %dma_start3A_70] : memref<10240x128xf32, #tpu.memory_space<vmem_shared>> -> memref<10240x128xf32, #tpu.memory_space<vmem_shared>>
          tpu.enqueue_indirect_dma source(%arg9 : memref<128x128xf32, #tpu.memory_space<vmem>>) target(%dma_start3A_71 : memref<10240x128xf32, #tpu.memory_space<vmem_shared>>) offsets(%dma_start3A_68 : memref<128xi32, #tpu.memory_space<vmem>>) semaphore(%run_scoped3A : memref<!tpu.dma_semaphore, #tpu.memory_space<semaphore_mem>>) {add = true}
          %dma_wait3A_72 = arith.constant 0 : i32
          %dma_wait3A_73 = tpu.memref_slice %arg8[%mul3A_39, %dma_wait3A_72] : memref<40x128xi32, #tpu.memory_space<vmem>> -> memref<1x128xi32, #tpu.memory_space<vmem>>
          %dma_wait3A_74 = tpu.memref_squeeze %dma_wait3A_73 : memref<1x128xi32, #tpu.memory_space<vmem>> -> memref<128xi32, #tpu.memory_space<vmem>>
          %dma_wait3A_75 = arith.constant 0 : i32
          %dma_wait3A_76 = arith.constant 0 : i32
          %dma_wait3A_77 = tpu.memref_slice %arg11[%dma_wait3A_75, %dma_wait3A_76] : memref<10240x128xf32, #tpu.memory_space<vmem_shared>> -> memref<10240x128xf32, #tpu.memory_space<vmem_shared>>
          tpu.wait_indirect_dma semaphore(%run_scoped3A : memref<!tpu.dma_semaphore, #tpu.memory_space<semaphore_mem>>) src(%arg9 : memref<128x128xf32, #tpu.memory_space<vmem>>) dst(%dma_wait3A_77 : memref<10240x128xf32, #tpu.memory_space<vmem_shared>>)
          tpu.yield
        }) : () -> ()
        %add3A_45 = arith.constant 2 : i32
        %add3A_46 = arith.addi %mul3A_39, %add3A_45 : i32
        %lt3A = arith.constant 40 : i32
        %lt3A_47 = arith.cmpi slt, %add3A_46, %lt3A : i32
        %convert_element_type3A = arith.extui %lt3A_47 : i1 to i32
        %cond3A = arith.constant 0 : i32
        %cond3A_48 = arith.cmpi ne, %convert_element_type3A, %cond3A : i32
        scf.if %cond3A_48 {
          %add3A_66 = arith.constant 2 : i32
          %add3A_67 = arith.addi %mul3A_39, %add3A_66 : i32
          %dma_start3A_68 = arith.constant 0 : i32
          %dma_start3A_69 = tpu.memref_slice %arg7[%add3A_67, %dma_start3A_68] : memref<40x128xi32, #tpu.memory_space<vmem>> -> memref<1x128xi32, #tpu.memory_space<vmem>>
          %dma_start3A_70 = tpu.memref_squeeze %dma_start3A_69 : memref<1x128xi32, #tpu.memory_space<vmem>> -> memref<128xi32, #tpu.memory_space<vmem>>
          %dma_start3A_71 = arith.constant 0 : i32
          %dma_start3A_72 = arith.constant 0 : i32
          %dma_start3A_73 = tpu.memref_slice %arg2[%dma_start3A_71, %dma_start3A_72] : memref<10000x128xf32, #tpu.memory_space<hbm>> -> memref<10000x128xf32, #tpu.memory_space<hbm>>
          tpu.enqueue_indirect_dma source(%dma_start3A_73 : memref<10000x128xf32, #tpu.memory_space<hbm>>) target(%arg9 : memref<128x128xf32, #tpu.memory_space<vmem>>) offsets(%dma_start3A_70 : memref<128xi32, #tpu.memory_space<vmem>>) semaphore(%arg12 : memref<!tpu.dma_semaphore, #tpu.memory_space<semaphore_mem>>)
        } else {
        }
        %add3A_49 = arith.constant 1 : i32
        %add3A_50 = arith.addi %mul3A_39, %add3A_49 : i32
        %dma_wait3A_51 = arith.constant 0 : i32
        %dma_wait3A_52 = tpu.memref_slice %arg7[%add3A_50, %dma_wait3A_51] : memref<40x128xi32, #tpu.memory_space<vmem>> -> memref<1x128xi32, #tpu.memory_space<vmem>>
        %dma_wait3A_53 = tpu.memref_squeeze %dma_wait3A_52 : memref<1x128xi32, #tpu.memory_space<vmem>> -> memref<128xi32, #tpu.memory_space<vmem>>
        %dma_wait3A_54 = arith.constant 0 : i32
        %dma_wait3A_55 = arith.constant 0 : i32
        %dma_wait3A_56 = tpu.memref_slice %arg2[%dma_wait3A_54, %dma_wait3A_55] : memref<10000x128xf32, #tpu.memory_space<hbm>> -> memref<10000x128xf32, #tpu.memory_space<hbm>>
        tpu.wait_indirect_dma semaphore(%arg13 : memref<!tpu.dma_semaphore, #tpu.memory_space<semaphore_mem>>) src(%dma_wait3A_56 : memref<10000x128xf32, #tpu.memory_space<hbm>>) dst(%arg10 : memref<128x128xf32, #tpu.memory_space<vmem>>)
        %add3A_57 = arith.constant 1 : i32
        %add3A_58 = arith.addi %mul3A_39, %add3A_57 : i32
        "tpu.region"() ({
          %run_scoped3A = tpu.sem_alloc : memref<!tpu.dma_semaphore, #tpu.memory_space<semaphore_mem>>
          %dma_start3A_66 = arith.constant 0 : i32
          %dma_start3A_67 = tpu.memref_slice %arg8[%add3A_58, %dma_start3A_66] : memref<40x128xi32, #tpu.memory_space<vmem>> -> memref<1x128xi32, #tpu.memory_space<vmem>>
          %dma_start3A_68 = tpu.memref_squeeze %dma_start3A_67 : memref<1x128xi32, #tpu.memory_space<vmem>> -> memref<128xi32, #tpu.memory_space<vmem>>
          %dma_start3A_69 = arith.constant 0 : i32
          %dma_start3A_70 = arith.constant 0 : i32
          %dma_start3A_71 = tpu.memref_slice %arg11[%dma_start3A_69, %dma_start3A_70] : memref<10240x128xf32, #tpu.memory_space<vmem_shared>> -> memref<10240x128xf32, #tpu.memory_space<vmem_shared>>
          tpu.enqueue_indirect_dma source(%arg10 : memref<128x128xf32, #tpu.memory_space<vmem>>) target(%dma_start3A_71 : memref<10240x128xf32, #tpu.memory_space<vmem_shared>>) offsets(%dma_start3A_68 : memref<128xi32, #tpu.memory_space<vmem>>) semaphore(%run_scoped3A : memref<!tpu.dma_semaphore, #tpu.memory_space<semaphore_mem>>) {add = true}
          %dma_wait3A_72 = arith.constant 0 : i32
          %dma_wait3A_73 = tpu.memref_slice %arg8[%add3A_58, %dma_wait3A_72] : memref<40x128xi32, #tpu.memory_space<vmem>> -> memref<1x128xi32, #tpu.memory_space<vmem>>
          %dma_wait3A_74 = tpu.memref_squeeze %dma_wait3A_73 : memref<1x128xi32, #tpu.memory_space<vmem>> -> memref<128xi32, #tpu.memory_space<vmem>>
          %dma_wait3A_75 = arith.constant 0 : i32
          %dma_wait3A_76 = arith.constant 0 : i32
          %dma_wait3A_77 = tpu.memref_slice %arg11[%dma_wait3A_75, %dma_wait3A_76] : memref<10240x128xf32, #tpu.memory_space<vmem_shared>> -> memref<10240x128xf32, #tpu.memory_space<vmem_shared>>
          tpu.wait_indirect_dma semaphore(%run_scoped3A : memref<!tpu.dma_semaphore, #tpu.memory_space<semaphore_mem>>) src(%arg10 : memref<128x128xf32, #tpu.memory_space<vmem>>) dst(%dma_wait3A_77 : memref<10240x128xf32, #tpu.memory_space<vmem_shared>>)
          tpu.yield
        }) : () -> ()
        %add3A_59 = arith.constant 3 : i32
        %add3A_60 = arith.addi %mul3A_39, %add3A_59 : i32
        %lt3A_61 = arith.constant 40 : i32
        %lt3A_62 = arith.cmpi slt, %add3A_60, %lt3A_61 : i32
        %convert_element_type3A_63 = arith.extui %lt3A_62 : i1 to i32
        %cond3A_64 = arith.constant 0 : i32
        %cond3A_65 = arith.cmpi ne, %convert_element_type3A_63, %cond3A_64 : i32
        scf.if %cond3A_65 {
          %add3A_66 = arith.constant 3 : i32
          %add3A_67 = arith.addi %mul3A_39, %add3A_66 : i32
          %dma_start3A_68 = arith.constant 0 : i32
          %dma_start3A_69 = tpu.memref_slice %arg7[%add3A_67, %dma_start3A_68] : memref<40x128xi32, #tpu.memory_space<vmem>> -> memref<1x128xi32, #tpu.memory_space<vmem>>
          %dma_start3A_70 = tpu.memref_squeeze %dma_start3A_69 : memref<1x128xi32, #tpu.memory_space<vmem>> -> memref<128xi32, #tpu.memory_space<vmem>>
          %dma_start3A_71 = arith.constant 0 : i32
          %dma_start3A_72 = arith.constant 0 : i32
          %dma_start3A_73 = tpu.memref_slice %arg2[%dma_start3A_71, %dma_start3A_72] : memref<10000x128xf32, #tpu.memory_space<hbm>> -> memref<10000x128xf32, #tpu.memory_space<hbm>>
          tpu.enqueue_indirect_dma source(%dma_start3A_73 : memref<10000x128xf32, #tpu.memory_space<hbm>>) target(%arg10 : memref<128x128xf32, #tpu.memory_space<vmem>>) offsets(%dma_start3A_70 : memref<128xi32, #tpu.memory_space<vmem>>) semaphore(%arg13 : memref<!tpu.dma_semaphore, #tpu.memory_space<semaphore_mem>>)
        } else {
        }
      }
      %scan3A_36 = arith.constant 20 : i32
    }
    %scan3A_7 = arith.constant 2 : i32
    %barrier3A_8 = arith.constant 0 : index
    tpu.barrier barrier_id(%barrier3A_8)
    %mul3A_9 = arith.constant 640 : i32
    %mul3A_10 = arith.muli %arg1, %mul3A_9 : i32
    %mul3A_11 = arith.constant 640 : i32
    %mul3A_12 = arith.muli %arg1, %mul3A_11 : i32
    "tpu.region"() ({
      %run_scoped3A = tpu.sem_alloc : memref<!tpu.dma_semaphore, #tpu.memory_space<semaphore_mem>>
      %dma_start3A = arith.constant 0 : i32
      %dma_start3A_13 = tpu.memref_slice %arg6[%arg0, %mul3A_12, %dma_start3A] : memref<2x10240x128xf32, #tpu.memory_space<hbm>> -> memref<1x640x128xf32, #tpu.memory_space<hbm>>
      %dma_start3A_14 = tpu.memref_squeeze %dma_start3A_13 : memref<1x640x128xf32, #tpu.memory_space<hbm>> -> memref<640x128xf32, #tpu.memory_space<hbm>>
      %dma_start3A_15 = arith.constant 0 : i32
      %dma_start3A_16 = tpu.memref_slice %arg11[%mul3A_10, %dma_start3A_15] : memref<10240x128xf32, #tpu.memory_space<vmem_shared>> -> memref<640x128xf32, #tpu.memory_space<vmem_shared>>
      tpu.enqueue_dma source(%dma_start3A_16 : memref<640x128xf32, #tpu.memory_space<vmem_shared>>) target(%dma_start3A_14 : memref<640x128xf32, #tpu.memory_space<hbm>>) target_semaphore(%run_scoped3A : memref<!tpu.dma_semaphore, #tpu.memory_space<semaphore_mem>>)
      %dma_wait3A = arith.constant 0 : i32
      %dma_wait3A_17 = tpu.memref_slice %arg6[%arg0, %mul3A_12, %dma_wait3A] : memref<2x10240x128xf32, #tpu.memory_space<hbm>> -> memref<1x640x128xf32, #tpu.memory_space<hbm>>
      %dma_wait3A_18 = tpu.memref_squeeze %dma_wait3A_17 : memref<1x640x128xf32, #tpu.memory_space<hbm>> -> memref<640x128xf32, #tpu.memory_space<hbm>>
      %dma_wait3A_19 = arith.constant 0 : i32
      %dma_wait3A_20 = tpu.memref_slice %arg11[%mul3A_10, %dma_wait3A_19] : memref<10240x128xf32, #tpu.memory_space<vmem_shared>> -> memref<640x128xf32, #tpu.memory_space<vmem_shared>>
      tpu.wait_dma2 semaphore(%run_scoped3A : memref<!tpu.dma_semaphore, #tpu.memory_space<semaphore_mem>>) src(%dma_wait3A_20 : memref<640x128xf32, #tpu.memory_space<vmem_shared>>) dst(%dma_wait3A_18 : memref<640x128xf32, #tpu.memory_space<hbm>>)
      tpu.yield
    }) : () -> ()
    return
  }
}

#map = affine_map<(d0, d1) -> (0, 0)>
#map1 = affine_map<(d0, d1) -> (0, 0, 0)>
module attributes {stable_mosaic.version = 14 : i64} {
  func.func @seg(%arg0: i32, %arg1: i32, %arg2: memref<10000x128xf32, #tpu.memory_space<hbm>>, %arg3: memref<32x80x128xi32, #tpu.memory_space<hbm>>, %arg4: memref<32x80x128xi32, #tpu.memory_space<hbm>>, %arg5: memref<640x128xf32, #tpu.memory_space<hbm>>, %arg6: memref<2x10240x128xf32, #tpu.memory_space<hbm>>, %arg7: memref<40x128xi32, #tpu.memory_space<vmem>>, %arg8: memref<40x128xi32, #tpu.memory_space<vmem>>, %arg9: memref<128x128xf32, #tpu.memory_space<vmem>>, %arg10: memref<128x128xf32, #tpu.memory_space<vmem>>, %arg11: memref<10240x128xf32, #tpu.memory_space<vmem_shared>>, %arg12: memref<!tpu.dma_semaphore, #tpu.memory_space<semaphore_mem>>, %arg13: memref<!tpu.dma_semaphore, #tpu.memory_space<semaphore_mem>>) attributes {dimension_semantics = [#tpu.dimension_semantics<core_parallel>, #tpu.dimension_semantics<subcore_parallel>], iteration_bounds = array<i64: 2, 16>, scalar_prefetch = 0 : i64, scratch_operands = 7 : i64, tpu.core_type = #tpu.core_type<sc_vector_subcore>, window_params = [{transform_indices = #map}, {transform_indices = #map1}, {transform_indices = #map1}, {transform_indices = #map}, {transform_indices = #map1}]} {
    %mul3A = arith.constant 2 : i32
    %mul3A_0 = arith.muli %arg1, %mul3A : i32
    %add3A = arith.addi %mul3A_0, %arg0 : i32
    %mul3A_1 = arith.constant 640 : i32
    %mul3A_2 = arith.muli %arg1, %mul3A_1 : i32
    "tpu.region"() ({
      %run_scoped3A = tpu.sem_alloc : memref<!tpu.dma_semaphore, #tpu.memory_space<semaphore_mem>>
      %dma_start3A = arith.constant 0 : i32
      %dma_start3A_13 = tpu.memref_slice %arg11[%mul3A_2, %dma_start3A] : memref<10240x128xf32, #tpu.memory_space<vmem_shared>> -> memref<640x128xf32, #tpu.memory_space<vmem_shared>>
      tpu.enqueue_dma source(%arg5 : memref<640x128xf32, #tpu.memory_space<hbm>>) target(%dma_start3A_13 : memref<640x128xf32, #tpu.memory_space<vmem_shared>>) target_semaphore(%run_scoped3A : memref<!tpu.dma_semaphore, #tpu.memory_space<semaphore_mem>>)
      %dma_wait3A = arith.constant 0 : i32
      %dma_wait3A_14 = tpu.memref_slice %arg11[%mul3A_2, %dma_wait3A] : memref<10240x128xf32, #tpu.memory_space<vmem_shared>> -> memref<640x128xf32, #tpu.memory_space<vmem_shared>>
      tpu.wait_dma2 semaphore(%run_scoped3A : memref<!tpu.dma_semaphore, #tpu.memory_space<semaphore_mem>>) src(%arg5 : memref<640x128xf32, #tpu.memory_space<hbm>>) dst(%dma_wait3A_14 : memref<640x128xf32, #tpu.memory_space<vmem_shared>>)
      tpu.yield
    }) : () -> ()
    %barrier3A = arith.constant 0 : index
    tpu.barrier barrier_id(%barrier3A)
    %scan3A = arith.constant 0 : i32
    %scan3A_3 = arith.constant 0 : i32
    %scan3A_4 = arith.constant 2 : i32
    %scan3A_5 = arith.addi %scan3A_3, %scan3A_4 : i32
    %scan3A_6 = arith.constant 1 : i32
    scf.for %scan3A_13 = %scan3A_3 to %scan3A_5 step %scan3A_6  : i32 {
      %mul3A_14 = arith.constant 40 : i32
      %mul3A_15 = arith.muli %scan3A_13, %mul3A_14 : i32
      "tpu.region"() ({
        %run_scoped3A = tpu.sem_alloc : memref<!tpu.dma_semaphore, #tpu.memory_space<semaphore_mem>>
        %dma_start3A_37 = arith.constant 0 : i32
        %dma_start3A_38 = tpu.memref_slice %arg3[%add3A, %mul3A_15, %dma_start3A_37] : memref<32x80x128xi32, #tpu.memory_space<hbm>> -> memref<1x40x128xi32, #tpu.memory_space<hbm>>
        %dma_start3A_39 = tpu.memref_squeeze %dma_start3A_38 : memref<1x40x128xi32, #tpu.memory_space<hbm>> -> memref<40x128xi32, #tpu.memory_space<hbm>>
        %dma_start3A_40 = arith.constant 0 : i32
        %dma_start3A_41 = tpu.memref_slice %arg3[%add3A, %mul3A_15, %dma_start3A_40] : memref<32x80x128xi32, #tpu.memory_space<hbm>> -> memref<1x40x128xi32, #tpu.memory_space<hbm>>
        %dma_start3A_42 = tpu.memref_squeeze %dma_start3A_41 : memref<1x40x128xi32, #tpu.memory_space<hbm>> -> memref<40x128xi32, #tpu.memory_space<hbm>>
        tpu.enqueue_dma source(%dma_start3A_42 : memref<40x128xi32, #tpu.memory_space<hbm>>) target(%arg7 : memref<40x128xi32, #tpu.memory_space<vmem>>) target_semaphore(%run_scoped3A : memref<!tpu.dma_semaphore, #tpu.memory_space<semaphore_mem>>)
        %dma_wait3A = arith.constant 0 : i32
        %dma_wait3A_43 = tpu.memref_slice %arg3[%add3A, %mul3A_15, %dma_wait3A] : memref<32x80x128xi32, #tpu.memory_space<hbm>> -> memref<1x40x128xi32, #tpu.memory_space<hbm>>
        %dma_wait3A_44 = tpu.memref_squeeze %dma_wait3A_43 : memref<1x40x128xi32, #tpu.memory_space<hbm>> -> memref<40x128xi32, #tpu.memory_space<hbm>>
        %dma_wait3A_45 = arith.constant 0 : i32
        %dma_wait3A_46 = tpu.memref_slice %arg3[%add3A, %mul3A_15, %dma_wait3A_45] : memref<32x80x128xi32, #tpu.memory_space<hbm>> -> memref<1x40x128xi32, #tpu.memory_space<hbm>>
        %dma_wait3A_47 = tpu.memref_squeeze %dma_wait3A_46 : memref<1x40x128xi32, #tpu.memory_space<hbm>> -> memref<40x128xi32, #tpu.memory_space<hbm>>
        tpu.wait_dma2 semaphore(%run_scoped3A : memref<!tpu.dma_semaphore, #tpu.memory_space<semaphore_mem>>) src(%dma_wait3A_47 : memref<40x128xi32, #tpu.memory_space<hbm>>) dst(%arg7 : memref<40x128xi32, #tpu.memory_space<vmem>>)
        tpu.yield
      }) : () -> ()
      %mul3A_16 = arith.constant 40 : i32
      %mul3A_17 = arith.muli %scan3A_13, %mul3A_16 : i32
      "tpu.region"() ({
        %run_scoped3A = tpu.sem_alloc : memref<!tpu.dma_semaphore, #tpu.memory_space<semaphore_mem>>
        %dma_start3A_37 = arith.constant 0 : i32
        %dma_start3A_38 = tpu.memref_slice %arg4[%add3A, %mul3A_17, %dma_start3A_37] : memref<32x80x128xi32, #tpu.memory_space<hbm>> -> memref<1x40x128xi32, #tpu.memory_space<hbm>>
        %dma_start3A_39 = tpu.memref_squeeze %dma_start3A_38 : memref<1x40x128xi32, #tpu.memory_space<hbm>> -> memref<40x128xi32, #tpu.memory_space<hbm>>
        %dma_start3A_40 = arith.constant 0 : i32
        %dma_start3A_41 = tpu.memref_slice %arg4[%add3A, %mul3A_17, %dma_start3A_40] : memref<32x80x128xi32, #tpu.memory_space<hbm>> -> memref<1x40x128xi32, #tpu.memory_space<hbm>>
        %dma_start3A_42 = tpu.memref_squeeze %dma_start3A_41 : memref<1x40x128xi32, #tpu.memory_space<hbm>> -> memref<40x128xi32, #tpu.memory_space<hbm>>
        tpu.enqueue_dma source(%dma_start3A_42 : memref<40x128xi32, #tpu.memory_space<hbm>>) target(%arg8 : memref<40x128xi32, #tpu.memory_space<vmem>>) target_semaphore(%run_scoped3A : memref<!tpu.dma_semaphore, #tpu.memory_space<semaphore_mem>>)
        %dma_wait3A = arith.constant 0 : i32
        %dma_wait3A_43 = tpu.memref_slice %arg4[%add3A, %mul3A_17, %dma_wait3A] : memref<32x80x128xi32, #tpu.memory_space<hbm>> -> memref<1x40x128xi32, #tpu.memory_space<hbm>>
        %dma_wait3A_44 = tpu.memref_squeeze %dma_wait3A_43 : memref<1x40x128xi32, #tpu.memory_space<hbm>> -> memref<40x128xi32, #tpu.memory_space<hbm>>
        %dma_wait3A_45 = arith.constant 0 : i32
        %dma_wait3A_46 = tpu.memref_slice %arg4[%add3A, %mul3A_17, %dma_wait3A_45] : memref<32x80x128xi32, #tpu.memory_space<hbm>> -> memref<1x40x128xi32, #tpu.memory_space<hbm>>
        %dma_wait3A_47 = tpu.memref_squeeze %dma_wait3A_46 : memref<1x40x128xi32, #tpu.memory_space<hbm>> -> memref<40x128xi32, #tpu.memory_space<hbm>>
        tpu.wait_dma2 semaphore(%run_scoped3A : memref<!tpu.dma_semaphore, #tpu.memory_space<semaphore_mem>>) src(%dma_wait3A_47 : memref<40x128xi32, #tpu.memory_space<hbm>>) dst(%arg8 : memref<40x128xi32, #tpu.memory_space<vmem>>)
        tpu.yield
      }) : () -> ()
      %dma_start3A = arith.constant 0 : i32
      %dma_start3A_18 = arith.constant 0 : i32
      %dma_start3A_19 = tpu.memref_slice %arg7[%dma_start3A, %dma_start3A_18] : memref<40x128xi32, #tpu.memory_space<vmem>> -> memref<1x128xi32, #tpu.memory_space<vmem>>
      %dma_start3A_20 = tpu.memref_squeeze %dma_start3A_19 : memref<1x128xi32, #tpu.memory_space<vmem>> -> memref<128xi32, #tpu.memory_space<vmem>>
      %dma_start3A_21 = arith.constant 0 : i32
      %dma_start3A_22 = arith.constant 0 : i32
      %dma_start3A_23 = tpu.memref_slice %arg2[%dma_start3A_21, %dma_start3A_22] : memref<10000x128xf32, #tpu.memory_space<hbm>> -> memref<10000x128xf32, #tpu.memory_space<hbm>>
      tpu.enqueue_indirect_dma source(%dma_start3A_23 : memref<10000x128xf32, #tpu.memory_space<hbm>>) target(%arg9 : memref<128x128xf32, #tpu.memory_space<vmem>>) offsets(%dma_start3A_20 : memref<128xi32, #tpu.memory_space<vmem>>) semaphore(%arg12 : memref<!tpu.dma_semaphore, #tpu.memory_space<semaphore_mem>>)
      %dma_start3A_24 = arith.constant 1 : i32
      %dma_start3A_25 = arith.constant 0 : i32
      %dma_start3A_26 = tpu.memref_slice %arg7[%dma_start3A_24, %dma_start3A_25] : memref<40x128xi32, #tpu.memory_space<vmem>> -> memref<1x128xi32, #tpu.memory_space<vmem>>
      %dma_start3A_27 = tpu.memref_squeeze %dma_start3A_26 : memref<1x128xi32, #tpu.memory_space<vmem>> -> memref<128xi32, #tpu.memory_space<vmem>>
      %dma_start3A_28 = arith.constant 0 : i32
      %dma_start3A_29 = arith.constant 0 : i32
      %dma_start3A_30 = tpu.memref_slice %arg2[%dma_start3A_28, %dma_start3A_29] : memref<10000x128xf32, #tpu.memory_space<hbm>> -> memref<10000x128xf32, #tpu.memory_space<hbm>>
      tpu.enqueue_indirect_dma source(%dma_start3A_30 : memref<10000x128xf32, #tpu.memory_space<hbm>>) target(%arg10 : memref<128x128xf32, #tpu.memory_space<vmem>>) offsets(%dma_start3A_27 : memref<128xi32, #tpu.memory_space<vmem>>) semaphore(%arg13 : memref<!tpu.dma_semaphore, #tpu.memory_space<semaphore_mem>>)
      %scan3A_31 = arith.constant 0 : i32
      %scan3A_32 = arith.constant 0 : i32
      %scan3A_33 = arith.constant 20 : i32
      %scan3A_34 = arith.addi %scan3A_32, %scan3A_33 : i32
      %scan3A_35 = arith.constant 1 : i32
      scf.for %scan3A_37 = %scan3A_32 to %scan3A_34 step %scan3A_35  : i32 {
        %mul3A_38 = arith.constant 2 : i32
        %mul3A_39 = arith.muli %mul3A_38, %scan3A_37 : i32
        %dma_wait3A = arith.constant 0 : i32
        %dma_wait3A_40 = tpu.memref_slice %arg7[%mul3A_39, %dma_wait3A] : memref<40x128xi32, #tpu.memory_space<vmem>> -> memref<1x128xi32, #tpu.memory_space<vmem>>
        %dma_wait3A_41 = tpu.memref_squeeze %dma_wait3A_40 : memref<1x128xi32, #tpu.memory_space<vmem>> -> memref<128xi32, #tpu.memory_space<vmem>>
        %dma_wait3A_42 = arith.constant 0 : i32
        %dma_wait3A_43 = arith.constant 0 : i32
        %dma_wait3A_44 = tpu.memref_slice %arg2[%dma_wait3A_42, %dma_wait3A_43] : memref<10000x128xf32, #tpu.memory_space<hbm>> -> memref<10000x128xf32, #tpu.memory_space<hbm>>
        tpu.wait_indirect_dma semaphore(%arg12 : memref<!tpu.dma_semaphore, #tpu.memory_space<semaphore_mem>>) src(%dma_wait3A_44 : memref<10000x128xf32, #tpu.memory_space<hbm>>) dst(%arg9 : memref<128x128xf32, #tpu.memory_space<vmem>>)
        "tpu.region"() ({
          %run_scoped3A = tpu.sem_alloc : memref<!tpu.dma_semaphore, #tpu.memory_space<semaphore_mem>>
          %dma_start3A_66 = arith.constant 0 : i32
          %dma_start3A_67 = tpu.memref_slice %arg8[%mul3A_39, %dma_start3A_66] : memref<40x128xi32, #tpu.memory_space<vmem>> -> memref<1x128xi32, #tpu.memory_space<vmem>>
          %dma_start3A_68 = tpu.memref_squeeze %dma_start3A_67 : memref<1x128xi32, #tpu.memory_space<vmem>> -> memref<128xi32, #tpu.memory_space<vmem>>
          %dma_start3A_69 = arith.constant 0 : i32
          %dma_start3A_70 = arith.constant 0 : i32
          %dma_start3A_71 = tpu.memref_slice %arg11[%dma_start3A_69, %dma_start3A_70] : memref<10240x128xf32, #tpu.memory_space<vmem_shared>> -> memref<10240x128xf32, #tpu.memory_space<vmem_shared>>
          tpu.enqueue_indirect_dma source(%arg9 : memref<128x128xf32, #tpu.memory_space<vmem>>) target(%dma_start3A_71 : memref<10240x128xf32, #tpu.memory_space<vmem_shared>>) offsets(%dma_start3A_68 : memref<128xi32, #tpu.memory_space<vmem>>) semaphore(%run_scoped3A : memref<!tpu.dma_semaphore, #tpu.memory_space<semaphore_mem>>) {add = true}
          %dma_wait3A_72 = arith.constant 0 : i32
          %dma_wait3A_73 = tpu.memref_slice %arg8[%mul3A_39, %dma_wait3A_72] : memref<40x128xi32, #tpu.memory_space<vmem>> -> memref<1x128xi32, #tpu.memory_space<vmem>>
          %dma_wait3A_74 = tpu.memref_squeeze %dma_wait3A_73 : memref<1x128xi32, #tpu.memory_space<vmem>> -> memref<128xi32, #tpu.memory_space<vmem>>
          %dma_wait3A_75 = arith.constant 0 : i32
          %dma_wait3A_76 = arith.constant 0 : i32
          %dma_wait3A_77 = tpu.memref_slice %arg11[%dma_wait3A_75, %dma_wait3A_76] : memref<10240x128xf32, #tpu.memory_space<vmem_shared>> -> memref<10240x128xf32, #tpu.memory_space<vmem_shared>>
          tpu.wait_indirect_dma semaphore(%run_scoped3A : memref<!tpu.dma_semaphore, #tpu.memory_space<semaphore_mem>>) src(%arg9 : memref<128x128xf32, #tpu.memory_space<vmem>>) dst(%dma_wait3A_77 : memref<10240x128xf32, #tpu.memory_space<vmem_shared>>)
          tpu.yield
        }) : () -> ()
        %add3A_45 = arith.constant 2 : i32
        %add3A_46 = arith.addi %mul3A_39, %add3A_45 : i32
        %lt3A = arith.constant 40 : i32
        %lt3A_47 = arith.cmpi slt, %add3A_46, %lt3A : i32
        %convert_element_type3A = arith.extui %lt3A_47 : i1 to i32
        %cond3A = arith.constant 0 : i32
        %cond3A_48 = arith.cmpi ne, %convert_element_type3A, %cond3A : i32
        scf.if %cond3A_48 {
          %add3A_66 = arith.constant 2 : i32
          %add3A_67 = arith.addi %mul3A_39, %add3A_66 : i32
          %dma_start3A_68 = arith.constant 0 : i32
          %dma_start3A_69 = tpu.memref_slice %arg7[%add3A_67, %dma_start3A_68] : memref<40x128xi32, #tpu.memory_space<vmem>> -> memref<1x128xi32, #tpu.memory_space<vmem>>
          %dma_start3A_70 = tpu.memref_squeeze %dma_start3A_69 : memref<1x128xi32, #tpu.memory_space<vmem>> -> memref<128xi32, #tpu.memory_space<vmem>>
          %dma_start3A_71 = arith.constant 0 : i32
          %dma_start3A_72 = arith.constant 0 : i32
          %dma_start3A_73 = tpu.memref_slice %arg2[%dma_start3A_71, %dma_start3A_72] : memref<10000x128xf32, #tpu.memory_space<hbm>> -> memref<10000x128xf32, #tpu.memory_space<hbm>>
          tpu.enqueue_indirect_dma source(%dma_start3A_73 : memref<10000x128xf32, #tpu.memory_space<hbm>>) target(%arg9 : memref<128x128xf32, #tpu.memory_space<vmem>>) offsets(%dma_start3A_70 : memref<128xi32, #tpu.memory_space<vmem>>) semaphore(%arg12 : memref<!tpu.dma_semaphore, #tpu.memory_space<semaphore_mem>>)
        } else {
        }
        %add3A_49 = arith.constant 1 : i32
        %add3A_50 = arith.addi %mul3A_39, %add3A_49 : i32
        %dma_wait3A_51 = arith.constant 0 : i32
        %dma_wait3A_52 = tpu.memref_slice %arg7[%add3A_50, %dma_wait3A_51] : memref<40x128xi32, #tpu.memory_space<vmem>> -> memref<1x128xi32, #tpu.memory_space<vmem>>
        %dma_wait3A_53 = tpu.memref_squeeze %dma_wait3A_52 : memref<1x128xi32, #tpu.memory_space<vmem>> -> memref<128xi32, #tpu.memory_space<vmem>>
        %dma_wait3A_54 = arith.constant 0 : i32
        %dma_wait3A_55 = arith.constant 0 : i32
        %dma_wait3A_56 = tpu.memref_slice %arg2[%dma_wait3A_54, %dma_wait3A_55] : memref<10000x128xf32, #tpu.memory_space<hbm>> -> memref<10000x128xf32, #tpu.memory_space<hbm>>
        tpu.wait_indirect_dma semaphore(%arg13 : memref<!tpu.dma_semaphore, #tpu.memory_space<semaphore_mem>>) src(%dma_wait3A_56 : memref<10000x128xf32, #tpu.memory_space<hbm>>) dst(%arg10 : memref<128x128xf32, #tpu.memory_space<vmem>>)
        %add3A_57 = arith.constant 1 : i32
        %add3A_58 = arith.addi %mul3A_39, %add3A_57 : i32
        "tpu.region"() ({
          %run_scoped3A = tpu.sem_alloc : memref<!tpu.dma_semaphore, #tpu.memory_space<semaphore_mem>>
          %dma_start3A_66 = arith.constant 0 : i32
          %dma_start3A_67 = tpu.memref_slice %arg8[%add3A_58, %dma_start3A_66] : memref<40x128xi32, #tpu.memory_space<vmem>> -> memref<1x128xi32, #tpu.memory_space<vmem>>
          %dma_start3A_68 = tpu.memref_squeeze %dma_start3A_67 : memref<1x128xi32, #tpu.memory_space<vmem>> -> memref<128xi32, #tpu.memory_space<vmem>>
          %dma_start3A_69 = arith.constant 0 : i32
          %dma_start3A_70 = arith.constant 0 : i32
          %dma_start3A_71 = tpu.memref_slice %arg11[%dma_start3A_69, %dma_start3A_70] : memref<10240x128xf32, #tpu.memory_space<vmem_shared>> -> memref<10240x128xf32, #tpu.memory_space<vmem_shared>>
          tpu.enqueue_indirect_dma source(%arg10 : memref<128x128xf32, #tpu.memory_space<vmem>>) target(%dma_start3A_71 : memref<10240x128xf32, #tpu.memory_space<vmem_shared>>) offsets(%dma_start3A_68 : memref<128xi32, #tpu.memory_space<vmem>>) semaphore(%run_scoped3A : memref<!tpu.dma_semaphore, #tpu.memory_space<semaphore_mem>>) {add = true}
          %dma_wait3A_72 = arith.constant 0 : i32
          %dma_wait3A_73 = tpu.memref_slice %arg8[%add3A_58, %dma_wait3A_72] : memref<40x128xi32, #tpu.memory_space<vmem>> -> memref<1x128xi32, #tpu.memory_space<vmem>>
          %dma_wait3A_74 = tpu.memref_squeeze %dma_wait3A_73 : memref<1x128xi32, #tpu.memory_space<vmem>> -> memref<128xi32, #tpu.memory_space<vmem>>
          %dma_wait3A_75 = arith.constant 0 : i32
          %dma_wait3A_76 = arith.constant 0 : i32
          %dma_wait3A_77 = tpu.memref_slice %arg11[%dma_wait3A_75, %dma_wait3A_76] : memref<10240x128xf32, #tpu.memory_space<vmem_shared>> -> memref<10240x128xf32, #tpu.memory_space<vmem_shared>>
          tpu.wait_indirect_dma semaphore(%run_scoped3A : memref<!tpu.dma_semaphore, #tpu.memory_space<semaphore_mem>>) src(%arg10 : memref<128x128xf32, #tpu.memory_space<vmem>>) dst(%dma_wait3A_77 : memref<10240x128xf32, #tpu.memory_space<vmem_shared>>)
          tpu.yield
        }) : () -> ()
        %add3A_59 = arith.constant 3 : i32
        %add3A_60 = arith.addi %mul3A_39, %add3A_59 : i32
        %lt3A_61 = arith.constant 40 : i32
        %lt3A_62 = arith.cmpi slt, %add3A_60, %lt3A_61 : i32
        %convert_element_type3A_63 = arith.extui %lt3A_62 : i1 to i32
        %cond3A_64 = arith.constant 0 : i32
        %cond3A_65 = arith.cmpi ne, %convert_element_type3A_63, %cond3A_64 : i32
        scf.if %cond3A_65 {
          %add3A_66 = arith.constant 3 : i32
          %add3A_67 = arith.addi %mul3A_39, %add3A_66 : i32
          %dma_start3A_68 = arith.constant 0 : i32
          %dma_start3A_69 = tpu.memref_slice %arg7[%add3A_67, %dma_start3A_68] : memref<40x128xi32, #tpu.memory_space<vmem>> -> memref<1x128xi32, #tpu.memory_space<vmem>>
          %dma_start3A_70 = tpu.memref_squeeze %dma_start3A_69 : memref<1x128xi32, #tpu.memory_space<vmem>> -> memref<128xi32, #tpu.memory_space<vmem>>
          %dma_start3A_71 = arith.constant 0 : i32
          %dma_start3A_72 = arith.constant 0 : i32
          %dma_start3A_73 = tpu.memref_slice %arg2[%dma_start3A_71, %dma_start3A_72] : memref<10000x128xf32, #tpu.memory_space<hbm>> -> memref<10000x128xf32, #tpu.memory_space<hbm>>
          tpu.enqueue_indirect_dma source(%dma_start3A_73 : memref<10000x128xf32, #tpu.memory_space<hbm>>) target(%arg10 : memref<128x128xf32, #tpu.memory_space<vmem>>) offsets(%dma_start3A_70 : memref<128xi32, #tpu.memory_space<vmem>>) semaphore(%arg13 : memref<!tpu.dma_semaphore, #tpu.memory_space<semaphore_mem>>)
        } else {
        }
      }
      %scan3A_36 = arith.constant 20 : i32
    }
    %scan3A_7 = arith.constant 2 : i32
    %barrier3A_8 = arith.constant 0 : index
    tpu.barrier barrier_id(%barrier3A_8)
    %mul3A_9 = arith.constant 640 : i32
    %mul3A_10 = arith.muli %arg1, %mul3A_9 : i32
    %mul3A_11 = arith.constant 640 : i32
    %mul3A_12 = arith.muli %arg1, %mul3A_11 : i32
    "tpu.region"() ({
      %run_scoped3A = tpu.sem_alloc : memref<!tpu.dma_semaphore, #tpu.memory_space<semaphore_mem>>
      %dma_start3A = arith.constant 0 : i32
      %dma_start3A_13 = tpu.memref_slice %arg6[%arg0, %mul3A_12, %dma_start3A] : memref<2x10240x128xf32, #tpu.memory_space<hbm>> -> memref<1x640x128xf32, #tpu.memory_space<hbm>>
      %dma_start3A_14 = tpu.memref_squeeze %dma_start3A_13 : memref<1x640x128xf32, #tpu.memory_space<hbm>> -> memref<640x128xf32, #tpu.memory_space<hbm>>
      %dma_start3A_15 = arith.constant 0 : i32
      %dma_start3A_16 = tpu.memref_slice %arg11[%mul3A_10, %dma_start3A_15] : memref<10240x128xf32, #tpu.memory_space<vmem_shared>> -> memref<640x128xf32, #tpu.memory_space<vmem_shared>>
      tpu.enqueue_dma source(%dma_start3A_16 : memref<640x128xf32, #tpu.memory_space<vmem_shared>>) target(%dma_start3A_14 : memref<640x128xf32, #tpu.memory_space<hbm>>) target_semaphore(%run_scoped3A : memref<!tpu.dma_semaphore, #tpu.memory_space<semaphore_mem>>)
      %dma_wait3A = arith.constant 0 : i32
      %dma_wait3A_17 = tpu.memref_slice %arg6[%arg0, %mul3A_12, %dma_wait3A] : memref<2x10240x128xf32, #tpu.memory_space<hbm>> -> memref<1x640x128xf32, #tpu.memory_space<hbm>>
      %dma_wait3A_18 = tpu.memref_squeeze %dma_wait3A_17 : memref<1x640x128xf32, #tpu.memory_space<hbm>> -> memref<640x128xf32, #tpu.memory_space<hbm>>
      %dma_wait3A_19 = arith.constant 0 : i32
      %dma_wait3A_20 = tpu.memref_slice %arg11[%mul3A_10, %dma_wait3A_19] : memref<10240x128xf32, #tpu.memory_space<vmem_shared>> -> memref<640x128xf32, #tpu.memory_space<vmem_shared>>
      tpu.wait_dma2 semaphore(%run_scoped3A : memref<!tpu.dma_semaphore, #tpu.memory_space<semaphore_mem>>) src(%dma_wait3A_20 : memref<640x128xf32, #tpu.memory_space<vmem_shared>>) dst(%dma_wait3A_18 : memref<640x128xf32, #tpu.memory_space<hbm>>)
      tpu.yield
    }) : () -> ()
    return
  }
}

#map = affine_map<(d0, d1) -> (0, 0)>
#map1 = affine_map<(d0, d1) -> (0, 0, 0)>
module attributes {stable_mosaic.version = 14 : i64} {
  func.func @seg(%arg0: i32, %arg1: i32, %arg2: memref<10000x128xf32, #tpu.memory_space<hbm>>, %arg3: memref<32x80x128xi32, #tpu.memory_space<hbm>>, %arg4: memref<32x80x128xi32, #tpu.memory_space<hbm>>, %arg5: memref<640x128xf32, #tpu.memory_space<hbm>>, %arg6: memref<2x10240x128xf32, #tpu.memory_space<hbm>>, %arg7: memref<40x128xi32, #tpu.memory_space<vmem>>, %arg8: memref<40x128xi32, #tpu.memory_space<vmem>>, %arg9: memref<128x128xf32, #tpu.memory_space<vmem>>, %arg10: memref<128x128xf32, #tpu.memory_space<vmem>>, %arg11: memref<10240x128xf32, #tpu.memory_space<vmem_shared>>, %arg12: memref<!tpu.dma_semaphore, #tpu.memory_space<semaphore_mem>>, %arg13: memref<!tpu.dma_semaphore, #tpu.memory_space<semaphore_mem>>) attributes {dimension_semantics = [#tpu.dimension_semantics<core_parallel>, #tpu.dimension_semantics<subcore_parallel>], iteration_bounds = array<i64: 2, 16>, scalar_prefetch = 0 : i64, scratch_operands = 7 : i64, tpu.core_type = #tpu.core_type<sc_vector_subcore>, window_params = [{transform_indices = #map}, {transform_indices = #map1}, {transform_indices = #map1}, {transform_indices = #map}, {transform_indices = #map1}]} {
    %mul3A = arith.constant 2 : i32
    %mul3A_0 = arith.muli %arg1, %mul3A : i32
    %add3A = arith.addi %mul3A_0, %arg0 : i32
    %mul3A_1 = arith.constant 640 : i32
    %mul3A_2 = arith.muli %arg1, %mul3A_1 : i32
    "tpu.region"() ({
      %run_scoped3A = tpu.sem_alloc : memref<!tpu.dma_semaphore, #tpu.memory_space<semaphore_mem>>
      %dma_start3A = arith.constant 0 : i32
      %dma_start3A_13 = tpu.memref_slice %arg11[%mul3A_2, %dma_start3A] : memref<10240x128xf32, #tpu.memory_space<vmem_shared>> -> memref<640x128xf32, #tpu.memory_space<vmem_shared>>
      tpu.enqueue_dma source(%arg5 : memref<640x128xf32, #tpu.memory_space<hbm>>) target(%dma_start3A_13 : memref<640x128xf32, #tpu.memory_space<vmem_shared>>) target_semaphore(%run_scoped3A : memref<!tpu.dma_semaphore, #tpu.memory_space<semaphore_mem>>)
      %dma_wait3A = arith.constant 0 : i32
      %dma_wait3A_14 = tpu.memref_slice %arg11[%mul3A_2, %dma_wait3A] : memref<10240x128xf32, #tpu.memory_space<vmem_shared>> -> memref<640x128xf32, #tpu.memory_space<vmem_shared>>
      tpu.wait_dma2 semaphore(%run_scoped3A : memref<!tpu.dma_semaphore, #tpu.memory_space<semaphore_mem>>) src(%arg5 : memref<640x128xf32, #tpu.memory_space<hbm>>) dst(%dma_wait3A_14 : memref<640x128xf32, #tpu.memory_space<vmem_shared>>)
      tpu.yield
    }) : () -> ()
    %barrier3A = arith.constant 0 : index
    tpu.barrier barrier_id(%barrier3A)
    %scan3A = arith.constant 0 : i32
    %scan3A_3 = arith.constant 0 : i32
    %scan3A_4 = arith.constant 2 : i32
    %scan3A_5 = arith.addi %scan3A_3, %scan3A_4 : i32
    %scan3A_6 = arith.constant 1 : i32
    scf.for %scan3A_13 = %scan3A_3 to %scan3A_5 step %scan3A_6  : i32 {
      %mul3A_14 = arith.constant 40 : i32
      %mul3A_15 = arith.muli %scan3A_13, %mul3A_14 : i32
      "tpu.region"() ({
        %run_scoped3A = tpu.sem_alloc : memref<!tpu.dma_semaphore, #tpu.memory_space<semaphore_mem>>
        %dma_start3A_37 = arith.constant 0 : i32
        %dma_start3A_38 = tpu.memref_slice %arg3[%add3A, %mul3A_15, %dma_start3A_37] : memref<32x80x128xi32, #tpu.memory_space<hbm>> -> memref<1x40x128xi32, #tpu.memory_space<hbm>>
        %dma_start3A_39 = tpu.memref_squeeze %dma_start3A_38 : memref<1x40x128xi32, #tpu.memory_space<hbm>> -> memref<40x128xi32, #tpu.memory_space<hbm>>
        %dma_start3A_40 = arith.constant 0 : i32
        %dma_start3A_41 = tpu.memref_slice %arg3[%add3A, %mul3A_15, %dma_start3A_40] : memref<32x80x128xi32, #tpu.memory_space<hbm>> -> memref<1x40x128xi32, #tpu.memory_space<hbm>>
        %dma_start3A_42 = tpu.memref_squeeze %dma_start3A_41 : memref<1x40x128xi32, #tpu.memory_space<hbm>> -> memref<40x128xi32, #tpu.memory_space<hbm>>
        tpu.enqueue_dma source(%dma_start3A_42 : memref<40x128xi32, #tpu.memory_space<hbm>>) target(%arg7 : memref<40x128xi32, #tpu.memory_space<vmem>>) target_semaphore(%run_scoped3A : memref<!tpu.dma_semaphore, #tpu.memory_space<semaphore_mem>>)
        %dma_wait3A = arith.constant 0 : i32
        %dma_wait3A_43 = tpu.memref_slice %arg3[%add3A, %mul3A_15, %dma_wait3A] : memref<32x80x128xi32, #tpu.memory_space<hbm>> -> memref<1x40x128xi32, #tpu.memory_space<hbm>>
        %dma_wait3A_44 = tpu.memref_squeeze %dma_wait3A_43 : memref<1x40x128xi32, #tpu.memory_space<hbm>> -> memref<40x128xi32, #tpu.memory_space<hbm>>
        %dma_wait3A_45 = arith.constant 0 : i32
        %dma_wait3A_46 = tpu.memref_slice %arg3[%add3A, %mul3A_15, %dma_wait3A_45] : memref<32x80x128xi32, #tpu.memory_space<hbm>> -> memref<1x40x128xi32, #tpu.memory_space<hbm>>
        %dma_wait3A_47 = tpu.memref_squeeze %dma_wait3A_46 : memref<1x40x128xi32, #tpu.memory_space<hbm>> -> memref<40x128xi32, #tpu.memory_space<hbm>>
        tpu.wait_dma2 semaphore(%run_scoped3A : memref<!tpu.dma_semaphore, #tpu.memory_space<semaphore_mem>>) src(%dma_wait3A_47 : memref<40x128xi32, #tpu.memory_space<hbm>>) dst(%arg7 : memref<40x128xi32, #tpu.memory_space<vmem>>)
        tpu.yield
      }) : () -> ()
      %mul3A_16 = arith.constant 40 : i32
      %mul3A_17 = arith.muli %scan3A_13, %mul3A_16 : i32
      "tpu.region"() ({
        %run_scoped3A = tpu.sem_alloc : memref<!tpu.dma_semaphore, #tpu.memory_space<semaphore_mem>>
        %dma_start3A_37 = arith.constant 0 : i32
        %dma_start3A_38 = tpu.memref_slice %arg4[%add3A, %mul3A_17, %dma_start3A_37] : memref<32x80x128xi32, #tpu.memory_space<hbm>> -> memref<1x40x128xi32, #tpu.memory_space<hbm>>
        %dma_start3A_39 = tpu.memref_squeeze %dma_start3A_38 : memref<1x40x128xi32, #tpu.memory_space<hbm>> -> memref<40x128xi32, #tpu.memory_space<hbm>>
        %dma_start3A_40 = arith.constant 0 : i32
        %dma_start3A_41 = tpu.memref_slice %arg4[%add3A, %mul3A_17, %dma_start3A_40] : memref<32x80x128xi32, #tpu.memory_space<hbm>> -> memref<1x40x128xi32, #tpu.memory_space<hbm>>
        %dma_start3A_42 = tpu.memref_squeeze %dma_start3A_41 : memref<1x40x128xi32, #tpu.memory_space<hbm>> -> memref<40x128xi32, #tpu.memory_space<hbm>>
        tpu.enqueue_dma source(%dma_start3A_42 : memref<40x128xi32, #tpu.memory_space<hbm>>) target(%arg8 : memref<40x128xi32, #tpu.memory_space<vmem>>) target_semaphore(%run_scoped3A : memref<!tpu.dma_semaphore, #tpu.memory_space<semaphore_mem>>)
        %dma_wait3A = arith.constant 0 : i32
        %dma_wait3A_43 = tpu.memref_slice %arg4[%add3A, %mul3A_17, %dma_wait3A] : memref<32x80x128xi32, #tpu.memory_space<hbm>> -> memref<1x40x128xi32, #tpu.memory_space<hbm>>
        %dma_wait3A_44 = tpu.memref_squeeze %dma_wait3A_43 : memref<1x40x128xi32, #tpu.memory_space<hbm>> -> memref<40x128xi32, #tpu.memory_space<hbm>>
        %dma_wait3A_45 = arith.constant 0 : i32
        %dma_wait3A_46 = tpu.memref_slice %arg4[%add3A, %mul3A_17, %dma_wait3A_45] : memref<32x80x128xi32, #tpu.memory_space<hbm>> -> memref<1x40x128xi32, #tpu.memory_space<hbm>>
        %dma_wait3A_47 = tpu.memref_squeeze %dma_wait3A_46 : memref<1x40x128xi32, #tpu.memory_space<hbm>> -> memref<40x128xi32, #tpu.memory_space<hbm>>
        tpu.wait_dma2 semaphore(%run_scoped3A : memref<!tpu.dma_semaphore, #tpu.memory_space<semaphore_mem>>) src(%dma_wait3A_47 : memref<40x128xi32, #tpu.memory_space<hbm>>) dst(%arg8 : memref<40x128xi32, #tpu.memory_space<vmem>>)
        tpu.yield
      }) : () -> ()
      %dma_start3A = arith.constant 0 : i32
      %dma_start3A_18 = arith.constant 0 : i32
      %dma_start3A_19 = tpu.memref_slice %arg7[%dma_start3A, %dma_start3A_18] : memref<40x128xi32, #tpu.memory_space<vmem>> -> memref<1x128xi32, #tpu.memory_space<vmem>>
      %dma_start3A_20 = tpu.memref_squeeze %dma_start3A_19 : memref<1x128xi32, #tpu.memory_space<vmem>> -> memref<128xi32, #tpu.memory_space<vmem>>
      %dma_start3A_21 = arith.constant 0 : i32
      %dma_start3A_22 = arith.constant 0 : i32
      %dma_start3A_23 = tpu.memref_slice %arg2[%dma_start3A_21, %dma_start3A_22] : memref<10000x128xf32, #tpu.memory_space<hbm>> -> memref<10000x128xf32, #tpu.memory_space<hbm>>
      tpu.enqueue_indirect_dma source(%dma_start3A_23 : memref<10000x128xf32, #tpu.memory_space<hbm>>) target(%arg9 : memref<128x128xf32, #tpu.memory_space<vmem>>) offsets(%dma_start3A_20 : memref<128xi32, #tpu.memory_space<vmem>>) semaphore(%arg12 : memref<!tpu.dma_semaphore, #tpu.memory_space<semaphore_mem>>)
      %dma_start3A_24 = arith.constant 1 : i32
      %dma_start3A_25 = arith.constant 0 : i32
      %dma_start3A_26 = tpu.memref_slice %arg7[%dma_start3A_24, %dma_start3A_25] : memref<40x128xi32, #tpu.memory_space<vmem>> -> memref<1x128xi32, #tpu.memory_space<vmem>>
      %dma_start3A_27 = tpu.memref_squeeze %dma_start3A_26 : memref<1x128xi32, #tpu.memory_space<vmem>> -> memref<128xi32, #tpu.memory_space<vmem>>
      %dma_start3A_28 = arith.constant 0 : i32
      %dma_start3A_29 = arith.constant 0 : i32
      %dma_start3A_30 = tpu.memref_slice %arg2[%dma_start3A_28, %dma_start3A_29] : memref<10000x128xf32, #tpu.memory_space<hbm>> -> memref<10000x128xf32, #tpu.memory_space<hbm>>
      tpu.enqueue_indirect_dma source(%dma_start3A_30 : memref<10000x128xf32, #tpu.memory_space<hbm>>) target(%arg10 : memref<128x128xf32, #tpu.memory_space<vmem>>) offsets(%dma_start3A_27 : memref<128xi32, #tpu.memory_space<vmem>>) semaphore(%arg13 : memref<!tpu.dma_semaphore, #tpu.memory_space<semaphore_mem>>)
      %scan3A_31 = arith.constant 0 : i32
      %scan3A_32 = arith.constant 0 : i32
      %scan3A_33 = arith.constant 20 : i32
      %scan3A_34 = arith.addi %scan3A_32, %scan3A_33 : i32
      %scan3A_35 = arith.constant 1 : i32
      scf.for %scan3A_37 = %scan3A_32 to %scan3A_34 step %scan3A_35  : i32 {
        %mul3A_38 = arith.constant 2 : i32
        %mul3A_39 = arith.muli %mul3A_38, %scan3A_37 : i32
        %dma_wait3A = arith.constant 0 : i32
        %dma_wait3A_40 = tpu.memref_slice %arg7[%mul3A_39, %dma_wait3A] : memref<40x128xi32, #tpu.memory_space<vmem>> -> memref<1x128xi32, #tpu.memory_space<vmem>>
        %dma_wait3A_41 = tpu.memref_squeeze %dma_wait3A_40 : memref<1x128xi32, #tpu.memory_space<vmem>> -> memref<128xi32, #tpu.memory_space<vmem>>
        %dma_wait3A_42 = arith.constant 0 : i32
        %dma_wait3A_43 = arith.constant 0 : i32
        %dma_wait3A_44 = tpu.memref_slice %arg2[%dma_wait3A_42, %dma_wait3A_43] : memref<10000x128xf32, #tpu.memory_space<hbm>> -> memref<10000x128xf32, #tpu.memory_space<hbm>>
        tpu.wait_indirect_dma semaphore(%arg12 : memref<!tpu.dma_semaphore, #tpu.memory_space<semaphore_mem>>) src(%dma_wait3A_44 : memref<10000x128xf32, #tpu.memory_space<hbm>>) dst(%arg9 : memref<128x128xf32, #tpu.memory_space<vmem>>)
        "tpu.region"() ({
          %run_scoped3A = tpu.sem_alloc : memref<!tpu.dma_semaphore, #tpu.memory_space<semaphore_mem>>
          %dma_start3A_66 = arith.constant 0 : i32
          %dma_start3A_67 = tpu.memref_slice %arg8[%mul3A_39, %dma_start3A_66] : memref<40x128xi32, #tpu.memory_space<vmem>> -> memref<1x128xi32, #tpu.memory_space<vmem>>
          %dma_start3A_68 = tpu.memref_squeeze %dma_start3A_67 : memref<1x128xi32, #tpu.memory_space<vmem>> -> memref<128xi32, #tpu.memory_space<vmem>>
          %dma_start3A_69 = arith.constant 0 : i32
          %dma_start3A_70 = arith.constant 0 : i32
          %dma_start3A_71 = tpu.memref_slice %arg11[%dma_start3A_69, %dma_start3A_70] : memref<10240x128xf32, #tpu.memory_space<vmem_shared>> -> memref<10240x128xf32, #tpu.memory_space<vmem_shared>>
          tpu.enqueue_indirect_dma source(%arg9 : memref<128x128xf32, #tpu.memory_space<vmem>>) target(%dma_start3A_71 : memref<10240x128xf32, #tpu.memory_space<vmem_shared>>) offsets(%dma_start3A_68 : memref<128xi32, #tpu.memory_space<vmem>>) semaphore(%run_scoped3A : memref<!tpu.dma_semaphore, #tpu.memory_space<semaphore_mem>>) {add = true}
          %dma_wait3A_72 = arith.constant 0 : i32
          %dma_wait3A_73 = tpu.memref_slice %arg8[%mul3A_39, %dma_wait3A_72] : memref<40x128xi32, #tpu.memory_space<vmem>> -> memref<1x128xi32, #tpu.memory_space<vmem>>
          %dma_wait3A_74 = tpu.memref_squeeze %dma_wait3A_73 : memref<1x128xi32, #tpu.memory_space<vmem>> -> memref<128xi32, #tpu.memory_space<vmem>>
          %dma_wait3A_75 = arith.constant 0 : i32
          %dma_wait3A_76 = arith.constant 0 : i32
          %dma_wait3A_77 = tpu.memref_slice %arg11[%dma_wait3A_75, %dma_wait3A_76] : memref<10240x128xf32, #tpu.memory_space<vmem_shared>> -> memref<10240x128xf32, #tpu.memory_space<vmem_shared>>
          tpu.wait_indirect_dma semaphore(%run_scoped3A : memref<!tpu.dma_semaphore, #tpu.memory_space<semaphore_mem>>) src(%arg9 : memref<128x128xf32, #tpu.memory_space<vmem>>) dst(%dma_wait3A_77 : memref<10240x128xf32, #tpu.memory_space<vmem_shared>>)
          tpu.yield
        }) : () -> ()
        %add3A_45 = arith.constant 2 : i32
        %add3A_46 = arith.addi %mul3A_39, %add3A_45 : i32
        %lt3A = arith.constant 40 : i32
        %lt3A_47 = arith.cmpi slt, %add3A_46, %lt3A : i32
        %convert_element_type3A = arith.extui %lt3A_47 : i1 to i32
        %cond3A = arith.constant 0 : i32
        %cond3A_48 = arith.cmpi ne, %convert_element_type3A, %cond3A : i32
        scf.if %cond3A_48 {
          %add3A_66 = arith.constant 2 : i32
          %add3A_67 = arith.addi %mul3A_39, %add3A_66 : i32
          %dma_start3A_68 = arith.constant 0 : i32
          %dma_start3A_69 = tpu.memref_slice %arg7[%add3A_67, %dma_start3A_68] : memref<40x128xi32, #tpu.memory_space<vmem>> -> memref<1x128xi32, #tpu.memory_space<vmem>>
          %dma_start3A_70 = tpu.memref_squeeze %dma_start3A_69 : memref<1x128xi32, #tpu.memory_space<vmem>> -> memref<128xi32, #tpu.memory_space<vmem>>
          %dma_start3A_71 = arith.constant 0 : i32
          %dma_start3A_72 = arith.constant 0 : i32
          %dma_start3A_73 = tpu.memref_slice %arg2[%dma_start3A_71, %dma_start3A_72] : memref<10000x128xf32, #tpu.memory_space<hbm>> -> memref<10000x128xf32, #tpu.memory_space<hbm>>
          tpu.enqueue_indirect_dma source(%dma_start3A_73 : memref<10000x128xf32, #tpu.memory_space<hbm>>) target(%arg9 : memref<128x128xf32, #tpu.memory_space<vmem>>) offsets(%dma_start3A_70 : memref<128xi32, #tpu.memory_space<vmem>>) semaphore(%arg12 : memref<!tpu.dma_semaphore, #tpu.memory_space<semaphore_mem>>)
        } else {
        }
        %add3A_49 = arith.constant 1 : i32
        %add3A_50 = arith.addi %mul3A_39, %add3A_49 : i32
        %dma_wait3A_51 = arith.constant 0 : i32
        %dma_wait3A_52 = tpu.memref_slice %arg7[%add3A_50, %dma_wait3A_51] : memref<40x128xi32, #tpu.memory_space<vmem>> -> memref<1x128xi32, #tpu.memory_space<vmem>>
        %dma_wait3A_53 = tpu.memref_squeeze %dma_wait3A_52 : memref<1x128xi32, #tpu.memory_space<vmem>> -> memref<128xi32, #tpu.memory_space<vmem>>
        %dma_wait3A_54 = arith.constant 0 : i32
        %dma_wait3A_55 = arith.constant 0 : i32
        %dma_wait3A_56 = tpu.memref_slice %arg2[%dma_wait3A_54, %dma_wait3A_55] : memref<10000x128xf32, #tpu.memory_space<hbm>> -> memref<10000x128xf32, #tpu.memory_space<hbm>>
        tpu.wait_indirect_dma semaphore(%arg13 : memref<!tpu.dma_semaphore, #tpu.memory_space<semaphore_mem>>) src(%dma_wait3A_56 : memref<10000x128xf32, #tpu.memory_space<hbm>>) dst(%arg10 : memref<128x128xf32, #tpu.memory_space<vmem>>)
        %add3A_57 = arith.constant 1 : i32
        %add3A_58 = arith.addi %mul3A_39, %add3A_57 : i32
        "tpu.region"() ({
          %run_scoped3A = tpu.sem_alloc : memref<!tpu.dma_semaphore, #tpu.memory_space<semaphore_mem>>
          %dma_start3A_66 = arith.constant 0 : i32
          %dma_start3A_67 = tpu.memref_slice %arg8[%add3A_58, %dma_start3A_66] : memref<40x128xi32, #tpu.memory_space<vmem>> -> memref<1x128xi32, #tpu.memory_space<vmem>>
          %dma_start3A_68 = tpu.memref_squeeze %dma_start3A_67 : memref<1x128xi32, #tpu.memory_space<vmem>> -> memref<128xi32, #tpu.memory_space<vmem>>
          %dma_start3A_69 = arith.constant 0 : i32
          %dma_start3A_70 = arith.constant 0 : i32
          %dma_start3A_71 = tpu.memref_slice %arg11[%dma_start3A_69, %dma_start3A_70] : memref<10240x128xf32, #tpu.memory_space<vmem_shared>> -> memref<10240x128xf32, #tpu.memory_space<vmem_shared>>
          tpu.enqueue_indirect_dma source(%arg10 : memref<128x128xf32, #tpu.memory_space<vmem>>) target(%dma_start3A_71 : memref<10240x128xf32, #tpu.memory_space<vmem_shared>>) offsets(%dma_start3A_68 : memref<128xi32, #tpu.memory_space<vmem>>) semaphore(%run_scoped3A : memref<!tpu.dma_semaphore, #tpu.memory_space<semaphore_mem>>) {add = true}
          %dma_wait3A_72 = arith.constant 0 : i32
          %dma_wait3A_73 = tpu.memref_slice %arg8[%add3A_58, %dma_wait3A_72] : memref<40x128xi32, #tpu.memory_space<vmem>> -> memref<1x128xi32, #tpu.memory_space<vmem>>
          %dma_wait3A_74 = tpu.memref_squeeze %dma_wait3A_73 : memref<1x128xi32, #tpu.memory_space<vmem>> -> memref<128xi32, #tpu.memory_space<vmem>>
          %dma_wait3A_75 = arith.constant 0 : i32
          %dma_wait3A_76 = arith.constant 0 : i32
          %dma_wait3A_77 = tpu.memref_slice %arg11[%dma_wait3A_75, %dma_wait3A_76] : memref<10240x128xf32, #tpu.memory_space<vmem_shared>> -> memref<10240x128xf32, #tpu.memory_space<vmem_shared>>
          tpu.wait_indirect_dma semaphore(%run_scoped3A : memref<!tpu.dma_semaphore, #tpu.memory_space<semaphore_mem>>) src(%arg10 : memref<128x128xf32, #tpu.memory_space<vmem>>) dst(%dma_wait3A_77 : memref<10240x128xf32, #tpu.memory_space<vmem_shared>>)
          tpu.yield
        }) : () -> ()
        %add3A_59 = arith.constant 3 : i32
        %add3A_60 = arith.addi %mul3A_39, %add3A_59 : i32
        %lt3A_61 = arith.constant 40 : i32
        %lt3A_62 = arith.cmpi slt, %add3A_60, %lt3A_61 : i32
        %convert_element_type3A_63 = arith.extui %lt3A_62 : i1 to i32
        %cond3A_64 = arith.constant 0 : i32
        %cond3A_65 = arith.cmpi ne, %convert_element_type3A_63, %cond3A_64 : i32
        scf.if %cond3A_65 {
          %add3A_66 = arith.constant 3 : i32
          %add3A_67 = arith.addi %mul3A_39, %add3A_66 : i32
          %dma_start3A_68 = arith.constant 0 : i32
          %dma_start3A_69 = tpu.memref_slice %arg7[%add3A_67, %dma_start3A_68] : memref<40x128xi32, #tpu.memory_space<vmem>> -> memref<1x128xi32, #tpu.memory_space<vmem>>
          %dma_start3A_70 = tpu.memref_squeeze %dma_start3A_69 : memref<1x128xi32, #tpu.memory_space<vmem>> -> memref<128xi32, #tpu.memory_space<vmem>>
          %dma_start3A_71 = arith.constant 0 : i32
          %dma_start3A_72 = arith.constant 0 : i32
          %dma_start3A_73 = tpu.memref_slice %arg2[%dma_start3A_71, %dma_start3A_72] : memref<10000x128xf32, #tpu.memory_space<hbm>> -> memref<10000x128xf32, #tpu.memory_space<hbm>>
          tpu.enqueue_indirect_dma source(%dma_start3A_73 : memref<10000x128xf32, #tpu.memory_space<hbm>>) target(%arg10 : memref<128x128xf32, #tpu.memory_space<vmem>>) offsets(%dma_start3A_70 : memref<128xi32, #tpu.memory_space<vmem>>) semaphore(%arg13 : memref<!tpu.dma_semaphore, #tpu.memory_space<semaphore_mem>>)
        } else {
        }
      }
      %scan3A_36 = arith.constant 20 : i32
    }
    %scan3A_7 = arith.constant 2 : i32
    %barrier3A_8 = arith.constant 0 : index
    tpu.barrier barrier_id(%barrier3A_8)
    %mul3A_9 = arith.constant 640 : i32
    %mul3A_10 = arith.muli %arg1, %mul3A_9 : i32
    %mul3A_11 = arith.constant 640 : i32
    %mul3A_12 = arith.muli %arg1, %mul3A_11 : i32
    "tpu.region"() ({
      %run_scoped3A = tpu.sem_alloc : memref<!tpu.dma_semaphore, #tpu.memory_space<semaphore_mem>>
      %dma_start3A = arith.constant 0 : i32
      %dma_start3A_13 = tpu.memref_slice %arg6[%arg0, %mul3A_12, %dma_start3A] : memref<2x10240x128xf32, #tpu.memory_space<hbm>> -> memref<1x640x128xf32, #tpu.memory_space<hbm>>
      %dma_start3A_14 = tpu.memref_squeeze %dma_start3A_13 : memref<1x640x128xf32, #tpu.memory_space<hbm>> -> memref<640x128xf32, #tpu.memory_space<hbm>>
      %dma_start3A_15 = arith.constant 0 : i32
      %dma_start3A_16 = tpu.memref_slice %arg11[%mul3A_10, %dma_start3A_15] : memref<10240x128xf32, #tpu.memory_space<vmem_shared>> -> memref<640x128xf32, #tpu.memory_space<vmem_shared>>
      tpu.enqueue_dma source(%dma_start3A_16 : memref<640x128xf32, #tpu.memory_space<vmem_shared>>) target(%dma_start3A_14 : memref<640x128xf32, #tpu.memory_space<hbm>>) target_semaphore(%run_scoped3A : memref<!tpu.dma_semaphore, #tpu.memory_space<semaphore_mem>>)
      %dma_wait3A = arith.constant 0 : i32
      %dma_wait3A_17 = tpu.memref_slice %arg6[%arg0, %mul3A_12, %dma_wait3A] : memref<2x10240x128xf32, #tpu.memory_space<hbm>> -> memref<1x640x128xf32, #tpu.memory_space<hbm>>
      %dma_wait3A_18 = tpu.memref_squeeze %dma_wait3A_17 : memref<1x640x128xf32, #tpu.memory_space<hbm>> -> memref<640x128xf32, #tpu.memory_space<hbm>>
      %dma_wait3A_19 = arith.constant 0 : i32
      %dma_wait3A_20 = tpu.memref_slice %arg11[%mul3A_10, %dma_wait3A_19] : memref<10240x128xf32, #tpu.memory_space<vmem_shared>> -> memref<640x128xf32, #tpu.memory_space<vmem_shared>>
      tpu.wait_dma2 semaphore(%run_scoped3A : memref<!tpu.dma_semaphore, #tpu.memory_space<semaphore_mem>>) src(%dma_wait3A_20 : memref<640x128xf32, #tpu.memory_space<vmem_shared>>) dst(%dma_wait3A_18 : memref<640x128xf32, #tpu.memory_space<hbm>>)
      tpu.yield
    }) : () -> ()
    return
  }
}

#map = affine_map<(d0, d1) -> (0, 0)>
#map1 = affine_map<(d0, d1) -> (0, 0, 0)>
module attributes {stable_mosaic.version = 14 : i64} {
  func.func @seg(%arg0: i32, %arg1: i32, %arg2: memref<10000x128xf32, #tpu.memory_space<hbm>>, %arg3: memref<32x80x128xi32, #tpu.memory_space<hbm>>, %arg4: memref<32x80x128xi32, #tpu.memory_space<hbm>>, %arg5: memref<640x128xf32, #tpu.memory_space<hbm>>, %arg6: memref<2x10240x128xf32, #tpu.memory_space<hbm>>, %arg7: memref<40x128xi32, #tpu.memory_space<vmem>>, %arg8: memref<40x128xi32, #tpu.memory_space<vmem>>, %arg9: memref<128x128xf32, #tpu.memory_space<vmem>>, %arg10: memref<128x128xf32, #tpu.memory_space<vmem>>, %arg11: memref<10240x128xf32, #tpu.memory_space<vmem_shared>>, %arg12: memref<!tpu.dma_semaphore, #tpu.memory_space<semaphore_mem>>, %arg13: memref<!tpu.dma_semaphore, #tpu.memory_space<semaphore_mem>>) attributes {dimension_semantics = [#tpu.dimension_semantics<core_parallel>, #tpu.dimension_semantics<subcore_parallel>], iteration_bounds = array<i64: 2, 16>, scalar_prefetch = 0 : i64, scratch_operands = 7 : i64, tpu.core_type = #tpu.core_type<sc_vector_subcore>, window_params = [{transform_indices = #map}, {transform_indices = #map1}, {transform_indices = #map1}, {transform_indices = #map}, {transform_indices = #map1}]} {
    %mul3A = arith.constant 2 : i32
    %mul3A_0 = arith.muli %arg1, %mul3A : i32
    %add3A = arith.addi %mul3A_0, %arg0 : i32
    %mul3A_1 = arith.constant 640 : i32
    %mul3A_2 = arith.muli %arg1, %mul3A_1 : i32
    "tpu.region"() ({
      %run_scoped3A = tpu.sem_alloc : memref<!tpu.dma_semaphore, #tpu.memory_space<semaphore_mem>>
      %dma_start3A = arith.constant 0 : i32
      %dma_start3A_13 = tpu.memref_slice %arg11[%mul3A_2, %dma_start3A] : memref<10240x128xf32, #tpu.memory_space<vmem_shared>> -> memref<640x128xf32, #tpu.memory_space<vmem_shared>>
      tpu.enqueue_dma source(%arg5 : memref<640x128xf32, #tpu.memory_space<hbm>>) target(%dma_start3A_13 : memref<640x128xf32, #tpu.memory_space<vmem_shared>>) target_semaphore(%run_scoped3A : memref<!tpu.dma_semaphore, #tpu.memory_space<semaphore_mem>>)
      %dma_wait3A = arith.constant 0 : i32
      %dma_wait3A_14 = tpu.memref_slice %arg11[%mul3A_2, %dma_wait3A] : memref<10240x128xf32, #tpu.memory_space<vmem_shared>> -> memref<640x128xf32, #tpu.memory_space<vmem_shared>>
      tpu.wait_dma2 semaphore(%run_scoped3A : memref<!tpu.dma_semaphore, #tpu.memory_space<semaphore_mem>>) src(%arg5 : memref<640x128xf32, #tpu.memory_space<hbm>>) dst(%dma_wait3A_14 : memref<640x128xf32, #tpu.memory_space<vmem_shared>>)
      tpu.yield
    }) : () -> ()
    %barrier3A = arith.constant 0 : index
    tpu.barrier barrier_id(%barrier3A)
    %scan3A = arith.constant 0 : i32
    %scan3A_3 = arith.constant 0 : i32
    %scan3A_4 = arith.constant 2 : i32
    %scan3A_5 = arith.addi %scan3A_3, %scan3A_4 : i32
    %scan3A_6 = arith.constant 1 : i32
    scf.for %scan3A_13 = %scan3A_3 to %scan3A_5 step %scan3A_6  : i32 {
      %mul3A_14 = arith.constant 40 : i32
      %mul3A_15 = arith.muli %scan3A_13, %mul3A_14 : i32
      "tpu.region"() ({
        %run_scoped3A = tpu.sem_alloc : memref<!tpu.dma_semaphore, #tpu.memory_space<semaphore_mem>>
        %dma_start3A_37 = arith.constant 0 : i32
        %dma_start3A_38 = tpu.memref_slice %arg3[%add3A, %mul3A_15, %dma_start3A_37] : memref<32x80x128xi32, #tpu.memory_space<hbm>> -> memref<1x40x128xi32, #tpu.memory_space<hbm>>
        %dma_start3A_39 = tpu.memref_squeeze %dma_start3A_38 : memref<1x40x128xi32, #tpu.memory_space<hbm>> -> memref<40x128xi32, #tpu.memory_space<hbm>>
        %dma_start3A_40 = arith.constant 0 : i32
        %dma_start3A_41 = tpu.memref_slice %arg3[%add3A, %mul3A_15, %dma_start3A_40] : memref<32x80x128xi32, #tpu.memory_space<hbm>> -> memref<1x40x128xi32, #tpu.memory_space<hbm>>
        %dma_start3A_42 = tpu.memref_squeeze %dma_start3A_41 : memref<1x40x128xi32, #tpu.memory_space<hbm>> -> memref<40x128xi32, #tpu.memory_space<hbm>>
        tpu.enqueue_dma source(%dma_start3A_42 : memref<40x128xi32, #tpu.memory_space<hbm>>) target(%arg7 : memref<40x128xi32, #tpu.memory_space<vmem>>) target_semaphore(%run_scoped3A : memref<!tpu.dma_semaphore, #tpu.memory_space<semaphore_mem>>)
        %dma_wait3A = arith.constant 0 : i32
        %dma_wait3A_43 = tpu.memref_slice %arg3[%add3A, %mul3A_15, %dma_wait3A] : memref<32x80x128xi32, #tpu.memory_space<hbm>> -> memref<1x40x128xi32, #tpu.memory_space<hbm>>
        %dma_wait3A_44 = tpu.memref_squeeze %dma_wait3A_43 : memref<1x40x128xi32, #tpu.memory_space<hbm>> -> memref<40x128xi32, #tpu.memory_space<hbm>>
        %dma_wait3A_45 = arith.constant 0 : i32
        %dma_wait3A_46 = tpu.memref_slice %arg3[%add3A, %mul3A_15, %dma_wait3A_45] : memref<32x80x128xi32, #tpu.memory_space<hbm>> -> memref<1x40x128xi32, #tpu.memory_space<hbm>>
        %dma_wait3A_47 = tpu.memref_squeeze %dma_wait3A_46 : memref<1x40x128xi32, #tpu.memory_space<hbm>> -> memref<40x128xi32, #tpu.memory_space<hbm>>
        tpu.wait_dma2 semaphore(%run_scoped3A : memref<!tpu.dma_semaphore, #tpu.memory_space<semaphore_mem>>) src(%dma_wait3A_47 : memref<40x128xi32, #tpu.memory_space<hbm>>) dst(%arg7 : memref<40x128xi32, #tpu.memory_space<vmem>>)
        tpu.yield
      }) : () -> ()
      %mul3A_16 = arith.constant 40 : i32
      %mul3A_17 = arith.muli %scan3A_13, %mul3A_16 : i32
      "tpu.region"() ({
        %run_scoped3A = tpu.sem_alloc : memref<!tpu.dma_semaphore, #tpu.memory_space<semaphore_mem>>
        %dma_start3A_37 = arith.constant 0 : i32
        %dma_start3A_38 = tpu.memref_slice %arg4[%add3A, %mul3A_17, %dma_start3A_37] : memref<32x80x128xi32, #tpu.memory_space<hbm>> -> memref<1x40x128xi32, #tpu.memory_space<hbm>>
        %dma_start3A_39 = tpu.memref_squeeze %dma_start3A_38 : memref<1x40x128xi32, #tpu.memory_space<hbm>> -> memref<40x128xi32, #tpu.memory_space<hbm>>
        %dma_start3A_40 = arith.constant 0 : i32
        %dma_start3A_41 = tpu.memref_slice %arg4[%add3A, %mul3A_17, %dma_start3A_40] : memref<32x80x128xi32, #tpu.memory_space<hbm>> -> memref<1x40x128xi32, #tpu.memory_space<hbm>>
        %dma_start3A_42 = tpu.memref_squeeze %dma_start3A_41 : memref<1x40x128xi32, #tpu.memory_space<hbm>> -> memref<40x128xi32, #tpu.memory_space<hbm>>
        tpu.enqueue_dma source(%dma_start3A_42 : memref<40x128xi32, #tpu.memory_space<hbm>>) target(%arg8 : memref<40x128xi32, #tpu.memory_space<vmem>>) target_semaphore(%run_scoped3A : memref<!tpu.dma_semaphore, #tpu.memory_space<semaphore_mem>>)
        %dma_wait3A = arith.constant 0 : i32
        %dma_wait3A_43 = tpu.memref_slice %arg4[%add3A, %mul3A_17, %dma_wait3A] : memref<32x80x128xi32, #tpu.memory_space<hbm>> -> memref<1x40x128xi32, #tpu.memory_space<hbm>>
        %dma_wait3A_44 = tpu.memref_squeeze %dma_wait3A_43 : memref<1x40x128xi32, #tpu.memory_space<hbm>> -> memref<40x128xi32, #tpu.memory_space<hbm>>
        %dma_wait3A_45 = arith.constant 0 : i32
        %dma_wait3A_46 = tpu.memref_slice %arg4[%add3A, %mul3A_17, %dma_wait3A_45] : memref<32x80x128xi32, #tpu.memory_space<hbm>> -> memref<1x40x128xi32, #tpu.memory_space<hbm>>
        %dma_wait3A_47 = tpu.memref_squeeze %dma_wait3A_46 : memref<1x40x128xi32, #tpu.memory_space<hbm>> -> memref<40x128xi32, #tpu.memory_space<hbm>>
        tpu.wait_dma2 semaphore(%run_scoped3A : memref<!tpu.dma_semaphore, #tpu.memory_space<semaphore_mem>>) src(%dma_wait3A_47 : memref<40x128xi32, #tpu.memory_space<hbm>>) dst(%arg8 : memref<40x128xi32, #tpu.memory_space<vmem>>)
        tpu.yield
      }) : () -> ()
      %dma_start3A = arith.constant 0 : i32
      %dma_start3A_18 = arith.constant 0 : i32
      %dma_start3A_19 = tpu.memref_slice %arg7[%dma_start3A, %dma_start3A_18] : memref<40x128xi32, #tpu.memory_space<vmem>> -> memref<1x128xi32, #tpu.memory_space<vmem>>
      %dma_start3A_20 = tpu.memref_squeeze %dma_start3A_19 : memref<1x128xi32, #tpu.memory_space<vmem>> -> memref<128xi32, #tpu.memory_space<vmem>>
      %dma_start3A_21 = arith.constant 0 : i32
      %dma_start3A_22 = arith.constant 0 : i32
      %dma_start3A_23 = tpu.memref_slice %arg2[%dma_start3A_21, %dma_start3A_22] : memref<10000x128xf32, #tpu.memory_space<hbm>> -> memref<10000x128xf32, #tpu.memory_space<hbm>>
      tpu.enqueue_indirect_dma source(%dma_start3A_23 : memref<10000x128xf32, #tpu.memory_space<hbm>>) target(%arg9 : memref<128x128xf32, #tpu.memory_space<vmem>>) offsets(%dma_start3A_20 : memref<128xi32, #tpu.memory_space<vmem>>) semaphore(%arg12 : memref<!tpu.dma_semaphore, #tpu.memory_space<semaphore_mem>>)
      %dma_start3A_24 = arith.constant 1 : i32
      %dma_start3A_25 = arith.constant 0 : i32
      %dma_start3A_26 = tpu.memref_slice %arg7[%dma_start3A_24, %dma_start3A_25] : memref<40x128xi32, #tpu.memory_space<vmem>> -> memref<1x128xi32, #tpu.memory_space<vmem>>
      %dma_start3A_27 = tpu.memref_squeeze %dma_start3A_26 : memref<1x128xi32, #tpu.memory_space<vmem>> -> memref<128xi32, #tpu.memory_space<vmem>>
      %dma_start3A_28 = arith.constant 0 : i32
      %dma_start3A_29 = arith.constant 0 : i32
      %dma_start3A_30 = tpu.memref_slice %arg2[%dma_start3A_28, %dma_start3A_29] : memref<10000x128xf32, #tpu.memory_space<hbm>> -> memref<10000x128xf32, #tpu.memory_space<hbm>>
      tpu.enqueue_indirect_dma source(%dma_start3A_30 : memref<10000x128xf32, #tpu.memory_space<hbm>>) target(%arg10 : memref<128x128xf32, #tpu.memory_space<vmem>>) offsets(%dma_start3A_27 : memref<128xi32, #tpu.memory_space<vmem>>) semaphore(%arg13 : memref<!tpu.dma_semaphore, #tpu.memory_space<semaphore_mem>>)
      %scan3A_31 = arith.constant 0 : i32
      %scan3A_32 = arith.constant 0 : i32
      %scan3A_33 = arith.constant 20 : i32
      %scan3A_34 = arith.addi %scan3A_32, %scan3A_33 : i32
      %scan3A_35 = arith.constant 1 : i32
      scf.for %scan3A_37 = %scan3A_32 to %scan3A_34 step %scan3A_35  : i32 {
        %mul3A_38 = arith.constant 2 : i32
        %mul3A_39 = arith.muli %mul3A_38, %scan3A_37 : i32
        %dma_wait3A = arith.constant 0 : i32
        %dma_wait3A_40 = tpu.memref_slice %arg7[%mul3A_39, %dma_wait3A] : memref<40x128xi32, #tpu.memory_space<vmem>> -> memref<1x128xi32, #tpu.memory_space<vmem>>
        %dma_wait3A_41 = tpu.memref_squeeze %dma_wait3A_40 : memref<1x128xi32, #tpu.memory_space<vmem>> -> memref<128xi32, #tpu.memory_space<vmem>>
        %dma_wait3A_42 = arith.constant 0 : i32
        %dma_wait3A_43 = arith.constant 0 : i32
        %dma_wait3A_44 = tpu.memref_slice %arg2[%dma_wait3A_42, %dma_wait3A_43] : memref<10000x128xf32, #tpu.memory_space<hbm>> -> memref<10000x128xf32, #tpu.memory_space<hbm>>
        tpu.wait_indirect_dma semaphore(%arg12 : memref<!tpu.dma_semaphore, #tpu.memory_space<semaphore_mem>>) src(%dma_wait3A_44 : memref<10000x128xf32, #tpu.memory_space<hbm>>) dst(%arg9 : memref<128x128xf32, #tpu.memory_space<vmem>>)
        "tpu.region"() ({
          %run_scoped3A = tpu.sem_alloc : memref<!tpu.dma_semaphore, #tpu.memory_space<semaphore_mem>>
          %dma_start3A_66 = arith.constant 0 : i32
          %dma_start3A_67 = tpu.memref_slice %arg8[%mul3A_39, %dma_start3A_66] : memref<40x128xi32, #tpu.memory_space<vmem>> -> memref<1x128xi32, #tpu.memory_space<vmem>>
          %dma_start3A_68 = tpu.memref_squeeze %dma_start3A_67 : memref<1x128xi32, #tpu.memory_space<vmem>> -> memref<128xi32, #tpu.memory_space<vmem>>
          %dma_start3A_69 = arith.constant 0 : i32
          %dma_start3A_70 = arith.constant 0 : i32
          %dma_start3A_71 = tpu.memref_slice %arg11[%dma_start3A_69, %dma_start3A_70] : memref<10240x128xf32, #tpu.memory_space<vmem_shared>> -> memref<10240x128xf32, #tpu.memory_space<vmem_shared>>
          tpu.enqueue_indirect_dma source(%arg9 : memref<128x128xf32, #tpu.memory_space<vmem>>) target(%dma_start3A_71 : memref<10240x128xf32, #tpu.memory_space<vmem_shared>>) offsets(%dma_start3A_68 : memref<128xi32, #tpu.memory_space<vmem>>) semaphore(%run_scoped3A : memref<!tpu.dma_semaphore, #tpu.memory_space<semaphore_mem>>) {add = true}
          %dma_wait3A_72 = arith.constant 0 : i32
          %dma_wait3A_73 = tpu.memref_slice %arg8[%mul3A_39, %dma_wait3A_72] : memref<40x128xi32, #tpu.memory_space<vmem>> -> memref<1x128xi32, #tpu.memory_space<vmem>>
          %dma_wait3A_74 = tpu.memref_squeeze %dma_wait3A_73 : memref<1x128xi32, #tpu.memory_space<vmem>> -> memref<128xi32, #tpu.memory_space<vmem>>
          %dma_wait3A_75 = arith.constant 0 : i32
          %dma_wait3A_76 = arith.constant 0 : i32
          %dma_wait3A_77 = tpu.memref_slice %arg11[%dma_wait3A_75, %dma_wait3A_76] : memref<10240x128xf32, #tpu.memory_space<vmem_shared>> -> memref<10240x128xf32, #tpu.memory_space<vmem_shared>>
          tpu.wait_indirect_dma semaphore(%run_scoped3A : memref<!tpu.dma_semaphore, #tpu.memory_space<semaphore_mem>>) src(%arg9 : memref<128x128xf32, #tpu.memory_space<vmem>>) dst(%dma_wait3A_77 : memref<10240x128xf32, #tpu.memory_space<vmem_shared>>)
          tpu.yield
        }) : () -> ()
        %add3A_45 = arith.constant 2 : i32
        %add3A_46 = arith.addi %mul3A_39, %add3A_45 : i32
        %lt3A = arith.constant 40 : i32
        %lt3A_47 = arith.cmpi slt, %add3A_46, %lt3A : i32
        %convert_element_type3A = arith.extui %lt3A_47 : i1 to i32
        %cond3A = arith.constant 0 : i32
        %cond3A_48 = arith.cmpi ne, %convert_element_type3A, %cond3A : i32
        scf.if %cond3A_48 {
          %add3A_66 = arith.constant 2 : i32
          %add3A_67 = arith.addi %mul3A_39, %add3A_66 : i32
          %dma_start3A_68 = arith.constant 0 : i32
          %dma_start3A_69 = tpu.memref_slice %arg7[%add3A_67, %dma_start3A_68] : memref<40x128xi32, #tpu.memory_space<vmem>> -> memref<1x128xi32, #tpu.memory_space<vmem>>
          %dma_start3A_70 = tpu.memref_squeeze %dma_start3A_69 : memref<1x128xi32, #tpu.memory_space<vmem>> -> memref<128xi32, #tpu.memory_space<vmem>>
          %dma_start3A_71 = arith.constant 0 : i32
          %dma_start3A_72 = arith.constant 0 : i32
          %dma_start3A_73 = tpu.memref_slice %arg2[%dma_start3A_71, %dma_start3A_72] : memref<10000x128xf32, #tpu.memory_space<hbm>> -> memref<10000x128xf32, #tpu.memory_space<hbm>>
          tpu.enqueue_indirect_dma source(%dma_start3A_73 : memref<10000x128xf32, #tpu.memory_space<hbm>>) target(%arg9 : memref<128x128xf32, #tpu.memory_space<vmem>>) offsets(%dma_start3A_70 : memref<128xi32, #tpu.memory_space<vmem>>) semaphore(%arg12 : memref<!tpu.dma_semaphore, #tpu.memory_space<semaphore_mem>>)
        } else {
        }
        %add3A_49 = arith.constant 1 : i32
        %add3A_50 = arith.addi %mul3A_39, %add3A_49 : i32
        %dma_wait3A_51 = arith.constant 0 : i32
        %dma_wait3A_52 = tpu.memref_slice %arg7[%add3A_50, %dma_wait3A_51] : memref<40x128xi32, #tpu.memory_space<vmem>> -> memref<1x128xi32, #tpu.memory_space<vmem>>
        %dma_wait3A_53 = tpu.memref_squeeze %dma_wait3A_52 : memref<1x128xi32, #tpu.memory_space<vmem>> -> memref<128xi32, #tpu.memory_space<vmem>>
        %dma_wait3A_54 = arith.constant 0 : i32
        %dma_wait3A_55 = arith.constant 0 : i32
        %dma_wait3A_56 = tpu.memref_slice %arg2[%dma_wait3A_54, %dma_wait3A_55] : memref<10000x128xf32, #tpu.memory_space<hbm>> -> memref<10000x128xf32, #tpu.memory_space<hbm>>
        tpu.wait_indirect_dma semaphore(%arg13 : memref<!tpu.dma_semaphore, #tpu.memory_space<semaphore_mem>>) src(%dma_wait3A_56 : memref<10000x128xf32, #tpu.memory_space<hbm>>) dst(%arg10 : memref<128x128xf32, #tpu.memory_space<vmem>>)
        %add3A_57 = arith.constant 1 : i32
        %add3A_58 = arith.addi %mul3A_39, %add3A_57 : i32
        "tpu.region"() ({
          %run_scoped3A = tpu.sem_alloc : memref<!tpu.dma_semaphore, #tpu.memory_space<semaphore_mem>>
          %dma_start3A_66 = arith.constant 0 : i32
          %dma_start3A_67 = tpu.memref_slice %arg8[%add3A_58, %dma_start3A_66] : memref<40x128xi32, #tpu.memory_space<vmem>> -> memref<1x128xi32, #tpu.memory_space<vmem>>
          %dma_start3A_68 = tpu.memref_squeeze %dma_start3A_67 : memref<1x128xi32, #tpu.memory_space<vmem>> -> memref<128xi32, #tpu.memory_space<vmem>>
          %dma_start3A_69 = arith.constant 0 : i32
          %dma_start3A_70 = arith.constant 0 : i32
          %dma_start3A_71 = tpu.memref_slice %arg11[%dma_start3A_69, %dma_start3A_70] : memref<10240x128xf32, #tpu.memory_space<vmem_shared>> -> memref<10240x128xf32, #tpu.memory_space<vmem_shared>>
          tpu.enqueue_indirect_dma source(%arg10 : memref<128x128xf32, #tpu.memory_space<vmem>>) target(%dma_start3A_71 : memref<10240x128xf32, #tpu.memory_space<vmem_shared>>) offsets(%dma_start3A_68 : memref<128xi32, #tpu.memory_space<vmem>>) semaphore(%run_scoped3A : memref<!tpu.dma_semaphore, #tpu.memory_space<semaphore_mem>>) {add = true}
          %dma_wait3A_72 = arith.constant 0 : i32
          %dma_wait3A_73 = tpu.memref_slice %arg8[%add3A_58, %dma_wait3A_72] : memref<40x128xi32, #tpu.memory_space<vmem>> -> memref<1x128xi32, #tpu.memory_space<vmem>>
          %dma_wait3A_74 = tpu.memref_squeeze %dma_wait3A_73 : memref<1x128xi32, #tpu.memory_space<vmem>> -> memref<128xi32, #tpu.memory_space<vmem>>
          %dma_wait3A_75 = arith.constant 0 : i32
          %dma_wait3A_76 = arith.constant 0 : i32
          %dma_wait3A_77 = tpu.memref_slice %arg11[%dma_wait3A_75, %dma_wait3A_76] : memref<10240x128xf32, #tpu.memory_space<vmem_shared>> -> memref<10240x128xf32, #tpu.memory_space<vmem_shared>>
          tpu.wait_indirect_dma semaphore(%run_scoped3A : memref<!tpu.dma_semaphore, #tpu.memory_space<semaphore_mem>>) src(%arg10 : memref<128x128xf32, #tpu.memory_space<vmem>>) dst(%dma_wait3A_77 : memref<10240x128xf32, #tpu.memory_space<vmem_shared>>)
          tpu.yield
        }) : () -> ()
        %add3A_59 = arith.constant 3 : i32
        %add3A_60 = arith.addi %mul3A_39, %add3A_59 : i32
        %lt3A_61 = arith.constant 40 : i32
        %lt3A_62 = arith.cmpi slt, %add3A_60, %lt3A_61 : i32
        %convert_element_type3A_63 = arith.extui %lt3A_62 : i1 to i32
        %cond3A_64 = arith.constant 0 : i32
        %cond3A_65 = arith.cmpi ne, %convert_element_type3A_63, %cond3A_64 : i32
        scf.if %cond3A_65 {
          %add3A_66 = arith.constant 3 : i32
          %add3A_67 = arith.addi %mul3A_39, %add3A_66 : i32
          %dma_start3A_68 = arith.constant 0 : i32
          %dma_start3A_69 = tpu.memref_slice %arg7[%add3A_67, %dma_start3A_68] : memref<40x128xi32, #tpu.memory_space<vmem>> -> memref<1x128xi32, #tpu.memory_space<vmem>>
          %dma_start3A_70 = tpu.memref_squeeze %dma_start3A_69 : memref<1x128xi32, #tpu.memory_space<vmem>> -> memref<128xi32, #tpu.memory_space<vmem>>
          %dma_start3A_71 = arith.constant 0 : i32
          %dma_start3A_72 = arith.constant 0 : i32
          %dma_start3A_73 = tpu.memref_slice %arg2[%dma_start3A_71, %dma_start3A_72] : memref<10000x128xf32, #tpu.memory_space<hbm>> -> memref<10000x128xf32, #tpu.memory_space<hbm>>
          tpu.enqueue_indirect_dma source(%dma_start3A_73 : memref<10000x128xf32, #tpu.memory_space<hbm>>) target(%arg10 : memref<128x128xf32, #tpu.memory_space<vmem>>) offsets(%dma_start3A_70 : memref<128xi32, #tpu.memory_space<vmem>>) semaphore(%arg13 : memref<!tpu.dma_semaphore, #tpu.memory_space<semaphore_mem>>)
        } else {
        }
      }
      %scan3A_36 = arith.constant 20 : i32
    }
    %scan3A_7 = arith.constant 2 : i32
    %barrier3A_8 = arith.constant 0 : index
    tpu.barrier barrier_id(%barrier3A_8)
    %mul3A_9 = arith.constant 640 : i32
    %mul3A_10 = arith.muli %arg1, %mul3A_9 : i32
    %mul3A_11 = arith.constant 640 : i32
    %mul3A_12 = arith.muli %arg1, %mul3A_11 : i32
    "tpu.region"() ({
      %run_scoped3A = tpu.sem_alloc : memref<!tpu.dma_semaphore, #tpu.memory_space<semaphore_mem>>
      %dma_start3A = arith.constant 0 : i32
      %dma_start3A_13 = tpu.memref_slice %arg6[%arg0, %mul3A_12, %dma_start3A] : memref<2x10240x128xf32, #tpu.memory_space<hbm>> -> memref<1x640x128xf32, #tpu.memory_space<hbm>>
      %dma_start3A_14 = tpu.memref_squeeze %dma_start3A_13 : memref<1x640x128xf32, #tpu.memory_space<hbm>> -> memref<640x128xf32, #tpu.memory_space<hbm>>
      %dma_start3A_15 = arith.constant 0 : i32
      %dma_start3A_16 = tpu.memref_slice %arg11[%mul3A_10, %dma_start3A_15] : memref<10240x128xf32, #tpu.memory_space<vmem_shared>> -> memref<640x128xf32, #tpu.memory_space<vmem_shared>>
      tpu.enqueue_dma source(%dma_start3A_16 : memref<640x128xf32, #tpu.memory_space<vmem_shared>>) target(%dma_start3A_14 : memref<640x128xf32, #tpu.memory_space<hbm>>) target_semaphore(%run_scoped3A : memref<!tpu.dma_semaphore, #tpu.memory_space<semaphore_mem>>)
      %dma_wait3A = arith.constant 0 : i32
      %dma_wait3A_17 = tpu.memref_slice %arg6[%arg0, %mul3A_12, %dma_wait3A] : memref<2x10240x128xf32, #tpu.memory_space<hbm>> -> memref<1x640x128xf32, #tpu.memory_space<hbm>>
      %dma_wait3A_18 = tpu.memref_squeeze %dma_wait3A_17 : memref<1x640x128xf32, #tpu.memory_space<hbm>> -> memref<640x128xf32, #tpu.memory_space<hbm>>
      %dma_wait3A_19 = arith.constant 0 : i32
      %dma_wait3A_20 = tpu.memref_slice %arg11[%mul3A_10, %dma_wait3A_19] : memref<10240x128xf32, #tpu.memory_space<vmem_shared>> -> memref<640x128xf32, #tpu.memory_space<vmem_shared>>
      tpu.wait_dma2 semaphore(%run_scoped3A : memref<!tpu.dma_semaphore, #tpu.memory_space<semaphore_mem>>) src(%dma_wait3A_20 : memref<640x128xf32, #tpu.memory_space<vmem_shared>>) dst(%dma_wait3A_18 : memref<640x128xf32, #tpu.memory_space<hbm>>)
      tpu.yield
    }) : () -> ()
    return
  }
}

#map = affine_map<(d0, d1) -> (0, 0)>
#map1 = affine_map<(d0, d1) -> (0, 0, 0)>
module attributes {stable_mosaic.version = 14 : i64} {
  func.func @seg(%arg0: i32, %arg1: i32, %arg2: memref<10000x128xf32, #tpu.memory_space<hbm>>, %arg3: memref<32x80x128xi32, #tpu.memory_space<hbm>>, %arg4: memref<32x80x128xi32, #tpu.memory_space<hbm>>, %arg5: memref<640x128xf32, #tpu.memory_space<hbm>>, %arg6: memref<2x10240x128xf32, #tpu.memory_space<hbm>>, %arg7: memref<40x128xi32, #tpu.memory_space<vmem>>, %arg8: memref<40x128xi32, #tpu.memory_space<vmem>>, %arg9: memref<128x128xf32, #tpu.memory_space<vmem>>, %arg10: memref<128x128xf32, #tpu.memory_space<vmem>>, %arg11: memref<10240x128xf32, #tpu.memory_space<vmem_shared>>, %arg12: memref<!tpu.dma_semaphore, #tpu.memory_space<semaphore_mem>>, %arg13: memref<!tpu.dma_semaphore, #tpu.memory_space<semaphore_mem>>) attributes {dimension_semantics = [#tpu.dimension_semantics<core_parallel>, #tpu.dimension_semantics<subcore_parallel>], iteration_bounds = array<i64: 2, 16>, scalar_prefetch = 0 : i64, scratch_operands = 7 : i64, tpu.core_type = #tpu.core_type<sc_vector_subcore>, window_params = [{transform_indices = #map}, {transform_indices = #map1}, {transform_indices = #map1}, {transform_indices = #map}, {transform_indices = #map1}]} {
    %mul3A = arith.constant 2 : i32
    %mul3A_0 = arith.muli %arg1, %mul3A : i32
    %add3A = arith.addi %mul3A_0, %arg0 : i32
    %mul3A_1 = arith.constant 640 : i32
    %mul3A_2 = arith.muli %arg1, %mul3A_1 : i32
    "tpu.region"() ({
      %run_scoped3A = tpu.sem_alloc : memref<!tpu.dma_semaphore, #tpu.memory_space<semaphore_mem>>
      %dma_start3A = arith.constant 0 : i32
      %dma_start3A_13 = tpu.memref_slice %arg11[%mul3A_2, %dma_start3A] : memref<10240x128xf32, #tpu.memory_space<vmem_shared>> -> memref<640x128xf32, #tpu.memory_space<vmem_shared>>
      tpu.enqueue_dma source(%arg5 : memref<640x128xf32, #tpu.memory_space<hbm>>) target(%dma_start3A_13 : memref<640x128xf32, #tpu.memory_space<vmem_shared>>) target_semaphore(%run_scoped3A : memref<!tpu.dma_semaphore, #tpu.memory_space<semaphore_mem>>)
      %dma_wait3A = arith.constant 0 : i32
      %dma_wait3A_14 = tpu.memref_slice %arg11[%mul3A_2, %dma_wait3A] : memref<10240x128xf32, #tpu.memory_space<vmem_shared>> -> memref<640x128xf32, #tpu.memory_space<vmem_shared>>
      tpu.wait_dma2 semaphore(%run_scoped3A : memref<!tpu.dma_semaphore, #tpu.memory_space<semaphore_mem>>) src(%arg5 : memref<640x128xf32, #tpu.memory_space<hbm>>) dst(%dma_wait3A_14 : memref<640x128xf32, #tpu.memory_space<vmem_shared>>)
      tpu.yield
    }) : () -> ()
    %barrier3A = arith.constant 0 : index
    tpu.barrier barrier_id(%barrier3A)
    %scan3A = arith.constant 0 : i32
    %scan3A_3 = arith.constant 0 : i32
    %scan3A_4 = arith.constant 2 : i32
    %scan3A_5 = arith.addi %scan3A_3, %scan3A_4 : i32
    %scan3A_6 = arith.constant 1 : i32
    scf.for %scan3A_13 = %scan3A_3 to %scan3A_5 step %scan3A_6  : i32 {
      %mul3A_14 = arith.constant 40 : i32
      %mul3A_15 = arith.muli %scan3A_13, %mul3A_14 : i32
      "tpu.region"() ({
        %run_scoped3A = tpu.sem_alloc : memref<!tpu.dma_semaphore, #tpu.memory_space<semaphore_mem>>
        %dma_start3A_37 = arith.constant 0 : i32
        %dma_start3A_38 = tpu.memref_slice %arg3[%add3A, %mul3A_15, %dma_start3A_37] : memref<32x80x128xi32, #tpu.memory_space<hbm>> -> memref<1x40x128xi32, #tpu.memory_space<hbm>>
        %dma_start3A_39 = tpu.memref_squeeze %dma_start3A_38 : memref<1x40x128xi32, #tpu.memory_space<hbm>> -> memref<40x128xi32, #tpu.memory_space<hbm>>
        %dma_start3A_40 = arith.constant 0 : i32
        %dma_start3A_41 = tpu.memref_slice %arg3[%add3A, %mul3A_15, %dma_start3A_40] : memref<32x80x128xi32, #tpu.memory_space<hbm>> -> memref<1x40x128xi32, #tpu.memory_space<hbm>>
        %dma_start3A_42 = tpu.memref_squeeze %dma_start3A_41 : memref<1x40x128xi32, #tpu.memory_space<hbm>> -> memref<40x128xi32, #tpu.memory_space<hbm>>
        tpu.enqueue_dma source(%dma_start3A_42 : memref<40x128xi32, #tpu.memory_space<hbm>>) target(%arg7 : memref<40x128xi32, #tpu.memory_space<vmem>>) target_semaphore(%run_scoped3A : memref<!tpu.dma_semaphore, #tpu.memory_space<semaphore_mem>>)
        %dma_wait3A = arith.constant 0 : i32
        %dma_wait3A_43 = tpu.memref_slice %arg3[%add3A, %mul3A_15, %dma_wait3A] : memref<32x80x128xi32, #tpu.memory_space<hbm>> -> memref<1x40x128xi32, #tpu.memory_space<hbm>>
        %dma_wait3A_44 = tpu.memref_squeeze %dma_wait3A_43 : memref<1x40x128xi32, #tpu.memory_space<hbm>> -> memref<40x128xi32, #tpu.memory_space<hbm>>
        %dma_wait3A_45 = arith.constant 0 : i32
        %dma_wait3A_46 = tpu.memref_slice %arg3[%add3A, %mul3A_15, %dma_wait3A_45] : memref<32x80x128xi32, #tpu.memory_space<hbm>> -> memref<1x40x128xi32, #tpu.memory_space<hbm>>
        %dma_wait3A_47 = tpu.memref_squeeze %dma_wait3A_46 : memref<1x40x128xi32, #tpu.memory_space<hbm>> -> memref<40x128xi32, #tpu.memory_space<hbm>>
        tpu.wait_dma2 semaphore(%run_scoped3A : memref<!tpu.dma_semaphore, #tpu.memory_space<semaphore_mem>>) src(%dma_wait3A_47 : memref<40x128xi32, #tpu.memory_space<hbm>>) dst(%arg7 : memref<40x128xi32, #tpu.memory_space<vmem>>)
        tpu.yield
      }) : () -> ()
      %mul3A_16 = arith.constant 40 : i32
      %mul3A_17 = arith.muli %scan3A_13, %mul3A_16 : i32
      "tpu.region"() ({
        %run_scoped3A = tpu.sem_alloc : memref<!tpu.dma_semaphore, #tpu.memory_space<semaphore_mem>>
        %dma_start3A_37 = arith.constant 0 : i32
        %dma_start3A_38 = tpu.memref_slice %arg4[%add3A, %mul3A_17, %dma_start3A_37] : memref<32x80x128xi32, #tpu.memory_space<hbm>> -> memref<1x40x128xi32, #tpu.memory_space<hbm>>
        %dma_start3A_39 = tpu.memref_squeeze %dma_start3A_38 : memref<1x40x128xi32, #tpu.memory_space<hbm>> -> memref<40x128xi32, #tpu.memory_space<hbm>>
        %dma_start3A_40 = arith.constant 0 : i32
        %dma_start3A_41 = tpu.memref_slice %arg4[%add3A, %mul3A_17, %dma_start3A_40] : memref<32x80x128xi32, #tpu.memory_space<hbm>> -> memref<1x40x128xi32, #tpu.memory_space<hbm>>
        %dma_start3A_42 = tpu.memref_squeeze %dma_start3A_41 : memref<1x40x128xi32, #tpu.memory_space<hbm>> -> memref<40x128xi32, #tpu.memory_space<hbm>>
        tpu.enqueue_dma source(%dma_start3A_42 : memref<40x128xi32, #tpu.memory_space<hbm>>) target(%arg8 : memref<40x128xi32, #tpu.memory_space<vmem>>) target_semaphore(%run_scoped3A : memref<!tpu.dma_semaphore, #tpu.memory_space<semaphore_mem>>)
        %dma_wait3A = arith.constant 0 : i32
        %dma_wait3A_43 = tpu.memref_slice %arg4[%add3A, %mul3A_17, %dma_wait3A] : memref<32x80x128xi32, #tpu.memory_space<hbm>> -> memref<1x40x128xi32, #tpu.memory_space<hbm>>
        %dma_wait3A_44 = tpu.memref_squeeze %dma_wait3A_43 : memref<1x40x128xi32, #tpu.memory_space<hbm>> -> memref<40x128xi32, #tpu.memory_space<hbm>>
        %dma_wait3A_45 = arith.constant 0 : i32
        %dma_wait3A_46 = tpu.memref_slice %arg4[%add3A, %mul3A_17, %dma_wait3A_45] : memref<32x80x128xi32, #tpu.memory_space<hbm>> -> memref<1x40x128xi32, #tpu.memory_space<hbm>>
        %dma_wait3A_47 = tpu.memref_squeeze %dma_wait3A_46 : memref<1x40x128xi32, #tpu.memory_space<hbm>> -> memref<40x128xi32, #tpu.memory_space<hbm>>
        tpu.wait_dma2 semaphore(%run_scoped3A : memref<!tpu.dma_semaphore, #tpu.memory_space<semaphore_mem>>) src(%dma_wait3A_47 : memref<40x128xi32, #tpu.memory_space<hbm>>) dst(%arg8 : memref<40x128xi32, #tpu.memory_space<vmem>>)
        tpu.yield
      }) : () -> ()
      %dma_start3A = arith.constant 0 : i32
      %dma_start3A_18 = arith.constant 0 : i32
      %dma_start3A_19 = tpu.memref_slice %arg7[%dma_start3A, %dma_start3A_18] : memref<40x128xi32, #tpu.memory_space<vmem>> -> memref<1x128xi32, #tpu.memory_space<vmem>>
      %dma_start3A_20 = tpu.memref_squeeze %dma_start3A_19 : memref<1x128xi32, #tpu.memory_space<vmem>> -> memref<128xi32, #tpu.memory_space<vmem>>
      %dma_start3A_21 = arith.constant 0 : i32
      %dma_start3A_22 = arith.constant 0 : i32
      %dma_start3A_23 = tpu.memref_slice %arg2[%dma_start3A_21, %dma_start3A_22] : memref<10000x128xf32, #tpu.memory_space<hbm>> -> memref<10000x128xf32, #tpu.memory_space<hbm>>
      tpu.enqueue_indirect_dma source(%dma_start3A_23 : memref<10000x128xf32, #tpu.memory_space<hbm>>) target(%arg9 : memref<128x128xf32, #tpu.memory_space<vmem>>) offsets(%dma_start3A_20 : memref<128xi32, #tpu.memory_space<vmem>>) semaphore(%arg12 : memref<!tpu.dma_semaphore, #tpu.memory_space<semaphore_mem>>)
      %dma_start3A_24 = arith.constant 1 : i32
      %dma_start3A_25 = arith.constant 0 : i32
      %dma_start3A_26 = tpu.memref_slice %arg7[%dma_start3A_24, %dma_start3A_25] : memref<40x128xi32, #tpu.memory_space<vmem>> -> memref<1x128xi32, #tpu.memory_space<vmem>>
      %dma_start3A_27 = tpu.memref_squeeze %dma_start3A_26 : memref<1x128xi32, #tpu.memory_space<vmem>> -> memref<128xi32, #tpu.memory_space<vmem>>
      %dma_start3A_28 = arith.constant 0 : i32
      %dma_start3A_29 = arith.constant 0 : i32
      %dma_start3A_30 = tpu.memref_slice %arg2[%dma_start3A_28, %dma_start3A_29] : memref<10000x128xf32, #tpu.memory_space<hbm>> -> memref<10000x128xf32, #tpu.memory_space<hbm>>
      tpu.enqueue_indirect_dma source(%dma_start3A_30 : memref<10000x128xf32, #tpu.memory_space<hbm>>) target(%arg10 : memref<128x128xf32, #tpu.memory_space<vmem>>) offsets(%dma_start3A_27 : memref<128xi32, #tpu.memory_space<vmem>>) semaphore(%arg13 : memref<!tpu.dma_semaphore, #tpu.memory_space<semaphore_mem>>)
      %scan3A_31 = arith.constant 0 : i32
      %scan3A_32 = arith.constant 0 : i32
      %scan3A_33 = arith.constant 20 : i32
      %scan3A_34 = arith.addi %scan3A_32, %scan3A_33 : i32
      %scan3A_35 = arith.constant 1 : i32
      scf.for %scan3A_37 = %scan3A_32 to %scan3A_34 step %scan3A_35  : i32 {
        %mul3A_38 = arith.constant 2 : i32
        %mul3A_39 = arith.muli %mul3A_38, %scan3A_37 : i32
        %dma_wait3A = arith.constant 0 : i32
        %dma_wait3A_40 = tpu.memref_slice %arg7[%mul3A_39, %dma_wait3A] : memref<40x128xi32, #tpu.memory_space<vmem>> -> memref<1x128xi32, #tpu.memory_space<vmem>>
        %dma_wait3A_41 = tpu.memref_squeeze %dma_wait3A_40 : memref<1x128xi32, #tpu.memory_space<vmem>> -> memref<128xi32, #tpu.memory_space<vmem>>
        %dma_wait3A_42 = arith.constant 0 : i32
        %dma_wait3A_43 = arith.constant 0 : i32
        %dma_wait3A_44 = tpu.memref_slice %arg2[%dma_wait3A_42, %dma_wait3A_43] : memref<10000x128xf32, #tpu.memory_space<hbm>> -> memref<10000x128xf32, #tpu.memory_space<hbm>>
        tpu.wait_indirect_dma semaphore(%arg12 : memref<!tpu.dma_semaphore, #tpu.memory_space<semaphore_mem>>) src(%dma_wait3A_44 : memref<10000x128xf32, #tpu.memory_space<hbm>>) dst(%arg9 : memref<128x128xf32, #tpu.memory_space<vmem>>)
        "tpu.region"() ({
          %run_scoped3A = tpu.sem_alloc : memref<!tpu.dma_semaphore, #tpu.memory_space<semaphore_mem>>
          %dma_start3A_66 = arith.constant 0 : i32
          %dma_start3A_67 = tpu.memref_slice %arg8[%mul3A_39, %dma_start3A_66] : memref<40x128xi32, #tpu.memory_space<vmem>> -> memref<1x128xi32, #tpu.memory_space<vmem>>
          %dma_start3A_68 = tpu.memref_squeeze %dma_start3A_67 : memref<1x128xi32, #tpu.memory_space<vmem>> -> memref<128xi32, #tpu.memory_space<vmem>>
          %dma_start3A_69 = arith.constant 0 : i32
          %dma_start3A_70 = arith.constant 0 : i32
          %dma_start3A_71 = tpu.memref_slice %arg11[%dma_start3A_69, %dma_start3A_70] : memref<10240x128xf32, #tpu.memory_space<vmem_shared>> -> memref<10240x128xf32, #tpu.memory_space<vmem_shared>>
          tpu.enqueue_indirect_dma source(%arg9 : memref<128x128xf32, #tpu.memory_space<vmem>>) target(%dma_start3A_71 : memref<10240x128xf32, #tpu.memory_space<vmem_shared>>) offsets(%dma_start3A_68 : memref<128xi32, #tpu.memory_space<vmem>>) semaphore(%run_scoped3A : memref<!tpu.dma_semaphore, #tpu.memory_space<semaphore_mem>>) {add = true}
          %dma_wait3A_72 = arith.constant 0 : i32
          %dma_wait3A_73 = tpu.memref_slice %arg8[%mul3A_39, %dma_wait3A_72] : memref<40x128xi32, #tpu.memory_space<vmem>> -> memref<1x128xi32, #tpu.memory_space<vmem>>
          %dma_wait3A_74 = tpu.memref_squeeze %dma_wait3A_73 : memref<1x128xi32, #tpu.memory_space<vmem>> -> memref<128xi32, #tpu.memory_space<vmem>>
          %dma_wait3A_75 = arith.constant 0 : i32
          %dma_wait3A_76 = arith.constant 0 : i32
          %dma_wait3A_77 = tpu.memref_slice %arg11[%dma_wait3A_75, %dma_wait3A_76] : memref<10240x128xf32, #tpu.memory_space<vmem_shared>> -> memref<10240x128xf32, #tpu.memory_space<vmem_shared>>
          tpu.wait_indirect_dma semaphore(%run_scoped3A : memref<!tpu.dma_semaphore, #tpu.memory_space<semaphore_mem>>) src(%arg9 : memref<128x128xf32, #tpu.memory_space<vmem>>) dst(%dma_wait3A_77 : memref<10240x128xf32, #tpu.memory_space<vmem_shared>>)
          tpu.yield
        }) : () -> ()
        %add3A_45 = arith.constant 2 : i32
        %add3A_46 = arith.addi %mul3A_39, %add3A_45 : i32
        %lt3A = arith.constant 40 : i32
        %lt3A_47 = arith.cmpi slt, %add3A_46, %lt3A : i32
        %convert_element_type3A = arith.extui %lt3A_47 : i1 to i32
        %cond3A = arith.constant 0 : i32
        %cond3A_48 = arith.cmpi ne, %convert_element_type3A, %cond3A : i32
        scf.if %cond3A_48 {
          %add3A_66 = arith.constant 2 : i32
          %add3A_67 = arith.addi %mul3A_39, %add3A_66 : i32
          %dma_start3A_68 = arith.constant 0 : i32
          %dma_start3A_69 = tpu.memref_slice %arg7[%add3A_67, %dma_start3A_68] : memref<40x128xi32, #tpu.memory_space<vmem>> -> memref<1x128xi32, #tpu.memory_space<vmem>>
          %dma_start3A_70 = tpu.memref_squeeze %dma_start3A_69 : memref<1x128xi32, #tpu.memory_space<vmem>> -> memref<128xi32, #tpu.memory_space<vmem>>
          %dma_start3A_71 = arith.constant 0 : i32
          %dma_start3A_72 = arith.constant 0 : i32
          %dma_start3A_73 = tpu.memref_slice %arg2[%dma_start3A_71, %dma_start3A_72] : memref<10000x128xf32, #tpu.memory_space<hbm>> -> memref<10000x128xf32, #tpu.memory_space<hbm>>
          tpu.enqueue_indirect_dma source(%dma_start3A_73 : memref<10000x128xf32, #tpu.memory_space<hbm>>) target(%arg9 : memref<128x128xf32, #tpu.memory_space<vmem>>) offsets(%dma_start3A_70 : memref<128xi32, #tpu.memory_space<vmem>>) semaphore(%arg12 : memref<!tpu.dma_semaphore, #tpu.memory_space<semaphore_mem>>)
        } else {
        }
        %add3A_49 = arith.constant 1 : i32
        %add3A_50 = arith.addi %mul3A_39, %add3A_49 : i32
        %dma_wait3A_51 = arith.constant 0 : i32
        %dma_wait3A_52 = tpu.memref_slice %arg7[%add3A_50, %dma_wait3A_51] : memref<40x128xi32, #tpu.memory_space<vmem>> -> memref<1x128xi32, #tpu.memory_space<vmem>>
        %dma_wait3A_53 = tpu.memref_squeeze %dma_wait3A_52 : memref<1x128xi32, #tpu.memory_space<vmem>> -> memref<128xi32, #tpu.memory_space<vmem>>
        %dma_wait3A_54 = arith.constant 0 : i32
        %dma_wait3A_55 = arith.constant 0 : i32
        %dma_wait3A_56 = tpu.memref_slice %arg2[%dma_wait3A_54, %dma_wait3A_55] : memref<10000x128xf32, #tpu.memory_space<hbm>> -> memref<10000x128xf32, #tpu.memory_space<hbm>>
        tpu.wait_indirect_dma semaphore(%arg13 : memref<!tpu.dma_semaphore, #tpu.memory_space<semaphore_mem>>) src(%dma_wait3A_56 : memref<10000x128xf32, #tpu.memory_space<hbm>>) dst(%arg10 : memref<128x128xf32, #tpu.memory_space<vmem>>)
        %add3A_57 = arith.constant 1 : i32
        %add3A_58 = arith.addi %mul3A_39, %add3A_57 : i32
        "tpu.region"() ({
          %run_scoped3A = tpu.sem_alloc : memref<!tpu.dma_semaphore, #tpu.memory_space<semaphore_mem>>
          %dma_start3A_66 = arith.constant 0 : i32
          %dma_start3A_67 = tpu.memref_slice %arg8[%add3A_58, %dma_start3A_66] : memref<40x128xi32, #tpu.memory_space<vmem>> -> memref<1x128xi32, #tpu.memory_space<vmem>>
          %dma_start3A_68 = tpu.memref_squeeze %dma_start3A_67 : memref<1x128xi32, #tpu.memory_space<vmem>> -> memref<128xi32, #tpu.memory_space<vmem>>
          %dma_start3A_69 = arith.constant 0 : i32
          %dma_start3A_70 = arith.constant 0 : i32
          %dma_start3A_71 = tpu.memref_slice %arg11[%dma_start3A_69, %dma_start3A_70] : memref<10240x128xf32, #tpu.memory_space<vmem_shared>> -> memref<10240x128xf32, #tpu.memory_space<vmem_shared>>
          tpu.enqueue_indirect_dma source(%arg10 : memref<128x128xf32, #tpu.memory_space<vmem>>) target(%dma_start3A_71 : memref<10240x128xf32, #tpu.memory_space<vmem_shared>>) offsets(%dma_start3A_68 : memref<128xi32, #tpu.memory_space<vmem>>) semaphore(%run_scoped3A : memref<!tpu.dma_semaphore, #tpu.memory_space<semaphore_mem>>) {add = true}
          %dma_wait3A_72 = arith.constant 0 : i32
          %dma_wait3A_73 = tpu.memref_slice %arg8[%add3A_58, %dma_wait3A_72] : memref<40x128xi32, #tpu.memory_space<vmem>> -> memref<1x128xi32, #tpu.memory_space<vmem>>
          %dma_wait3A_74 = tpu.memref_squeeze %dma_wait3A_73 : memref<1x128xi32, #tpu.memory_space<vmem>> -> memref<128xi32, #tpu.memory_space<vmem>>
          %dma_wait3A_75 = arith.constant 0 : i32
          %dma_wait3A_76 = arith.constant 0 : i32
          %dma_wait3A_77 = tpu.memref_slice %arg11[%dma_wait3A_75, %dma_wait3A_76] : memref<10240x128xf32, #tpu.memory_space<vmem_shared>> -> memref<10240x128xf32, #tpu.memory_space<vmem_shared>>
          tpu.wait_indirect_dma semaphore(%run_scoped3A : memref<!tpu.dma_semaphore, #tpu.memory_space<semaphore_mem>>) src(%arg10 : memref<128x128xf32, #tpu.memory_space<vmem>>) dst(%dma_wait3A_77 : memref<10240x128xf32, #tpu.memory_space<vmem_shared>>)
          tpu.yield
        }) : () -> ()
        %add3A_59 = arith.constant 3 : i32
        %add3A_60 = arith.addi %mul3A_39, %add3A_59 : i32
        %lt3A_61 = arith.constant 40 : i32
        %lt3A_62 = arith.cmpi slt, %add3A_60, %lt3A_61 : i32
        %convert_element_type3A_63 = arith.extui %lt3A_62 : i1 to i32
        %cond3A_64 = arith.constant 0 : i32
        %cond3A_65 = arith.cmpi ne, %convert_element_type3A_63, %cond3A_64 : i32
        scf.if %cond3A_65 {
          %add3A_66 = arith.constant 3 : i32
          %add3A_67 = arith.addi %mul3A_39, %add3A_66 : i32
          %dma_start3A_68 = arith.constant 0 : i32
          %dma_start3A_69 = tpu.memref_slice %arg7[%add3A_67, %dma_start3A_68] : memref<40x128xi32, #tpu.memory_space<vmem>> -> memref<1x128xi32, #tpu.memory_space<vmem>>
          %dma_start3A_70 = tpu.memref_squeeze %dma_start3A_69 : memref<1x128xi32, #tpu.memory_space<vmem>> -> memref<128xi32, #tpu.memory_space<vmem>>
          %dma_start3A_71 = arith.constant 0 : i32
          %dma_start3A_72 = arith.constant 0 : i32
          %dma_start3A_73 = tpu.memref_slice %arg2[%dma_start3A_71, %dma_start3A_72] : memref<10000x128xf32, #tpu.memory_space<hbm>> -> memref<10000x128xf32, #tpu.memory_space<hbm>>
          tpu.enqueue_indirect_dma source(%dma_start3A_73 : memref<10000x128xf32, #tpu.memory_space<hbm>>) target(%arg10 : memref<128x128xf32, #tpu.memory_space<vmem>>) offsets(%dma_start3A_70 : memref<128xi32, #tpu.memory_space<vmem>>) semaphore(%arg13 : memref<!tpu.dma_semaphore, #tpu.memory_space<semaphore_mem>>)
        } else {
        }
      }
      %scan3A_36 = arith.constant 20 : i32
    }
    %scan3A_7 = arith.constant 2 : i32
    %barrier3A_8 = arith.constant 0 : index
    tpu.barrier barrier_id(%barrier3A_8)
    %mul3A_9 = arith.constant 640 : i32
    %mul3A_10 = arith.muli %arg1, %mul3A_9 : i32
    %mul3A_11 = arith.constant 640 : i32
    %mul3A_12 = arith.muli %arg1, %mul3A_11 : i32
    "tpu.region"() ({
      %run_scoped3A = tpu.sem_alloc : memref<!tpu.dma_semaphore, #tpu.memory_space<semaphore_mem>>
      %dma_start3A = arith.constant 0 : i32
      %dma_start3A_13 = tpu.memref_slice %arg6[%arg0, %mul3A_12, %dma_start3A] : memref<2x10240x128xf32, #tpu.memory_space<hbm>> -> memref<1x640x128xf32, #tpu.memory_space<hbm>>
      %dma_start3A_14 = tpu.memref_squeeze %dma_start3A_13 : memref<1x640x128xf32, #tpu.memory_space<hbm>> -> memref<640x128xf32, #tpu.memory_space<hbm>>
      %dma_start3A_15 = arith.constant 0 : i32
      %dma_start3A_16 = tpu.memref_slice %arg11[%mul3A_10, %dma_start3A_15] : memref<10240x128xf32, #tpu.memory_space<vmem_shared>> -> memref<640x128xf32, #tpu.memory_space<vmem_shared>>
      tpu.enqueue_dma source(%dma_start3A_16 : memref<640x128xf32, #tpu.memory_space<vmem_shared>>) target(%dma_start3A_14 : memref<640x128xf32, #tpu.memory_space<hbm>>) target_semaphore(%run_scoped3A : memref<!tpu.dma_semaphore, #tpu.memory_space<semaphore_mem>>)
      %dma_wait3A = arith.constant 0 : i32
      %dma_wait3A_17 = tpu.memref_slice %arg6[%arg0, %mul3A_12, %dma_wait3A] : memref<2x10240x128xf32, #tpu.memory_space<hbm>> -> memref<1x640x128xf32, #tpu.memory_space<hbm>>
      %dma_wait3A_18 = tpu.memref_squeeze %dma_wait3A_17 : memref<1x640x128xf32, #tpu.memory_space<hbm>> -> memref<640x128xf32, #tpu.memory_space<hbm>>
      %dma_wait3A_19 = arith.constant 0 : i32
      %dma_wait3A_20 = tpu.memref_slice %arg11[%mul3A_10, %dma_wait3A_19] : memref<10240x128xf32, #tpu.memory_space<vmem_shared>> -> memref<640x128xf32, #tpu.memory_space<vmem_shared>>
      tpu.wait_dma2 semaphore(%run_scoped3A : memref<!tpu.dma_semaphore, #tpu.memory_space<semaphore_mem>>) src(%dma_wait3A_20 : memref<640x128xf32, #tpu.memory_space<vmem_shared>>) dst(%dma_wait3A_18 : memref<640x128xf32, #tpu.memory_space<hbm>>)
      tpu.yield
    }) : () -> ()
    return
  }
}

module attributes {stable_mosaic.version = 14 : i64} {
  func.func @body(%arg0: i32, %arg1: memref<1000x128xf32, #tpu.memory_space<vmem>>, %arg2: memref<128x128xf32, #tpu.memory_space<vmem>>, %arg3: memref<1000x128xf32, #tpu.memory_space<vmem>>) attributes {dimension_semantics = [#tpu.dimension_semantics<arbitrary>], iteration_bounds = array<i64: 10>, scalar_prefetch = 0 : i64, scratch_operands = 0 : i64, tpu.core_type = #tpu.core_type<tc>, window_params = [{transform_indices = @transform_0, window_bounds = array<i64: 1000, 128>}, {pipeline_mode = #tpu.pipeline_mode<synchronous>, transform_indices = @transform_1, window_bounds = array<i64: 128, 128>}, {transform_indices = @transform_2, window_bounds = array<i64: 1000, 128>}]} {
    %get3A = arith.constant 0 : index
    %get3A_0 = arith.constant 0 : index
    %get3A_1 = vector.load %arg1[%get3A, %get3A_0] : memref<1000x128xf32, #tpu.memory_space<vmem>>, vector<1000x128xf32>
    %get3A_2 = arith.constant 0 : index
    %get3A_3 = arith.constant 0 : index
    %get3A_4 = vector.load %arg2[%get3A_2, %get3A_3] : memref<128x128xf32, #tpu.memory_space<vmem>>, vector<128x128xf32>
    %dot_general3A = arith.constant dense<0.000000e+00> : vector<1000x128xf32>
    %dot_general3A_5 = tpu.matmul %get3A_1, %get3A_4, %dot_general3A {dimension_numbers = #tpu.dot_dimension_numbers<[1], [0], [0], [1], [0, 0, 1, 1], [], []>, transpose_lhs_hint = false} : vector<1000x128xf32>, vector<128x128xf32>, vector<1000x128xf32> -> vector<1000x128xf32>
    %swap3A = arith.constant 0 : index
    %swap3A_6 = arith.constant 0 : index
    %swap3A_7 = vector.load %arg3[%swap3A, %swap3A_6] : memref<1000x128xf32, #tpu.memory_space<vmem>>, vector<1000x128xf32>
    tpu.vector_store %arg3[%swap3A, %swap3A_6], %dot_general3A_5 {strides = array<i32>} : memref<1000x128xf32, #tpu.memory_space<vmem>>, vector<1000x128xf32>,
    return
  }
  func.func @transform_0(%arg0: i32) -> (i32, i32) {
    %c0_i32 = arith.constant 0 : i32
    %c0_i32_0 = arith.constant 0 : i32
    return %arg0, %c0_i32 : i32, i32
  }
  func.func @transform_1(%arg0: i32) -> (i32, i32) {
    %c0_i32 = arith.constant 0 : i32
    %c0_i32_0 = arith.constant 0 : i32
    %c0_i32_1 = arith.constant 0 : i32
    return %c0_i32, %c0_i32_0 : i32, i32
  }
  func.func @transform_2(%arg0: i32) -> (i32, i32) {
    %c0_i32 = arith.constant 0 : i32
    %c0_i32_0 = arith.constant 0 : i32
    return %arg0, %c0_i32 : i32, i32
  }
}

module attributes {stable_mosaic.version = 14 : i64} {
  func.func @body(%arg0: i32, %arg1: memref<2x1000x128xf32, #tpu.memory_space<vmem>>, %arg2: memref<2x1000x128xf32, #tpu.memory_space<vmem>>, %arg3: memref<128x128xf32, #tpu.memory_space<vmem>>, %arg4: memref<128x128xf32, #tpu.memory_space<vmem>>, %arg5: memref<1xf32, #tpu.memory_space<smem>>, %arg6: memref<1000x128xf32, #tpu.memory_space<vmem>>, %arg7: memref<1000x128xf32, #tpu.memory_space<vmem>>) attributes {dimension_semantics = [#tpu.dimension_semantics<arbitrary>], iteration_bounds = array<i64: 10>, scalar_prefetch = 0 : i64, scratch_operands = 0 : i64, tpu.core_type = #tpu.core_type<tc>, window_params = [{transform_indices = @transform_0, window_bounds = array<i64: 2, 1000, 128>}, {transform_indices = @transform_1, window_bounds = array<i64: 2, 1000, 128>}, {pipeline_mode = #tpu.pipeline_mode<synchronous>, transform_indices = @transform_2, window_bounds = array<i64: 128, 128>}, {pipeline_mode = #tpu.pipeline_mode<synchronous>, transform_indices = @transform_3, window_bounds = array<i64: 128, 128>}, {transform_indices = @transform_4, window_bounds = array<i64: 1>}, {transform_indices = @transform_5, window_bounds = array<i64: 1000, 128>}, {transform_indices = @transform_6, window_bounds = array<i64: 1000, 128>}]} {
    %get3A = arith.constant 0 : index
    %get3A_0 = arith.constant 0 : index
    %get3A_1 = arith.constant 0 : index
    %get3A_2 = vector.load %arg2[%get3A, %get3A_0, %get3A_1] : memref<2x1000x128xf32, #tpu.memory_space<vmem>>, vector<1x1000x128xf32>
    %get3A_3 = vector.shape_cast %get3A_2 : vector<1x1000x128xf32> to vector<1000x128xf32>
    %get3A_4 = arith.constant 1 : index
    %get3A_5 = arith.constant 0 : index
    %get3A_6 = arith.constant 0 : index
    %get3A_7 = vector.load %arg2[%get3A_4, %get3A_5, %get3A_6] : memref<2x1000x128xf32, #tpu.memory_space<vmem>>, vector<1x1000x128xf32>
    %get3A_8 = vector.shape_cast %get3A_7 : vector<1x1000x128xf32> to vector<1000x128xf32>
    %add3A = arith.addf %get3A_3, %get3A_8 : vector<1000x128xf32>
    %get3A_9 = arith.constant 0 : index
    %get3A_10 = arith.constant 0 : index
    %get3A_11 = arith.constant 0 : index
    %get3A_12 = vector.load %arg1[%get3A_9, %get3A_10, %get3A_11] : memref<2x1000x128xf32, #tpu.memory_space<vmem>>, vector<1x1000x128xf32>
    %get3A_13 = vector.shape_cast %get3A_12 : vector<1x1000x128xf32> to vector<1000x128xf32>
    %get3A_14 = arith.constant 1 : index
    %get3A_15 = arith.constant 0 : index
    %get3A_16 = arith.constant 0 : index
    %get3A_17 = vector.load %arg1[%get3A_14, %get3A_15, %get3A_16] : memref<2x1000x128xf32, #tpu.memory_space<vmem>>, vector<1x1000x128xf32>
    %get3A_18 = vector.shape_cast %get3A_17 : vector<1x1000x128xf32> to vector<1000x128xf32>
    %add3A_19 = arith.addf %get3A_13, %get3A_18 : vector<1000x128xf32>
    %get3A_20 = arith.constant 0 : index
    %get3A_21 = arith.constant 0 : index
    %get3A_22 = vector.load %arg3[%get3A_20, %get3A_21] : memref<128x128xf32, #tpu.memory_space<vmem>>, vector<128x128xf32>
    %dot_general3A = arith.constant dense<0.000000e+00> : vector<1000x128xf32>
    %dot_general3A_23 = tpu.matmul %add3A, %get3A_22, %dot_general3A {dimension_numbers = #tpu.dot_dimension_numbers<[1], [0], [0], [1], [0, 0, 1, 1], [], []>, transpose_lhs_hint = false} : vector<1000x128xf32>, vector<128x128xf32>, vector<1000x128xf32> -> vector<1000x128xf32>
    %add3A_24 = arith.addf %add3A_19, %dot_general3A_23 : vector<1000x128xf32>
    %max3A = arith.constant 0.000000e+00 : f32
    %max3A_25 = vector.broadcast %max3A : f32 to vector<1000x128xf32>
    %max3A_26 = arith.maximumf %add3A_24, %max3A_25 : vector<1000x128xf32>
    %swap3A = arith.constant 0 : index
    %swap3A_27 = arith.constant 0 : index
    %swap3A_28 = vector.load %arg6[%swap3A, %swap3A_27] : memref<1000x128xf32, #tpu.memory_space<vmem>>, vector<1000x128xf32>
    tpu.vector_store %arg6[%swap3A, %swap3A_27], %max3A_26 {strides = array<i32>} : memref<1000x128xf32, #tpu.memory_space<vmem>>, vector<1000x128xf32>,
    %get3A_29 = arith.constant 0 : index
    %get3A_30 = arith.constant 0 : index
    %get3A_31 = vector.load %arg4[%get3A_29, %get3A_30] : memref<128x128xf32, #tpu.memory_space<vmem>>, vector<128x128xf32>
    %dot_general3A_32 = arith.constant dense<0.000000e+00> : vector<1000x128xf32>
    %dot_general3A_33 = tpu.matmul %max3A_26, %get3A_31, %dot_general3A_32 {dimension_numbers = #tpu.dot_dimension_numbers<[1], [0], [0], [1], [0, 0, 1, 1], [], []>, transpose_lhs_hint = false} : vector<1000x128xf32>, vector<128x128xf32>, vector<1000x128xf32> -> vector<1000x128xf32>
    %swap3A_34 = arith.constant 0 : index
    %swap3A_35 = arith.constant 0 : index
    %swap3A_36 = vector.load %arg7[%swap3A_34, %swap3A_35] : memref<1000x128xf32, #tpu.memory_space<vmem>>, vector<1000x128xf32>
    tpu.vector_store %arg7[%swap3A_34, %swap3A_35], %dot_general3A_33 {strides = array<i32>} : memref<1000x128xf32, #tpu.memory_space<vmem>>, vector<1000x128xf32>,
    return
  }
  func.func @transform_0(%arg0: i32) -> (i32, i32, i32) {
    %c0_i32 = arith.constant 0 : i32
    %c0_i32_0 = arith.constant 0 : i32
    %c0_i32_1 = arith.constant 0 : i32
    return %c0_i32, %arg0, %c0_i32_0 : i32, i32, i32
  }
  func.func @transform_1(%arg0: i32) -> (i32, i32, i32) {
    %c0_i32 = arith.constant 0 : i32
    %c0_i32_0 = arith.constant 0 : i32
    %c0_i32_1 = arith.constant 0 : i32
    return %c0_i32, %arg0, %c0_i32_0 : i32, i32, i32
  }
  func.func @transform_2(%arg0: i32) -> (i32, i32) {
    %c0_i32 = arith.constant 0 : i32
    %c0_i32_0 = arith.constant 0 : i32
    %c0_i32_1 = arith.constant 0 : i32
    return %c0_i32, %c0_i32_0 : i32, i32
  }
  func.func @transform_3(%arg0: i32) -> (i32, i32) {
    %c0_i32 = arith.constant 0 : i32
    %c0_i32_0 = arith.constant 0 : i32
    %c0_i32_1 = arith.constant 0 : i32
    return %c0_i32, %c0_i32_0 : i32, i32
  }
  func.func @transform_4(%arg0: i32) -> i32 {
    %c0_i32 = arith.constant 0 : i32
    %c0_i32_0 = arith.constant 0 : i32
    return %c0_i32 : i32
  }
  func.func @transform_5(%arg0: i32) -> (i32, i32) {
    %c0_i32 = arith.constant 0 : i32
    %c0_i32_0 = arith.constant 0 : i32
    return %arg0, %c0_i32 : i32, i32
  }
  func.func @transform_6(%arg0: i32) -> (i32, i32) {
    %c0_i32 = arith.constant 0 : i32
    %c0_i32_0 = arith.constant 0 : i32
    return %arg0, %c0_i32 : i32, i32
  }
}

module attributes {stable_mosaic.version = 14 : i64} {
  func.func @body(%arg0: i32, %arg1: memref<2x1000x128xf32, #tpu.memory_space<vmem>>, %arg2: memref<2x1000x128xf32, #tpu.memory_space<vmem>>, %arg3: memref<128x128xf32, #tpu.memory_space<vmem>>, %arg4: memref<128x128xf32, #tpu.memory_space<vmem>>, %arg5: memref<1000x128xf32, #tpu.memory_space<vmem>>, %arg6: memref<2xf32, #tpu.memory_space<smem>>, %arg7: memref<1000x128xf32, #tpu.memory_space<vmem>>, %arg8: memref<1000x128xf32, #tpu.memory_space<vmem>>) attributes {dimension_semantics = [#tpu.dimension_semantics<arbitrary>], iteration_bounds = array<i64: 10>, scalar_prefetch = 0 : i64, scratch_operands = 0 : i64, tpu.core_type = #tpu.core_type<tc>, window_params = [{transform_indices = @transform_0, window_bounds = array<i64: 2, 1000, 128>}, {transform_indices = @transform_1, window_bounds = array<i64: 2, 1000, 128>}, {pipeline_mode = #tpu.pipeline_mode<synchronous>, transform_indices = @transform_2, window_bounds = array<i64: 128, 128>}, {pipeline_mode = #tpu.pipeline_mode<synchronous>, transform_indices = @transform_3, window_bounds = array<i64: 128, 128>}, {transform_indices = @transform_4, window_bounds = array<i64: 1000, 128>}, {transform_indices = @transform_5, window_bounds = array<i64: 2>}, {transform_indices = @transform_6, window_bounds = array<i64: 1000, 128>}, {transform_indices = @transform_7, window_bounds = array<i64: 1000, 128>}]} {
    %get3A = arith.constant 0 : index
    %get3A_0 = arith.constant 0 : index
    %get3A_1 = arith.constant 0 : index
    %get3A_2 = vector.load %arg2[%get3A, %get3A_0, %get3A_1] : memref<2x1000x128xf32, #tpu.memory_space<vmem>>, vector<1x1000x128xf32>
    %get3A_3 = vector.shape_cast %get3A_2 : vector<1x1000x128xf32> to vector<1000x128xf32>
    %get3A_4 = arith.constant 1 : index
    %get3A_5 = arith.constant 0 : index
    %get3A_6 = arith.constant 0 : index
    %get3A_7 = vector.load %arg2[%get3A_4, %get3A_5, %get3A_6] : memref<2x1000x128xf32, #tpu.memory_space<vmem>>, vector<1x1000x128xf32>
    %get3A_8 = vector.shape_cast %get3A_7 : vector<1x1000x128xf32> to vector<1000x128xf32>
    %add3A = arith.addf %get3A_3, %get3A_8 : vector<1000x128xf32>
    %get3A_9 = arith.constant 0 : index
    %get3A_10 = arith.constant 0 : index
    %get3A_11 = arith.constant 0 : index
    %get3A_12 = vector.load %arg1[%get3A_9, %get3A_10, %get3A_11] : memref<2x1000x128xf32, #tpu.memory_space<vmem>>, vector<1x1000x128xf32>
    %get3A_13 = vector.shape_cast %get3A_12 : vector<1x1000x128xf32> to vector<1000x128xf32>
    %get3A_14 = arith.constant 1 : index
    %get3A_15 = arith.constant 0 : index
    %get3A_16 = arith.constant 0 : index
    %get3A_17 = vector.load %arg1[%get3A_14, %get3A_15, %get3A_16] : memref<2x1000x128xf32, #tpu.memory_space<vmem>>, vector<1x1000x128xf32>
    %get3A_18 = vector.shape_cast %get3A_17 : vector<1x1000x128xf32> to vector<1000x128xf32>
    %add3A_19 = arith.addf %get3A_13, %get3A_18 : vector<1000x128xf32>
    %get3A_20 = arith.constant 0 : index
    %get3A_21 = arith.constant 0 : index
    %get3A_22 = vector.load %arg3[%get3A_20, %get3A_21] : memref<128x128xf32, #tpu.memory_space<vmem>>, vector<128x128xf32>
    %dot_general3A = arith.constant dense<0.000000e+00> : vector<1000x128xf32>
    %dot_general3A_23 = tpu.matmul %add3A, %get3A_22, %dot_general3A {dimension_numbers = #tpu.dot_dimension_numbers<[1], [0], [0], [1], [0, 0, 1, 1], [], []>, transpose_lhs_hint = false} : vector<1000x128xf32>, vector<128x128xf32>, vector<1000x128xf32> -> vector<1000x128xf32>
    %add3A_24 = arith.addf %add3A_19, %dot_general3A_23 : vector<1000x128xf32>
    %max3A = arith.constant 0.000000e+00 : f32
    %max3A_25 = vector.broadcast %max3A : f32 to vector<1000x128xf32>
    %max3A_26 = arith.maximumf %add3A_24, %max3A_25 : vector<1000x128xf32>
    %get3A_27 = arith.constant 0 : index
    %get3A_28 = memref.load %arg6[%get3A_27] : memref<2xf32, #tpu.memory_space<smem>>
    %get3A_29 = arith.constant 0 : index
    %get3A_30 = arith.constant 0 : index
    %get3A_31 = vector.load %arg5[%get3A_29, %get3A_30] : memref<1000x128xf32, #tpu.memory_space<vmem>>, vector<1000x128xf32>
    %mul3A = vector.broadcast %get3A_28 : f32 to vector<1000x128xf32>
    %mul3A_32 = arith.mulf %mul3A, %get3A_31 : vector<1000x128xf32>
    %get3A_33 = arith.constant 1 : index
    %get3A_34 = memref.load %arg6[%get3A_33] : memref<2xf32, #tpu.memory_space<smem>>
    %mul3A_35 = vector.broadcast %get3A_34 : f32 to vector<1000x128xf32>
    %mul3A_36 = arith.mulf %mul3A_35, %max3A_26 : vector<1000x128xf32>
    %add3A_37 = arith.addf %mul3A_32, %mul3A_36 : vector<1000x128xf32>
    %swap3A = arith.constant 0 : index
    %swap3A_38 = arith.constant 0 : index
    %swap3A_39 = vector.load %arg7[%swap3A, %swap3A_38] : memref<1000x128xf32, #tpu.memory_space<vmem>>, vector<1000x128xf32>
    tpu.vector_store %arg7[%swap3A, %swap3A_38], %add3A_37 {strides = array<i32>} : memref<1000x128xf32, #tpu.memory_space<vmem>>, vector<1000x128xf32>,
    %get3A_40 = arith.constant 0 : index
    %get3A_41 = arith.constant 0 : index
    %get3A_42 = vector.load %arg4[%get3A_40, %get3A_41] : memref<128x128xf32, #tpu.memory_space<vmem>>, vector<128x128xf32>
    %dot_general3A_43 = arith.constant dense<0.000000e+00> : vector<1000x128xf32>
    %dot_general3A_44 = tpu.matmul %add3A_37, %get3A_42, %dot_general3A_43 {dimension_numbers = #tpu.dot_dimension_numbers<[1], [0], [0], [1], [0, 0, 1, 1], [], []>, transpose_lhs_hint = false} : vector<1000x128xf32>, vector<128x128xf32>, vector<1000x128xf32> -> vector<1000x128xf32>
    %swap3A_45 = arith.constant 0 : index
    %swap3A_46 = arith.constant 0 : index
    %swap3A_47 = vector.load %arg8[%swap3A_45, %swap3A_46] : memref<1000x128xf32, #tpu.memory_space<vmem>>, vector<1000x128xf32>
    tpu.vector_store %arg8[%swap3A_45, %swap3A_46], %dot_general3A_44 {strides = array<i32>} : memref<1000x128xf32, #tpu.memory_space<vmem>>, vector<1000x128xf32>,
    return
  }
  func.func @transform_0(%arg0: i32) -> (i32, i32, i32) {
    %c0_i32 = arith.constant 0 : i32
    %c0_i32_0 = arith.constant 0 : i32
    %c0_i32_1 = arith.constant 0 : i32
    return %c0_i32, %arg0, %c0_i32_0 : i32, i32, i32
  }
  func.func @transform_1(%arg0: i32) -> (i32, i32, i32) {
    %c0_i32 = arith.constant 0 : i32
    %c0_i32_0 = arith.constant 0 : i32
    %c0_i32_1 = arith.constant 0 : i32
    return %c0_i32, %arg0, %c0_i32_0 : i32, i32, i32
  }
  func.func @transform_2(%arg0: i32) -> (i32, i32) {
    %c0_i32 = arith.constant 0 : i32
    %c0_i32_0 = arith.constant 0 : i32
    %c0_i32_1 = arith.constant 0 : i32
    return %c0_i32, %c0_i32_0 : i32, i32
  }
  func.func @transform_3(%arg0: i32) -> (i32, i32) {
    %c0_i32 = arith.constant 0 : i32
    %c0_i32_0 = arith.constant 0 : i32
    %c0_i32_1 = arith.constant 0 : i32
    return %c0_i32, %c0_i32_0 : i32, i32
  }
  func.func @transform_4(%arg0: i32) -> (i32, i32) {
    %c0_i32 = arith.constant 0 : i32
    %c0_i32_0 = arith.constant 0 : i32
    return %arg0, %c0_i32 : i32, i32
  }
  func.func @transform_5(%arg0: i32) -> i32 {
    %c0_i32 = arith.constant 0 : i32
    %c0_i32_0 = arith.constant 0 : i32
    return %c0_i32 : i32
  }
  func.func @transform_6(%arg0: i32) -> (i32, i32) {
    %c0_i32 = arith.constant 0 : i32
    %c0_i32_0 = arith.constant 0 : i32
    return %arg0, %c0_i32 : i32, i32
  }
  func.func @transform_7(%arg0: i32) -> (i32, i32) {
    %c0_i32 = arith.constant 0 : i32
    %c0_i32_0 = arith.constant 0 : i32
    return %arg0, %c0_i32 : i32, i32
  }
}

module attributes {stable_mosaic.version = 14 : i64} {
  func.func @body(%arg0: i32, %arg1: memref<2x1000x128xf32, #tpu.memory_space<vmem>>, %arg2: memref<2x1000x128xf32, #tpu.memory_space<vmem>>, %arg3: memref<128x128xf32, #tpu.memory_space<vmem>>, %arg4: memref<128x128xf32, #tpu.memory_space<vmem>>, %arg5: memref<1000x128xf32, #tpu.memory_space<vmem>>, %arg6: memref<1000x128xf32, #tpu.memory_space<vmem>>, %arg7: memref<3xf32, #tpu.memory_space<smem>>, %arg8: memref<1000x128xf32, #tpu.memory_space<vmem>>, %arg9: memref<1000x128xf32, #tpu.memory_space<vmem>>) attributes {dimension_semantics = [#tpu.dimension_semantics<arbitrary>], iteration_bounds = array<i64: 10>, scalar_prefetch = 0 : i64, scratch_operands = 0 : i64, tpu.core_type = #tpu.core_type<tc>, window_params = [{transform_indices = @transform_0, window_bounds = array<i64: 2, 1000, 128>}, {transform_indices = @transform_1, window_bounds = array<i64: 2, 1000, 128>}, {pipeline_mode = #tpu.pipeline_mode<synchronous>, transform_indices = @transform_2, window_bounds = array<i64: 128, 128>}, {pipeline_mode = #tpu.pipeline_mode<synchronous>, transform_indices = @transform_3, window_bounds = array<i64: 128, 128>}, {transform_indices = @transform_4, window_bounds = array<i64: 1000, 128>}, {transform_indices = @transform_5, window_bounds = array<i64: 1000, 128>}, {transform_indices = @transform_6, window_bounds = array<i64: 3>}, {transform_indices = @transform_7, window_bounds = array<i64: 1000, 128>}, {transform_indices = @transform_8, window_bounds = array<i64: 1000, 128>}]} {
    %get3A = arith.constant 0 : index
    %get3A_0 = arith.constant 0 : index
    %get3A_1 = arith.constant 0 : index
    %get3A_2 = vector.load %arg2[%get3A, %get3A_0, %get3A_1] : memref<2x1000x128xf32, #tpu.memory_space<vmem>>, vector<1x1000x128xf32>
    %get3A_3 = vector.shape_cast %get3A_2 : vector<1x1000x128xf32> to vector<1000x128xf32>
    %get3A_4 = arith.constant 1 : index
    %get3A_5 = arith.constant 0 : index
    %get3A_6 = arith.constant 0 : index
    %get3A_7 = vector.load %arg2[%get3A_4, %get3A_5, %get3A_6] : memref<2x1000x128xf32, #tpu.memory_space<vmem>>, vector<1x1000x128xf32>
    %get3A_8 = vector.shape_cast %get3A_7 : vector<1x1000x128xf32> to vector<1000x128xf32>
    %add3A = arith.addf %get3A_3, %get3A_8 : vector<1000x128xf32>
    %get3A_9 = arith.constant 0 : index
    %get3A_10 = arith.constant 0 : index
    %get3A_11 = arith.constant 0 : index
    %get3A_12 = vector.load %arg1[%get3A_9, %get3A_10, %get3A_11] : memref<2x1000x128xf32, #tpu.memory_space<vmem>>, vector<1x1000x128xf32>
    %get3A_13 = vector.shape_cast %get3A_12 : vector<1x1000x128xf32> to vector<1000x128xf32>
    %get3A_14 = arith.constant 1 : index
    %get3A_15 = arith.constant 0 : index
    %get3A_16 = arith.constant 0 : index
    %get3A_17 = vector.load %arg1[%get3A_14, %get3A_15, %get3A_16] : memref<2x1000x128xf32, #tpu.memory_space<vmem>>, vector<1x1000x128xf32>
    %get3A_18 = vector.shape_cast %get3A_17 : vector<1x1000x128xf32> to vector<1000x128xf32>
    %add3A_19 = arith.addf %get3A_13, %get3A_18 : vector<1000x128xf32>
    %get3A_20 = arith.constant 0 : index
    %get3A_21 = arith.constant 0 : index
    %get3A_22 = vector.load %arg3[%get3A_20, %get3A_21] : memref<128x128xf32, #tpu.memory_space<vmem>>, vector<128x128xf32>
    %dot_general3A = arith.constant dense<0.000000e+00> : vector<1000x128xf32>
    %dot_general3A_23 = tpu.matmul %add3A, %get3A_22, %dot_general3A {dimension_numbers = #tpu.dot_dimension_numbers<[1], [0], [0], [1], [0, 0, 1, 1], [], []>, transpose_lhs_hint = false} : vector<1000x128xf32>, vector<128x128xf32>, vector<1000x128xf32> -> vector<1000x128xf32>
    %add3A_24 = arith.addf %add3A_19, %dot_general3A_23 : vector<1000x128xf32>
    %max3A = arith.constant 0.000000e+00 : f32
    %max3A_25 = vector.broadcast %max3A : f32 to vector<1000x128xf32>
    %max3A_26 = arith.maximumf %add3A_24, %max3A_25 : vector<1000x128xf32>
    %get3A_27 = arith.constant 0 : index
    %get3A_28 = memref.load %arg7[%get3A_27] : memref<3xf32, #tpu.memory_space<smem>>
    %get3A_29 = arith.constant 0 : index
    %get3A_30 = arith.constant 0 : index
    %get3A_31 = vector.load %arg5[%get3A_29, %get3A_30] : memref<1000x128xf32, #tpu.memory_space<vmem>>, vector<1000x128xf32>
    %mul3A = vector.broadcast %get3A_28 : f32 to vector<1000x128xf32>
    %mul3A_32 = arith.mulf %mul3A, %get3A_31 : vector<1000x128xf32>
    %get3A_33 = arith.constant 1 : index
    %get3A_34 = memref.load %arg7[%get3A_33] : memref<3xf32, #tpu.memory_space<smem>>
    %get3A_35 = arith.constant 0 : index
    %get3A_36 = arith.constant 0 : index
    %get3A_37 = vector.load %arg6[%get3A_35, %get3A_36] : memref<1000x128xf32, #tpu.memory_space<vmem>>, vector<1000x128xf32>
    %mul3A_38 = vector.broadcast %get3A_34 : f32 to vector<1000x128xf32>
    %mul3A_39 = arith.mulf %mul3A_38, %get3A_37 : vector<1000x128xf32>
    %add3A_40 = arith.addf %mul3A_32, %mul3A_39 : vector<1000x128xf32>
    %get3A_41 = arith.constant 2 : index
    %get3A_42 = memref.load %arg7[%get3A_41] : memref<3xf32, #tpu.memory_space<smem>>
    %mul3A_43 = vector.broadcast %get3A_42 : f32 to vector<1000x128xf32>
    %mul3A_44 = arith.mulf %mul3A_43, %max3A_26 : vector<1000x128xf32>
    %add3A_45 = arith.addf %add3A_40, %mul3A_44 : vector<1000x128xf32>
    %swap3A = arith.constant 0 : index
    %swap3A_46 = arith.constant 0 : index
    %swap3A_47 = vector.load %arg8[%swap3A, %swap3A_46] : memref<1000x128xf32, #tpu.memory_space<vmem>>, vector<1000x128xf32>
    tpu.vector_store %arg8[%swap3A, %swap3A_46], %add3A_45 {strides = array<i32>} : memref<1000x128xf32, #tpu.memory_space<vmem>>, vector<1000x128xf32>,
    %get3A_48 = arith.constant 0 : index
    %get3A_49 = arith.constant 0 : index
    %get3A_50 = vector.load %arg4[%get3A_48, %get3A_49] : memref<128x128xf32, #tpu.memory_space<vmem>>, vector<128x128xf32>
    %dot_general3A_51 = arith.constant dense<0.000000e+00> : vector<1000x128xf32>
    %dot_general3A_52 = tpu.matmul %add3A_45, %get3A_50, %dot_general3A_51 {dimension_numbers = #tpu.dot_dimension_numbers<[1], [0], [0], [1], [0, 0, 1, 1], [], []>, transpose_lhs_hint = false} : vector<1000x128xf32>, vector<128x128xf32>, vector<1000x128xf32> -> vector<1000x128xf32>
    %swap3A_53 = arith.constant 0 : index
    %swap3A_54 = arith.constant 0 : index
    %swap3A_55 = vector.load %arg9[%swap3A_53, %swap3A_54] : memref<1000x128xf32, #tpu.memory_space<vmem>>, vector<1000x128xf32>
    tpu.vector_store %arg9[%swap3A_53, %swap3A_54], %dot_general3A_52 {strides = array<i32>} : memref<1000x128xf32, #tpu.memory_space<vmem>>, vector<1000x128xf32>,
    return
  }
  func.func @transform_0(%arg0: i32) -> (i32, i32, i32) {
    %c0_i32 = arith.constant 0 : i32
    %c0_i32_0 = arith.constant 0 : i32
    %c0_i32_1 = arith.constant 0 : i32
    return %c0_i32, %arg0, %c0_i32_0 : i32, i32, i32
  }
  func.func @transform_1(%arg0: i32) -> (i32, i32, i32) {
    %c0_i32 = arith.constant 0 : i32
    %c0_i32_0 = arith.constant 0 : i32
    %c0_i32_1 = arith.constant 0 : i32
    return %c0_i32, %arg0, %c0_i32_0 : i32, i32, i32
  }
  func.func @transform_2(%arg0: i32) -> (i32, i32) {
    %c0_i32 = arith.constant 0 : i32
    %c0_i32_0 = arith.constant 0 : i32
    %c0_i32_1 = arith.constant 0 : i32
    return %c0_i32, %c0_i32_0 : i32, i32
  }
  func.func @transform_3(%arg0: i32) -> (i32, i32) {
    %c0_i32 = arith.constant 0 : i32
    %c0_i32_0 = arith.constant 0 : i32
    %c0_i32_1 = arith.constant 0 : i32
    return %c0_i32, %c0_i32_0 : i32, i32
  }
  func.func @transform_4(%arg0: i32) -> (i32, i32) {
    %c0_i32 = arith.constant 0 : i32
    %c0_i32_0 = arith.constant 0 : i32
    return %arg0, %c0_i32 : i32, i32
  }
  func.func @transform_5(%arg0: i32) -> (i32, i32) {
    %c0_i32 = arith.constant 0 : i32
    %c0_i32_0 = arith.constant 0 : i32
    return %arg0, %c0_i32 : i32, i32
  }
  func.func @transform_6(%arg0: i32) -> i32 {
    %c0_i32 = arith.constant 0 : i32
    %c0_i32_0 = arith.constant 0 : i32
    return %c0_i32 : i32
  }
  func.func @transform_7(%arg0: i32) -> (i32, i32) {
    %c0_i32 = arith.constant 0 : i32
    %c0_i32_0 = arith.constant 0 : i32
    return %arg0, %c0_i32 : i32, i32
  }
  func.func @transform_8(%arg0: i32) -> (i32, i32) {
    %c0_i32 = arith.constant 0 : i32
    %c0_i32_0 = arith.constant 0 : i32
    return %arg0, %c0_i32 : i32, i32
  }
}

module attributes {stable_mosaic.version = 14 : i64} {
  func.func @body(%arg0: i32, %arg1: memref<2x1000x128xf32, #tpu.memory_space<vmem>>, %arg2: memref<2x1000x128xf32, #tpu.memory_space<vmem>>, %arg3: memref<128x128xf32, #tpu.memory_space<vmem>>, %arg4: memref<128x128xf32, #tpu.memory_space<vmem>>, %arg5: memref<1000x128xf32, #tpu.memory_space<vmem>>, %arg6: memref<1000x128xf32, #tpu.memory_space<vmem>>, %arg7: memref<1000x128xf32, #tpu.memory_space<vmem>>, %arg8: memref<4xf32, #tpu.memory_space<smem>>, %arg9: memref<1000x128xf32, #tpu.memory_space<vmem>>, %arg10: memref<1000x128xf32, #tpu.memory_space<vmem>>) attributes {dimension_semantics = [#tpu.dimension_semantics<arbitrary>], iteration_bounds = array<i64: 10>, scalar_prefetch = 0 : i64, scratch_operands = 0 : i64, tpu.core_type = #tpu.core_type<tc>, window_params = [{transform_indices = @transform_0, window_bounds = array<i64: 2, 1000, 128>}, {transform_indices = @transform_1, window_bounds = array<i64: 2, 1000, 128>}, {pipeline_mode = #tpu.pipeline_mode<synchronous>, transform_indices = @transform_2, window_bounds = array<i64: 128, 128>}, {pipeline_mode = #tpu.pipeline_mode<synchronous>, transform_indices = @transform_3, window_bounds = array<i64: 128, 128>}, {transform_indices = @transform_4, window_bounds = array<i64: 1000, 128>}, {transform_indices = @transform_5, window_bounds = array<i64: 1000, 128>}, {transform_indices = @transform_6, window_bounds = array<i64: 1000, 128>}, {transform_indices = @transform_7, window_bounds = array<i64: 4>}, {transform_indices = @transform_8, window_bounds = array<i64: 1000, 128>}, {transform_indices = @transform_9, window_bounds = array<i64: 1000, 128>}]} {
    %get3A = arith.constant 0 : index
    %get3A_0 = arith.constant 0 : index
    %get3A_1 = arith.constant 0 : index
    %get3A_2 = vector.load %arg2[%get3A, %get3A_0, %get3A_1] : memref<2x1000x128xf32, #tpu.memory_space<vmem>>, vector<1x1000x128xf32>
    %get3A_3 = vector.shape_cast %get3A_2 : vector<1x1000x128xf32> to vector<1000x128xf32>
    %get3A_4 = arith.constant 1 : index
    %get3A_5 = arith.constant 0 : index
    %get3A_6 = arith.constant 0 : index
    %get3A_7 = vector.load %arg2[%get3A_4, %get3A_5, %get3A_6] : memref<2x1000x128xf32, #tpu.memory_space<vmem>>, vector<1x1000x128xf32>
    %get3A_8 = vector.shape_cast %get3A_7 : vector<1x1000x128xf32> to vector<1000x128xf32>
    %add3A = arith.addf %get3A_3, %get3A_8 : vector<1000x128xf32>
    %get3A_9 = arith.constant 0 : index
    %get3A_10 = arith.constant 0 : index
    %get3A_11 = arith.constant 0 : index
    %get3A_12 = vector.load %arg1[%get3A_9, %get3A_10, %get3A_11] : memref<2x1000x128xf32, #tpu.memory_space<vmem>>, vector<1x1000x128xf32>
    %get3A_13 = vector.shape_cast %get3A_12 : vector<1x1000x128xf32> to vector<1000x128xf32>
    %get3A_14 = arith.constant 1 : index
    %get3A_15 = arith.constant 0 : index
    %get3A_16 = arith.constant 0 : index
    %get3A_17 = vector.load %arg1[%get3A_14, %get3A_15, %get3A_16] : memref<2x1000x128xf32, #tpu.memory_space<vmem>>, vector<1x1000x128xf32>
    %get3A_18 = vector.shape_cast %get3A_17 : vector<1x1000x128xf32> to vector<1000x128xf32>
    %add3A_19 = arith.addf %get3A_13, %get3A_18 : vector<1000x128xf32>
    %get3A_20 = arith.constant 0 : index
    %get3A_21 = arith.constant 0 : index
    %get3A_22 = vector.load %arg3[%get3A_20, %get3A_21] : memref<128x128xf32, #tpu.memory_space<vmem>>, vector<128x128xf32>
    %dot_general3A = arith.constant dense<0.000000e+00> : vector<1000x128xf32>
    %dot_general3A_23 = tpu.matmul %add3A, %get3A_22, %dot_general3A {dimension_numbers = #tpu.dot_dimension_numbers<[1], [0], [0], [1], [0, 0, 1, 1], [], []>, transpose_lhs_hint = false} : vector<1000x128xf32>, vector<128x128xf32>, vector<1000x128xf32> -> vector<1000x128xf32>
    %add3A_24 = arith.addf %add3A_19, %dot_general3A_23 : vector<1000x128xf32>
    %max3A = arith.constant 0.000000e+00 : f32
    %max3A_25 = vector.broadcast %max3A : f32 to vector<1000x128xf32>
    %max3A_26 = arith.maximumf %add3A_24, %max3A_25 : vector<1000x128xf32>
    %get3A_27 = arith.constant 0 : index
    %get3A_28 = memref.load %arg8[%get3A_27] : memref<4xf32, #tpu.memory_space<smem>>
    %get3A_29 = arith.constant 0 : index
    %get3A_30 = arith.constant 0 : index
    %get3A_31 = vector.load %arg5[%get3A_29, %get3A_30] : memref<1000x128xf32, #tpu.memory_space<vmem>>, vector<1000x128xf32>
    %mul3A = vector.broadcast %get3A_28 : f32 to vector<1000x128xf32>
    %mul3A_32 = arith.mulf %mul3A, %get3A_31 : vector<1000x128xf32>
    %get3A_33 = arith.constant 1 : index
    %get3A_34 = memref.load %arg8[%get3A_33] : memref<4xf32, #tpu.memory_space<smem>>
    %get3A_35 = arith.constant 0 : index
    %get3A_36 = arith.constant 0 : index
    %get3A_37 = vector.load %arg6[%get3A_35, %get3A_36] : memref<1000x128xf32, #tpu.memory_space<vmem>>, vector<1000x128xf32>
    %mul3A_38 = vector.broadcast %get3A_34 : f32 to vector<1000x128xf32>
    %mul3A_39 = arith.mulf %mul3A_38, %get3A_37 : vector<1000x128xf32>
    %add3A_40 = arith.addf %mul3A_32, %mul3A_39 : vector<1000x128xf32>
    %get3A_41 = arith.constant 2 : index
    %get3A_42 = memref.load %arg8[%get3A_41] : memref<4xf32, #tpu.memory_space<smem>>
    %get3A_43 = arith.constant 0 : index
    %get3A_44 = arith.constant 0 : index
    %get3A_45 = vector.load %arg7[%get3A_43, %get3A_44] : memref<1000x128xf32, #tpu.memory_space<vmem>>, vector<1000x128xf32>
    %mul3A_46 = vector.broadcast %get3A_42 : f32 to vector<1000x128xf32>
    %mul3A_47 = arith.mulf %mul3A_46, %get3A_45 : vector<1000x128xf32>
    %add3A_48 = arith.addf %add3A_40, %mul3A_47 : vector<1000x128xf32>
    %get3A_49 = arith.constant 3 : index
    %get3A_50 = memref.load %arg8[%get3A_49] : memref<4xf32, #tpu.memory_space<smem>>
    %mul3A_51 = vector.broadcast %get3A_50 : f32 to vector<1000x128xf32>
    %mul3A_52 = arith.mulf %mul3A_51, %max3A_26 : vector<1000x128xf32>
    %add3A_53 = arith.addf %add3A_48, %mul3A_52 : vector<1000x128xf32>
    %swap3A = arith.constant 0 : index
    %swap3A_54 = arith.constant 0 : index
    %swap3A_55 = vector.load %arg9[%swap3A, %swap3A_54] : memref<1000x128xf32, #tpu.memory_space<vmem>>, vector<1000x128xf32>
    tpu.vector_store %arg9[%swap3A, %swap3A_54], %add3A_53 {strides = array<i32>} : memref<1000x128xf32, #tpu.memory_space<vmem>>, vector<1000x128xf32>,
    %get3A_56 = arith.constant 0 : index
    %get3A_57 = arith.constant 0 : index
    %get3A_58 = vector.load %arg4[%get3A_56, %get3A_57] : memref<128x128xf32, #tpu.memory_space<vmem>>, vector<128x128xf32>
    %dot_general3A_59 = arith.constant dense<0.000000e+00> : vector<1000x128xf32>
    %dot_general3A_60 = tpu.matmul %add3A_53, %get3A_58, %dot_general3A_59 {dimension_numbers = #tpu.dot_dimension_numbers<[1], [0], [0], [1], [0, 0, 1, 1], [], []>, transpose_lhs_hint = false} : vector<1000x128xf32>, vector<128x128xf32>, vector<1000x128xf32> -> vector<1000x128xf32>
    %swap3A_61 = arith.constant 0 : index
    %swap3A_62 = arith.constant 0 : index
    %swap3A_63 = vector.load %arg10[%swap3A_61, %swap3A_62] : memref<1000x128xf32, #tpu.memory_space<vmem>>, vector<1000x128xf32>
    tpu.vector_store %arg10[%swap3A_61, %swap3A_62], %dot_general3A_60 {strides = array<i32>} : memref<1000x128xf32, #tpu.memory_space<vmem>>, vector<1000x128xf32>,
    return
  }
  func.func @transform_0(%arg0: i32) -> (i32, i32, i32) {
    %c0_i32 = arith.constant 0 : i32
    %c0_i32_0 = arith.constant 0 : i32
    %c0_i32_1 = arith.constant 0 : i32
    return %c0_i32, %arg0, %c0_i32_0 : i32, i32, i32
  }
  func.func @transform_1(%arg0: i32) -> (i32, i32, i32) {
    %c0_i32 = arith.constant 0 : i32
    %c0_i32_0 = arith.constant 0 : i32
    %c0_i32_1 = arith.constant 0 : i32
    return %c0_i32, %arg0, %c0_i32_0 : i32, i32, i32
  }
  func.func @transform_2(%arg0: i32) -> (i32, i32) {
    %c0_i32 = arith.constant 0 : i32
    %c0_i32_0 = arith.constant 0 : i32
    %c0_i32_1 = arith.constant 0 : i32
    return %c0_i32, %c0_i32_0 : i32, i32
  }
  func.func @transform_3(%arg0: i32) -> (i32, i32) {
    %c0_i32 = arith.constant 0 : i32
    %c0_i32_0 = arith.constant 0 : i32
    %c0_i32_1 = arith.constant 0 : i32
    return %c0_i32, %c0_i32_0 : i32, i32
  }
  func.func @transform_4(%arg0: i32) -> (i32, i32) {
    %c0_i32 = arith.constant 0 : i32
    %c0_i32_0 = arith.constant 0 : i32
    return %arg0, %c0_i32 : i32, i32
  }
  func.func @transform_5(%arg0: i32) -> (i32, i32) {
    %c0_i32 = arith.constant 0 : i32
    %c0_i32_0 = arith.constant 0 : i32
    return %arg0, %c0_i32 : i32, i32
  }
  func.func @transform_6(%arg0: i32) -> (i32, i32) {
    %c0_i32 = arith.constant 0 : i32
    %c0_i32_0 = arith.constant 0 : i32
    return %arg0, %c0_i32 : i32, i32
  }
  func.func @transform_7(%arg0: i32) -> i32 {
    %c0_i32 = arith.constant 0 : i32
    %c0_i32_0 = arith.constant 0 : i32
    return %c0_i32 : i32
  }
  func.func @transform_8(%arg0: i32) -> (i32, i32) {
    %c0_i32 = arith.constant 0 : i32
    %c0_i32_0 = arith.constant 0 : i32
    return %arg0, %c0_i32 : i32, i32
  }
  func.func @transform_9(%arg0: i32) -> (i32, i32) {
    %c0_i32 = arith.constant 0 : i32
    %c0_i32_0 = arith.constant 0 : i32
    return %arg0, %c0_i32 : i32, i32
  }
}

module attributes {stable_mosaic.version = 14 : i64} {
  func.func @body(%arg0: i32, %arg1: memref<2x1000x128xf32, #tpu.memory_space<vmem>>, %arg2: memref<2x1000x128xf32, #tpu.memory_space<vmem>>, %arg3: memref<128x128xf32, #tpu.memory_space<vmem>>, %arg4: memref<128x128xf32, #tpu.memory_space<vmem>>, %arg5: memref<1000x128xf32, #tpu.memory_space<vmem>>, %arg6: memref<1000x128xf32, #tpu.memory_space<vmem>>, %arg7: memref<1000x128xf32, #tpu.memory_space<vmem>>, %arg8: memref<1000x128xf32, #tpu.memory_space<vmem>>, %arg9: memref<5xf32, #tpu.memory_space<smem>>, %arg10: memref<1000x128xf32, #tpu.memory_space<vmem>>, %arg11: memref<1000x128xf32, #tpu.memory_space<vmem>>) attributes {dimension_semantics = [#tpu.dimension_semantics<arbitrary>], iteration_bounds = array<i64: 10>, scalar_prefetch = 0 : i64, scratch_operands = 0 : i64, tpu.core_type = #tpu.core_type<tc>, window_params = [{transform_indices = @transform_0, window_bounds = array<i64: 2, 1000, 128>}, {transform_indices = @transform_1, window_bounds = array<i64: 2, 1000, 128>}, {pipeline_mode = #tpu.pipeline_mode<synchronous>, transform_indices = @transform_2, window_bounds = array<i64: 128, 128>}, {pipeline_mode = #tpu.pipeline_mode<synchronous>, transform_indices = @transform_3, window_bounds = array<i64: 128, 128>}, {transform_indices = @transform_4, window_bounds = array<i64: 1000, 128>}, {transform_indices = @transform_5, window_bounds = array<i64: 1000, 128>}, {transform_indices = @transform_6, window_bounds = array<i64: 1000, 128>}, {transform_indices = @transform_7, window_bounds = array<i64: 1000, 128>}, {transform_indices = @transform_8, window_bounds = array<i64: 5>}, {transform_indices = @transform_9, window_bounds = array<i64: 1000, 128>}, {transform_indices = @transform_10, window_bounds = array<i64: 1000, 128>}]} {
    %get3A = arith.constant 0 : index
    %get3A_0 = arith.constant 0 : index
    %get3A_1 = arith.constant 0 : index
    %get3A_2 = vector.load %arg2[%get3A, %get3A_0, %get3A_1] : memref<2x1000x128xf32, #tpu.memory_space<vmem>>, vector<1x1000x128xf32>
    %get3A_3 = vector.shape_cast %get3A_2 : vector<1x1000x128xf32> to vector<1000x128xf32>
    %get3A_4 = arith.constant 1 : index
    %get3A_5 = arith.constant 0 : index
    %get3A_6 = arith.constant 0 : index
    %get3A_7 = vector.load %arg2[%get3A_4, %get3A_5, %get3A_6] : memref<2x1000x128xf32, #tpu.memory_space<vmem>>, vector<1x1000x128xf32>
    %get3A_8 = vector.shape_cast %get3A_7 : vector<1x1000x128xf32> to vector<1000x128xf32>
    %add3A = arith.addf %get3A_3, %get3A_8 : vector<1000x128xf32>
    %get3A_9 = arith.constant 0 : index
    %get3A_10 = arith.constant 0 : index
    %get3A_11 = arith.constant 0 : index
    %get3A_12 = vector.load %arg1[%get3A_9, %get3A_10, %get3A_11] : memref<2x1000x128xf32, #tpu.memory_space<vmem>>, vector<1x1000x128xf32>
    %get3A_13 = vector.shape_cast %get3A_12 : vector<1x1000x128xf32> to vector<1000x128xf32>
    %get3A_14 = arith.constant 1 : index
    %get3A_15 = arith.constant 0 : index
    %get3A_16 = arith.constant 0 : index
    %get3A_17 = vector.load %arg1[%get3A_14, %get3A_15, %get3A_16] : memref<2x1000x128xf32, #tpu.memory_space<vmem>>, vector<1x1000x128xf32>
    %get3A_18 = vector.shape_cast %get3A_17 : vector<1x1000x128xf32> to vector<1000x128xf32>
    %add3A_19 = arith.addf %get3A_13, %get3A_18 : vector<1000x128xf32>
    %get3A_20 = arith.constant 0 : index
    %get3A_21 = arith.constant 0 : index
    %get3A_22 = vector.load %arg3[%get3A_20, %get3A_21] : memref<128x128xf32, #tpu.memory_space<vmem>>, vector<128x128xf32>
    %dot_general3A = arith.constant dense<0.000000e+00> : vector<1000x128xf32>
    %dot_general3A_23 = tpu.matmul %add3A, %get3A_22, %dot_general3A {dimension_numbers = #tpu.dot_dimension_numbers<[1], [0], [0], [1], [0, 0, 1, 1], [], []>, transpose_lhs_hint = false} : vector<1000x128xf32>, vector<128x128xf32>, vector<1000x128xf32> -> vector<1000x128xf32>
    %add3A_24 = arith.addf %add3A_19, %dot_general3A_23 : vector<1000x128xf32>
    %max3A = arith.constant 0.000000e+00 : f32
    %max3A_25 = vector.broadcast %max3A : f32 to vector<1000x128xf32>
    %max3A_26 = arith.maximumf %add3A_24, %max3A_25 : vector<1000x128xf32>
    %get3A_27 = arith.constant 0 : index
    %get3A_28 = memref.load %arg9[%get3A_27] : memref<5xf32, #tpu.memory_space<smem>>
    %get3A_29 = arith.constant 0 : index
    %get3A_30 = arith.constant 0 : index
    %get3A_31 = vector.load %arg5[%get3A_29, %get3A_30] : memref<1000x128xf32, #tpu.memory_space<vmem>>, vector<1000x128xf32>
    %mul3A = vector.broadcast %get3A_28 : f32 to vector<1000x128xf32>
    %mul3A_32 = arith.mulf %mul3A, %get3A_31 : vector<1000x128xf32>
    %get3A_33 = arith.constant 1 : index
    %get3A_34 = memref.load %arg9[%get3A_33] : memref<5xf32, #tpu.memory_space<smem>>
    %get3A_35 = arith.constant 0 : index
    %get3A_36 = arith.constant 0 : index
    %get3A_37 = vector.load %arg6[%get3A_35, %get3A_36] : memref<1000x128xf32, #tpu.memory_space<vmem>>, vector<1000x128xf32>
    %mul3A_38 = vector.broadcast %get3A_34 : f32 to vector<1000x128xf32>
    %mul3A_39 = arith.mulf %mul3A_38, %get3A_37 : vector<1000x128xf32>
    %add3A_40 = arith.addf %mul3A_32, %mul3A_39 : vector<1000x128xf32>
    %get3A_41 = arith.constant 2 : index
    %get3A_42 = memref.load %arg9[%get3A_41] : memref<5xf32, #tpu.memory_space<smem>>
    %get3A_43 = arith.constant 0 : index
    %get3A_44 = arith.constant 0 : index
    %get3A_45 = vector.load %arg7[%get3A_43, %get3A_44] : memref<1000x128xf32, #tpu.memory_space<vmem>>, vector<1000x128xf32>
    %mul3A_46 = vector.broadcast %get3A_42 : f32 to vector<1000x128xf32>
    %mul3A_47 = arith.mulf %mul3A_46, %get3A_45 : vector<1000x128xf32>
    %add3A_48 = arith.addf %add3A_40, %mul3A_47 : vector<1000x128xf32>
    %get3A_49 = arith.constant 3 : index
    %get3A_50 = memref.load %arg9[%get3A_49] : memref<5xf32, #tpu.memory_space<smem>>
    %get3A_51 = arith.constant 0 : index
    %get3A_52 = arith.constant 0 : index
    %get3A_53 = vector.load %arg8[%get3A_51, %get3A_52] : memref<1000x128xf32, #tpu.memory_space<vmem>>, vector<1000x128xf32>
    %mul3A_54 = vector.broadcast %get3A_50 : f32 to vector<1000x128xf32>
    %mul3A_55 = arith.mulf %mul3A_54, %get3A_53 : vector<1000x128xf32>
    %add3A_56 = arith.addf %add3A_48, %mul3A_55 : vector<1000x128xf32>
    %get3A_57 = arith.constant 4 : index
    %get3A_58 = memref.load %arg9[%get3A_57] : memref<5xf32, #tpu.memory_space<smem>>
    %mul3A_59 = vector.broadcast %get3A_58 : f32 to vector<1000x128xf32>
    %mul3A_60 = arith.mulf %mul3A_59, %max3A_26 : vector<1000x128xf32>
    %add3A_61 = arith.addf %add3A_56, %mul3A_60 : vector<1000x128xf32>
    %swap3A = arith.constant 0 : index
    %swap3A_62 = arith.constant 0 : index
    %swap3A_63 = vector.load %arg10[%swap3A, %swap3A_62] : memref<1000x128xf32, #tpu.memory_space<vmem>>, vector<1000x128xf32>
    tpu.vector_store %arg10[%swap3A, %swap3A_62], %add3A_61 {strides = array<i32>} : memref<1000x128xf32, #tpu.memory_space<vmem>>, vector<1000x128xf32>,
    %get3A_64 = arith.constant 0 : index
    %get3A_65 = arith.constant 0 : index
    %get3A_66 = vector.load %arg4[%get3A_64, %get3A_65] : memref<128x128xf32, #tpu.memory_space<vmem>>, vector<128x128xf32>
    %dot_general3A_67 = arith.constant dense<0.000000e+00> : vector<1000x128xf32>
    %dot_general3A_68 = tpu.matmul %add3A_61, %get3A_66, %dot_general3A_67 {dimension_numbers = #tpu.dot_dimension_numbers<[1], [0], [0], [1], [0, 0, 1, 1], [], []>, transpose_lhs_hint = false} : vector<1000x128xf32>, vector<128x128xf32>, vector<1000x128xf32> -> vector<1000x128xf32>
    %swap3A_69 = arith.constant 0 : index
    %swap3A_70 = arith.constant 0 : index
    %swap3A_71 = vector.load %arg11[%swap3A_69, %swap3A_70] : memref<1000x128xf32, #tpu.memory_space<vmem>>, vector<1000x128xf32>
    tpu.vector_store %arg11[%swap3A_69, %swap3A_70], %dot_general3A_68 {strides = array<i32>} : memref<1000x128xf32, #tpu.memory_space<vmem>>, vector<1000x128xf32>,
    return
  }
  func.func @transform_0(%arg0: i32) -> (i32, i32, i32) {
    %c0_i32 = arith.constant 0 : i32
    %c0_i32_0 = arith.constant 0 : i32
    %c0_i32_1 = arith.constant 0 : i32
    return %c0_i32, %arg0, %c0_i32_0 : i32, i32, i32
  }
  func.func @transform_1(%arg0: i32) -> (i32, i32, i32) {
    %c0_i32 = arith.constant 0 : i32
    %c0_i32_0 = arith.constant 0 : i32
    %c0_i32_1 = arith.constant 0 : i32
    return %c0_i32, %arg0, %c0_i32_0 : i32, i32, i32
  }
  func.func @transform_2(%arg0: i32) -> (i32, i32) {
    %c0_i32 = arith.constant 0 : i32
    %c0_i32_0 = arith.constant 0 : i32
    %c0_i32_1 = arith.constant 0 : i32
    return %c0_i32, %c0_i32_0 : i32, i32
  }
  func.func @transform_3(%arg0: i32) -> (i32, i32) {
    %c0_i32 = arith.constant 0 : i32
    %c0_i32_0 = arith.constant 0 : i32
    %c0_i32_1 = arith.constant 0 : i32
    return %c0_i32, %c0_i32_0 : i32, i32
  }
  func.func @transform_4(%arg0: i32) -> (i32, i32) {
    %c0_i32 = arith.constant 0 : i32
    %c0_i32_0 = arith.constant 0 : i32
    return %arg0, %c0_i32 : i32, i32
  }
  func.func @transform_5(%arg0: i32) -> (i32, i32) {
    %c0_i32 = arith.constant 0 : i32
    %c0_i32_0 = arith.constant 0 : i32
    return %arg0, %c0_i32 : i32, i32
  }
  func.func @transform_6(%arg0: i32) -> (i32, i32) {
    %c0_i32 = arith.constant 0 : i32
    %c0_i32_0 = arith.constant 0 : i32
    return %arg0, %c0_i32 : i32, i32
  }
  func.func @transform_7(%arg0: i32) -> (i32, i32) {
    %c0_i32 = arith.constant 0 : i32
    %c0_i32_0 = arith.constant 0 : i32
    return %arg0, %c0_i32 : i32, i32
  }
  func.func @transform_8(%arg0: i32) -> i32 {
    %c0_i32 = arith.constant 0 : i32
    %c0_i32_0 = arith.constant 0 : i32
    return %c0_i32 : i32
  }
  func.func @transform_9(%arg0: i32) -> (i32, i32) {
    %c0_i32 = arith.constant 0 : i32
    %c0_i32_0 = arith.constant 0 : i32
    return %arg0, %c0_i32 : i32, i32
  }
  func.func @transform_10(%arg0: i32) -> (i32, i32) {
    %c0_i32 = arith.constant 0 : i32
    %c0_i32_0 = arith.constant 0 : i32
    return %arg0, %c0_i32 : i32, i32
  }
}

module attributes {stable_mosaic.version = 14 : i64} {
  func.func @body(%arg0: i32, %arg1: memref<2x1000x128xf32, #tpu.memory_space<vmem>>, %arg2: memref<2x1000x128xf32, #tpu.memory_space<vmem>>, %arg3: memref<128x128xf32, #tpu.memory_space<vmem>>, %arg4: memref<128x128xf32, #tpu.memory_space<vmem>>, %arg5: memref<1000x128xf32, #tpu.memory_space<vmem>>, %arg6: memref<1000x128xf32, #tpu.memory_space<vmem>>, %arg7: memref<1000x128xf32, #tpu.memory_space<vmem>>, %arg8: memref<1000x128xf32, #tpu.memory_space<vmem>>, %arg9: memref<1000x128xf32, #tpu.memory_space<vmem>>, %arg10: memref<6xf32, #tpu.memory_space<smem>>, %arg11: memref<1000x128xf32, #tpu.memory_space<vmem>>, %arg12: memref<1000x128xf32, #tpu.memory_space<vmem>>) attributes {dimension_semantics = [#tpu.dimension_semantics<arbitrary>], iteration_bounds = array<i64: 10>, scalar_prefetch = 0 : i64, scratch_operands = 0 : i64, tpu.core_type = #tpu.core_type<tc>, window_params = [{transform_indices = @transform_0, window_bounds = array<i64: 2, 1000, 128>}, {transform_indices = @transform_1, window_bounds = array<i64: 2, 1000, 128>}, {pipeline_mode = #tpu.pipeline_mode<synchronous>, transform_indices = @transform_2, window_bounds = array<i64: 128, 128>}, {pipeline_mode = #tpu.pipeline_mode<synchronous>, transform_indices = @transform_3, window_bounds = array<i64: 128, 128>}, {transform_indices = @transform_4, window_bounds = array<i64: 1000, 128>}, {transform_indices = @transform_5, window_bounds = array<i64: 1000, 128>}, {transform_indices = @transform_6, window_bounds = array<i64: 1000, 128>}, {transform_indices = @transform_7, window_bounds = array<i64: 1000, 128>}, {transform_indices = @transform_8, window_bounds = array<i64: 1000, 128>}, {transform_indices = @transform_9, window_bounds = array<i64: 6>}, {transform_indices = @transform_10, window_bounds = array<i64: 1000, 128>}, {transform_indices = @transform_11, window_bounds = array<i64: 1000, 128>}]} {
    %get3A = arith.constant 0 : index
    %get3A_0 = arith.constant 0 : index
    %get3A_1 = arith.constant 0 : index
    %get3A_2 = vector.load %arg2[%get3A, %get3A_0, %get3A_1] : memref<2x1000x128xf32, #tpu.memory_space<vmem>>, vector<1x1000x128xf32>
    %get3A_3 = vector.shape_cast %get3A_2 : vector<1x1000x128xf32> to vector<1000x128xf32>
    %get3A_4 = arith.constant 1 : index
    %get3A_5 = arith.constant 0 : index
    %get3A_6 = arith.constant 0 : index
    %get3A_7 = vector.load %arg2[%get3A_4, %get3A_5, %get3A_6] : memref<2x1000x128xf32, #tpu.memory_space<vmem>>, vector<1x1000x128xf32>
    %get3A_8 = vector.shape_cast %get3A_7 : vector<1x1000x128xf32> to vector<1000x128xf32>
    %add3A = arith.addf %get3A_3, %get3A_8 : vector<1000x128xf32>
    %get3A_9 = arith.constant 0 : index
    %get3A_10 = arith.constant 0 : index
    %get3A_11 = arith.constant 0 : index
    %get3A_12 = vector.load %arg1[%get3A_9, %get3A_10, %get3A_11] : memref<2x1000x128xf32, #tpu.memory_space<vmem>>, vector<1x1000x128xf32>
    %get3A_13 = vector.shape_cast %get3A_12 : vector<1x1000x128xf32> to vector<1000x128xf32>
    %get3A_14 = arith.constant 1 : index
    %get3A_15 = arith.constant 0 : index
    %get3A_16 = arith.constant 0 : index
    %get3A_17 = vector.load %arg1[%get3A_14, %get3A_15, %get3A_16] : memref<2x1000x128xf32, #tpu.memory_space<vmem>>, vector<1x1000x128xf32>
    %get3A_18 = vector.shape_cast %get3A_17 : vector<1x1000x128xf32> to vector<1000x128xf32>
    %add3A_19 = arith.addf %get3A_13, %get3A_18 : vector<1000x128xf32>
    %get3A_20 = arith.constant 0 : index
    %get3A_21 = arith.constant 0 : index
    %get3A_22 = vector.load %arg3[%get3A_20, %get3A_21] : memref<128x128xf32, #tpu.memory_space<vmem>>, vector<128x128xf32>
    %dot_general3A = arith.constant dense<0.000000e+00> : vector<1000x128xf32>
    %dot_general3A_23 = tpu.matmul %add3A, %get3A_22, %dot_general3A {dimension_numbers = #tpu.dot_dimension_numbers<[1], [0], [0], [1], [0, 0, 1, 1], [], []>, transpose_lhs_hint = false} : vector<1000x128xf32>, vector<128x128xf32>, vector<1000x128xf32> -> vector<1000x128xf32>
    %add3A_24 = arith.addf %add3A_19, %dot_general3A_23 : vector<1000x128xf32>
    %max3A = arith.constant 0.000000e+00 : f32
    %max3A_25 = vector.broadcast %max3A : f32 to vector<1000x128xf32>
    %max3A_26 = arith.maximumf %add3A_24, %max3A_25 : vector<1000x128xf32>
    %get3A_27 = arith.constant 0 : index
    %get3A_28 = memref.load %arg10[%get3A_27] : memref<6xf32, #tpu.memory_space<smem>>
    %get3A_29 = arith.constant 0 : index
    %get3A_30 = arith.constant 0 : index
    %get3A_31 = vector.load %arg5[%get3A_29, %get3A_30] : memref<1000x128xf32, #tpu.memory_space<vmem>>, vector<1000x128xf32>
    %mul3A = vector.broadcast %get3A_28 : f32 to vector<1000x128xf32>
    %mul3A_32 = arith.mulf %mul3A, %get3A_31 : vector<1000x128xf32>
    %get3A_33 = arith.constant 1 : index
    %get3A_34 = memref.load %arg10[%get3A_33] : memref<6xf32, #tpu.memory_space<smem>>
    %get3A_35 = arith.constant 0 : index
    %get3A_36 = arith.constant 0 : index
    %get3A_37 = vector.load %arg6[%get3A_35, %get3A_36] : memref<1000x128xf32, #tpu.memory_space<vmem>>, vector<1000x128xf32>
    %mul3A_38 = vector.broadcast %get3A_34 : f32 to vector<1000x128xf32>
    %mul3A_39 = arith.mulf %mul3A_38, %get3A_37 : vector<1000x128xf32>
    %add3A_40 = arith.addf %mul3A_32, %mul3A_39 : vector<1000x128xf32>
    %get3A_41 = arith.constant 2 : index
    %get3A_42 = memref.load %arg10[%get3A_41] : memref<6xf32, #tpu.memory_space<smem>>
    %get3A_43 = arith.constant 0 : index
    %get3A_44 = arith.constant 0 : index
    %get3A_45 = vector.load %arg7[%get3A_43, %get3A_44] : memref<1000x128xf32, #tpu.memory_space<vmem>>, vector<1000x128xf32>
    %mul3A_46 = vector.broadcast %get3A_42 : f32 to vector<1000x128xf32>
    %mul3A_47 = arith.mulf %mul3A_46, %get3A_45 : vector<1000x128xf32>
    %add3A_48 = arith.addf %add3A_40, %mul3A_47 : vector<1000x128xf32>
    %get3A_49 = arith.constant 3 : index
    %get3A_50 = memref.load %arg10[%get3A_49] : memref<6xf32, #tpu.memory_space<smem>>
    %get3A_51 = arith.constant 0 : index
    %get3A_52 = arith.constant 0 : index
    %get3A_53 = vector.load %arg8[%get3A_51, %get3A_52] : memref<1000x128xf32, #tpu.memory_space<vmem>>, vector<1000x128xf32>
    %mul3A_54 = vector.broadcast %get3A_50 : f32 to vector<1000x128xf32>
    %mul3A_55 = arith.mulf %mul3A_54, %get3A_53 : vector<1000x128xf32>
    %add3A_56 = arith.addf %add3A_48, %mul3A_55 : vector<1000x128xf32>
    %get3A_57 = arith.constant 4 : index
    %get3A_58 = memref.load %arg10[%get3A_57] : memref<6xf32, #tpu.memory_space<smem>>
    %get3A_59 = arith.constant 0 : index
    %get3A_60 = arith.constant 0 : index
    %get3A_61 = vector.load %arg9[%get3A_59, %get3A_60] : memref<1000x128xf32, #tpu.memory_space<vmem>>, vector<1000x128xf32>
    %mul3A_62 = vector.broadcast %get3A_58 : f32 to vector<1000x128xf32>
    %mul3A_63 = arith.mulf %mul3A_62, %get3A_61 : vector<1000x128xf32>
    %add3A_64 = arith.addf %add3A_56, %mul3A_63 : vector<1000x128xf32>
    %get3A_65 = arith.constant 5 : index
    %get3A_66 = memref.load %arg10[%get3A_65] : memref<6xf32, #tpu.memory_space<smem>>
    %mul3A_67 = vector.broadcast %get3A_66 : f32 to vector<1000x128xf32>
    %mul3A_68 = arith.mulf %mul3A_67, %max3A_26 : vector<1000x128xf32>
    %add3A_69 = arith.addf %add3A_64, %mul3A_68 : vector<1000x128xf32>
    %swap3A = arith.constant 0 : index
    %swap3A_70 = arith.constant 0 : index
    %swap3A_71 = vector.load %arg11[%swap3A, %swap3A_70] : memref<1000x128xf32, #tpu.memory_space<vmem>>, vector<1000x128xf32>
    tpu.vector_store %arg11[%swap3A, %swap3A_70], %add3A_69 {strides = array<i32>} : memref<1000x128xf32, #tpu.memory_space<vmem>>, vector<1000x128xf32>,
    %get3A_72 = arith.constant 0 : index
    %get3A_73 = arith.constant 0 : index
    %get3A_74 = vector.load %arg4[%get3A_72, %get3A_73] : memref<128x128xf32, #tpu.memory_space<vmem>>, vector<128x128xf32>
    %dot_general3A_75 = arith.constant dense<0.000000e+00> : vector<1000x128xf32>
    %dot_general3A_76 = tpu.matmul %add3A_69, %get3A_74, %dot_general3A_75 {dimension_numbers = #tpu.dot_dimension_numbers<[1], [0], [0], [1], [0, 0, 1, 1], [], []>, transpose_lhs_hint = false} : vector<1000x128xf32>, vector<128x128xf32>, vector<1000x128xf32> -> vector<1000x128xf32>
    %swap3A_77 = arith.constant 0 : index
    %swap3A_78 = arith.constant 0 : index
    %swap3A_79 = vector.load %arg12[%swap3A_77, %swap3A_78] : memref<1000x128xf32, #tpu.memory_space<vmem>>, vector<1000x128xf32>
    tpu.vector_store %arg12[%swap3A_77, %swap3A_78], %dot_general3A_76 {strides = array<i32>} : memref<1000x128xf32, #tpu.memory_space<vmem>>, vector<1000x128xf32>,
    return
  }
  func.func @transform_0(%arg0: i32) -> (i32, i32, i32) {
    %c0_i32 = arith.constant 0 : i32
    %c0_i32_0 = arith.constant 0 : i32
    %c0_i32_1 = arith.constant 0 : i32
    return %c0_i32, %arg0, %c0_i32_0 : i32, i32, i32
  }
  func.func @transform_1(%arg0: i32) -> (i32, i32, i32) {
    %c0_i32 = arith.constant 0 : i32
    %c0_i32_0 = arith.constant 0 : i32
    %c0_i32_1 = arith.constant 0 : i32
    return %c0_i32, %arg0, %c0_i32_0 : i32, i32, i32
  }
  func.func @transform_2(%arg0: i32) -> (i32, i32) {
    %c0_i32 = arith.constant 0 : i32
    %c0_i32_0 = arith.constant 0 : i32
    %c0_i32_1 = arith.constant 0 : i32
    return %c0_i32, %c0_i32_0 : i32, i32
  }
  func.func @transform_3(%arg0: i32) -> (i32, i32) {
    %c0_i32 = arith.constant 0 : i32
    %c0_i32_0 = arith.constant 0 : i32
    %c0_i32_1 = arith.constant 0 : i32
    return %c0_i32, %c0_i32_0 : i32, i32
  }
  func.func @transform_4(%arg0: i32) -> (i32, i32) {
    %c0_i32 = arith.constant 0 : i32
    %c0_i32_0 = arith.constant 0 : i32
    return %arg0, %c0_i32 : i32, i32
  }
  func.func @transform_5(%arg0: i32) -> (i32, i32) {
    %c0_i32 = arith.constant 0 : i32
    %c0_i32_0 = arith.constant 0 : i32
    return %arg0, %c0_i32 : i32, i32
  }
  func.func @transform_6(%arg0: i32) -> (i32, i32) {
    %c0_i32 = arith.constant 0 : i32
    %c0_i32_0 = arith.constant 0 : i32
    return %arg0, %c0_i32 : i32, i32
  }
  func.func @transform_7(%arg0: i32) -> (i32, i32) {
    %c0_i32 = arith.constant 0 : i32
    %c0_i32_0 = arith.constant 0 : i32
    return %arg0, %c0_i32 : i32, i32
  }
  func.func @transform_8(%arg0: i32) -> (i32, i32) {
    %c0_i32 = arith.constant 0 : i32
    %c0_i32_0 = arith.constant 0 : i32
    return %arg0, %c0_i32 : i32, i32
  }
  func.func @transform_9(%arg0: i32) -> i32 {
    %c0_i32 = arith.constant 0 : i32
    %c0_i32_0 = arith.constant 0 : i32
    return %c0_i32 : i32
  }
  func.func @transform_10(%arg0: i32) -> (i32, i32) {
    %c0_i32 = arith.constant 0 : i32
    %c0_i32_0 = arith.constant 0 : i32
    return %arg0, %c0_i32 : i32, i32
  }
  func.func @transform_11(%arg0: i32) -> (i32, i32) {
    %c0_i32 = arith.constant 0 : i32
    %c0_i32_0 = arith.constant 0 : i32
    return %arg0, %c0_i32 : i32, i32
  }
}

module attributes {stable_mosaic.version = 14 : i64} {
  func.func @body(%arg0: i32, %arg1: memref<2x1000x128xf32, #tpu.memory_space<vmem>>, %arg2: memref<2x1000x128xf32, #tpu.memory_space<vmem>>, %arg3: memref<128x128xf32, #tpu.memory_space<vmem>>, %arg4: memref<128x128xf32, #tpu.memory_space<vmem>>, %arg5: memref<1000x128xf32, #tpu.memory_space<vmem>>, %arg6: memref<1000x128xf32, #tpu.memory_space<vmem>>, %arg7: memref<1000x128xf32, #tpu.memory_space<vmem>>, %arg8: memref<1000x128xf32, #tpu.memory_space<vmem>>, %arg9: memref<1000x128xf32, #tpu.memory_space<vmem>>, %arg10: memref<1000x128xf32, #tpu.memory_space<vmem>>, %arg11: memref<7xf32, #tpu.memory_space<smem>>, %arg12: memref<1000x128xf32, #tpu.memory_space<vmem>>, %arg13: memref<1000x128xf32, #tpu.memory_space<vmem>>) attributes {dimension_semantics = [#tpu.dimension_semantics<arbitrary>], iteration_bounds = array<i64: 10>, scalar_prefetch = 0 : i64, scratch_operands = 0 : i64, tpu.core_type = #tpu.core_type<tc>, window_params = [{transform_indices = @transform_0, window_bounds = array<i64: 2, 1000, 128>}, {transform_indices = @transform_1, window_bounds = array<i64: 2, 1000, 128>}, {pipeline_mode = #tpu.pipeline_mode<synchronous>, transform_indices = @transform_2, window_bounds = array<i64: 128, 128>}, {pipeline_mode = #tpu.pipeline_mode<synchronous>, transform_indices = @transform_3, window_bounds = array<i64: 128, 128>}, {transform_indices = @transform_4, window_bounds = array<i64: 1000, 128>}, {transform_indices = @transform_5, window_bounds = array<i64: 1000, 128>}, {transform_indices = @transform_6, window_bounds = array<i64: 1000, 128>}, {transform_indices = @transform_7, window_bounds = array<i64: 1000, 128>}, {transform_indices = @transform_8, window_bounds = array<i64: 1000, 128>}, {transform_indices = @transform_9, window_bounds = array<i64: 1000, 128>}, {transform_indices = @transform_10, window_bounds = array<i64: 7>}, {transform_indices = @transform_11, window_bounds = array<i64: 1000, 128>}, {transform_indices = @transform_12, window_bounds = array<i64: 1000, 128>}]} {
    %get3A = arith.constant 0 : index
    %get3A_0 = arith.constant 0 : index
    %get3A_1 = arith.constant 0 : index
    %get3A_2 = vector.load %arg2[%get3A, %get3A_0, %get3A_1] : memref<2x1000x128xf32, #tpu.memory_space<vmem>>, vector<1x1000x128xf32>
    %get3A_3 = vector.shape_cast %get3A_2 : vector<1x1000x128xf32> to vector<1000x128xf32>
    %get3A_4 = arith.constant 1 : index
    %get3A_5 = arith.constant 0 : index
    %get3A_6 = arith.constant 0 : index
    %get3A_7 = vector.load %arg2[%get3A_4, %get3A_5, %get3A_6] : memref<2x1000x128xf32, #tpu.memory_space<vmem>>, vector<1x1000x128xf32>
    %get3A_8 = vector.shape_cast %get3A_7 : vector<1x1000x128xf32> to vector<1000x128xf32>
    %add3A = arith.addf %get3A_3, %get3A_8 : vector<1000x128xf32>
    %get3A_9 = arith.constant 0 : index
    %get3A_10 = arith.constant 0 : index
    %get3A_11 = arith.constant 0 : index
    %get3A_12 = vector.load %arg1[%get3A_9, %get3A_10, %get3A_11] : memref<2x1000x128xf32, #tpu.memory_space<vmem>>, vector<1x1000x128xf32>
    %get3A_13 = vector.shape_cast %get3A_12 : vector<1x1000x128xf32> to vector<1000x128xf32>
    %get3A_14 = arith.constant 1 : index
    %get3A_15 = arith.constant 0 : index
    %get3A_16 = arith.constant 0 : index
    %get3A_17 = vector.load %arg1[%get3A_14, %get3A_15, %get3A_16] : memref<2x1000x128xf32, #tpu.memory_space<vmem>>, vector<1x1000x128xf32>
    %get3A_18 = vector.shape_cast %get3A_17 : vector<1x1000x128xf32> to vector<1000x128xf32>
    %add3A_19 = arith.addf %get3A_13, %get3A_18 : vector<1000x128xf32>
    %get3A_20 = arith.constant 0 : index
    %get3A_21 = arith.constant 0 : index
    %get3A_22 = vector.load %arg3[%get3A_20, %get3A_21] : memref<128x128xf32, #tpu.memory_space<vmem>>, vector<128x128xf32>
    %dot_general3A = arith.constant dense<0.000000e+00> : vector<1000x128xf32>
    %dot_general3A_23 = tpu.matmul %add3A, %get3A_22, %dot_general3A {dimension_numbers = #tpu.dot_dimension_numbers<[1], [0], [0], [1], [0, 0, 1, 1], [], []>, transpose_lhs_hint = false} : vector<1000x128xf32>, vector<128x128xf32>, vector<1000x128xf32> -> vector<1000x128xf32>
    %add3A_24 = arith.addf %add3A_19, %dot_general3A_23 : vector<1000x128xf32>
    %max3A = arith.constant 0.000000e+00 : f32
    %max3A_25 = vector.broadcast %max3A : f32 to vector<1000x128xf32>
    %max3A_26 = arith.maximumf %add3A_24, %max3A_25 : vector<1000x128xf32>
    %get3A_27 = arith.constant 0 : index
    %get3A_28 = memref.load %arg11[%get3A_27] : memref<7xf32, #tpu.memory_space<smem>>
    %get3A_29 = arith.constant 0 : index
    %get3A_30 = arith.constant 0 : index
    %get3A_31 = vector.load %arg5[%get3A_29, %get3A_30] : memref<1000x128xf32, #tpu.memory_space<vmem>>, vector<1000x128xf32>
    %mul3A = vector.broadcast %get3A_28 : f32 to vector<1000x128xf32>
    %mul3A_32 = arith.mulf %mul3A, %get3A_31 : vector<1000x128xf32>
    %get3A_33 = arith.constant 1 : index
    %get3A_34 = memref.load %arg11[%get3A_33] : memref<7xf32, #tpu.memory_space<smem>>
    %get3A_35 = arith.constant 0 : index
    %get3A_36 = arith.constant 0 : index
    %get3A_37 = vector.load %arg6[%get3A_35, %get3A_36] : memref<1000x128xf32, #tpu.memory_space<vmem>>, vector<1000x128xf32>
    %mul3A_38 = vector.broadcast %get3A_34 : f32 to vector<1000x128xf32>
    %mul3A_39 = arith.mulf %mul3A_38, %get3A_37 : vector<1000x128xf32>
    %add3A_40 = arith.addf %mul3A_32, %mul3A_39 : vector<1000x128xf32>
    %get3A_41 = arith.constant 2 : index
    %get3A_42 = memref.load %arg11[%get3A_41] : memref<7xf32, #tpu.memory_space<smem>>
    %get3A_43 = arith.constant 0 : index
    %get3A_44 = arith.constant 0 : index
    %get3A_45 = vector.load %arg7[%get3A_43, %get3A_44] : memref<1000x128xf32, #tpu.memory_space<vmem>>, vector<1000x128xf32>
    %mul3A_46 = vector.broadcast %get3A_42 : f32 to vector<1000x128xf32>
    %mul3A_47 = arith.mulf %mul3A_46, %get3A_45 : vector<1000x128xf32>
    %add3A_48 = arith.addf %add3A_40, %mul3A_47 : vector<1000x128xf32>
    %get3A_49 = arith.constant 3 : index
    %get3A_50 = memref.load %arg11[%get3A_49] : memref<7xf32, #tpu.memory_space<smem>>
    %get3A_51 = arith.constant 0 : index
    %get3A_52 = arith.constant 0 : index
    %get3A_53 = vector.load %arg8[%get3A_51, %get3A_52] : memref<1000x128xf32, #tpu.memory_space<vmem>>, vector<1000x128xf32>
    %mul3A_54 = vector.broadcast %get3A_50 : f32 to vector<1000x128xf32>
    %mul3A_55 = arith.mulf %mul3A_54, %get3A_53 : vector<1000x128xf32>
    %add3A_56 = arith.addf %add3A_48, %mul3A_55 : vector<1000x128xf32>
    %get3A_57 = arith.constant 4 : index
    %get3A_58 = memref.load %arg11[%get3A_57] : memref<7xf32, #tpu.memory_space<smem>>
    %get3A_59 = arith.constant 0 : index
    %get3A_60 = arith.constant 0 : index
    %get3A_61 = vector.load %arg9[%get3A_59, %get3A_60] : memref<1000x128xf32, #tpu.memory_space<vmem>>, vector<1000x128xf32>
    %mul3A_62 = vector.broadcast %get3A_58 : f32 to vector<1000x128xf32>
    %mul3A_63 = arith.mulf %mul3A_62, %get3A_61 : vector<1000x128xf32>
    %add3A_64 = arith.addf %add3A_56, %mul3A_63 : vector<1000x128xf32>
    %get3A_65 = arith.constant 5 : index
    %get3A_66 = memref.load %arg11[%get3A_65] : memref<7xf32, #tpu.memory_space<smem>>
    %get3A_67 = arith.constant 0 : index
    %get3A_68 = arith.constant 0 : index
    %get3A_69 = vector.load %arg10[%get3A_67, %get3A_68] : memref<1000x128xf32, #tpu.memory_space<vmem>>, vector<1000x128xf32>
    %mul3A_70 = vector.broadcast %get3A_66 : f32 to vector<1000x128xf32>
    %mul3A_71 = arith.mulf %mul3A_70, %get3A_69 : vector<1000x128xf32>
    %add3A_72 = arith.addf %add3A_64, %mul3A_71 : vector<1000x128xf32>
    %get3A_73 = arith.constant 6 : index
    %get3A_74 = memref.load %arg11[%get3A_73] : memref<7xf32, #tpu.memory_space<smem>>
    %mul3A_75 = vector.broadcast %get3A_74 : f32 to vector<1000x128xf32>
    %mul3A_76 = arith.mulf %mul3A_75, %max3A_26 : vector<1000x128xf32>
    %add3A_77 = arith.addf %add3A_72, %mul3A_76 : vector<1000x128xf32>
    %swap3A = arith.constant 0 : index
    %swap3A_78 = arith.constant 0 : index
    %swap3A_79 = vector.load %arg12[%swap3A, %swap3A_78] : memref<1000x128xf32, #tpu.memory_space<vmem>>, vector<1000x128xf32>
    tpu.vector_store %arg12[%swap3A, %swap3A_78], %add3A_77 {strides = array<i32>} : memref<1000x128xf32, #tpu.memory_space<vmem>>, vector<1000x128xf32>,
    %get3A_80 = arith.constant 0 : index
    %get3A_81 = arith.constant 0 : index
    %get3A_82 = vector.load %arg4[%get3A_80, %get3A_81] : memref<128x128xf32, #tpu.memory_space<vmem>>, vector<128x128xf32>
    %dot_general3A_83 = arith.constant dense<0.000000e+00> : vector<1000x128xf32>
    %dot_general3A_84 = tpu.matmul %add3A_77, %get3A_82, %dot_general3A_83 {dimension_numbers = #tpu.dot_dimension_numbers<[1], [0], [0], [1], [0, 0, 1, 1], [], []>, transpose_lhs_hint = false} : vector<1000x128xf32>, vector<128x128xf32>, vector<1000x128xf32> -> vector<1000x128xf32>
    %swap3A_85 = arith.constant 0 : index
    %swap3A_86 = arith.constant 0 : index
    %swap3A_87 = vector.load %arg13[%swap3A_85, %swap3A_86] : memref<1000x128xf32, #tpu.memory_space<vmem>>, vector<1000x128xf32>
    tpu.vector_store %arg13[%swap3A_85, %swap3A_86], %dot_general3A_84 {strides = array<i32>} : memref<1000x128xf32, #tpu.memory_space<vmem>>, vector<1000x128xf32>,
    return
  }
  func.func @transform_0(%arg0: i32) -> (i32, i32, i32) {
    %c0_i32 = arith.constant 0 : i32
    %c0_i32_0 = arith.constant 0 : i32
    %c0_i32_1 = arith.constant 0 : i32
    return %c0_i32, %arg0, %c0_i32_0 : i32, i32, i32
  }
  func.func @transform_1(%arg0: i32) -> (i32, i32, i32) {
    %c0_i32 = arith.constant 0 : i32
    %c0_i32_0 = arith.constant 0 : i32
    %c0_i32_1 = arith.constant 0 : i32
    return %c0_i32, %arg0, %c0_i32_0 : i32, i32, i32
  }
  func.func @transform_2(%arg0: i32) -> (i32, i32) {
    %c0_i32 = arith.constant 0 : i32
    %c0_i32_0 = arith.constant 0 : i32
    %c0_i32_1 = arith.constant 0 : i32
    return %c0_i32, %c0_i32_0 : i32, i32
  }
  func.func @transform_3(%arg0: i32) -> (i32, i32) {
    %c0_i32 = arith.constant 0 : i32
    %c0_i32_0 = arith.constant 0 : i32
    %c0_i32_1 = arith.constant 0 : i32
    return %c0_i32, %c0_i32_0 : i32, i32
  }
  func.func @transform_4(%arg0: i32) -> (i32, i32) {
    %c0_i32 = arith.constant 0 : i32
    %c0_i32_0 = arith.constant 0 : i32
    return %arg0, %c0_i32 : i32, i32
  }
  func.func @transform_5(%arg0: i32) -> (i32, i32) {
    %c0_i32 = arith.constant 0 : i32
    %c0_i32_0 = arith.constant 0 : i32
    return %arg0, %c0_i32 : i32, i32
  }
  func.func @transform_6(%arg0: i32) -> (i32, i32) {
    %c0_i32 = arith.constant 0 : i32
    %c0_i32_0 = arith.constant 0 : i32
    return %arg0, %c0_i32 : i32, i32
  }
  func.func @transform_7(%arg0: i32) -> (i32, i32) {
    %c0_i32 = arith.constant 0 : i32
    %c0_i32_0 = arith.constant 0 : i32
    return %arg0, %c0_i32 : i32, i32
  }
  func.func @transform_8(%arg0: i32) -> (i32, i32) {
    %c0_i32 = arith.constant 0 : i32
    %c0_i32_0 = arith.constant 0 : i32
    return %arg0, %c0_i32 : i32, i32
  }
  func.func @transform_9(%arg0: i32) -> (i32, i32) {
    %c0_i32 = arith.constant 0 : i32
    %c0_i32_0 = arith.constant 0 : i32
    return %arg0, %c0_i32 : i32, i32
  }
  func.func @transform_10(%arg0: i32) -> i32 {
    %c0_i32 = arith.constant 0 : i32
    %c0_i32_0 = arith.constant 0 : i32
    return %c0_i32 : i32
  }
  func.func @transform_11(%arg0: i32) -> (i32, i32) {
    %c0_i32 = arith.constant 0 : i32
    %c0_i32_0 = arith.constant 0 : i32
    return %arg0, %c0_i32 : i32, i32
  }
  func.func @transform_12(%arg0: i32) -> (i32, i32) {
    %c0_i32 = arith.constant 0 : i32
    %c0_i32_0 = arith.constant 0 : i32
    return %arg0, %c0_i32 : i32, i32
  }
}

module attributes {stable_mosaic.version = 14 : i64} {
  func.func @body(%arg0: i32, %arg1: memref<2x1000x128xf32, #tpu.memory_space<vmem>>, %arg2: memref<2x1000x128xf32, #tpu.memory_space<vmem>>, %arg3: memref<128x128xf32, #tpu.memory_space<vmem>>, %arg4: memref<1000x128xf32, #tpu.memory_space<vmem>>) attributes {dimension_semantics = [#tpu.dimension_semantics<arbitrary>], iteration_bounds = array<i64: 10>, scalar_prefetch = 0 : i64, scratch_operands = 0 : i64, tpu.core_type = #tpu.core_type<tc>, window_params = [{transform_indices = @transform_0, window_bounds = array<i64: 2, 1000, 128>}, {transform_indices = @transform_1, window_bounds = array<i64: 2, 1000, 128>}, {pipeline_mode = #tpu.pipeline_mode<synchronous>, transform_indices = @transform_2, window_bounds = array<i64: 128, 128>}, {transform_indices = @transform_3, window_bounds = array<i64: 1000, 128>}]} {
    %get3A = arith.constant 0 : index
    %get3A_0 = arith.constant 0 : index
    %get3A_1 = arith.constant 0 : index
    %get3A_2 = vector.load %arg2[%get3A, %get3A_0, %get3A_1] : memref<2x1000x128xf32, #tpu.memory_space<vmem>>, vector<1x1000x128xf32>
    %get3A_3 = vector.shape_cast %get3A_2 : vector<1x1000x128xf32> to vector<1000x128xf32>
    %get3A_4 = arith.constant 1 : index
    %get3A_5 = arith.constant 0 : index
    %get3A_6 = arith.constant 0 : index
    %get3A_7 = vector.load %arg2[%get3A_4, %get3A_5, %get3A_6] : memref<2x1000x128xf32, #tpu.memory_space<vmem>>, vector<1x1000x128xf32>
    %get3A_8 = vector.shape_cast %get3A_7 : vector<1x1000x128xf32> to vector<1000x128xf32>
    %add3A = arith.addf %get3A_3, %get3A_8 : vector<1000x128xf32>
    %get3A_9 = arith.constant 0 : index
    %get3A_10 = arith.constant 0 : index
    %get3A_11 = arith.constant 0 : index
    %get3A_12 = vector.load %arg1[%get3A_9, %get3A_10, %get3A_11] : memref<2x1000x128xf32, #tpu.memory_space<vmem>>, vector<1x1000x128xf32>
    %get3A_13 = vector.shape_cast %get3A_12 : vector<1x1000x128xf32> to vector<1000x128xf32>
    %get3A_14 = arith.constant 1 : index
    %get3A_15 = arith.constant 0 : index
    %get3A_16 = arith.constant 0 : index
    %get3A_17 = vector.load %arg1[%get3A_14, %get3A_15, %get3A_16] : memref<2x1000x128xf32, #tpu.memory_space<vmem>>, vector<1x1000x128xf32>
    %get3A_18 = vector.shape_cast %get3A_17 : vector<1x1000x128xf32> to vector<1000x128xf32>
    %add3A_19 = arith.addf %get3A_13, %get3A_18 : vector<1000x128xf32>
    %get3A_20 = arith.constant 0 : index
    %get3A_21 = arith.constant 0 : index
    %get3A_22 = vector.load %arg3[%get3A_20, %get3A_21] : memref<128x128xf32, #tpu.memory_space<vmem>>, vector<128x128xf32>
    %dot_general3A = arith.constant dense<0.000000e+00> : vector<1000x128xf32>
    %dot_general3A_23 = tpu.matmul %add3A, %get3A_22, %dot_general3A {dimension_numbers = #tpu.dot_dimension_numbers<[1], [0], [0], [1], [0, 0, 1, 1], [], []>, transpose_lhs_hint = false} : vector<1000x128xf32>, vector<128x128xf32>, vector<1000x128xf32> -> vector<1000x128xf32>
    %add3A_24 = arith.addf %add3A_19, %dot_general3A_23 : vector<1000x128xf32>
    %max3A = arith.constant 0.000000e+00 : f32
    %max3A_25 = vector.broadcast %max3A : f32 to vector<1000x128xf32>
    %max3A_26 = arith.maximumf %add3A_24, %max3A_25 : vector<1000x128xf32>
    %swap3A = arith.constant 0 : index
    %swap3A_27 = arith.constant 0 : index
    %swap3A_28 = vector.load %arg4[%swap3A, %swap3A_27] : memref<1000x128xf32, #tpu.memory_space<vmem>>, vector<1000x128xf32>
    tpu.vector_store %arg4[%swap3A, %swap3A_27], %max3A_26 {strides = array<i32>} : memref<1000x128xf32, #tpu.memory_space<vmem>>, vector<1000x128xf32>,
    return
  }
  func.func @transform_0(%arg0: i32) -> (i32, i32, i32) {
    %c0_i32 = arith.constant 0 : i32
    %c0_i32_0 = arith.constant 0 : i32
    %c0_i32_1 = arith.constant 0 : i32
    return %c0_i32, %arg0, %c0_i32_0 : i32, i32, i32
  }
  func.func @transform_1(%arg0: i32) -> (i32, i32, i32) {
    %c0_i32 = arith.constant 0 : i32
    %c0_i32_0 = arith.constant 0 : i32
    %c0_i32_1 = arith.constant 0 : i32
    return %c0_i32, %arg0, %c0_i32_0 : i32, i32, i32
  }
  func.func @transform_2(%arg0: i32) -> (i32, i32) {
    %c0_i32 = arith.constant 0 : i32
    %c0_i32_0 = arith.constant 0 : i32
    %c0_i32_1 = arith.constant 0 : i32
    return %c0_i32, %c0_i32_0 : i32, i32
  }
  func.func @transform_3(%arg0: i32) -> (i32, i32) {
    %c0_i32 = arith.constant 0 : i32
    %c0_i32_0 = arith.constant 0 : i32
    return %arg0, %c0_i32 : i32, i32
  }
}

</mosaic_0001>

<sc_bundles>
// kernel: kernel.20.cloned.1.call-start
scs
__scs_entry_jumppad:
0x0: {  	(pc) =	sbr.rel $0x88, $3  }
0x1: {  	(tag) =	ssettag $0x0;
	lr =	simm.s32 $0x1  }
0x2: {  	[smem:$0x3F67] =	sst lr;
	_ =	strace $0xD0000000  }
0x3: {  	_ = 	snop  }
0x4: {  	_ = 	snop  }
0x5: {  	_ = 	snop  }
0x6: {  	_ = 	snop  }
0x7: {  	_ = 	snop  }
__scs_overlays_trampoline_lowered:
0x8: {  	[smem:$0x3F76] =	sst s0  }
0x9: {  	[smem:$0x3F77] =	sst s1  }
0xa: {  	[smem:$0x3F78] =	sst s2  }
0xb: {  	[smem:$0x3F79] =	sst s3  }
0xc: {  	[smem:$0x3F7A] =	sst s4  }
0xd: {  	[smem:$0x3F7B] =	sst s5  }
0xe: {  	[smem:$0x3F7C] =	sst s6  }
0xf: {  	[smem:$0x3F7D] =	sst s7  }
0x10: {  	[smem:$0x3F7E] =	sst s8  }
0x11: {  	[smem:$0x3F7F] =	sst s9;
	s0 =	simm.s32 @!p0 $0x0  }
0x12: {  	s1 =	sld [smem:$0x3F65];
	s0 =	simm.s32 @p0 $0x1  }
0x13: {  	[smem:$0x3F80] =	sst s0;
	s0 =	simm.s32 @!p1 $0x0  }
0x14: {  	s2 =	sld [smem:$0x3F64];
	s0 =	simm.s32 @p1 $0x1  }
0x15: {  	[smem:$0x3F81] =	sst s0;
	s0 =	simm.s32 @!p2 $0x0  }
0x16: {  	s3 =	sld [smem:$0x3FDB];
	s0 =	simm.s32 @p2 $0x1  }
0x17: {  	s4 =	simm.s32 $0x1BF5;
	[smem:$0x3F83] =	sst s0  }
0x18: {  	s0 =	sld [smem:$0x3F66];
	_ =	swait.ge [sflag:s4], $0x0  }
0x19: {  	s7 =	sld [smem:$0x3F67]  }
0x1a: {  	s8 =	sadd.s32 $0xFFFFE003, lr  }
0x1b: {  	s9 =	sadd.s32 $0xFFFFFEF7, lr;
	s5 =	simm.s32 $0xFFFFFFFF;
	p2 =	slt.u32 s8, $0xFFFFF086  }
0x1c: {  	p1 =	slt.u32 s9, $0xF7A;
	s5 =	simm.s32 @!p2 $0x0  }
0x1d: {  	s5 =	simm.s32 @p1 $0x1;
	p0 =	seq.s32 s7, s2  }
0x1e: {  	s7 =	smul.u32 @!p0 $0xF7A, s2;
	p2 =	seq.s32 @!p0 s5, $0x0  }
0x1f: {  	s9 =	smul.u32 $0xF7A, s1;
	s8 =	simm.s32 @!p0 $0x1BF5;
	p2 =	por !p2, p0  }
0x20: {  	[sflag:s8] =	ssyncset.s32 @!p0 $0xFFFFF086;
	s6 =	sadd.s32 @!p0 s3, s7;
	s7 =	simm.s32 @!p0 $0x108  }
0x21: {  	s3 =	sadd.s32 s3, s9;
	s6 =	sadd.s32 @!p0 $0x88, s6;
	s7 =	simm.s32 @p2 $0x1082  }
0x22: {  	[simem:s7], [sflag:s8] =	dma.local @!p0 [hbm:s6], $0xF7A  }
0x23: {  	s9 =	sor.u32 $0xD0000000, s2;
	s6 =	simm.s32 $0x108;
	_ =	swait.ge @!p0 [sflag:s8], $0x0  }
0x24: {  	s3 =	sadd.s32 $0x88, s3;
	s6 =	simm.s32 @!p1 $0x1082;
	[sflag:s4] =	ssyncset.s32 $0xFFFFF086  }
0x25: {  	[simem:s6], [sflag:s4] =	dma.local [hbm:s3], $0xF7A  }
0x26: {  	[smem:$0x3F67] =	sst s1;
	(tag) =	ssettag s2;
	_ =	strace s9  }
0x27: {  	s1 =	sld [smem:$0x3F77]  }
0x28: {  	s2 =	sld [smem:$0x3F78]  }
0x29: {  	s4 =	sld [smem:$0x3F7A]  }
0x2a: {  	p0 =	seq.s32 s5, $0x0;
	s5 =	sld [smem:$0x3F7B]  }
0x2b: {  	s6 =	sld [smem:$0x3F7C]  }
0x2c: {  	s7 =	sld [smem:$0x3F7D]  }
0x2d: {  	s3 =	simm.s32 $0x108;
	s8 =	sld [smem:$0x3F7E]  }
0x2e: {  	s3 =	simm.s32 @!p0 $0x1082;
	s9 =	sld [smem:$0x3F7F]  }
0x2f: {  	lr =	sadd.s32 s0, s3;
	s0 =	sld [smem:$0x3F76]  }
0x30: {  	s3 =	sld [smem:$0x3F79]  }
0x31: {  	[smem:$0x3F82] =	sst s10  }
0x32: {  	s10 =	sld [smem:$0x3F80];
	_ =	sdelay $0x3  }
0x33: {  	p0 =	seq.s32 s10, $0x1;
	s10 =	sld [smem:$0x3F82];
	_ =	sdelay $0x3  }
0x34: {  	[smem:$0x3F82] =	sst s10  }
0x35: {  	s10 =	sld [smem:$0x3F81];
	_ =	sdelay $0x3  }
0x36: {  	p1 =	seq.s32 s10, $0x1;
	s10 =	sld [smem:$0x3F82];
	_ =	sdelay $0x3  }
0x37: {  	[smem:$0x3F82] =	sst s10  }
0x38: {  	s10 =	sld [smem:$0x3F83]  }
0x39: {  	_ = 	snop;
	(pc) =	sbr.ind lr, $3  }
0x3a: {  	_ = 	snop  }
0x3b: {  	_ = 	snop  }
0x3c: {  	p2 =	seq.s32 s10, $0x1;
	s10 =	sld [smem:$0x3F82]  }
0x3d: {  	_ =	shalt  }
0x3e: {  	_ =	shalt  }
0x3f: {  	_ =	shalt  }
0x40: {  	_ =	shalt  }
0x41: {  	_ =	shalt  }
0x42: {  	_ =	shalt  }
0x43: {  	_ =	shalt  }
0x44: {  	_ =	shalt  }
0x45: {  	_ =	shalt  }
0x46: {  	_ =	shalt  }
0x47: {  	_ =	shalt  }
0x48: {  	_ =	shalt  }
0x49: {  	_ =	shalt  }
0x4a: {  	_ =	shalt  }
0x4b: {  	_ =	shalt  }
0x4c: {  	_ =	shalt  }
0x4d: {  	_ =	shalt  }
0x4e: {  	_ =	shalt  }
0x4f: {  	_ =	shalt  }
0x50: {  	_ =	shalt  }
0x51: {  	_ =	shalt  }
0x52: {  	_ =	shalt  }
0x53: {  	_ =	shalt  }
0x54: {  	_ =	shalt  }
0x55: {  	_ =	shalt  }
0x56: {  	_ =	shalt  }
0x57: {  	_ =	shalt  }
0x58: {  	_ =	shalt  }
0x59: {  	_ =	shalt  }
0x5a: {  	_ =	shalt  }
0x5b: {  	_ =	shalt  }
0x5c: {  	_ =	shalt  }
0x5d: {  	_ =	shalt  }
0x5e: {  	_ =	shalt  }
0x5f: {  	_ =	shalt  }
0x60: {  	_ =	shalt  }
0x61: {  	_ =	shalt  }
0x62: {  	_ =	shalt  }
0x63: {  	_ =	shalt  }
0x64: {  	_ =	shalt  }
0x65: {  	_ =	shalt  }
0x66: {  	_ =	shalt  }
0x67: {  	_ =	shalt  }
0x68: {  	_ =	shalt  }
0x69: {  	_ =	shalt  }
0x6a: {  	_ =	shalt  }
0x6b: {  	_ =	shalt  }
0x6c: {  	_ =	shalt  }
0x6d: {  	_ =	shalt  }
0x6e: {  	_ =	shalt  }
0x6f: {  	_ =	shalt  }
0x70: {  	_ =	shalt  }
0x71: {  	_ =	shalt  }
0x72: {  	_ =	shalt  }
0x73: {  	_ =	shalt  }
0x74: {  	_ =	shalt  }
0x75: {  	_ =	shalt  }
0x76: {  	_ =	shalt  }
0x77: {  	_ =	shalt  }
0x78: {  	_ =	shalt  }
0x79: {  	_ =	shalt  }
0x7a: {  	_ =	shalt  }
0x7b: {  	_ =	shalt  }
0x7c: {  	_ =	shalt  }
0x7d: {  	_ =	shalt  }
0x7e: {  	_ =	shalt  }
0x7f: {  	_ =	shalt  }
0x80: {  	_ =	shalt  }
0x81: {  	_ =	shalt  }
0x82: {  	_ =	shalt  }
0x83: {  	_ =	shalt  }
0x84: {  	_ =	shalt  }
0x85: {  	_ =	shalt  }
0x86: {  	_ =	shalt  }
0x87: {  	_ =	shalt  }
.Lfunc_end0:
.L_simem_size_0:
called_computation_lowered:
.L_overlay_start_0:
0x88: {  	s2 =	sld [smem:$0x3FD9]  }
0x89: {  	s3 =	sld [smem:$0x3FFE];
	_ =	sdelay $0x1  }
0x8a: {  	s1 =	srdreg.scid  }
0x8b: {  	s0 =	sand.u32 $0x1, s1  }
0x8c: {  	s16 =	sshll.u32 s0, $0xA;
	s2 =	sadd.s32 s3, s2  }
0x8d: {  	s2 =	sadd.s32 s2, s16  }
0x8e: {  	[smem:$0x3F8E] =	sst s2  }
0x8f: {  	_ = 	snop  }
0x90: {  	(tm) =	ssettm $0x1  }
0x91: {  	s17 =	sld [smem:$0x3FFB];
	_ =	sdelay $0x3  }
0x92: {  	_ =	strace s17  }
0x93: {  	s2 =	sld [smem:$0x3FFC];
	_ =	sdelay $0x3  }
0x94: {  	_ =	strace s2  }
0x95: {  	s2 =	sld [smem:$0x3FFD];
	_ =	sdelay $0x3  }
0x96: {  	_ =	strace s2  }
0x97: {  	_ =	strace $0x8FFFFFFF  }
0x98: {  	s18 =	sld [smem:$0x3FDB];
	_ =	sdelay $0x1  }
0x99: {  	s19 =	simm.s32 $_scs_section_size  }
0x9a: {  	s4 =	simm.s32 $_size__tile_overlayer_lowered;
	s5 =	simm.s32 $_tile_overlayer_lowered  }
0x9b: {  	s22 =	simm.s32 $0x1BFF;
	s21 =	sshll.u32 s5, $0x1;
	s2 =	sadd.s32 s19, s18  }
0x9c: {  	s6 =	simm.s32 $0x0;
	s20 =	sshll.u32 s4, $0x1;
	s4 =	sadd.s32 s21, s2  }
0x9d: {  	[timem:s6], [sflag:s22] =	dma.local [hbm:s4], s20  }
0x9e: {  	_ =	swait.ge [sflag:s22], s20  }
0x9f: {  	s3 =	ssub.s32 $0x0, s20;
	[sflag:s22] =	ssyncset.done $0x0  }
0xa0: {  	[sflag:s22] =	ssyncadd.s32 s3;
	_ =	sdelay $0x1  }
0xa1: {  	s23 =	simm.s32 $0x1B8B  }
0xa2: {  	_ =	swait.ge [sflag:s23], $0x1  }
0xa3: {  	[sflag:s23] =	ssyncset.done $0x0  }
0xa4: {  	s25 =	simm.s32 $0x1B8E;
	s24 =	sld [smem:$0x3FFE];
	[sflag:s23] =	ssyncadd.s32 $0xFFFFFFFF  }
0xa5: {  	s26 =	simm.s32 $execute0_lowered;
	[smem:$0x3FD2] =	sst s25  }
0xa6: {  	s4 =	sshll.u32 s26, $0x1;
	_ =	strace $0x80000046;
	[dreg:$0x1] =	wrdreg $0xFFFFFFFF  }
0xa7: {  	s28 =	simm.s32 $_size_execute0_lowered;
	s2 =	sadd.s32 s2, s4;
	[dreg:$0x0] =	wrdreg $0x0  }
0xa8: {  	s4 =	sshll.u32 s28, $0x1;
	[dreg:$0x2] =	wrdreg s2  }
0xa9: {  	[dreg:$0x3] =	wrdreg s4  }
0xaa: {  	[dreg:$0x4] =	wrdreg $0xC0  }
0xab: {  	_ =	task [dreg:s6], $0x5FFFF  }
0xac: {  	[dreg:$0x1] =	wrdreg $0xFFFFFFFF  }
0xad: {  	[dreg:$0x0] =	wrdreg $0x60  }
0xae: {  	[dreg:$0x2] =	wrdreg s24  }
0xaf: {  	[dreg:$0x3] =	wrdreg $0x94000  }
0xb0: {  	[dreg:$0x4] =	wrdreg $0x9  }
0xb1: {  	_ =	task.clear_ibuf [dreg:s6], $0x5FFFF;
	_ =	strace $0x90000046  }
0xb2: {  	s29 =	simm.s32 $0x9;
	_ =	strace $0x80000048  }
0xb3: {  	_ =	swait.ge [sflag:s29], $0x1  }
0xb4: {  	[sflag:s29] =	ssyncadd.s32 $0xFFFFFFFF  }
0xb5: {  	_ =	strace $0x90000048  }
0xb6: {  	_ =	sfence  }
0xb7: {  	s30 =	sld [smem:$0x0];
	_ =	sdelay $0x2  }
0xb8: {  	s31 =	sshll.u32 s1, $0xD;
	s1 =	sshrl.u32 s1, $0x2  }
0xb9: {  	s3 =	sand.u32 $0x4000, s31;
	s1 =	sadd.s32 s1, s30  }
0xba: {  	s0 =	sor.u32 s3, s0;
	s1 =	sshll.u32 s1, $0x11  }
0xbb: {  	s0 =	sor.u32 s1, s0  }
0xbc: {  	s0 =	sadd.s32 $0x8F2B, s0  }
0xbd: {  	[sflag:s0] =	ssyncadd.remote.s32 $0x1  }
0xbe: {  	_ =	sfence.sel $0xFFFF  }
0xbf: {  	[dreg:$0x0] =	wrdreg $0xFFFFFFFF;
	(pc) =	sbr.abs _section_cstart, $3  }
0xc0: {  	[dreg:$0x1] =	wrdreg $0xFFFFFFFF  }
0xc1: {  	_ =	task.clear_ibuf [dreg:s6], $0x2FFFF;
	_ =	strace $0x9FFFFFFF  }
0xc2: {  	(tm) =	ssettm $0x7FFFFFFF  }
0xc3: {  	_ =	shalt  }
tec
execute0_lowered:
.L_overlay_start_1:
0x0: {  	(tag) =	ssettag $0x1  }
0x1: {  	s14 =	rddreg [dreg:$0x0]  }
0x2: {  	s1 =	rddreg [dreg:$0x1];
	s2 =	srdreg.scid;
	s3 =	simm.s32 $0x0  }
0x3: {  	s18 =	simm.s32 $0x1400;
	s19 =	simm.s32 $0x5400;
	s20 =	simm.s32 $0x1  }
0x4: {  	s21 =	simm.s32 $0x80;
	s22 =	simm.s32 $0x2;
	s23 =	simm.s32 $0x1300  }
0x5: {  	s24 =	simm.s32 $0x1380;
	s8 =	sand.u32 $0x1, s2;
	s2 =	stileid.u32  }
0x6: {  	s25 =	simm.s32 $0x0;
	[smem:$0x7FF] =	sst s3;
	s6 =	smul.u32 $0x140000, s8  }
0x7: {  	s4 =	sadd.s32 $0x4EAE00, s14;
	s5 =	sadd.s32 $0x12E00, s14;
	s7 =	smul.u32 $0x14000, s2  }
0x8: {  	_ =	strace $0x80000047;
	s9 =	sshll.u32 s2, $0x1;
	s11 =	smul.u32 $0x50000, s2  }
0x9: {  	s10 =	ssub.s32 $0x2, s8;
	s15 =	smul.u32 $0xA0, s2;
	s31 =	sshll.u32 s2, $0x6  }
0xa: {  	s17 =	smul.u32 $0x50, s8;
	s9 =	sor.u32 s8, s9;
	s13 =	sshrl.u32 s10, $0x1  }
0xb: {  	s8 =	sor.u32 $0x1C03, s31;
	s7 =	sadd.s32 s7, s6;
	s6 =	sadd.s32 $0x1CE00, s14  }
0xc: {  	s13 =	ssub.s32 s10, s13;
	s30 =	sshrl.u32 s11, $0x2;
	s7 =	sshrl.u32 s7, $0x3  }
0xd: {  	s10 =	sadd.s32 $0x4EB600, s14;
	s12 =	sadd.s32 s7, s14;
	s7 =	smul.u32 $0x2800, s9  }
0xe: {  	s16 =	sadd.s32 s30, s1;
	s9 =	smul.u32 $0x50, s9;
	s14 =	sadd.s32 $0x4EC600, s14  }
0xf: {  	s11 =	sadd.s32 $0x1F600, s12;
	s12 =	smax.u32 s13, $0x1;
	s13 =	sadd.s32 s17, s15  }
0x10: {  	s16 =	sshrl.u32 s16, $0x3;
	s17 =	simm.s32 $0x3;
	s15 =	sor.u32 $0x2, s13  }
.LBB2_1:
0x11: {  	[spmem:s16], [sflag:s8] =	dma.local [hbm:s6], $0x2800  }
0x12: {  	_ =	swait.ge [sflag:s17], $0x2800  }
0x13: {  	[sflag:s17] =	ssyncset.done $0x0  }
0x14: {  	[sflag:s17] =	ssyncadd.s32 $0xFFFFD800  }
0x15: {  	p1 =	por $0x1, $0x1;
	s26 =	simm.s32 $0x0;
	[bflag:$0x0] =	sbarrier.arrive $0xFFFF  }
.LBB2_2:
0x16: {  	s28 =	smul.u32 $0x1400, s26;
	_ =	sdelay $0x1  }
0x17: {  	s28 =	sadd.s32 s7, s28  }
0x18: {  	s28 =	sshrl.u32 s28, $0x3  }
0x19: {  	s29 =	smul.u32 $0x28, s26;
	s0 =	sadd.s32 s5, s28;
	s28 =	simm.s32 $0x0  }
0x1a: {  	[tilespmem:s28], [sflag:$0x3] =	stream.linear.gather [hbm4b:s0+s28], $0x1400, $0x38;
	[tilespmem:$0x1D400] =	vst v63  }
0x1b: {  	s0 =	sadd.s32 s9, s29;
	_ =	swait.ge [sflag:s17], $0x1400  }
0x1c: {  	s26 =	sshll.u32 s0, $0xB;
	[sflag:s17] =	ssyncset.done $0x0  }
0x1d: {  	s30 =	sadd.s32 s4, s26;
	[sflag:s17] =	ssyncadd.s32 $0xFFFFEC00  }
0x1e: {  	[tilespmem:s18], [sflag:$0x1] =	stream.linear.gather [hbm4b:s30+s28], $0x4000, $0x38;
	[tilespmem:$0x1D400] =	vst v63  }
0x1f: {  	s26 =	sadd.s32 s26, s10  }
0x20: {  	[tilespmem:s19], [sflag:$0x2] =	stream.linear.gather [hbm4b:s26+s28], $0x4000, $0x38;
	[tilespmem:$0x1D400] =	vst v63  }
0x21: {  	_ =	swait.ge [sflag:s20], $0x4000  }
0x22: {  	s0 =	sadd.s32 s29, s15;
	[sflag:s20] =	ssyncset.done $0x0  }
0x23: {  	s26 =	sshll.u32 s0, $0xB;
	s28 =	simm.s32 $0x0;
	[sflag:s20] =	ssyncadd.s32 $0xFFFFC000  }
0x24: {  	[spmem:s1] =	stream.indirect.scatter.add.f32 [tilespmem:s18], [sflag:$0x3], $0x80, s28, s21, $0xb8;
	[tilespmem:$0x1D400] =	vst v63  }
0x25: {  	s26 =	sand.u32 $0xFFFFF000, s26;
	_ =	swait.ge [sflag:s17], $0x4000  }
0x26: {  	s26 =	sadd.s32 s26, s4;
	[sflag:s17] =	ssyncset.done $0x0  }
0x27: {  	s28 =	sadd.s32 $0x0, s26;
	[sflag:s17] =	ssyncadd.s32 $0xFFFFC000  }
0x28: {  	[tilespmem:s18], [sflag:$0x1] =	stream.linear.gather [hbm4b:s28+s3], $0x4000, $0x38;
	[tilespmem:$0x1D400] =	vst v63  }
0x29: {  	_ =	swait.ge [sflag:s22], $0x4000  }
0x2a: {  	s28 =	sadd.s32 s29, s13;
	[sflag:s22] =	ssyncset.done $0x0  }
0x2b: {  	s29 =	simm.s32 $0x80;
	s28 =	sand.u32 $0x3FFFF, s28;
	[sflag:s22] =	ssyncadd.s32 $0xFFFFC000  }
0x2c: {  	[spmem:s1] =	stream.indirect.scatter.add.f32 [tilespmem:s19], [sflag:$0x3], $0x80, s29, s21, $0xb8;
	[tilespmem:$0x1D400] =	vst v63  }
0x2d: {  	p0 =	por p1, p1;
	s28 =	sshll.u32 s28, $0xB;
	_ =	swait.ge [sflag:s17], $0x4000  }
0x2e: {  	s30 =	simm.s32 $0x180;
	s28 =	sadd.s32 s28, s14;
	[sflag:s17] =	ssyncset.done $0x0  }
0x2f: {  	s29 =	simm.s32 $0x1000;
	s31 =	sadd.s32 $0x0, s28;
	[sflag:s17] =	ssyncadd.s32 $0xFFFFC000  }
.LBB2_3:
0x30: {  	[tilespmem:s19], [sflag:$0x2] =	stream.linear.gather [hbm4b:s31+s3], $0x4000, $0x38;
	[tilespmem:$0x1D400] =	vst v63  }
0x31: {  	s31 =	smov.u32 s29  }
0x32: {  	p1 =	sne.s32 s29, $0x12000;
	s29 =	sadd.s32 $0x1000, s29;
	_ =	swait.ge [sflag:s20], $0x4000  }
0x33: {  	[sflag:s20] =	ssyncset.done $0x0  }
0x34: {  	s0 =	sadd.s32 $0xFFFFFF80, s30;
	[sflag:s20] =	ssyncadd.s32 $0xFFFFC000  }
0x35: {  	[spmem:s1] =	stream.indirect.scatter.add.f32 [tilespmem:s18], [sflag:$0x3], $0x80, s0, s21, $0xb8;
	[tilespmem:$0x1D400] =	vst v63  }
0x36: {  	_ =	swait.ge [sflag:s17], $0x4000  }
0x37: {  	[sflag:s17] =	ssyncset.done $0x0  }
0x38: {  	s0 =	sadd.s32 s31, s26;
	[sflag:s17] =	ssyncadd.s32 $0xFFFFC000  }
0x39: {  	[tilespmem:s18], [sflag:$0x1] =	stream.linear.gather [hbm4b:s0+s3], $0x4000, $0x38;
	[tilespmem:$0x1D400] =	vst v63  }
0x3a: {  	_ =	swait.ge [sflag:s22], $0x4000  }
0x3b: {  	[sflag:s22] =	ssyncset.done $0x0  }
.Ltmp0:
0x3c: {  	[sflag:s22] =	ssyncadd.s32 $0xFFFFC000;
	(pc) =	sbr.rel @p1 .LBB2_3-.Ltmp0, $4  }
0x3d: {  	[spmem:s1] =	stream.indirect.scatter.add.f32 [tilespmem:s19], [sflag:$0x3], $0x80, s30, s21, $0xb8;
	[tilespmem:$0x1D400] =	vst v63  }
0x3e: {  	_ =	swait.ge [sflag:s17], $0x4000  }
0x3f: {  	[sflag:s17] =	ssyncset.done $0x0  }
0x40: {  	s31 =	sadd.s32 s31, s28;
	s30 =	sadd.s32 $0x100, s30;
	[sflag:s17] =	ssyncadd.s32 $0xFFFFC000  }
0x41: {  	[tilespmem:s19], [sflag:$0x2] =	stream.linear.gather [hbm4b:s31+s3], $0x4000, $0x38;
	[tilespmem:$0x1D400] =	vst v63  }
0x42: {  	s26 =	simm.s32 $0x1  }
0x43: {  	_ =	swait.ge [sflag:s26], $0x4000  }
0x44: {  	[sflag:s26] =	ssyncset.done $0x0  }
0x45: {  	[sflag:s26] =	ssyncadd.s32 $0xFFFFC000  }
0x46: {  	[spmem:s1] =	stream.indirect.scatter.add.f32 [tilespmem:s18], [sflag:$0x3], $0x80, s23, s21, $0xb8;
	[tilespmem:$0x1D400] =	vst v63  }
0x47: {  	_ =	swait.ge [sflag:s17], $0x4000  }
0x48: {  	[sflag:s17] =	ssyncset.done $0x0  }
0x49: {  	[sflag:s17] =	ssyncadd.s32 $0xFFFFC000  }
0x4a: {  	_ =	swait.ge [sflag:s22], $0x4000  }
0x4b: {  	[sflag:s22] =	ssyncset.done $0x0  }
.Ltmp1:
0x4c: {  	[sflag:s22] =	ssyncadd.s32 $0xFFFFC000;
	(pc) =	sbr.rel @p0 .LBB2_2-.Ltmp1, $4  }
0x4d: {  	[spmem:s1] =	stream.indirect.scatter.add.f32 [tilespmem:s19], [sflag:$0x3], $0x80, s24, s21, $0xb8;
	[tilespmem:$0x1D400] =	vst v63  }
0x4e: {  	_ =	swait.ge [sflag:s17], $0x4000  }
0x4f: {  	[sflag:s17] =	ssyncset.done $0x0  }
0x50: {  	p1 =	por $0x0, $0x0;
	[sflag:s17] =	ssyncadd.s32 $0xFFFFC000  }
0x51: {  	s25 =	sadd.s32 $0x1, s25  }
0x52: {  	p0 =	sne.s32 s25, s12  }
.Ltmp2:
0x53: {  	[bflag:$0x0] =	sbarrier.arrive $0xFFFF;
	(pc) =	sbr.rel @p0 .LBB2_1-.Ltmp2, $4  }
0x54: {  	[hbm:s11], [sflag:s8] =	dma.local [spmem:s16], $0x2800  }
0x55: {  	_ =	swait.ge [sflag:s17], $0x2800  }
0x56: {  	[sflag:s17] =	ssyncset.done $0x0  }
0x57: {  	[sflag:s17] =	ssyncadd.s32 $0xFFFFD800  }
0x58: {  	_ =	sfence.sel $0x180000  }
0x59: {  	[bflag:$0x0] =	sbarrier.arrive $0xFFFF  }
0x5a: {  	_ =	strace $0x90000047  }
0x5b: {  	[bflag:$0x2] =	sbarrier.arrive $0xFFFF  }
0x5c: {  	p0 =	sne.s32 s2, $0x0;
	s0 =	rddreg [dreg:$0x2]  }
0x5d: {  	s0 =	sadd.s32 @!p0 $0x100000, s0  }
0x5e: {  	[sflag:s0] =	ssyncadd.tile.s32 @!p0 $0x1;
	_ =	shalt  }
.Lfunc_end2:
_tile_overlayer_lowered:
.L_overlay_start_2:
0x5f: {  	(tag) =	ssettag $0x2  }
0x60: {  	s0 =	rddreg [dreg:$0x0];
	s2 =	stileid.u32  }
0x61: {  	s1 =	rddreg [dreg:$0x1];
	p0 =	sne.s32 s2, $0x0  }
0x62: {  	s3 =	rddreg [dreg:$0x2];
	[bflag:$0x3] =	sbarrier.arrive $0xFFFF;
	s2 =	simm.s32 @!p0 $0x1C03  }
0x63: {  	[timem:s3], [sflag:s2] =	dma.local @!p0 [hbm:s0], s1  }
0x64: {  	s0 =	simm.s32 @!p0 $0x3  }
0x65: {  	_ =	swait.ge @!p0 [sflag:s0], s1  }
0x66: {  	s1 =	ssub.s32 @!p0 $0x0, s1;
	[sflag:s0] =	ssyncset.done @!p0 $0x0  }
0x67: {  	[sflag:s0] =	ssyncadd.s32 @!p0 s1  }
0x68: {  	[bflag:$0x3] =	sbarrier.arrive $0xFFFF  }
0x69: {  	_ =	shalt  }

// kernel: kernel.23.cloned.1.call-start
scs
__scs_entry_jumppad:
0x0: {  	(pc) =	sbr.rel $0x88, $3  }
0x1: {  	(tag) =	ssettag $0x0;
	lr =	simm.s32 $0x1  }
0x2: {  	[smem:$0x3F67] =	sst lr;
	_ =	strace $0xD0000000  }
0x3: {  	_ = 	snop  }
0x4: {  	_ = 	snop  }
0x5: {  	_ = 	snop  }
0x6: {  	_ = 	snop  }
0x7: {  	_ = 	snop  }
__scs_overlays_trampoline_lowered:
0x8: {  	[smem:$0x3F76] =	sst s0  }
0x9: {  	[smem:$0x3F77] =	sst s1  }
0xa: {  	[smem:$0x3F78] =	sst s2  }
0xb: {  	[smem:$0x3F79] =	sst s3  }
0xc: {  	[smem:$0x3F7A] =	sst s4  }
0xd: {  	[smem:$0x3F7B] =	sst s5  }
0xe: {  	[smem:$0x3F7C] =	sst s6  }
0xf: {  	[smem:$0x3F7D] =	sst s7  }
0x10: {  	[smem:$0x3F7E] =	sst s8  }
0x11: {  	[smem:$0x3F7F] =	sst s9;
	s0 =	simm.s32 @!p0 $0x0  }
0x12: {  	s1 =	sld [smem:$0x3F65];
	s0 =	simm.s32 @p0 $0x1  }
0x13: {  	[smem:$0x3F80] =	sst s0;
	s0 =	simm.s32 @!p1 $0x0  }
0x14: {  	s2 =	sld [smem:$0x3F64];
	s0 =	simm.s32 @p1 $0x1  }
0x15: {  	[smem:$0x3F81] =	sst s0;
	s0 =	simm.s32 @!p2 $0x0  }
0x16: {  	s3 =	sld [smem:$0x3FDB];
	s0 =	simm.s32 @p2 $0x1  }
0x17: {  	s4 =	simm.s32 $0x1BF5;
	[smem:$0x3F83] =	sst s0  }
0x18: {  	s0 =	sld [smem:$0x3F66];
	_ =	swait.ge [sflag:s4], $0x0  }
0x19: {  	s7 =	sld [smem:$0x3F67]  }
0x1a: {  	s8 =	sadd.s32 $0xFFFFE003, lr  }
0x1b: {  	s9 =	sadd.s32 $0xFFFFFEF7, lr;
	s5 =	simm.s32 $0xFFFFFFFF;
	p2 =	slt.u32 s8, $0xFFFFF086  }
0x1c: {  	p1 =	slt.u32 s9, $0xF7A;
	s5 =	simm.s32 @!p2 $0x0  }
0x1d: {  	s5 =	simm.s32 @p1 $0x1;
	p0 =	seq.s32 s7, s2  }
0x1e: {  	s7 =	smul.u32 @!p0 $0xF7A, s2;
	p2 =	seq.s32 @!p0 s5, $0x0  }
0x1f: {  	s9 =	smul.u32 $0xF7A, s1;
	s8 =	simm.s32 @!p0 $0x1BF5;
	p2 =	por !p2, p0  }
0x20: {  	[sflag:s8] =	ssyncset.s32 @!p0 $0xFFFFF086;
	s6 =	sadd.s32 @!p0 s3, s7;
	s7 =	simm.s32 @!p0 $0x108  }
0x21: {  	s3 =	sadd.s32 s3, s9;
	s6 =	sadd.s32 @!p0 $0x88, s6;
	s7 =	simm.s32 @p2 $0x1082  }
0x22: {  	[simem:s7], [sflag:s8] =	dma.local @!p0 [hbm:s6], $0xF7A  }
0x23: {  	s9 =	sor.u32 $0xD0000000, s2;
	s6 =	simm.s32 $0x108;
	_ =	swait.ge @!p0 [sflag:s8], $0x0  }
0x24: {  	s3 =	sadd.s32 $0x88, s3;
	s6 =	simm.s32 @!p1 $0x1082;
	[sflag:s4] =	ssyncset.s32 $0xFFFFF086  }
0x25: {  	[simem:s6], [sflag:s4] =	dma.local [hbm:s3], $0xF7A  }
0x26: {  	[smem:$0x3F67] =	sst s1;
	(tag) =	ssettag s2;
	_ =	strace s9  }
0x27: {  	s1 =	sld [smem:$0x3F77]  }
0x28: {  	s2 =	sld [smem:$0x3F78]  }
0x29: {  	s4 =	sld [smem:$0x3F7A]  }
0x2a: {  	p0 =	seq.s32 s5, $0x0;
	s5 =	sld [smem:$0x3F7B]  }
0x2b: {  	s6 =	sld [smem:$0x3F7C]  }
0x2c: {  	s7 =	sld [smem:$0x3F7D]  }
0x2d: {  	s3 =	simm.s32 $0x108;
	s8 =	sld [smem:$0x3F7E]  }
0x2e: {  	s3 =	simm.s32 @!p0 $0x1082;
	s9 =	sld [smem:$0x3F7F]  }
0x2f: {  	lr =	sadd.s32 s0, s3;
	s0 =	sld [smem:$0x3F76]  }
0x30: {  	s3 =	sld [smem:$0x3F79]  }
0x31: {  	[smem:$0x3F82] =	sst s10  }
0x32: {  	s10 =	sld [smem:$0x3F80];
	_ =	sdelay $0x3  }
0x33: {  	p0 =	seq.s32 s10, $0x1;
	s10 =	sld [smem:$0x3F82];
	_ =	sdelay $0x3  }
0x34: {  	[smem:$0x3F82] =	sst s10  }
0x35: {  	s10 =	sld [smem:$0x3F81];
	_ =	sdelay $0x3  }
0x36: {  	p1 =	seq.s32 s10, $0x1;
	s10 =	sld [smem:$0x3F82];
	_ =	sdelay $0x3  }
0x37: {  	[smem:$0x3F82] =	sst s10  }
0x38: {  	s10 =	sld [smem:$0x3F83]  }
0x39: {  	_ = 	snop;
	(pc) =	sbr.ind lr, $3  }
0x3a: {  	_ = 	snop  }
0x3b: {  	_ = 	snop  }
0x3c: {  	p2 =	seq.s32 s10, $0x1;
	s10 =	sld [smem:$0x3F82]  }
0x3d: {  	_ =	shalt  }
0x3e: {  	_ =	shalt  }
0x3f: {  	_ =	shalt  }
0x40: {  	_ =	shalt  }
0x41: {  	_ =	shalt  }
0x42: {  	_ =	shalt  }
0x43: {  	_ =	shalt  }
0x44: {  	_ =	shalt  }
0x45: {  	_ =	shalt  }
0x46: {  	_ =	shalt  }
0x47: {  	_ =	shalt  }
0x48: {  	_ =	shalt  }
0x49: {  	_ =	shalt  }
0x4a: {  	_ =	shalt  }
0x4b: {  	_ =	shalt  }
0x4c: {  	_ =	shalt  }
0x4d: {  	_ =	shalt  }
0x4e: {  	_ =	shalt  }
0x4f: {  	_ =	shalt  }
0x50: {  	_ =	shalt  }
0x51: {  	_ =	shalt  }
0x52: {  	_ =	shalt  }
0x53: {  	_ =	shalt  }
0x54: {  	_ =	shalt  }
0x55: {  	_ =	shalt  }
0x56: {  	_ =	shalt  }
0x57: {  	_ =	shalt  }
0x58: {  	_ =	shalt  }
0x59: {  	_ =	shalt  }
0x5a: {  	_ =	shalt  }
0x5b: {  	_ =	shalt  }
0x5c: {  	_ =	shalt  }
0x5d: {  	_ =	shalt  }
0x5e: {  	_ =	shalt  }
0x5f: {  	_ =	shalt  }
0x60: {  	_ =	shalt  }
0x61: {  	_ =	shalt  }
0x62: {  	_ =	shalt  }
0x63: {  	_ =	shalt  }
0x64: {  	_ =	shalt  }
0x65: {  	_ =	shalt  }
0x66: {  	_ =	shalt  }
0x67: {  	_ =	shalt  }
0x68: {  	_ =	shalt  }
0x69: {  	_ =	shalt  }
0x6a: {  	_ =	shalt  }
0x6b: {  	_ =	shalt  }
0x6c: {  	_ =	shalt  }
0x6d: {  	_ =	shalt  }
0x6e: {  	_ =	shalt  }
0x6f: {  	_ =	shalt  }
0x70: {  	_ =	shalt  }
0x71: {  	_ =	shalt  }
0x72: {  	_ =	shalt  }
0x73: {  	_ =	shalt  }
0x74: {  	_ =	shalt  }
0x75: {  	_ =	shalt  }
0x76: {  	_ =	shalt  }
0x77: {  	_ =	shalt  }
0x78: {  	_ =	shalt  }
0x79: {  	_ =	shalt  }
0x7a: {  	_ =	shalt  }
0x7b: {  	_ =	shalt  }
0x7c: {  	_ =	shalt  }
0x7d: {  	_ =	shalt  }
0x7e: {  	_ =	shalt  }
0x7f: {  	_ =	shalt  }
0x80: {  	_ =	shalt  }
0x81: {  	_ =	shalt  }
0x82: {  	_ =	shalt  }
0x83: {  	_ =	shalt  }
0x84: {  	_ =	shalt  }
0x85: {  	_ =	shalt  }
0x86: {  	_ =	shalt  }
0x87: {  	_ =	shalt  }
.Lfunc_end0:
.L_simem_size_0:
called_computation.1_lowered:
.L_overlay_start_0:
0x88: {  	s2 =	sld [smem:$0x3FD9]  }
0x89: {  	s3 =	sld [smem:$0x3FFE];
	_ =	sdelay $0x1  }
0x8a: {  	s1 =	srdreg.scid  }
0x8b: {  	s0 =	sand.u32 $0x1, s1  }
0x8c: {  	s17 =	sshll.u32 s0, $0xA;
	s2 =	sadd.s32 s3, s2  }
0x8d: {  	s2 =	sadd.s32 s2, s17  }
0x8e: {  	[smem:$0x3F8E] =	sst s2  }
0x8f: {  	_ = 	snop  }
0x90: {  	s18 =	sld [smem:$0x3FD0];
	(tm) =	ssettm $0x1  }
0x91: {  	s19 =	sld [smem:$0x3FFB];
	_ =	sdelay $0x3  }
0x92: {  	_ =	strace s19  }
0x93: {  	s2 =	sld [smem:$0x3FFC];
	_ =	sdelay $0x3  }
0x94: {  	_ =	strace s2  }
0x95: {  	s2 =	sld [smem:$0x3FFD];
	_ =	sdelay $0x3  }
0x96: {  	_ =	strace s2  }
0x97: {  	_ =	strace $0x8FFFFFFF  }
0x98: {  	s20 =	sld [smem:$0x3FDB];
	_ =	sdelay $0x1  }
0x99: {  	s4 =	simm.s32 $_scs_section_size  }
0x9a: {  	s5 =	simm.s32 $_size__tile_overlayer_lowered;
	s6 =	simm.s32 $_tile_overlayer_lowered  }
0x9b: {  	s7 =	simm.s32 $0x1BFF;
	s21 =	sshll.u32 s6, $0x1;
	s4 =	sadd.s32 s4, s20  }
0x9c: {  	s22 =	simm.s32 $0x0;
	s5 =	sshll.u32 s5, $0x1;
	s6 =	sadd.s32 s21, s4  }
0x9d: {  	[timem:s22], [sflag:s7] =	dma.local [hbm:s6], s5  }
0x9e: {  	_ =	swait.ge [sflag:s7], s5  }
0x9f: {  	s5 =	ssub.s32 $0x0, s5;
	[sflag:s7] =	ssyncset.done $0x0  }
0xa0: {  	[sflag:s7] =	ssyncadd.s32 s5;
	_ =	sdelay $0x1  }
0xa1: {  	s23 =	simm.s32 $0x1B8B  }
0xa2: {  	_ =	swait.ge [sflag:s23], $0x1  }
0xa3: {  	[sflag:s23] =	ssyncset.done $0x0  }
0xa4: {  	[sflag:s23] =	ssyncadd.s32 $0xFFFFFFFF  }
0xa5: {  	s5 =	sld [smem:$0x0]  }
0xa6: {  	s6 =	sand.u32 $0xFFFFFFFE, s1  }
0xa7: {  	p0 =	sne.s32 s1, s6  }
0xa8: {  	s6 =	sshll.u32 @p0 s6, $0xE  }
0xa9: {  	s6 =	sadd.s32 @p0 $0x11B8D, s6;
	s7 =	sshll.u32 @p0 s5, $0x11  }
0xaa: {  	s6 =	sor.u32 @p0 s7, s6  }
0xab: {  	[sflag:s6] =	ssyncadd.remote.s32 @p0 $0x1;
	_ =	sdelay $0x1  }
0xac: {  	s6 =	simm.s32 @p0 $0x1B8D  }
0xad: {  	_ =	swait.eq @p0 [sflag:s6], $0x1  }
0xae: {  	[sflag:s6] =	ssyncadd.s32 @p0 $0xFFFFFFFF  }
0xaf: {  	s7 =	sshll.u32 @!p0 s1, $0xE  }
0xb0: {  	s7 =	sor.u32 @!p0 $0x4000, s7;
	s6 =	simm.s32 @!p0 $0x1B8D  }
0xb1: {  	s5 =	sshll.u32 @!p0 s5, $0x11;
	s7 =	sadd.s32 @!p0 $0x11B8D, s7;
	_ =	swait.eq @!p0 [sflag:s6], $0x1  }
0xb2: {  	s5 =	sor.u32 @!p0 s5, s7;
	[sflag:s6] =	ssyncadd.s32 @!p0 $0xFFFFFFFF  }
0xb3: {  	s25 =	simm.s32 $0x1B8E;
	s24 =	sld [smem:$0x3FFE];
	[sflag:s5] =	ssyncadd.remote.s32 @!p0 $0x1  }
0xb4: {  	s26 =	simm.s32 $execute0_lowered;
	[smem:$0x3FD2] =	sst s25  }
0xb5: {  	s6 =	sshll.u32 s26, $0x1;
	_ =	strace $0x80000049;
	[dreg:$0x1] =	wrdreg $0xFFFFFFFF  }
0xb6: {  	s28 =	simm.s32 $_size_execute0_lowered;
	s4 =	sadd.s32 s4, s6;
	[dreg:$0x0] =	wrdreg $0x0  }
0xb7: {  	s6 =	sshll.u32 s28, $0x1;
	[dreg:$0x2] =	wrdreg s4  }
0xb8: {  	[dreg:$0x3] =	wrdreg s6  }
0xb9: {  	[dreg:$0x4] =	wrdreg $0xC0  }
0xba: {  	_ =	task [dreg:s22], $0x5FFFF  }
0xbb: {  	[dreg:$0x1] =	wrdreg $0xFFFFFFFF  }
0xbc: {  	[dreg:$0x0] =	wrdreg $0x60  }
0xbd: {  	[dreg:$0x2] =	wrdreg s18  }
0xbe: {  	[dreg:$0x3] =	wrdreg s24  }
0xbf: {  	[dreg:$0x4] =	wrdreg $0xA8000  }
0xc0: {  	[dreg:$0x5] =	wrdreg $0xA  }
0xc1: {  	_ =	task.clear_ibuf [dreg:s22], $0x6FFFF;
	_ =	strace $0x90000049  }
0xc2: {  	s29 =	simm.s32 $0xA;
	_ =	strace $0x8000004B  }
0xc3: {  	_ =	swait.ge [sflag:s29], $0x1  }
0xc4: {  	[sflag:s29] =	ssyncadd.s32 $0xFFFFFFFF  }
0xc5: {  	_ =	strace $0x9000004B  }
0xc6: {  	_ =	sfence  }
0xc7: {  	s30 =	sld [smem:$0x0];
	_ =	sdelay $0x2  }
0xc8: {  	s31 =	sshll.u32 s1, $0xD;
	s1 =	sshrl.u32 s1, $0x2  }
0xc9: {  	s4 =	sand.u32 $0x4000, s31;
	s1 =	sadd.s32 s1, s30  }
0xca: {  	s0 =	sor.u32 s4, s0;
	s1 =	sshll.u32 s1, $0x11  }
0xcb: {  	s0 =	sor.u32 s1, s0  }
0xcc: {  	s0 =	sadd.s32 $0x8F2B, s0  }
0xcd: {  	[sflag:s0] =	ssyncadd.remote.s32 $0x1  }
0xce: {  	_ =	sfence.sel $0xFFFF  }
0xcf: {  	[dreg:$0x0] =	wrdreg $0xFFFFFFFF;
	(pc) =	sbr.abs _section_cstart, $3  }
0xd0: {  	[dreg:$0x1] =	wrdreg $0xFFFFFFFF  }
0xd1: {  	_ =	task.clear_ibuf [dreg:s22], $0x2FFFF;
	_ =	strace $0x9FFFFFFF  }
0xd2: {  	(tm) =	ssettm $0x7FFFFFFF  }
0xd3: {  	_ =	shalt  }
tec
execute0_lowered:
.L_overlay_start_1:
0x0: {  	(tag) =	ssettag $0x1  }
0x1: {  	s1 =	rddreg [dreg:$0x0]  }
0x2: {  	s6 =	rddreg [dreg:$0x1]  }
0x3: {  	s2 =	rddreg [dreg:$0x2]  }
0x4: {  	s3 =	srdreg.scid;
	s0 =	rddreg [dreg:$0x3];
	s4 =	simm.s32 $0x0  }
0x5: {  	s16 =	simm.s32 $0x80;
	s17 =	simm.s32 $0x2800;
	s18 =	simm.s32 $0x6800  }
0x6: {  	s19 =	simm.s32 $0x1;
	s20 =	simm.s32 $0x2;
	s21 =	simm.s32 $0x2700  }
0x7: {  	s22 =	simm.s32 $0x2780;
	s7 =	sand.u32 $0x1, s3;
	s3 =	stileid.u32  }
0x8: {  	s23 =	simm.s32 $0x0;
	[smem:$0x7FF] =	sst s4;
	s5 =	smul.u32 $0x140000, s7  }
0x9: {  	s11 =	sadd.s32 $0x8E00, s6;
	s12 =	sadd.s32 $0x12E00, s6;
	s8 =	smul.u32 $0x14000, s3  }
0xa: {  	_ =	strace $0x8000004A;
	s9 =	sshll.u32 s3, $0x1;
	s10 =	ssub.s32 $0x2, s7  }
0xb: {  	s28 =	smul.u32 $0x50000, s3;
	s31 =	sshll.u32 s3, $0x6;
	s7 =	sor.u32 s7, s9  }
0xc: {  	s29 =	sshrl.u32 s10, $0x1;
	s8 =	sadd.s32 s8, s5;
	s5 =	sadd.s32 $0x1CE00, s6  }
0xd: {  	s7 =	smul.u32 $0x2800, s7;
	s30 =	sshrl.u32 s28, $0x2;
	s8 =	sshrl.u32 s8, $0x3  }
0xe: {  	s10 =	ssub.s32 s10, s29;
	s13 =	sadd.s32 s30, s2;
	s8 =	sadd.s32 s8, s6  }
0xf: {  	s6 =	sor.u32 $0x1C03, s31;
	s14 =	sshrl.u32 s7, $0x3;
	s13 =	sshrl.u32 s13, $0x3  }
0x10: {  	s7 =	sadd.s32 $0x6F600, s8;
	s8 =	smax.u32 s10, $0x1;
	s15 =	sadd.s32 $0x280, s14  }
0x11: {  	s9 =	sadd.s32 s11, s14;
	s10 =	sadd.s32 s12, s14;
	s14 =	simm.s32 $0x3  }
0x12: {  	s11 =	sadd.s32 s11, s15;
	s12 =	sadd.s32 s12, s15;
	s15 =	simm.s32 $0x1400  }
.LBB2_1:
0x13: {  	[spmem:s13], [sflag:s6] =	dma.local [hbm:s5], $0x2800  }
0x14: {  	_ =	swait.ge [sflag:s14], $0x2800  }
0x15: {  	[sflag:s14] =	ssyncset.done $0x0  }
0x16: {  	[sflag:s14] =	ssyncadd.s32 $0xFFFFD800  }
0x17: {  	[bflag:$0x0] =	sbarrier.arrive $0xFFFF  }
0x18: {  	[tilespmem:s4], [sflag:$0x3] =	stream.linear.gather [hbm4b:s9+s4], $0x1400, $0x38;
	[tilespmem:$0x1E800] =	vst v63  }
0x19: {  	_ =	swait.ge [sflag:s14], $0x1400  }
0x1a: {  	[sflag:s14] =	ssyncset.done $0x0  }
0x1b: {  	[sflag:s14] =	ssyncadd.s32 $0xFFFFEC00  }
0x1c: {  	[tilespmem:s15], [sflag:$0x3] =	stream.linear.gather [hbm4b:s10+s4], $0x1400, $0x38;
	[tilespmem:$0x1E800] =	vst v63  }
0x1d: {  	_ =	swait.ge [sflag:s14], $0x1400  }
0x1e: {  	[sflag:s14] =	ssyncset.done $0x0  }
0x1f: {  	[sflag:s14] =	ssyncadd.s32 $0xFFFFEC00  }
0x20: {  	[tilespmem:s17], [sflag:$0x1] =	stream.indirect.gather [hbm4b:s1+s16], $0x80, s4, s16, $0xb8;
	[tilespmem:$0x1E800] =	vst v63  }
0x21: {  	_ = 	snop  }
0x22: {  	[tilespmem:s18], [sflag:$0x2] =	stream.indirect.gather [hbm4b:s1+s16], $0x80, s16, s16, $0xb8;
	[tilespmem:$0x1E800] =	vst v63  }
0x23: {  	_ =	swait.ge [sflag:s19], $0x4000  }
0x24: {  	[sflag:s19] =	ssyncset.done $0x0  }
0x25: {  	s24 =	simm.s32 $0x1400;
	[sflag:s19] =	ssyncadd.s32 $0xFFFFC000  }
0x26: {  	[spmem:s2] =	stream.indirect.scatter.add.f32 [tilespmem:s17], [sflag:$0x3], $0x80, s24, s16, $0xb8;
	[tilespmem:$0x1E800] =	vst v63  }
0x27: {  	_ =	swait.ge [sflag:s14], $0x4000  }
0x28: {  	[sflag:s14] =	ssyncset.done $0x0  }
0x29: {  	s30 =	simm.s32 $0x100;
	[sflag:s14] =	ssyncadd.s32 $0xFFFFC000  }
0x2a: {  	[tilespmem:s17], [sflag:$0x1] =	stream.indirect.gather [hbm4b:s1+s16], $0x80, s30, s16, $0xb8;
	[tilespmem:$0x1E800] =	vst v63  }
0x2b: {  	_ =	swait.ge [sflag:s20], $0x4000  }
0x2c: {  	[sflag:s20] =	ssyncset.done $0x0  }
0x2d: {  	s31 =	simm.s32 $0x1480;
	[sflag:s20] =	ssyncadd.s32 $0xFFFFC000  }
0x2e: {  	[spmem:s2] =	stream.indirect.scatter.add.f32 [tilespmem:s18], [sflag:$0x3], $0x80, s31, s16, $0xb8;
	[tilespmem:$0x1E800] =	vst v63  }
0x2f: {  	_ =	swait.ge [sflag:s14], $0x4000  }
0x30: {  	[sflag:s14] =	ssyncset.done $0x0  }
0x31: {  	s25 =	simm.s32 $0x180;
	s24 =	simm.s32 $0x400;
	[sflag:s14] =	ssyncadd.s32 $0xFFFFC000  }
.LBB2_2:
0x32: {  	[tilespmem:s18], [sflag:$0x2] =	stream.indirect.gather [hbm4b:s1+s16], $0x80, s25, s16, $0xb8;
	[tilespmem:$0x1E800] =	vst v63  }
0x33: {  	s25 =	smov.u32 s24  }
0x34: {  	p0 =	sne.s32 s24, $0x4800;
	s24 =	sadd.s32 $0x400, s24;
	_ =	swait.ge [sflag:s19], $0x4000  }
0x35: {  	s25 =	sshra.s32 s25, $0x2;
	[sflag:s19] =	ssyncset.done $0x0  }
0x36: {  	s26 =	sadd.s32 $0x1400, s25;
	[sflag:s19] =	ssyncadd.s32 $0xFFFFC000  }
0x37: {  	[spmem:s2] =	stream.indirect.scatter.add.f32 [tilespmem:s17], [sflag:$0x3], $0x80, s26, s16, $0xb8;
	[tilespmem:$0x1E800] =	vst v63  }
0x38: {  	_ =	swait.ge [sflag:s14], $0x4000  }
0x39: {  	[sflag:s14] =	ssyncset.done $0x0  }
0x3a: {  	s26 =	sadd.s32 $0x100, s25;
	[sflag:s14] =	ssyncadd.s32 $0xFFFFC000  }
0x3b: {  	[tilespmem:s17], [sflag:$0x1] =	stream.indirect.gather [hbm4b:s1+s16], $0x80, s26, s16, $0xb8;
	[tilespmem:$0x1E800] =	vst v63  }
0x3c: {  	_ =	swait.ge [sflag:s20], $0x4000  }
0x3d: {  	[sflag:s20] =	ssyncset.done $0x0  }
.Ltmp0:
0x3e: {  	s26 =	sadd.s32 $0x1480, s25;
	[sflag:s20] =	ssyncadd.s32 $0xFFFFC000;
	(pc) =	sbr.rel @p0 .LBB2_2-.Ltmp0, $4  }
0x3f: {  	[spmem:s2] =	stream.indirect.scatter.add.f32 [tilespmem:s18], [sflag:$0x3], $0x80, s26, s16, $0xb8;
	[tilespmem:$0x1E800] =	vst v63  }
0x40: {  	_ =	swait.ge [sflag:s14], $0x4000  }
0x41: {  	[sflag:s14] =	ssyncset.done $0x0  }
0x42: {  	s25 =	sadd.s32 $0x180, s25;
	[sflag:s14] =	ssyncadd.s32 $0xFFFFC000  }
0x43: {  	[tilespmem:s18], [sflag:$0x2] =	stream.indirect.gather [hbm4b:s1+s16], $0x80, s25, s16, $0xb8;
	[tilespmem:$0x1E800] =	vst v63  }
0x44: {  	_ =	swait.ge [sflag:s19], $0x4000  }
0x45: {  	[sflag:s19] =	ssyncset.done $0x0  }
0x46: {  	[sflag:s19] =	ssyncadd.s32 $0xFFFFC000  }
0x47: {  	[spmem:s2] =	stream.indirect.scatter.add.f32 [tilespmem:s17], [sflag:$0x3], $0x80, s21, s16, $0xb8;
	[tilespmem:$0x1E800] =	vst v63  }
0x48: {  	_ =	swait.ge [sflag:s14], $0x4000  }
0x49: {  	[sflag:s14] =	ssyncset.done $0x0  }
0x4a: {  	[sflag:s14] =	ssyncadd.s32 $0xFFFFC000  }
0x4b: {  	_ =	swait.ge [sflag:s20], $0x4000  }
0x4c: {  	[sflag:s20] =	ssyncset.done $0x0  }
0x4d: {  	[sflag:s20] =	ssyncadd.s32 $0xFFFFC000  }
0x4e: {  	[spmem:s2] =	stream.indirect.scatter.add.f32 [tilespmem:s18], [sflag:$0x3], $0x80, s22, s16, $0xb8;
	[tilespmem:$0x1E800] =	vst v63  }
0x4f: {  	_ =	swait.ge [sflag:s14], $0x4000  }
0x50: {  	[sflag:s14] =	ssyncset.done $0x0  }
0x51: {  	s24 =	simm.s32 $0x0;
	[sflag:s14] =	ssyncadd.s32 $0xFFFFC000  }
0x52: {  	[tilespmem:s24], [sflag:$0x3] =	stream.linear.gather [hbm4b:s11+s24], $0x1400, $0x38;
	[tilespmem:$0x1E800] =	vst v63  }
0x53: {  	_ =	swait.ge [sflag:s14], $0x1400  }
0x54: {  	[sflag:s14] =	ssyncset.done $0x0  }
0x55: {  	[sflag:s14] =	ssyncadd.s32 $0xFFFFEC00  }
0x56: {  	[tilespmem:s15], [sflag:$0x3] =	stream.linear.gather [hbm4b:s12+s24], $0x1400, $0x38;
	[tilespmem:$0x1E800] =	vst v63  }
0x57: {  	_ =	swait.ge [sflag:s14], $0x1400  }
0x58: {  	[sflag:s14] =	ssyncset.done $0x0  }
0x59: {  	[sflag:s14] =	ssyncadd.s32 $0xFFFFEC00  }
0x5a: {  	[tilespmem:s17], [sflag:$0x1] =	stream.indirect.gather [hbm4b:s1+s16], $0x80, s24, s16, $0xb8;
	[tilespmem:$0x1E800] =	vst v63  }
0x5b: {  	_ = 	snop  }
0x5c: {  	[tilespmem:s18], [sflag:$0x2] =	stream.indirect.gather [hbm4b:s1+s16], $0x80, s16, s16, $0xb8;
	[tilespmem:$0x1E800] =	vst v63  }
0x5d: {  	_ =	swait.ge [sflag:s19], $0x4000  }
0x5e: {  	[sflag:s19] =	ssyncset.done $0x0  }
0x5f: {  	s29 =	simm.s32 $0x1400;
	[sflag:s19] =	ssyncadd.s32 $0xFFFFC000  }
0x60: {  	[spmem:s2] =	stream.indirect.scatter.add.f32 [tilespmem:s17], [sflag:$0x3], $0x80, s29, s16, $0xb8;
	[tilespmem:$0x1E800] =	vst v63  }
0x61: {  	_ =	swait.ge [sflag:s14], $0x4000  }
0x62: {  	[sflag:s14] =	ssyncset.done $0x0  }
0x63: {  	s30 =	simm.s32 $0x100;
	[sflag:s14] =	ssyncadd.s32 $0xFFFFC000  }
0x64: {  	[tilespmem:s17], [sflag:$0x1] =	stream.indirect.gather [hbm4b:s1+s16], $0x80, s30, s16, $0xb8;
	[tilespmem:$0x1E800] =	vst v63  }
0x65: {  	_ =	swait.ge [sflag:s20], $0x4000  }
0x66: {  	[sflag:s20] =	ssyncset.done $0x0  }
0x67: {  	s31 =	simm.s32 $0x1480;
	[sflag:s20] =	ssyncadd.s32 $0xFFFFC000  }
0x68: {  	[spmem:s2] =	stream.indirect.scatter.add.f32 [tilespmem:s18], [sflag:$0x3], $0x80, s31, s16, $0xb8;
	[tilespmem:$0x1E800] =	vst v63  }
0x69: {  	_ =	swait.ge [sflag:s14], $0x4000  }
0x6a: {  	[sflag:s14] =	ssyncset.done $0x0  }
0x6b: {  	s25 =	simm.s32 $0x180;
	s24 =	simm.s32 $0x400;
	[sflag:s14] =	ssyncadd.s32 $0xFFFFC000  }
.LBB2_4:
0x6c: {  	[tilespmem:s18], [sflag:$0x2] =	stream.indirect.gather [hbm4b:s1+s16], $0x80, s25, s16, $0xb8;
	[tilespmem:$0x1E800] =	vst v63  }
0x6d: {  	s25 =	smov.u32 s24  }
0x6e: {  	p0 =	sne.s32 s24, $0x4800;
	s24 =	sadd.s32 $0x400, s24;
	_ =	swait.ge [sflag:s19], $0x4000  }
0x6f: {  	s25 =	sshra.s32 s25, $0x2;
	[sflag:s19] =	ssyncset.done $0x0  }
0x70: {  	s26 =	sadd.s32 $0x1400, s25;
	[sflag:s19] =	ssyncadd.s32 $0xFFFFC000  }
0x71: {  	[spmem:s2] =	stream.indirect.scatter.add.f32 [tilespmem:s17], [sflag:$0x3], $0x80, s26, s16, $0xb8;
	[tilespmem:$0x1E800] =	vst v63  }
0x72: {  	_ =	swait.ge [sflag:s14], $0x4000  }
0x73: {  	[sflag:s14] =	ssyncset.done $0x0  }
0x74: {  	s26 =	sadd.s32 $0x100, s25;
	[sflag:s14] =	ssyncadd.s32 $0xFFFFC000  }
0x75: {  	[tilespmem:s17], [sflag:$0x1] =	stream.indirect.gather [hbm4b:s1+s16], $0x80, s26, s16, $0xb8;
	[tilespmem:$0x1E800] =	vst v63  }
0x76: {  	_ =	swait.ge [sflag:s20], $0x4000  }
0x77: {  	[sflag:s20] =	ssyncset.done $0x0  }
.Ltmp1:
0x78: {  	s26 =	sadd.s32 $0x1480, s25;
	[sflag:s20] =	ssyncadd.s32 $0xFFFFC000;
	(pc) =	sbr.rel @p0 .LBB2_4-.Ltmp1, $4  }
0x79: {  	[spmem:s2] =	stream.indirect.scatter.add.f32 [tilespmem:s18], [sflag:$0x3], $0x80, s26, s16, $0xb8;
	[tilespmem:$0x1E800] =	vst v63  }
0x7a: {  	_ =	swait.ge [sflag:s14], $0x4000  }
0x7b: {  	[sflag:s14] =	ssyncset.done $0x0  }
0x7c: {  	s25 =	sadd.s32 $0x180, s25;
	[sflag:s14] =	ssyncadd.s32 $0xFFFFC000  }
0x7d: {  	[tilespmem:s18], [sflag:$0x2] =	stream.indirect.gather [hbm4b:s1+s16], $0x80, s25, s16, $0xb8;
	[tilespmem:$0x1E800] =	vst v63  }
0x7e: {  	_ =	swait.ge [sflag:s19], $0x4000  }
0x7f: {  	[sflag:s19] =	ssyncset.done $0x0  }
0x80: {  	[sflag:s19] =	ssyncadd.s32 $0xFFFFC000  }
0x81: {  	[spmem:s2] =	stream.indirect.scatter.add.f32 [tilespmem:s17], [sflag:$0x3], $0x80, s21, s16, $0xb8;
	[tilespmem:$0x1E800] =	vst v63  }
0x82: {  	_ =	swait.ge [sflag:s14], $0x4000  }
0x83: {  	[sflag:s14] =	ssyncset.done $0x0  }
0x84: {  	[sflag:s14] =	ssyncadd.s32 $0xFFFFC000  }
0x85: {  	_ =	swait.ge [sflag:s20], $0x4000  }
0x86: {  	[sflag:s20] =	ssyncset.done $0x0  }
0x87: {  	[sflag:s20] =	ssyncadd.s32 $0xFFFFC000  }
0x88: {  	[spmem:s2] =	stream.indirect.scatter.add.f32 [tilespmem:s18], [sflag:$0x3], $0x80, s22, s16, $0xb8;
	[tilespmem:$0x1E800] =	vst v63  }
0x89: {  	_ =	swait.ge [sflag:s14], $0x4000  }
0x8a: {  	s23 =	sadd.s32 $0x1, s23;
	[sflag:s14] =	ssyncset.done $0x0  }
0x8b: {  	p0 =	sne.s32 s23, s8;
	[sflag:s14] =	ssyncadd.s32 $0xFFFFC000  }
.Ltmp2:
0x8c: {  	[bflag:$0x0] =	sbarrier.arrive $0xFFFF;
	(pc) =	sbr.rel @p0 .LBB2_1-.Ltmp2, $4  }
0x8d: {  	[hbm:s7], [sflag:s6] =	dma.local [spmem:s13], $0x2800  }
0x8e: {  	_ =	swait.ge [sflag:s14], $0x2800  }
0x8f: {  	[sflag:s14] =	ssyncset.done $0x0  }
0x90: {  	[sflag:s14] =	ssyncadd.s32 $0xFFFFD800  }
0x91: {  	_ =	sfence.sel $0x180000  }
0x92: {  	[bflag:$0x0] =	sbarrier.arrive $0xFFFF  }
0x93: {  	p0 =	sne.s32 s3, $0x0;
	_ =	strace $0x9000004A  }
0x94: {  	s0 =	sadd.s32 @!p0 $0x100000, s0;
	[bflag:$0x2] =	sbarrier.arrive $0xFFFF  }
0x95: {  	[sflag:s0] =	ssyncadd.tile.s32 @!p0 $0x1;
	_ =	shalt  }
.Lfunc_end2:
_tile_overlayer_lowered:
.L_overlay_start_2:
0x96: {  	(tag) =	ssettag $0x2  }
0x97: {  	s0 =	rddreg [dreg:$0x0];
	s2 =	stileid.u32  }
0x98: {  	s1 =	rddreg [dreg:$0x1];
	p0 =	sne.s32 s2, $0x0  }
0x99: {  	s3 =	rddreg [dreg:$0x2];
	[bflag:$0x3] =	sbarrier.arrive $0xFFFF;
	s2 =	simm.s32 @!p0 $0x1C03  }
0x9a: {  	[timem:s3], [sflag:s2] =	dma.local @!p0 [hbm:s0], s1  }
0x9b: {  	s0 =	simm.s32 @!p0 $0x3  }
0x9c: {  	_ =	swait.ge @!p0 [sflag:s0], s1  }
0x9d: {  	s1 =	ssub.s32 @!p0 $0x0, s1;
	[sflag:s0] =	ssyncset.done @!p0 $0x0  }
0x9e: {  	[sflag:s0] =	ssyncadd.s32 @!p0 s1  }
0x9f: {  	[bflag:$0x3] =	sbarrier.arrive $0xFFFF  }
0xa0: {  	_ =	shalt  }

// kernel: kernel.26.cloned.1.call-start
scs
__scs_entry_jumppad:
0x0: {  	(pc) =	sbr.rel $0x88, $3  }
0x1: {  	(tag) =	ssettag $0x0;
	lr =	simm.s32 $0x1  }
0x2: {  	[smem:$0x3F67] =	sst lr;
	_ =	strace $0xD0000000  }
0x3: {  	_ = 	snop  }
0x4: {  	_ = 	snop  }
0x5: {  	_ = 	snop  }
0x6: {  	_ = 	snop  }
0x7: {  	_ = 	snop  }
__scs_overlays_trampoline_lowered:
0x8: {  	[smem:$0x3F76] =	sst s0  }
0x9: {  	[smem:$0x3F77] =	sst s1  }
0xa: {  	[smem:$0x3F78] =	sst s2  }
0xb: {  	[smem:$0x3F79] =	sst s3  }
0xc: {  	[smem:$0x3F7A] =	sst s4  }
0xd: {  	[smem:$0x3F7B] =	sst s5  }
0xe: {  	[smem:$0x3F7C] =	sst s6  }
0xf: {  	[smem:$0x3F7D] =	sst s7  }
0x10: {  	[smem:$0x3F7E] =	sst s8  }
0x11: {  	[smem:$0x3F7F] =	sst s9;
	s0 =	simm.s32 @!p0 $0x0  }
0x12: {  	s1 =	sld [smem:$0x3F65];
	s0 =	simm.s32 @p0 $0x1  }
0x13: {  	[smem:$0x3F80] =	sst s0;
	s0 =	simm.s32 @!p1 $0x0  }
0x14: {  	s2 =	sld [smem:$0x3F64];
	s0 =	simm.s32 @p1 $0x1  }
0x15: {  	[smem:$0x3F81] =	sst s0;
	s0 =	simm.s32 @!p2 $0x0  }
0x16: {  	s3 =	sld [smem:$0x3FDB];
	s0 =	simm.s32 @p2 $0x1  }
0x17: {  	s4 =	simm.s32 $0x1BF5;
	[smem:$0x3F83] =	sst s0  }
0x18: {  	s0 =	sld [smem:$0x3F66];
	_ =	swait.ge [sflag:s4], $0x0  }
0x19: {  	s7 =	sld [smem:$0x3F67]  }
0x1a: {  	s8 =	sadd.s32 $0xFFFFE003, lr  }
0x1b: {  	s9 =	sadd.s32 $0xFFFFFEF7, lr;
	s5 =	simm.s32 $0xFFFFFFFF;
	p2 =	slt.u32 s8, $0xFFFFF086  }
0x1c: {  	p1 =	slt.u32 s9, $0xF7A;
	s5 =	simm.s32 @!p2 $0x0  }
0x1d: {  	s5 =	simm.s32 @p1 $0x1;
	p0 =	seq.s32 s7, s2  }
0x1e: {  	s7 =	smul.u32 @!p0 $0xF7A, s2;
	p2 =	seq.s32 @!p0 s5, $0x0  }
0x1f: {  	s9 =	smul.u32 $0xF7A, s1;
	s8 =	simm.s32 @!p0 $0x1BF5;
	p2 =	por !p2, p0  }
0x20: {  	[sflag:s8] =	ssyncset.s32 @!p0 $0xFFFFF086;
	s6 =	sadd.s32 @!p0 s3, s7;
	s7 =	simm.s32 @!p0 $0x108  }
0x21: {  	s3 =	sadd.s32 s3, s9;
	s6 =	sadd.s32 @!p0 $0x88, s6;
	s7 =	simm.s32 @p2 $0x1082  }
0x22: {  	[simem:s7], [sflag:s8] =	dma.local @!p0 [hbm:s6], $0xF7A  }
0x23: {  	s9 =	sor.u32 $0xD0000000, s2;
	s6 =	simm.s32 $0x108;
	_ =	swait.ge @!p0 [sflag:s8], $0x0  }
0x24: {  	s3 =	sadd.s32 $0x88, s3;
	s6 =	simm.s32 @!p1 $0x1082;
	[sflag:s4] =	ssyncset.s32 $0xFFFFF086  }
0x25: {  	[simem:s6], [sflag:s4] =	dma.local [hbm:s3], $0xF7A  }
0x26: {  	[smem:$0x3F67] =	sst s1;
	(tag) =	ssettag s2;
	_ =	strace s9  }
0x27: {  	s1 =	sld [smem:$0x3F77]  }
0x28: {  	s2 =	sld [smem:$0x3F78]  }
0x29: {  	s4 =	sld [smem:$0x3F7A]  }
0x2a: {  	p0 =	seq.s32 s5, $0x0;
	s5 =	sld [smem:$0x3F7B]  }
0x2b: {  	s6 =	sld [smem:$0x3F7C]  }
0x2c: {  	s7 =	sld [smem:$0x3F7D]  }
0x2d: {  	s3 =	simm.s32 $0x108;
	s8 =	sld [smem:$0x3F7E]  }
0x2e: {  	s3 =	simm.s32 @!p0 $0x1082;
	s9 =	sld [smem:$0x3F7F]  }
0x2f: {  	lr =	sadd.s32 s0, s3;
	s0 =	sld [smem:$0x3F76]  }
0x30: {  	s3 =	sld [smem:$0x3F79]  }
0x31: {  	[smem:$0x3F82] =	sst s10  }
0x32: {  	s10 =	sld [smem:$0x3F80];
	_ =	sdelay $0x3  }
0x33: {  	p0 =	seq.s32 s10, $0x1;
	s10 =	sld [smem:$0x3F82];
	_ =	sdelay $0x3  }
0x34: {  	[smem:$0x3F82] =	sst s10  }
0x35: {  	s10 =	sld [smem:$0x3F81];
	_ =	sdelay $0x3  }
0x36: {  	p1 =	seq.s32 s10, $0x1;
	s10 =	sld [smem:$0x3F82];
	_ =	sdelay $0x3  }
0x37: {  	[smem:$0x3F82] =	sst s10  }
0x38: {  	s10 =	sld [smem:$0x3F83]  }
0x39: {  	_ = 	snop;
	(pc) =	sbr.ind lr, $3  }
0x3a: {  	_ = 	snop  }
0x3b: {  	_ = 	snop  }
0x3c: {  	p2 =	seq.s32 s10, $0x1;
	s10 =	sld [smem:$0x3F82]  }
0x3d: {  	_ =	shalt  }
0x3e: {  	_ =	shalt  }
0x3f: {  	_ =	shalt  }
0x40: {  	_ =	shalt  }
0x41: {  	_ =	shalt  }
0x42: {  	_ =	shalt  }
0x43: {  	_ =	shalt  }
0x44: {  	_ =	shalt  }
0x45: {  	_ =	shalt  }
0x46: {  	_ =	shalt  }
0x47: {  	_ =	shalt  }
0x48: {  	_ =	shalt  }
0x49: {  	_ =	shalt  }
0x4a: {  	_ =	shalt  }
0x4b: {  	_ =	shalt  }
0x4c: {  	_ =	shalt  }
0x4d: {  	_ =	shalt  }
0x4e: {  	_ =	shalt  }
0x4f: {  	_ =	shalt  }
0x50: {  	_ =	shalt  }
0x51: {  	_ =	shalt  }
0x52: {  	_ =	shalt  }
0x53: {  	_ =	shalt  }
0x54: {  	_ =	shalt  }
0x55: {  	_ =	shalt  }
0x56: {  	_ =	shalt  }
0x57: {  	_ =	shalt  }
0x58: {  	_ =	shalt  }
0x59: {  	_ =	shalt  }
0x5a: {  	_ =	shalt  }
0x5b: {  	_ =	shalt  }
0x5c: {  	_ =	shalt  }
0x5d: {  	_ =	shalt  }
0x5e: {  	_ =	shalt  }
0x5f: {  	_ =	shalt  }
0x60: {  	_ =	shalt  }
0x61: {  	_ =	shalt  }
0x62: {  	_ =	shalt  }
0x63: {  	_ =	shalt  }
0x64: {  	_ =	shalt  }
0x65: {  	_ =	shalt  }
0x66: {  	_ =	shalt  }
0x67: {  	_ =	shalt  }
0x68: {  	_ =	shalt  }
0x69: {  	_ =	shalt  }
0x6a: {  	_ =	shalt  }
0x6b: {  	_ =	shalt  }
0x6c: {  	_ =	shalt  }
0x6d: {  	_ =	shalt  }
0x6e: {  	_ =	shalt  }
0x6f: {  	_ =	shalt  }
0x70: {  	_ =	shalt  }
0x71: {  	_ =	shalt  }
0x72: {  	_ =	shalt  }
0x73: {  	_ =	shalt  }
0x74: {  	_ =	shalt  }
0x75: {  	_ =	shalt  }
0x76: {  	_ =	shalt  }
0x77: {  	_ =	shalt  }
0x78: {  	_ =	shalt  }
0x79: {  	_ =	shalt  }
0x7a: {  	_ =	shalt  }
0x7b: {  	_ =	shalt  }
0x7c: {  	_ =	shalt  }
0x7d: {  	_ =	shalt  }
0x7e: {  	_ =	shalt  }
0x7f: {  	_ =	shalt  }
0x80: {  	_ =	shalt  }
0x81: {  	_ =	shalt  }
0x82: {  	_ =	shalt  }
0x83: {  	_ =	shalt  }
0x84: {  	_ =	shalt  }
0x85: {  	_ =	shalt  }
0x86: {  	_ =	shalt  }
0x87: {  	_ =	shalt  }
.Lfunc_end0:
.L_simem_size_0:
called_computation.2_lowered:
.L_overlay_start_0:
0x88: {  	s2 =	sld [smem:$0x3FD9]  }
0x89: {  	s3 =	sld [smem:$0x3FFE];
	_ =	sdelay $0x1  }
0x8a: {  	s1 =	srdreg.scid  }
0x8b: {  	s0 =	sand.u32 $0x1, s1  }
0x8c: {  	s17 =	sshll.u32 s0, $0xA;
	s2 =	sadd.s32 s3, s2  }
0x8d: {  	s2 =	sadd.s32 s2, s17  }
0x8e: {  	[smem:$0x3F8E] =	sst s2  }
0x8f: {  	_ = 	snop  }
0x90: {  	s2 =	sld [smem:$0x3FD0];
	(tm) =	ssettm $0x1  }
0x91: {  	s18 =	sld [smem:$0x3FFB];
	_ =	sdelay $0x3  }
0x92: {  	_ =	strace s18  }
0x93: {  	s3 =	sld [smem:$0x3FFC];
	_ =	sdelay $0x3  }
0x94: {  	_ =	strace s3  }
0x95: {  	s3 =	sld [smem:$0x3FFD];
	_ =	sdelay $0x3  }
0x96: {  	_ =	strace s3  }
0x97: {  	_ =	strace $0x8FFFFFFF  }
0x98: {  	s19 =	sld [smem:$0x3FDB];
	_ =	sdelay $0x1  }
0x99: {  	s4 =	simm.s32 $_scs_section_size  }
0x9a: {  	s5 =	simm.s32 $_size__tile_overlayer_lowered;
	s6 =	simm.s32 $_tile_overlayer_lowered  }
0x9b: {  	s22 =	simm.s32 $0x1BFF;
	s21 =	sshll.u32 s6, $0x1;
	s3 =	sadd.s32 s4, s19  }
0x9c: {  	s7 =	simm.s32 $0x0;
	s20 =	sshll.u32 s5, $0x1;
	s5 =	sadd.s32 s21, s3  }
0x9d: {  	[timem:s7], [sflag:s22] =	dma.local [hbm:s5], s20  }
0x9e: {  	_ =	swait.ge [sflag:s22], s20  }
0x9f: {  	s4 =	ssub.s32 $0x0, s20;
	[sflag:s22] =	ssyncset.done $0x0  }
0xa0: {  	[sflag:s22] =	ssyncadd.s32 s4;
	_ =	sdelay $0x1  }
0xa1: {  	s23 =	simm.s32 $0x1B8B  }
0xa2: {  	_ =	swait.ge [sflag:s23], $0x1  }
0xa3: {  	[sflag:s23] =	ssyncset.done $0x0  }
0xa4: {  	s25 =	simm.s32 $0x1B8E;
	s24 =	sld [smem:$0x3FFE];
	[sflag:s23] =	ssyncadd.s32 $0xFFFFFFFF  }
0xa5: {  	s26 =	simm.s32 $execute0_lowered;
	[smem:$0x3FD2] =	sst s25  }
0xa6: {  	s5 =	sshll.u32 s26, $0x1;
	_ =	strace $0x8000004C;
	[dreg:$0x1] =	wrdreg $0xFFFFFFFF  }
0xa7: {  	s28 =	simm.s32 $_size_execute0_lowered;
	s3 =	sadd.s32 s3, s5;
	[dreg:$0x0] =	wrdreg $0x0  }
0xa8: {  	s5 =	sshll.u32 s28, $0x1;
	[dreg:$0x2] =	wrdreg s3  }
0xa9: {  	[dreg:$0x3] =	wrdreg s5  }
0xaa: {  	[dreg:$0x4] =	wrdreg $0xC0  }
0xab: {  	_ =	task [dreg:s7], $0x5FFFF  }
0xac: {  	[dreg:$0x1] =	wrdreg $0xFFFFFFFF  }
0xad: {  	[dreg:$0x0] =	wrdreg $0x60  }
0xae: {  	[dreg:$0x2] =	wrdreg s2  }
0xaf: {  	[dreg:$0x3] =	wrdreg s24  }
0xb0: {  	[dreg:$0x4] =	wrdreg $0xA8000  }
0xb1: {  	[dreg:$0x5] =	wrdreg $0x9  }
0xb2: {  	_ =	task.clear_ibuf [dreg:s7], $0x6FFFF;
	_ =	strace $0x9000004C  }
0xb3: {  	s29 =	simm.s32 $0x9;
	_ =	strace $0x8000004E  }
0xb4: {  	_ =	swait.ge [sflag:s29], $0x1  }
0xb5: {  	[sflag:s29] =	ssyncadd.s32 $0xFFFFFFFF  }
0xb6: {  	_ =	strace $0x9000004E  }
0xb7: {  	_ =	sfence  }
0xb8: {  	s30 =	sld [smem:$0x0];
	_ =	sdelay $0x2  }
0xb9: {  	s31 =	sshll.u32 s1, $0xD;
	s1 =	sshrl.u32 s1, $0x2  }
0xba: {  	s3 =	sand.u32 $0x4000, s31;
	s1 =	sadd.s32 s1, s30  }
0xbb: {  	s0 =	sor.u32 s3, s0;
	s1 =	sshll.u32 s1, $0x11  }
0xbc: {  	s0 =	sor.u32 s1, s0  }
0xbd: {  	s0 =	sadd.s32 $0x8F2B, s0  }
0xbe: {  	[sflag:s0] =	ssyncadd.remote.s32 $0x1  }
0xbf: {  	_ =	sfence.sel $0xFFFF  }
0xc0: {  	[dreg:$0x0] =	wrdreg $0xFFFFFFFF;
	(pc) =	sbr.abs _section_cstart, $3  }
0xc1: {  	[dreg:$0x1] =	wrdreg $0xFFFFFFFF  }
0xc2: {  	_ =	task.clear_ibuf [dreg:s7], $0x2FFFF;
	_ =	strace $0x9FFFFFFF  }
0xc3: {  	(tm) =	ssettm $0x7FFFFFFF  }
tec
execute0_lowered:
.L_overlay_start_1:
0x0: {  	(tag) =	ssettag $0x1  }
0x1: {  	s1 =	rddreg [dreg:$0x0]  }
0x2: {  	s6 =	rddreg [dreg:$0x1]  }
0x3: {  	s2 =	rddreg [dreg:$0x2]  }
0x4: {  	s3 =	srdreg.scid;
	s0 =	rddreg [dreg:$0x3];
	s4 =	simm.s32 $0x0  }
0x5: {  	s16 =	simm.s32 $0x80;
	s17 =	simm.s32 $0x2800;
	s18 =	simm.s32 $0x6800  }
0x6: {  	s19 =	simm.s32 $0x1;
	s20 =	simm.s32 $0x2;
	s21 =	simm.s32 $0x2700  }
0x7: {  	s22 =	simm.s32 $0x2780;
	s7 =	sand.u32 $0x1, s3;
	s3 =	stileid.u32  }
0x8: {  	s23 =	simm.s32 $0x0;
	[smem:$0x7FF] =	sst s4;
	s5 =	smul.u32 $0x140000, s7  }
0x9: {  	s11 =	sadd.s32 $0x8E00, s6;
	s12 =	sadd.s32 $0x12E00, s6;
	s8 =	smul.u32 $0x14000, s3  }
0xa: {  	_ =	strace $0x8000004D;
	s9 =	sshll.u32 s3, $0x1;
	s10 =	ssub.s32 $0x2, s7  }
0xb: {  	s28 =	smul.u32 $0x50000, s3;
	s31 =	sshll.u32 s3, $0x6;
	s7 =	sor.u32 s7, s9  }
0xc: {  	s29 =	sshrl.u32 s10, $0x1;
	s8 =	sadd.s32 s8, s5;
	s5 =	sadd.s32 $0x1CE00, s6  }
0xd: {  	s7 =	smul.u32 $0x2800, s7;
	s30 =	sshrl.u32 s28, $0x2;
	s8 =	sshrl.u32 s8, $0x3  }
0xe: {  	s10 =	ssub.s32 s10, s29;
	s13 =	sadd.s32 s30, s2;
	s8 =	sadd.s32 s8, s6  }
0xf: {  	s6 =	sor.u32 $0x1C03, s31;
	s14 =	sshrl.u32 s7, $0x3;
	s13 =	sshrl.u32 s13, $0x3  }
0x10: {  	s7 =	sadd.s32 $0x6F600, s8;
	s8 =	smax.u32 s10, $0x1;
	s15 =	sadd.s32 $0x280, s14  }
0x11: {  	s9 =	sadd.s32 s11, s14;
	s10 =	sadd.s32 s12, s14;
	s14 =	simm.s32 $0x3  }
0x12: {  	s11 =	sadd.s32 s11, s15;
	s12 =	sadd.s32 s12, s15;
	s15 =	simm.s32 $0x1400  }
.LBB2_1:
0x13: {  	[spmem:s13], [sflag:s6] =	dma.local [hbm:s5], $0x2800  }
0x14: {  	_ =	swait.ge [sflag:s14], $0x2800  }
0x15: {  	[sflag:s14] =	ssyncset.done $0x0  }
0x16: {  	[sflag:s14] =	ssyncadd.s32 $0xFFFFD800  }
0x17: {  	[bflag:$0x0] =	sbarrier.arrive $0xFFFF  }
0x18: {  	[tilespmem:s4], [sflag:$0x3] =	stream.linear.gather [hbm4b:s9+s4], $0x1400, $0x38;
	[tilespmem:$0x1E800] =	vst v63  }
0x19: {  	_ =	swait.ge [sflag:s14], $0x1400  }
0x1a: {  	[sflag:s14] =	ssyncset.done $0x0  }
0x1b: {  	[sflag:s14] =	ssyncadd.s32 $0xFFFFEC00  }
0x1c: {  	[tilespmem:s15], [sflag:$0x3] =	stream.linear.gather [hbm4b:s10+s4], $0x1400, $0x38;
	[tilespmem:$0x1E800] =	vst v63  }
0x1d: {  	_ =	swait.ge [sflag:s14], $0x1400  }
0x1e: {  	[sflag:s14] =	ssyncset.done $0x0  }
0x1f: {  	[sflag:s14] =	ssyncadd.s32 $0xFFFFEC00  }
0x20: {  	[tilespmem:s17], [sflag:$0x1] =	stream.indirect.gather [hbm4b:s1+s16], $0x80, s4, s16, $0xb8;
	[tilespmem:$0x1E800] =	vst v63  }
0x21: {  	_ = 	snop  }
0x22: {  	[tilespmem:s18], [sflag:$0x2] =	stream.indirect.gather [hbm4b:s1+s16], $0x80, s16, s16, $0xb8;
	[tilespmem:$0x1E800] =	vst v63  }
0x23: {  	_ =	swait.ge [sflag:s19], $0x4000  }
0x24: {  	[sflag:s19] =	ssyncset.done $0x0  }
0x25: {  	s24 =	simm.s32 $0x1400;
	[sflag:s19] =	ssyncadd.s32 $0xFFFFC000  }
0x26: {  	[spmem:s2] =	stream.indirect.scatter.add.f32 [tilespmem:s17], [sflag:$0x3], $0x80, s24, s16, $0xb8;
	[tilespmem:$0x1E800] =	vst v63  }
0x27: {  	_ =	swait.ge [sflag:s14], $0x4000  }
0x28: {  	[sflag:s14] =	ssyncset.done $0x0  }
0x29: {  	s30 =	simm.s32 $0x100;
	[sflag:s14] =	ssyncadd.s32 $0xFFFFC000  }
0x2a: {  	[tilespmem:s17], [sflag:$0x1] =	stream.indirect.gather [hbm4b:s1+s16], $0x80, s30, s16, $0xb8;
	[tilespmem:$0x1E800] =	vst v63  }
0x2b: {  	_ =	swait.ge [sflag:s20], $0x4000  }
0x2c: {  	[sflag:s20] =	ssyncset.done $0x0  }
0x2d: {  	s31 =	simm.s32 $0x1480;
	[sflag:s20] =	ssyncadd.s32 $0xFFFFC000  }
0x2e: {  	[spmem:s2] =	stream.indirect.scatter.add.f32 [tilespmem:s18], [sflag:$0x3], $0x80, s31, s16, $0xb8;
	[tilespmem:$0x1E800] =	vst v63  }
0x2f: {  	_ =	swait.ge [sflag:s14], $0x4000  }
0x30: {  	[sflag:s14] =	ssyncset.done $0x0  }
0x31: {  	s25 =	simm.s32 $0x180;
	s24 =	simm.s32 $0x400;
	[sflag:s14] =	ssyncadd.s32 $0xFFFFC000  }
.LBB2_2:
0x32: {  	[tilespmem:s18], [sflag:$0x2] =	stream.indirect.gather [hbm4b:s1+s16], $0x80, s25, s16, $0xb8;
	[tilespmem:$0x1E800] =	vst v63  }
0x33: {  	s25 =	smov.u32 s24  }
0x34: {  	p0 =	sne.s32 s24, $0x4800;
	s24 =	sadd.s32 $0x400, s24;
	_ =	swait.ge [sflag:s19], $0x4000  }
0x35: {  	s25 =	sshra.s32 s25, $0x2;
	[sflag:s19] =	ssyncset.done $0x0  }
0x36: {  	s26 =	sadd.s32 $0x1400, s25;
	[sflag:s19] =	ssyncadd.s32 $0xFFFFC000  }
0x37: {  	[spmem:s2] =	stream.indirect.scatter.add.f32 [tilespmem:s17], [sflag:$0x3], $0x80, s26, s16, $0xb8;
	[tilespmem:$0x1E800] =	vst v63  }
0x38: {  	_ =	swait.ge [sflag:s14], $0x4000  }
0x39: {  	[sflag:s14] =	ssyncset.done $0x0  }
0x3a: {  	s26 =	sadd.s32 $0x100, s25;
	[sflag:s14] =	ssyncadd.s32 $0xFFFFC000  }
0x3b: {  	[tilespmem:s17], [sflag:$0x1] =	stream.indirect.gather [hbm4b:s1+s16], $0x80, s26, s16, $0xb8;
	[tilespmem:$0x1E800] =	vst v63  }
0x3c: {  	_ =	swait.ge [sflag:s20], $0x4000  }
0x3d: {  	[sflag:s20] =	ssyncset.done $0x0  }
.Ltmp0:
0x3e: {  	s26 =	sadd.s32 $0x1480, s25;
	[sflag:s20] =	ssyncadd.s32 $0xFFFFC000;
	(pc) =	sbr.rel @p0 .LBB2_2-.Ltmp0, $4  }
0x3f: {  	[spmem:s2] =	stream.indirect.scatter.add.f32 [tilespmem:s18], [sflag:$0x3], $0x80, s26, s16, $0xb8;
	[tilespmem:$0x1E800] =	vst v63  }
0x40: {  	_ =	swait.ge [sflag:s14], $0x4000  }
0x41: {  	[sflag:s14] =	ssyncset.done $0x0  }
0x42: {  	s25 =	sadd.s32 $0x180, s25;
	[sflag:s14] =	ssyncadd.s32 $0xFFFFC000  }
0x43: {  	[tilespmem:s18], [sflag:$0x2] =	stream.indirect.gather [hbm4b:s1+s16], $0x80, s25, s16, $0xb8;
	[tilespmem:$0x1E800] =	vst v63  }
0x44: {  	_ =	swait.ge [sflag:s19], $0x4000  }
0x45: {  	[sflag:s19] =	ssyncset.done $0x0  }
0x46: {  	[sflag:s19] =	ssyncadd.s32 $0xFFFFC000  }
0x47: {  	[spmem:s2] =	stream.indirect.scatter.add.f32 [tilespmem:s17], [sflag:$0x3], $0x80, s21, s16, $0xb8;
	[tilespmem:$0x1E800] =	vst v63  }
0x48: {  	_ =	swait.ge [sflag:s14], $0x4000  }
0x49: {  	[sflag:s14] =	ssyncset.done $0x0  }
0x4a: {  	[sflag:s14] =	ssyncadd.s32 $0xFFFFC000  }
0x4b: {  	_ =	swait.ge [sflag:s20], $0x4000  }
0x4c: {  	[sflag:s20] =	ssyncset.done $0x0  }
0x4d: {  	[sflag:s20] =	ssyncadd.s32 $0xFFFFC000  }
0x4e: {  	[spmem:s2] =	stream.indirect.scatter.add.f32 [tilespmem:s18], [sflag:$0x3], $0x80, s22, s16, $0xb8;
	[tilespmem:$0x1E800] =	vst v63  }
0x4f: {  	_ =	swait.ge [sflag:s14], $0x4000  }
0x50: {  	[sflag:s14] =	ssyncset.done $0x0  }
0x51: {  	s24 =	simm.s32 $0x0;
	[sflag:s14] =	ssyncadd.s32 $0xFFFFC000  }
0x52: {  	[tilespmem:s24], [sflag:$0x3] =	stream.linear.gather [hbm4b:s11+s24], $0x1400, $0x38;
	[tilespmem:$0x1E800] =	vst v63  }
0x53: {  	_ =	swait.ge [sflag:s14], $0x1400  }
0x54: {  	[sflag:s14] =	ssyncset.done $0x0  }
0x55: {  	[sflag:s14] =	ssyncadd.s32 $0xFFFFEC00  }
0x56: {  	[tilespmem:s15], [sflag:$0x3] =	stream.linear.gather [hbm4b:s12+s24], $0x1400, $0x38;
	[tilespmem:$0x1E800] =	vst v63  }
0x57: {  	_ =	swait.ge [sflag:s14], $0x1400  }
0x58: {  	[sflag:s14] =	ssyncset.done $0x0  }
0x59: {  	[sflag:s14] =	ssyncadd.s32 $0xFFFFEC00  }
0x5a: {  	[tilespmem:s17], [sflag:$0x1] =	stream.indirect.gather [hbm4b:s1+s16], $0x80, s24, s16, $0xb8;
	[tilespmem:$0x1E800] =	vst v63  }
0x5b: {  	_ = 	snop  }
0x5c: {  	[tilespmem:s18], [sflag:$0x2] =	stream.indirect.gather [hbm4b:s1+s16], $0x80, s16, s16, $0xb8;
	[tilespmem:$0x1E800] =	vst v63  }
0x5d: {  	_ =	swait.ge [sflag:s19], $0x4000  }
0x5e: {  	[sflag:s19] =	ssyncset.done $0x0  }
0x5f: {  	s29 =	simm.s32 $0x1400;
	[sflag:s19] =	ssyncadd.s32 $0xFFFFC000  }
0x60: {  	[spmem:s2] =	stream.indirect.scatter.add.f32 [tilespmem:s17], [sflag:$0x3], $0x80, s29, s16, $0xb8;
	[tilespmem:$0x1E800] =	vst v63  }
0x61: {  	_ =	swait.ge [sflag:s14], $0x4000  }
0x62: {  	[sflag:s14] =	ssyncset.done $0x0  }
0x63: {  	s30 =	simm.s32 $0x100;
	[sflag:s14] =	ssyncadd.s32 $0xFFFFC000  }
0x64: {  	[tilespmem:s17], [sflag:$0x1] =	stream.indirect.gather [hbm4b:s1+s16], $0x80, s30, s16, $0xb8;
	[tilespmem:$0x1E800] =	vst v63  }
0x65: {  	_ =	swait.ge [sflag:s20], $0x4000  }
0x66: {  	[sflag:s20] =	ssyncset.done $0x0  }
0x67: {  	s31 =	simm.s32 $0x1480;
	[sflag:s20] =	ssyncadd.s32 $0xFFFFC000  }
0x68: {  	[spmem:s2] =	stream.indirect.scatter.add.f32 [tilespmem:s18], [sflag:$0x3], $0x80, s31, s16, $0xb8;
	[tilespmem:$0x1E800] =	vst v63  }
0x69: {  	_ =	swait.ge [sflag:s14], $0x4000  }
0x6a: {  	[sflag:s14] =	ssyncset.done $0x0  }
0x6b: {  	s25 =	simm.s32 $0x180;
	s24 =	simm.s32 $0x400;
	[sflag:s14] =	ssyncadd.s32 $0xFFFFC000  }
.LBB2_4:
0x6c: {  	[tilespmem:s18], [sflag:$0x2] =	stream.indirect.gather [hbm4b:s1+s16], $0x80, s25, s16, $0xb8;
	[tilespmem:$0x1E800] =	vst v63  }
0x6d: {  	s25 =	smov.u32 s24  }
0x6e: {  	p0 =	sne.s32 s24, $0x4800;
	s24 =	sadd.s32 $0x400, s24;
	_ =	swait.ge [sflag:s19], $0x4000  }
0x6f: {  	s25 =	sshra.s32 s25, $0x2;
	[sflag:s19] =	ssyncset.done $0x0  }
0x70: {  	s26 =	sadd.s32 $0x1400, s25;
	[sflag:s19] =	ssyncadd.s32 $0xFFFFC000  }
0x71: {  	[spmem:s2] =	stream.indirect.scatter.add.f32 [tilespmem:s17], [sflag:$0x3], $0x80, s26, s16, $0xb8;
	[tilespmem:$0x1E800] =	vst v63  }
0x72: {  	_ =	swait.ge [sflag:s14], $0x4000  }
0x73: {  	[sflag:s14] =	ssyncset.done $0x0  }
0x74: {  	s26 =	sadd.s32 $0x100, s25;
	[sflag:s14] =	ssyncadd.s32 $0xFFFFC000  }
0x75: {  	[tilespmem:s17], [sflag:$0x1] =	stream.indirect.gather [hbm4b:s1+s16], $0x80, s26, s16, $0xb8;
	[tilespmem:$0x1E800] =	vst v63  }
0x76: {  	_ =	swait.ge [sflag:s20], $0x4000  }
0x77: {  	[sflag:s20] =	ssyncset.done $0x0  }
.Ltmp1:
0x78: {  	s26 =	sadd.s32 $0x1480, s25;
	[sflag:s20] =	ssyncadd.s32 $0xFFFFC000;
	(pc) =	sbr.rel @p0 .LBB2_4-.Ltmp1, $4  }
0x79: {  	[spmem:s2] =	stream.indirect.scatter.add.f32 [tilespmem:s18], [sflag:$0x3], $0x80, s26, s16, $0xb8;
	[tilespmem:$0x1E800] =	vst v63  }
0x7a: {  	_ =	swait.ge [sflag:s14], $0x4000  }
0x7b: {  	[sflag:s14] =	ssyncset.done $0x0  }
0x7c: {  	s25 =	sadd.s32 $0x180, s25;
	[sflag:s14] =	ssyncadd.s32 $0xFFFFC000  }
0x7d: {  	[tilespmem:s18], [sflag:$0x2] =	stream.indirect.gather [hbm4b:s1+s16], $0x80, s25, s16, $0xb8;
	[tilespmem:$0x1E800] =	vst v63  }
0x7e: {  	_ =	swait.ge [sflag:s19], $0x4000  }
0x7f: {  	[sflag:s19] =	ssyncset.done $0x0  }
0x80: {  	[sflag:s19] =	ssyncadd.s32 $0xFFFFC000  }
0x81: {  	[spmem:s2] =	stream.indirect.scatter.add.f32 [tilespmem:s17], [sflag:$0x3], $0x80, s21, s16, $0xb8;
	[tilespmem:$0x1E800] =	vst v63  }
0x82: {  	_ =	swait.ge [sflag:s14], $0x4000  }
0x83: {  	[sflag:s14] =	ssyncset.done $0x0  }
0x84: {  	[sflag:s14] =	ssyncadd.s32 $0xFFFFC000  }
0x85: {  	_ =	swait.ge [sflag:s20], $0x4000  }
0x86: {  	[sflag:s20] =	ssyncset.done $0x0  }
0x87: {  	[sflag:s20] =	ssyncadd.s32 $0xFFFFC000  }
0x88: {  	[spmem:s2] =	stream.indirect.scatter.add.f32 [tilespmem:s18], [sflag:$0x3], $0x80, s22, s16, $0xb8;
	[tilespmem:$0x1E800] =	vst v63  }
0x89: {  	_ =	swait.ge [sflag:s14], $0x4000  }
0x8a: {  	s23 =	sadd.s32 $0x1, s23;
	[sflag:s14] =	ssyncset.done $0x0  }
0x8b: {  	p0 =	sne.s32 s23, s8;
	[sflag:s14] =	ssyncadd.s32 $0xFFFFC000  }
.Ltmp2:
0x8c: {  	[bflag:$0x0] =	sbarrier.arrive $0xFFFF;
	(pc) =	sbr.rel @p0 .LBB2_1-.Ltmp2, $4  }
0x8d: {  	[hbm:s7], [sflag:s6] =	dma.local [spmem:s13], $0x2800  }
0x8e: {  	_ =	swait.ge [sflag:s14], $0x2800  }
0x8f: {  	[sflag:s14] =	ssyncset.done $0x0  }
0x90: {  	[sflag:s14] =	ssyncadd.s32 $0xFFFFD800  }
0x91: {  	_ =	sfence.sel $0x180000  }
0x92: {  	[bflag:$0x0] =	sbarrier.arrive $0xFFFF  }
0x93: {  	p0 =	sne.s32 s3, $0x0;
	_ =	strace $0x9000004D  }
0x94: {  	s0 =	sadd.s32 @!p0 $0x100000, s0;
	[bflag:$0x2] =	sbarrier.arrive $0xFFFF  }
0x95: {  	[sflag:s0] =	ssyncadd.tile.s32 @!p0 $0x1;
	_ =	shalt  }
.Lfunc_end2:
_tile_overlayer_lowered:
.L_overlay_start_2:
0x96: {  	(tag) =	ssettag $0x2  }
0x97: {  	s0 =	rddreg [dreg:$0x0];
	s2 =	stileid.u32  }
0x98: {  	s1 =	rddreg [dreg:$0x1];
	p0 =	sne.s32 s2, $0x0  }
0x99: {  	s3 =	rddreg [dreg:$0x2];
	[bflag:$0x3] =	sbarrier.arrive $0xFFFF;
	s2 =	simm.s32 @!p0 $0x1C03  }
0x9a: {  	[timem:s3], [sflag:s2] =	dma.local @!p0 [hbm:s0], s1  }
0x9b: {  	s0 =	simm.s32 @!p0 $0x3  }
0x9c: {  	_ =	swait.ge @!p0 [sflag:s0], s1  }
0x9d: {  	s1 =	ssub.s32 @!p0 $0x0, s1;
	[sflag:s0] =	ssyncset.done @!p0 $0x0  }
0x9e: {  	[sflag:s0] =	ssyncadd.s32 @!p0 s1  }
0x9f: {  	[bflag:$0x3] =	sbarrier.arrive $0xFFFF  }
0xa0: {  	_ =	shalt  }

// kernel: kernel.29.cloned.1.call-start
scs
__scs_entry_jumppad:
0x0: {  	(pc) =	sbr.rel $0x88, $3  }
0x1: {  	(tag) =	ssettag $0x0;
	lr =	simm.s32 $0x1  }
0x2: {  	[smem:$0x3F67] =	sst lr;
	_ =	strace $0xD0000000  }
0x3: {  	_ = 	snop  }
0x4: {  	_ = 	snop  }
0x5: {  	_ = 	snop  }
0x6: {  	_ = 	snop  }
0x7: {  	_ = 	snop  }
__scs_overlays_trampoline_lowered:
0x8: {  	[smem:$0x3F76] =	sst s0  }
0x9: {  	[smem:$0x3F77] =	sst s1  }
0xa: {  	[smem:$0x3F78] =	sst s2  }
0xb: {  	[smem:$0x3F79] =	sst s3  }
0xc: {  	[smem:$0x3F7A] =	sst s4  }
0xd: {  	[smem:$0x3F7B] =	sst s5  }
0xe: {  	[smem:$0x3F7C] =	sst s6  }
0xf: {  	[smem:$0x3F7D] =	sst s7  }
0x10: {  	[smem:$0x3F7E] =	sst s8  }
0x11: {  	[smem:$0x3F7F] =	sst s9;
	s0 =	simm.s32 @!p0 $0x0  }
0x12: {  	s1 =	sld [smem:$0x3F65];
	s0 =	simm.s32 @p0 $0x1  }
0x13: {  	[smem:$0x3F80] =	sst s0;
	s0 =	simm.s32 @!p1 $0x0  }
0x14: {  	s2 =	sld [smem:$0x3F64];
	s0 =	simm.s32 @p1 $0x1  }
0x15: {  	[smem:$0x3F81] =	sst s0;
	s0 =	simm.s32 @!p2 $0x0  }
0x16: {  	s3 =	sld [smem:$0x3FDB];
	s0 =	simm.s32 @p2 $0x1  }
0x17: {  	s4 =	simm.s32 $0x1BF5;
	[smem:$0x3F83] =	sst s0  }
0x18: {  	s0 =	sld [smem:$0x3F66];
	_ =	swait.ge [sflag:s4], $0x0  }
0x19: {  	s7 =	sld [smem:$0x3F67]  }
0x1a: {  	s8 =	sadd.s32 $0xFFFFE003, lr  }
0x1b: {  	s9 =	sadd.s32 $0xFFFFFEF7, lr;
	s5 =	simm.s32 $0xFFFFFFFF;
	p2 =	slt.u32 s8, $0xFFFFF086  }
0x1c: {  	p1 =	slt.u32 s9, $0xF7A;
	s5 =	simm.s32 @!p2 $0x0  }
0x1d: {  	s5 =	simm.s32 @p1 $0x1;
	p0 =	seq.s32 s7, s2  }
0x1e: {  	s7 =	smul.u32 @!p0 $0xF7A, s2;
	p2 =	seq.s32 @!p0 s5, $0x0  }
0x1f: {  	s9 =	smul.u32 $0xF7A, s1;
	s8 =	simm.s32 @!p0 $0x1BF5;
	p2 =	por !p2, p0  }
0x20: {  	[sflag:s8] =	ssyncset.s32 @!p0 $0xFFFFF086;
	s6 =	sadd.s32 @!p0 s3, s7;
	s7 =	simm.s32 @!p0 $0x108  }
0x21: {  	s3 =	sadd.s32 s3, s9;
	s6 =	sadd.s32 @!p0 $0x88, s6;
	s7 =	simm.s32 @p2 $0x1082  }
0x22: {  	[simem:s7], [sflag:s8] =	dma.local @!p0 [hbm:s6], $0xF7A  }
0x23: {  	s9 =	sor.u32 $0xD0000000, s2;
	s6 =	simm.s32 $0x108;
	_ =	swait.ge @!p0 [sflag:s8], $0x0  }
0x24: {  	s3 =	sadd.s32 $0x88, s3;
	s6 =	simm.s32 @!p1 $0x1082;
	[sflag:s4] =	ssyncset.s32 $0xFFFFF086  }
0x25: {  	[simem:s6], [sflag:s4] =	dma.local [hbm:s3], $0xF7A  }
0x26: {  	[smem:$0x3F67] =	sst s1;
	(tag) =	ssettag s2;
	_ =	strace s9  }
0x27: {  	s1 =	sld [smem:$0x3F77]  }
0x28: {  	s2 =	sld [smem:$0x3F78]  }
0x29: {  	s4 =	sld [smem:$0x3F7A]  }
0x2a: {  	p0 =	seq.s32 s5, $0x0;
	s5 =	sld [smem:$0x3F7B]  }
0x2b: {  	s6 =	sld [smem:$0x3F7C]  }
0x2c: {  	s7 =	sld [smem:$0x3F7D]  }
0x2d: {  	s3 =	simm.s32 $0x108;
	s8 =	sld [smem:$0x3F7E]  }
0x2e: {  	s3 =	simm.s32 @!p0 $0x1082;
	s9 =	sld [smem:$0x3F7F]  }
0x2f: {  	lr =	sadd.s32 s0, s3;
	s0 =	sld [smem:$0x3F76]  }
0x30: {  	s3 =	sld [smem:$0x3F79]  }
0x31: {  	[smem:$0x3F82] =	sst s10  }
0x32: {  	s10 =	sld [smem:$0x3F80];
	_ =	sdelay $0x3  }
0x33: {  	p0 =	seq.s32 s10, $0x1;
	s10 =	sld [smem:$0x3F82];
	_ =	sdelay $0x3  }
0x34: {  	[smem:$0x3F82] =	sst s10  }
0x35: {  	s10 =	sld [smem:$0x3F81];
	_ =	sdelay $0x3  }
0x36: {  	p1 =	seq.s32 s10, $0x1;
	s10 =	sld [smem:$0x3F82];
	_ =	sdelay $0x3  }
0x37: {  	[smem:$0x3F82] =	sst s10  }
0x38: {  	s10 =	sld [smem:$0x3F83]  }
0x39: {  	_ = 	snop;
	(pc) =	sbr.ind lr, $3  }
0x3a: {  	_ = 	snop  }
0x3b: {  	_ = 	snop  }
0x3c: {  	p2 =	seq.s32 s10, $0x1;
	s10 =	sld [smem:$0x3F82]  }
0x3d: {  	_ =	shalt  }
0x3e: {  	_ =	shalt  }
0x3f: {  	_ =	shalt  }
0x40: {  	_ =	shalt  }
0x41: {  	_ =	shalt  }
0x42: {  	_ =	shalt  }
0x43: {  	_ =	shalt  }
0x44: {  	_ =	shalt  }
0x45: {  	_ =	shalt  }
0x46: {  	_ =	shalt  }
0x47: {  	_ =	shalt  }
0x48: {  	_ =	shalt  }
0x49: {  	_ =	shalt  }
0x4a: {  	_ =	shalt  }
0x4b: {  	_ =	shalt  }
0x4c: {  	_ =	shalt  }
0x4d: {  	_ =	shalt  }
0x4e: {  	_ =	shalt  }
0x4f: {  	_ =	shalt  }
0x50: {  	_ =	shalt  }
0x51: {  	_ =	shalt  }
0x52: {  	_ =	shalt  }
0x53: {  	_ =	shalt  }
0x54: {  	_ =	shalt  }
0x55: {  	_ =	shalt  }
0x56: {  	_ =	shalt  }
0x57: {  	_ =	shalt  }
0x58: {  	_ =	shalt  }
0x59: {  	_ =	shalt  }
0x5a: {  	_ =	shalt  }
0x5b: {  	_ =	shalt  }
0x5c: {  	_ =	shalt  }
0x5d: {  	_ =	shalt  }
0x5e: {  	_ =	shalt  }
0x5f: {  	_ =	shalt  }
0x60: {  	_ =	shalt  }
0x61: {  	_ =	shalt  }
0x62: {  	_ =	shalt  }
0x63: {  	_ =	shalt  }
0x64: {  	_ =	shalt  }
0x65: {  	_ =	shalt  }
0x66: {  	_ =	shalt  }
0x67: {  	_ =	shalt  }
0x68: {  	_ =	shalt  }
0x69: {  	_ =	shalt  }
0x6a: {  	_ =	shalt  }
0x6b: {  	_ =	shalt  }
0x6c: {  	_ =	shalt  }
0x6d: {  	_ =	shalt  }
0x6e: {  	_ =	shalt  }
0x6f: {  	_ =	shalt  }
0x70: {  	_ =	shalt  }
0x71: {  	_ =	shalt  }
0x72: {  	_ =	shalt  }
0x73: {  	_ =	shalt  }
0x74: {  	_ =	shalt  }
0x75: {  	_ =	shalt  }
0x76: {  	_ =	shalt  }
0x77: {  	_ =	shalt  }
0x78: {  	_ =	shalt  }
0x79: {  	_ =	shalt  }
0x7a: {  	_ =	shalt  }
0x7b: {  	_ =	shalt  }
0x7c: {  	_ =	shalt  }
0x7d: {  	_ =	shalt  }
0x7e: {  	_ =	shalt  }
0x7f: {  	_ =	shalt  }
0x80: {  	_ =	shalt  }
0x81: {  	_ =	shalt  }
0x82: {  	_ =	shalt  }
0x83: {  	_ =	shalt  }
0x84: {  	_ =	shalt  }
0x85: {  	_ =	shalt  }
0x86: {  	_ =	shalt  }
0x87: {  	_ =	shalt  }
.Lfunc_end0:
.L_simem_size_0:
called_computation.3_lowered:
.L_overlay_start_0:
0x88: {  	s2 =	sld [smem:$0x3FD9]  }
0x89: {  	s3 =	sld [smem:$0x3FFE];
	_ =	sdelay $0x1  }
0x8a: {  	s1 =	srdreg.scid  }
0x8b: {  	s0 =	sand.u32 $0x1, s1  }
0x8c: {  	s17 =	sshll.u32 s0, $0xA;
	s2 =	sadd.s32 s3, s2  }
0x8d: {  	s2 =	sadd.s32 s2, s17  }
0x8e: {  	[smem:$0x3F8E] =	sst s2  }
0x8f: {  	_ = 	snop  }
0x90: {  	s2 =	sld [smem:$0x3FD0];
	(tm) =	ssettm $0x1  }
0x91: {  	s18 =	sld [smem:$0x3FFB];
	_ =	sdelay $0x3  }
0x92: {  	_ =	strace s18  }
0x93: {  	s3 =	sld [smem:$0x3FFC];
	_ =	sdelay $0x3  }
0x94: {  	_ =	strace s3  }
0x95: {  	s3 =	sld [smem:$0x3FFD];
	_ =	sdelay $0x3  }
0x96: {  	_ =	strace s3  }
0x97: {  	_ =	strace $0x8FFFFFFF  }
0x98: {  	s19 =	sld [smem:$0x3FDB];
	_ =	sdelay $0x1  }
0x99: {  	s4 =	simm.s32 $_scs_section_size  }
0x9a: {  	s5 =	simm.s32 $_size__tile_overlayer_lowered;
	s6 =	simm.s32 $_tile_overlayer_lowered  }
0x9b: {  	s22 =	simm.s32 $0x1BFF;
	s21 =	sshll.u32 s6, $0x1;
	s3 =	sadd.s32 s4, s19  }
0x9c: {  	s7 =	simm.s32 $0x0;
	s20 =	sshll.u32 s5, $0x1;
	s5 =	sadd.s32 s21, s3  }
0x9d: {  	[timem:s7], [sflag:s22] =	dma.local [hbm:s5], s20  }
0x9e: {  	_ =	swait.ge [sflag:s22], s20  }
0x9f: {  	s4 =	ssub.s32 $0x0, s20;
	[sflag:s22] =	ssyncset.done $0x0  }
0xa0: {  	[sflag:s22] =	ssyncadd.s32 s4;
	_ =	sdelay $0x1  }
0xa1: {  	s23 =	simm.s32 $0x1B8B  }
0xa2: {  	_ =	swait.ge [sflag:s23], $0x1  }
0xa3: {  	[sflag:s23] =	ssyncset.done $0x0  }
0xa4: {  	s25 =	simm.s32 $0x1B8E;
	s24 =	sld [smem:$0x3FFE];
	[sflag:s23] =	ssyncadd.s32 $0xFFFFFFFF  }
0xa5: {  	s26 =	simm.s32 $execute0_lowered;
	[smem:$0x3FD2] =	sst s25  }
0xa6: {  	s5 =	sshll.u32 s26, $0x1;
	_ =	strace $0x8000004F;
	[dreg:$0x1] =	wrdreg $0xFFFFFFFF  }
0xa7: {  	s28 =	simm.s32 $_size_execute0_lowered;
	s3 =	sadd.s32 s3, s5;
	[dreg:$0x0] =	wrdreg $0x0  }
0xa8: {  	s5 =	sshll.u32 s28, $0x1;
	[dreg:$0x2] =	wrdreg s3  }
0xa9: {  	[dreg:$0x3] =	wrdreg s5  }
0xaa: {  	[dreg:$0x4] =	wrdreg $0xC0  }
0xab: {  	_ =	task [dreg:s7], $0x5FFFF  }
0xac: {  	[dreg:$0x1] =	wrdreg $0xFFFFFFFF  }
0xad: {  	[dreg:$0x0] =	wrdreg $0x60  }
0xae: {  	[dreg:$0x2] =	wrdreg s2  }
0xaf: {  	[dreg:$0x3] =	wrdreg s24  }
0xb0: {  	[dreg:$0x4] =	wrdreg $0xA8000  }
0xb1: {  	[dreg:$0x5] =	wrdreg $0x9  }
0xb2: {  	_ =	task.clear_ibuf [dreg:s7], $0x6FFFF;
	_ =	strace $0x9000004F  }
0xb3: {  	s29 =	simm.s32 $0x9;
	_ =	strace $0x80000051  }
0xb4: {  	_ =	swait.ge [sflag:s29], $0x1  }
0xb5: {  	[sflag:s29] =	ssyncadd.s32 $0xFFFFFFFF  }
0xb6: {  	_ =	strace $0x90000051  }
0xb7: {  	_ =	sfence  }
0xb8: {  	s30 =	sld [smem:$0x0];
	_ =	sdelay $0x2  }
0xb9: {  	s31 =	sshll.u32 s1, $0xD;
	s1 =	sshrl.u32 s1, $0x2  }
0xba: {  	s3 =	sand.u32 $0x4000, s31;
	s1 =	sadd.s32 s1, s30  }
0xbb: {  	s0 =	sor.u32 s3, s0;
	s1 =	sshll.u32 s1, $0x11  }
0xbc: {  	s0 =	sor.u32 s1, s0  }
0xbd: {  	s0 =	sadd.s32 $0x8F2B, s0  }
0xbe: {  	[sflag:s0] =	ssyncadd.remote.s32 $0x1  }
0xbf: {  	_ =	sfence.sel $0xFFFF  }
0xc0: {  	[dreg:$0x0] =	wrdreg $0xFFFFFFFF;
	(pc) =	sbr.abs _section_cstart, $3  }
0xc1: {  	[dreg:$0x1] =	wrdreg $0xFFFFFFFF  }
0xc2: {  	_ =	task.clear_ibuf [dreg:s7], $0x2FFFF;
	_ =	strace $0x9FFFFFFF  }
0xc3: {  	(tm) =	ssettm $0x7FFFFFFF  }
tec
execute0_lowered:
.L_overlay_start_1:
0x0: {  	(tag) =	ssettag $0x1  }
0x1: {  	s1 =	rddreg [dreg:$0x0]  }
0x2: {  	s6 =	rddreg [dreg:$0x1]  }
0x3: {  	s2 =	rddreg [dreg:$0x2]  }
0x4: {  	s3 =	srdreg.scid;
	s0 =	rddreg [dreg:$0x3];
	s4 =	simm.s32 $0x0  }
0x5: {  	s16 =	simm.s32 $0x80;
	s17 =	simm.s32 $0x2800;
	s18 =	simm.s32 $0x6800  }
0x6: {  	s19 =	simm.s32 $0x1;
	s20 =	simm.s32 $0x2;
	s21 =	simm.s32 $0x2700  }
0x7: {  	s22 =	simm.s32 $0x2780;
	s7 =	sand.u32 $0x1, s3;
	s3 =	stileid.u32  }
0x8: {  	s23 =	simm.s32 $0x0;
	[smem:$0x7FF] =	sst s4;
	s5 =	smul.u32 $0x140000, s7  }
0x9: {  	s11 =	sadd.s32 $0x8E00, s6;
	s12 =	sadd.s32 $0x12E00, s6;
	s8 =	smul.u32 $0x14000, s3  }
0xa: {  	_ =	strace $0x80000050;
	s9 =	sshll.u32 s3, $0x1;
	s10 =	ssub.s32 $0x2, s7  }
0xb: {  	s28 =	smul.u32 $0x50000, s3;
	s31 =	sshll.u32 s3, $0x6;
	s7 =	sor.u32 s7, s9  }
0xc: {  	s29 =	sshrl.u32 s10, $0x1;
	s8 =	sadd.s32 s8, s5;
	s5 =	sadd.s32 $0x1CE00, s6  }
0xd: {  	s7 =	smul.u32 $0x2800, s7;
	s30 =	sshrl.u32 s28, $0x2;
	s8 =	sshrl.u32 s8, $0x3  }
0xe: {  	s10 =	ssub.s32 s10, s29;
	s13 =	sadd.s32 s30, s2;
	s8 =	sadd.s32 s8, s6  }
0xf: {  	s6 =	sor.u32 $0x1C03, s31;
	s14 =	sshrl.u32 s7, $0x3;
	s13 =	sshrl.u32 s13, $0x3  }
0x10: {  	s7 =	sadd.s32 $0x6F600, s8;
	s8 =	smax.u32 s10, $0x1;
	s15 =	sadd.s32 $0x280, s14  }
0x11: {  	s9 =	sadd.s32 s11, s14;
	s10 =	sadd.s32 s12, s14;
	s14 =	simm.s32 $0x3  }
0x12: {  	s11 =	sadd.s32 s11, s15;
	s12 =	sadd.s32 s12, s15;
	s15 =	simm.s32 $0x1400  }
.LBB2_1:
0x13: {  	[spmem:s13], [sflag:s6] =	dma.local [hbm:s5], $0x2800  }
0x14: {  	_ =	swait.ge [sflag:s14], $0x2800  }
0x15: {  	[sflag:s14] =	ssyncset.done $0x0  }
0x16: {  	[sflag:s14] =	ssyncadd.s32 $0xFFFFD800  }
0x17: {  	[bflag:$0x0] =	sbarrier.arrive $0xFFFF  }
0x18: {  	[tilespmem:s4], [sflag:$0x3] =	stream.linear.gather [hbm4b:s9+s4], $0x1400, $0x38;
	[tilespmem:$0x1E800] =	vst v63  }
0x19: {  	_ =	swait.ge [sflag:s14], $0x1400  }
0x1a: {  	[sflag:s14] =	ssyncset.done $0x0  }
0x1b: {  	[sflag:s14] =	ssyncadd.s32 $0xFFFFEC00  }
0x1c: {  	[tilespmem:s15], [sflag:$0x3] =	stream.linear.gather [hbm4b:s10+s4], $0x1400, $0x38;
	[tilespmem:$0x1E800] =	vst v63  }
0x1d: {  	_ =	swait.ge [sflag:s14], $0x1400  }
0x1e: {  	[sflag:s14] =	ssyncset.done $0x0  }
0x1f: {  	[sflag:s14] =	ssyncadd.s32 $0xFFFFEC00  }
0x20: {  	[tilespmem:s17], [sflag:$0x1] =	stream.indirect.gather [hbm4b:s1+s16], $0x80, s4, s16, $0xb8;
	[tilespmem:$0x1E800] =	vst v63  }
0x21: {  	_ = 	snop  }
0x22: {  	[tilespmem:s18], [sflag:$0x2] =	stream.indirect.gather [hbm4b:s1+s16], $0x80, s16, s16, $0xb8;
	[tilespmem:$0x1E800] =	vst v63  }
0x23: {  	_ =	swait.ge [sflag:s19], $0x4000  }
0x24: {  	[sflag:s19] =	ssyncset.done $0x0  }
0x25: {  	s24 =	simm.s32 $0x1400;
	[sflag:s19] =	ssyncadd.s32 $0xFFFFC000  }
0x26: {  	[spmem:s2] =	stream.indirect.scatter.add.f32 [tilespmem:s17], [sflag:$0x3], $0x80, s24, s16, $0xb8;
	[tilespmem:$0x1E800] =	vst v63  }
0x27: {  	_ =	swait.ge [sflag:s14], $0x4000  }
0x28: {  	[sflag:s14] =	ssyncset.done $0x0  }
0x29: {  	s30 =	simm.s32 $0x100;
	[sflag:s14] =	ssyncadd.s32 $0xFFFFC000  }
0x2a: {  	[tilespmem:s17], [sflag:$0x1] =	stream.indirect.gather [hbm4b:s1+s16], $0x80, s30, s16, $0xb8;
	[tilespmem:$0x1E800] =	vst v63  }
0x2b: {  	_ =	swait.ge [sflag:s20], $0x4000  }
0x2c: {  	[sflag:s20] =	ssyncset.done $0x0  }
0x2d: {  	s31 =	simm.s32 $0x1480;
	[sflag:s20] =	ssyncadd.s32 $0xFFFFC000  }
0x2e: {  	[spmem:s2] =	stream.indirect.scatter.add.f32 [tilespmem:s18], [sflag:$0x3], $0x80, s31, s16, $0xb8;
	[tilespmem:$0x1E800] =	vst v63  }
0x2f: {  	_ =	swait.ge [sflag:s14], $0x4000  }
0x30: {  	[sflag:s14] =	ssyncset.done $0x0  }
0x31: {  	s25 =	simm.s32 $0x180;
	s24 =	simm.s32 $0x400;
	[sflag:s14] =	ssyncadd.s32 $0xFFFFC000  }
.LBB2_2:
0x32: {  	[tilespmem:s18], [sflag:$0x2] =	stream.indirect.gather [hbm4b:s1+s16], $0x80, s25, s16, $0xb8;
	[tilespmem:$0x1E800] =	vst v63  }
0x33: {  	s25 =	smov.u32 s24  }
0x34: {  	p0 =	sne.s32 s24, $0x4800;
	s24 =	sadd.s32 $0x400, s24;
	_ =	swait.ge [sflag:s19], $0x4000  }
0x35: {  	s25 =	sshra.s32 s25, $0x2;
	[sflag:s19] =	ssyncset.done $0x0  }
0x36: {  	s26 =	sadd.s32 $0x1400, s25;
	[sflag:s19] =	ssyncadd.s32 $0xFFFFC000  }
0x37: {  	[spmem:s2] =	stream.indirect.scatter.add.f32 [tilespmem:s17], [sflag:$0x3], $0x80, s26, s16, $0xb8;
	[tilespmem:$0x1E800] =	vst v63  }
0x38: {  	_ =	swait.ge [sflag:s14], $0x4000  }
0x39: {  	[sflag:s14] =	ssyncset.done $0x0  }
0x3a: {  	s26 =	sadd.s32 $0x100, s25;
	[sflag:s14] =	ssyncadd.s32 $0xFFFFC000  }
0x3b: {  	[tilespmem:s17], [sflag:$0x1] =	stream.indirect.gather [hbm4b:s1+s16], $0x80, s26, s16, $0xb8;
	[tilespmem:$0x1E800] =	vst v63  }
0x3c: {  	_ =	swait.ge [sflag:s20], $0x4000  }
0x3d: {  	[sflag:s20] =	ssyncset.done $0x0  }
.Ltmp0:
0x3e: {  	s26 =	sadd.s32 $0x1480, s25;
	[sflag:s20] =	ssyncadd.s32 $0xFFFFC000;
	(pc) =	sbr.rel @p0 .LBB2_2-.Ltmp0, $4  }
0x3f: {  	[spmem:s2] =	stream.indirect.scatter.add.f32 [tilespmem:s18], [sflag:$0x3], $0x80, s26, s16, $0xb8;
	[tilespmem:$0x1E800] =	vst v63  }
0x40: {  	_ =	swait.ge [sflag:s14], $0x4000  }
0x41: {  	[sflag:s14] =	ssyncset.done $0x0  }
0x42: {  	s25 =	sadd.s32 $0x180, s25;
	[sflag:s14] =	ssyncadd.s32 $0xFFFFC000  }
0x43: {  	[tilespmem:s18], [sflag:$0x2] =	stream.indirect.gather [hbm4b:s1+s16], $0x80, s25, s16, $0xb8;
	[tilespmem:$0x1E800] =	vst v63  }
0x44: {  	_ =	swait.ge [sflag:s19], $0x4000  }
0x45: {  	[sflag:s19] =	ssyncset.done $0x0  }
0x46: {  	[sflag:s19] =	ssyncadd.s32 $0xFFFFC000  }
0x47: {  	[spmem:s2] =	stream.indirect.scatter.add.f32 [tilespmem:s17], [sflag:$0x3], $0x80, s21, s16, $0xb8;
	[tilespmem:$0x1E800] =	vst v63  }
0x48: {  	_ =	swait.ge [sflag:s14], $0x4000  }
0x49: {  	[sflag:s14] =	ssyncset.done $0x0  }
0x4a: {  	[sflag:s14] =	ssyncadd.s32 $0xFFFFC000  }
0x4b: {  	_ =	swait.ge [sflag:s20], $0x4000  }
0x4c: {  	[sflag:s20] =	ssyncset.done $0x0  }
0x4d: {  	[sflag:s20] =	ssyncadd.s32 $0xFFFFC000  }
0x4e: {  	[spmem:s2] =	stream.indirect.scatter.add.f32 [tilespmem:s18], [sflag:$0x3], $0x80, s22, s16, $0xb8;
	[tilespmem:$0x1E800] =	vst v63  }
0x4f: {  	_ =	swait.ge [sflag:s14], $0x4000  }
0x50: {  	[sflag:s14] =	ssyncset.done $0x0  }
0x51: {  	s24 =	simm.s32 $0x0;
	[sflag:s14] =	ssyncadd.s32 $0xFFFFC000  }
0x52: {  	[tilespmem:s24], [sflag:$0x3] =	stream.linear.gather [hbm4b:s11+s24], $0x1400, $0x38;
	[tilespmem:$0x1E800] =	vst v63  }
0x53: {  	_ =	swait.ge [sflag:s14], $0x1400  }
0x54: {  	[sflag:s14] =	ssyncset.done $0x0  }
0x55: {  	[sflag:s14] =	ssyncadd.s32 $0xFFFFEC00  }
0x56: {  	[tilespmem:s15], [sflag:$0x3] =	stream.linear.gather [hbm4b:s12+s24], $0x1400, $0x38;
	[tilespmem:$0x1E800] =	vst v63  }
0x57: {  	_ =	swait.ge [sflag:s14], $0x1400  }
0x58: {  	[sflag:s14] =	ssyncset.done $0x0  }
0x59: {  	[sflag:s14] =	ssyncadd.s32 $0xFFFFEC00  }
0x5a: {  	[tilespmem:s17], [sflag:$0x1] =	stream.indirect.gather [hbm4b:s1+s16], $0x80, s24, s16, $0xb8;
	[tilespmem:$0x1E800] =	vst v63  }
0x5b: {  	_ = 	snop  }
0x5c: {  	[tilespmem:s18], [sflag:$0x2] =	stream.indirect.gather [hbm4b:s1+s16], $0x80, s16, s16, $0xb8;
	[tilespmem:$0x1E800] =	vst v63  }
0x5d: {  	_ =	swait.ge [sflag:s19], $0x4000  }
0x5e: {  	[sflag:s19] =	ssyncset.done $0x0  }
0x5f: {  	s29 =	simm.s32 $0x1400;
	[sflag:s19] =	ssyncadd.s32 $0xFFFFC000  }
0x60: {  	[spmem:s2] =	stream.indirect.scatter.add.f32 [tilespmem:s17], [sflag:$0x3], $0x80, s29, s16, $0xb8;
	[tilespmem:$0x1E800] =	vst v63  }
0x61: {  	_ =	swait.ge [sflag:s14], $0x4000  }
0x62: {  	[sflag:s14] =	ssyncset.done $0x0  }
0x63: {  	s30 =	simm.s32 $0x100;
	[sflag:s14] =	ssyncadd.s32 $0xFFFFC000  }
0x64: {  	[tilespmem:s17], [sflag:$0x1] =	stream.indirect.gather [hbm4b:s1+s16], $0x80, s30, s16, $0xb8;
	[tilespmem:$0x1E800] =	vst v63  }
0x65: {  	_ =	swait.ge [sflag:s20], $0x4000  }
0x66: {  	[sflag:s20] =	ssyncset.done $0x0  }
0x67: {  	s31 =	simm.s32 $0x1480;
	[sflag:s20] =	ssyncadd.s32 $0xFFFFC000  }
0x68: {  	[spmem:s2] =	stream.indirect.scatter.add.f32 [tilespmem:s18], [sflag:$0x3], $0x80, s31, s16, $0xb8;
	[tilespmem:$0x1E800] =	vst v63  }
0x69: {  	_ =	swait.ge [sflag:s14], $0x4000  }
0x6a: {  	[sflag:s14] =	ssyncset.done $0x0  }
0x6b: {  	s25 =	simm.s32 $0x180;
	s24 =	simm.s32 $0x400;
	[sflag:s14] =	ssyncadd.s32 $0xFFFFC000  }
.LBB2_4:
0x6c: {  	[tilespmem:s18], [sflag:$0x2] =	stream.indirect.gather [hbm4b:s1+s16], $0x80, s25, s16, $0xb8;
	[tilespmem:$0x1E800] =	vst v63  }
0x6d: {  	s25 =	smov.u32 s24  }
0x6e: {  	p0 =	sne.s32 s24, $0x4800;
	s24 =	sadd.s32 $0x400, s24;
	_ =	swait.ge [sflag:s19], $0x4000  }
0x6f: {  	s25 =	sshra.s32 s25, $0x2;
	[sflag:s19] =	ssyncset.done $0x0  }
0x70: {  	s26 =	sadd.s32 $0x1400, s25;
	[sflag:s19] =	ssyncadd.s32 $0xFFFFC000  }
0x71: {  	[spmem:s2] =	stream.indirect.scatter.add.f32 [tilespmem:s17], [sflag:$0x3], $0x80, s26, s16, $0xb8;
	[tilespmem:$0x1E800] =	vst v63  }
0x72: {  	_ =	swait.ge [sflag:s14], $0x4000  }
0x73: {  	[sflag:s14] =	ssyncset.done $0x0  }
0x74: {  	s26 =	sadd.s32 $0x100, s25;
	[sflag:s14] =	ssyncadd.s32 $0xFFFFC000  }
0x75: {  	[tilespmem:s17], [sflag:$0x1] =	stream.indirect.gather [hbm4b:s1+s16], $0x80, s26, s16, $0xb8;
	[tilespmem:$0x1E800] =	vst v63  }
0x76: {  	_ =	swait.ge [sflag:s20], $0x4000  }
0x77: {  	[sflag:s20] =	ssyncset.done $0x0  }
.Ltmp1:
0x78: {  	s26 =	sadd.s32 $0x1480, s25;
	[sflag:s20] =	ssyncadd.s32 $0xFFFFC000;
	(pc) =	sbr.rel @p0 .LBB2_4-.Ltmp1, $4  }
0x79: {  	[spmem:s2] =	stream.indirect.scatter.add.f32 [tilespmem:s18], [sflag:$0x3], $0x80, s26, s16, $0xb8;
	[tilespmem:$0x1E800] =	vst v63  }
0x7a: {  	_ =	swait.ge [sflag:s14], $0x4000  }
0x7b: {  	[sflag:s14] =	ssyncset.done $0x0  }
0x7c: {  	s25 =	sadd.s32 $0x180, s25;
	[sflag:s14] =	ssyncadd.s32 $0xFFFFC000  }
0x7d: {  	[tilespmem:s18], [sflag:$0x2] =	stream.indirect.gather [hbm4b:s1+s16], $0x80, s25, s16, $0xb8;
	[tilespmem:$0x1E800] =	vst v63  }
0x7e: {  	_ =	swait.ge [sflag:s19], $0x4000  }
0x7f: {  	[sflag:s19] =	ssyncset.done $0x0  }
0x80: {  	[sflag:s19] =	ssyncadd.s32 $0xFFFFC000  }
0x81: {  	[spmem:s2] =	stream.indirect.scatter.add.f32 [tilespmem:s17], [sflag:$0x3], $0x80, s21, s16, $0xb8;
	[tilespmem:$0x1E800] =	vst v63  }
0x82: {  	_ =	swait.ge [sflag:s14], $0x4000  }
0x83: {  	[sflag:s14] =	ssyncset.done $0x0  }
0x84: {  	[sflag:s14] =	ssyncadd.s32 $0xFFFFC000  }
0x85: {  	_ =	swait.ge [sflag:s20], $0x4000  }
0x86: {  	[sflag:s20] =	ssyncset.done $0x0  }
0x87: {  	[sflag:s20] =	ssyncadd.s32 $0xFFFFC000  }
0x88: {  	[spmem:s2] =	stream.indirect.scatter.add.f32 [tilespmem:s18], [sflag:$0x3], $0x80, s22, s16, $0xb8;
	[tilespmem:$0x1E800] =	vst v63  }
0x89: {  	_ =	swait.ge [sflag:s14], $0x4000  }
0x8a: {  	s23 =	sadd.s32 $0x1, s23;
	[sflag:s14] =	ssyncset.done $0x0  }
0x8b: {  	p0 =	sne.s32 s23, s8;
	[sflag:s14] =	ssyncadd.s32 $0xFFFFC000  }
.Ltmp2:
0x8c: {  	[bflag:$0x0] =	sbarrier.arrive $0xFFFF;
	(pc) =	sbr.rel @p0 .LBB2_1-.Ltmp2, $4  }
0x8d: {  	[hbm:s7], [sflag:s6] =	dma.local [spmem:s13], $0x2800  }
0x8e: {  	_ =	swait.ge [sflag:s14], $0x2800  }
0x8f: {  	[sflag:s14] =	ssyncset.done $0x0  }
0x90: {  	[sflag:s14] =	ssyncadd.s32 $0xFFFFD800  }
0x91: {  	_ =	sfence.sel $0x180000  }
0x92: {  	[bflag:$0x0] =	sbarrier.arrive $0xFFFF  }
0x93: {  	p0 =	sne.s32 s3, $0x0;
	_ =	strace $0x90000050  }
0x94: {  	s0 =	sadd.s32 @!p0 $0x100000, s0;
	[bflag:$0x2] =	sbarrier.arrive $0xFFFF  }
0x95: {  	[sflag:s0] =	ssyncadd.tile.s32 @!p0 $0x1;
	_ =	shalt  }
.Lfunc_end2:
_tile_overlayer_lowered:
.L_overlay_start_2:
0x96: {  	(tag) =	ssettag $0x2  }
0x97: {  	s0 =	rddreg [dreg:$0x0];
	s2 =	stileid.u32  }
0x98: {  	s1 =	rddreg [dreg:$0x1];
	p0 =	sne.s32 s2, $0x0  }
0x99: {  	s3 =	rddreg [dreg:$0x2];
	[bflag:$0x3] =	sbarrier.arrive $0xFFFF;
	s2 =	simm.s32 @!p0 $0x1C03  }
0x9a: {  	[timem:s3], [sflag:s2] =	dma.local @!p0 [hbm:s0], s1  }
0x9b: {  	s0 =	simm.s32 @!p0 $0x3  }
0x9c: {  	_ =	swait.ge @!p0 [sflag:s0], s1  }
0x9d: {  	s1 =	ssub.s32 @!p0 $0x0, s1;
	[sflag:s0] =	ssyncset.done @!p0 $0x0  }
0x9e: {  	[sflag:s0] =	ssyncadd.s32 @!p0 s1  }
0x9f: {  	[bflag:$0x3] =	sbarrier.arrive $0xFFFF  }
0xa0: {  	_ =	shalt  }

// kernel: kernel.32.cloned.1.call-start
scs
__scs_entry_jumppad:
0x0: {  	(pc) =	sbr.rel $0x88, $3  }
0x1: {  	(tag) =	ssettag $0x0;
	lr =	simm.s32 $0x1  }
0x2: {  	[smem:$0x3F67] =	sst lr;
	_ =	strace $0xD0000000  }
0x3: {  	_ = 	snop  }
0x4: {  	_ = 	snop  }
0x5: {  	_ = 	snop  }
0x6: {  	_ = 	snop  }
0x7: {  	_ = 	snop  }
__scs_overlays_trampoline_lowered:
0x8: {  	[smem:$0x3F76] =	sst s0  }
0x9: {  	[smem:$0x3F77] =	sst s1  }
0xa: {  	[smem:$0x3F78] =	sst s2  }
0xb: {  	[smem:$0x3F79] =	sst s3  }
0xc: {  	[smem:$0x3F7A] =	sst s4  }
0xd: {  	[smem:$0x3F7B] =	sst s5  }
0xe: {  	[smem:$0x3F7C] =	sst s6  }
0xf: {  	[smem:$0x3F7D] =	sst s7  }
0x10: {  	[smem:$0x3F7E] =	sst s8  }
0x11: {  	[smem:$0x3F7F] =	sst s9;
	s0 =	simm.s32 @!p0 $0x0  }
0x12: {  	s1 =	sld [smem:$0x3F65];
	s0 =	simm.s32 @p0 $0x1  }
0x13: {  	[smem:$0x3F80] =	sst s0;
	s0 =	simm.s32 @!p1 $0x0  }
0x14: {  	s2 =	sld [smem:$0x3F64];
	s0 =	simm.s32 @p1 $0x1  }
0x15: {  	[smem:$0x3F81] =	sst s0;
	s0 =	simm.s32 @!p2 $0x0  }
0x16: {  	s3 =	sld [smem:$0x3FDB];
	s0 =	simm.s32 @p2 $0x1  }
0x17: {  	s4 =	simm.s32 $0x1BF5;
	[smem:$0x3F83] =	sst s0  }
0x18: {  	s0 =	sld [smem:$0x3F66];
	_ =	swait.ge [sflag:s4], $0x0  }
0x19: {  	s7 =	sld [smem:$0x3F67]  }
0x1a: {  	s8 =	sadd.s32 $0xFFFFE003, lr  }
0x1b: {  	s9 =	sadd.s32 $0xFFFFFEF7, lr;
	s5 =	simm.s32 $0xFFFFFFFF;
	p2 =	slt.u32 s8, $0xFFFFF086  }
0x1c: {  	p1 =	slt.u32 s9, $0xF7A;
	s5 =	simm.s32 @!p2 $0x0  }
0x1d: {  	s5 =	simm.s32 @p1 $0x1;
	p0 =	seq.s32 s7, s2  }
0x1e: {  	s7 =	smul.u32 @!p0 $0xF7A, s2;
	p2 =	seq.s32 @!p0 s5, $0x0  }
0x1f: {  	s9 =	smul.u32 $0xF7A, s1;
	s8 =	simm.s32 @!p0 $0x1BF5;
	p2 =	por !p2, p0  }
0x20: {  	[sflag:s8] =	ssyncset.s32 @!p0 $0xFFFFF086;
	s6 =	sadd.s32 @!p0 s3, s7;
	s7 =	simm.s32 @!p0 $0x108  }
0x21: {  	s3 =	sadd.s32 s3, s9;
	s6 =	sadd.s32 @!p0 $0x88, s6;
	s7 =	simm.s32 @p2 $0x1082  }
0x22: {  	[simem:s7], [sflag:s8] =	dma.local @!p0 [hbm:s6], $0xF7A  }
0x23: {  	s9 =	sor.u32 $0xD0000000, s2;
	s6 =	simm.s32 $0x108;
	_ =	swait.ge @!p0 [sflag:s8], $0x0  }
0x24: {  	s3 =	sadd.s32 $0x88, s3;
	s6 =	simm.s32 @!p1 $0x1082;
	[sflag:s4] =	ssyncset.s32 $0xFFFFF086  }
0x25: {  	[simem:s6], [sflag:s4] =	dma.local [hbm:s3], $0xF7A  }
0x26: {  	[smem:$0x3F67] =	sst s1;
	(tag) =	ssettag s2;
	_ =	strace s9  }
0x27: {  	s1 =	sld [smem:$0x3F77]  }
0x28: {  	s2 =	sld [smem:$0x3F78]  }
0x29: {  	s4 =	sld [smem:$0x3F7A]  }
0x2a: {  	p0 =	seq.s32 s5, $0x0;
	s5 =	sld [smem:$0x3F7B]  }
0x2b: {  	s6 =	sld [smem:$0x3F7C]  }
0x2c: {  	s7 =	sld [smem:$0x3F7D]  }
0x2d: {  	s3 =	simm.s32 $0x108;
	s8 =	sld [smem:$0x3F7E]  }
0x2e: {  	s3 =	simm.s32 @!p0 $0x1082;
	s9 =	sld [smem:$0x3F7F]  }
0x2f: {  	lr =	sadd.s32 s0, s3;
	s0 =	sld [smem:$0x3F76]  }
0x30: {  	s3 =	sld [smem:$0x3F79]  }
0x31: {  	[smem:$0x3F82] =	sst s10  }
0x32: {  	s10 =	sld [smem:$0x3F80];
	_ =	sdelay $0x3  }
0x33: {  	p0 =	seq.s32 s10, $0x1;
	s10 =	sld [smem:$0x3F82];
	_ =	sdelay $0x3  }
0x34: {  	[smem:$0x3F82] =	sst s10  }
0x35: {  	s10 =	sld [smem:$0x3F81];
	_ =	sdelay $0x3  }
0x36: {  	p1 =	seq.s32 s10, $0x1;
	s10 =	sld [smem:$0x3F82];
	_ =	sdelay $0x3  }
0x37: {  	[smem:$0x3F82] =	sst s10  }
0x38: {  	s10 =	sld [smem:$0x3F83]  }
0x39: {  	_ = 	snop;
	(pc) =	sbr.ind lr, $3  }
0x3a: {  	_ = 	snop  }
0x3b: {  	_ = 	snop  }
0x3c: {  	p2 =	seq.s32 s10, $0x1;
	s10 =	sld [smem:$0x3F82]  }
0x3d: {  	_ =	shalt  }
0x3e: {  	_ =	shalt  }
0x3f: {  	_ =	shalt  }
0x40: {  	_ =	shalt  }
0x41: {  	_ =	shalt  }
0x42: {  	_ =	shalt  }
0x43: {  	_ =	shalt  }
0x44: {  	_ =	shalt  }
0x45: {  	_ =	shalt  }
0x46: {  	_ =	shalt  }
0x47: {  	_ =	shalt  }
0x48: {  	_ =	shalt  }
0x49: {  	_ =	shalt  }
0x4a: {  	_ =	shalt  }
0x4b: {  	_ =	shalt  }
0x4c: {  	_ =	shalt  }
0x4d: {  	_ =	shalt  }
0x4e: {  	_ =	shalt  }
0x4f: {  	_ =	shalt  }
0x50: {  	_ =	shalt  }
0x51: {  	_ =	shalt  }
0x52: {  	_ =	shalt  }
0x53: {  	_ =	shalt  }
0x54: {  	_ =	shalt  }
0x55: {  	_ =	shalt  }
0x56: {  	_ =	shalt  }
0x57: {  	_ =	shalt  }
0x58: {  	_ =	shalt  }
0x59: {  	_ =	shalt  }
0x5a: {  	_ =	shalt  }
0x5b: {  	_ =	shalt  }
0x5c: {  	_ =	shalt  }
0x5d: {  	_ =	shalt  }
0x5e: {  	_ =	shalt  }
0x5f: {  	_ =	shalt  }
0x60: {  	_ =	shalt  }
0x61: {  	_ =	shalt  }
0x62: {  	_ =	shalt  }
0x63: {  	_ =	shalt  }
0x64: {  	_ =	shalt  }
0x65: {  	_ =	shalt  }
0x66: {  	_ =	shalt  }
0x67: {  	_ =	shalt  }
0x68: {  	_ =	shalt  }
0x69: {  	_ =	shalt  }
0x6a: {  	_ =	shalt  }
0x6b: {  	_ =	shalt  }
0x6c: {  	_ =	shalt  }
0x6d: {  	_ =	shalt  }
0x6e: {  	_ =	shalt  }
0x6f: {  	_ =	shalt  }
0x70: {  	_ =	shalt  }
0x71: {  	_ =	shalt  }
0x72: {  	_ =	shalt  }
0x73: {  	_ =	shalt  }
0x74: {  	_ =	shalt  }
0x75: {  	_ =	shalt  }
0x76: {  	_ =	shalt  }
0x77: {  	_ =	shalt  }
0x78: {  	_ =	shalt  }
0x79: {  	_ =	shalt  }
0x7a: {  	_ =	shalt  }
0x7b: {  	_ =	shalt  }
0x7c: {  	_ =	shalt  }
0x7d: {  	_ =	shalt  }
0x7e: {  	_ =	shalt  }
0x7f: {  	_ =	shalt  }
0x80: {  	_ =	shalt  }
0x81: {  	_ =	shalt  }
0x82: {  	_ =	shalt  }
0x83: {  	_ =	shalt  }
0x84: {  	_ =	shalt  }
0x85: {  	_ =	shalt  }
0x86: {  	_ =	shalt  }
0x87: {  	_ =	shalt  }
.Lfunc_end0:
.L_simem_size_0:
called_computation.4_lowered:
.L_overlay_start_0:
0x88: {  	s2 =	sld [smem:$0x3FD9]  }
0x89: {  	s3 =	sld [smem:$0x3FFE];
	_ =	sdelay $0x1  }
0x8a: {  	s1 =	srdreg.scid  }
0x8b: {  	s0 =	sand.u32 $0x1, s1  }
0x8c: {  	s17 =	sshll.u32 s0, $0xA;
	s2 =	sadd.s32 s3, s2  }
0x8d: {  	s2 =	sadd.s32 s2, s17  }
0x8e: {  	[smem:$0x3F8E] =	sst s2  }
0x8f: {  	_ = 	snop  }
0x90: {  	s2 =	sld [smem:$0x3FD0];
	(tm) =	ssettm $0x1  }
0x91: {  	s18 =	sld [smem:$0x3FFB];
	_ =	sdelay $0x3  }
0x92: {  	_ =	strace s18  }
0x93: {  	s3 =	sld [smem:$0x3FFC];
	_ =	sdelay $0x3  }
0x94: {  	_ =	strace s3  }
0x95: {  	s3 =	sld [smem:$0x3FFD];
	_ =	sdelay $0x3  }
0x96: {  	_ =	strace s3  }
0x97: {  	_ =	strace $0x8FFFFFFF  }
0x98: {  	s19 =	sld [smem:$0x3FDB];
	_ =	sdelay $0x1  }
0x99: {  	s4 =	simm.s32 $_scs_section_size  }
0x9a: {  	s5 =	simm.s32 $_size__tile_overlayer_lowered;
	s6 =	simm.s32 $_tile_overlayer_lowered  }
0x9b: {  	s22 =	simm.s32 $0x1BFF;
	s21 =	sshll.u32 s6, $0x1;
	s3 =	sadd.s32 s4, s19  }
0x9c: {  	s7 =	simm.s32 $0x0;
	s20 =	sshll.u32 s5, $0x1;
	s5 =	sadd.s32 s21, s3  }
0x9d: {  	[timem:s7], [sflag:s22] =	dma.local [hbm:s5], s20  }
0x9e: {  	_ =	swait.ge [sflag:s22], s20  }
0x9f: {  	s4 =	ssub.s32 $0x0, s20;
	[sflag:s22] =	ssyncset.done $0x0  }
0xa0: {  	[sflag:s22] =	ssyncadd.s32 s4;
	_ =	sdelay $0x1  }
0xa1: {  	s23 =	simm.s32 $0x1B8B  }
0xa2: {  	_ =	swait.ge [sflag:s23], $0x1  }
0xa3: {  	[sflag:s23] =	ssyncset.done $0x0  }
0xa4: {  	s25 =	simm.s32 $0x1B8E;
	s24 =	sld [smem:$0x3FFE];
	[sflag:s23] =	ssyncadd.s32 $0xFFFFFFFF  }
0xa5: {  	s26 =	simm.s32 $execute0_lowered;
	[smem:$0x3FD2] =	sst s25  }
0xa6: {  	s5 =	sshll.u32 s26, $0x1;
	_ =	strace $0x80000052;
	[dreg:$0x1] =	wrdreg $0xFFFFFFFF  }
0xa7: {  	s28 =	simm.s32 $_size_execute0_lowered;
	s3 =	sadd.s32 s3, s5;
	[dreg:$0x0] =	wrdreg $0x0  }
0xa8: {  	s5 =	sshll.u32 s28, $0x1;
	[dreg:$0x2] =	wrdreg s3  }
0xa9: {  	[dreg:$0x3] =	wrdreg s5  }
0xaa: {  	[dreg:$0x4] =	wrdreg $0xC0  }
0xab: {  	_ =	task [dreg:s7], $0x5FFFF  }
0xac: {  	[dreg:$0x1] =	wrdreg $0xFFFFFFFF  }
0xad: {  	[dreg:$0x0] =	wrdreg $0x60  }
0xae: {  	[dreg:$0x2] =	wrdreg s2  }
0xaf: {  	[dreg:$0x3] =	wrdreg s24  }
0xb0: {  	[dreg:$0x4] =	wrdreg $0xA8000  }
0xb1: {  	[dreg:$0x5] =	wrdreg $0x9  }
0xb2: {  	_ =	task.clear_ibuf [dreg:s7], $0x6FFFF;
	_ =	strace $0x90000052  }
0xb3: {  	s29 =	simm.s32 $0x9;
	_ =	strace $0x80000054  }
0xb4: {  	_ =	swait.ge [sflag:s29], $0x1  }
0xb5: {  	[sflag:s29] =	ssyncadd.s32 $0xFFFFFFFF  }
0xb6: {  	_ =	strace $0x90000054  }
0xb7: {  	_ =	sfence  }
0xb8: {  	s30 =	sld [smem:$0x0];
	_ =	sdelay $0x2  }
0xb9: {  	s31 =	sshll.u32 s1, $0xD;
	s1 =	sshrl.u32 s1, $0x2  }
0xba: {  	s3 =	sand.u32 $0x4000, s31;
	s1 =	sadd.s32 s1, s30  }
0xbb: {  	s0 =	sor.u32 s3, s0;
	s1 =	sshll.u32 s1, $0x11  }
0xbc: {  	s0 =	sor.u32 s1, s0  }
0xbd: {  	s0 =	sadd.s32 $0x8F2B, s0  }
0xbe: {  	[sflag:s0] =	ssyncadd.remote.s32 $0x1  }
0xbf: {  	_ =	sfence.sel $0xFFFF  }
0xc0: {  	[dreg:$0x0] =	wrdreg $0xFFFFFFFF;
	(pc) =	sbr.abs _section_cstart, $3  }
0xc1: {  	[dreg:$0x1] =	wrdreg $0xFFFFFFFF  }
0xc2: {  	_ =	task.clear_ibuf [dreg:s7], $0x2FFFF;
	_ =	strace $0x9FFFFFFF  }
0xc3: {  	(tm) =	ssettm $0x7FFFFFFF  }
tec
execute0_lowered:
.L_overlay_start_1:
0x0: {  	(tag) =	ssettag $0x1  }
0x1: {  	s1 =	rddreg [dreg:$0x0]  }
0x2: {  	s6 =	rddreg [dreg:$0x1]  }
0x3: {  	s2 =	rddreg [dreg:$0x2]  }
0x4: {  	s3 =	srdreg.scid;
	s0 =	rddreg [dreg:$0x3];
	s4 =	simm.s32 $0x0  }
0x5: {  	s16 =	simm.s32 $0x80;
	s17 =	simm.s32 $0x2800;
	s18 =	simm.s32 $0x6800  }
0x6: {  	s19 =	simm.s32 $0x1;
	s20 =	simm.s32 $0x2;
	s21 =	simm.s32 $0x2700  }
0x7: {  	s22 =	simm.s32 $0x2780;
	s7 =	sand.u32 $0x1, s3;
	s3 =	stileid.u32  }
0x8: {  	s23 =	simm.s32 $0x0;
	[smem:$0x7FF] =	sst s4;
	s5 =	smul.u32 $0x140000, s7  }
0x9: {  	s11 =	sadd.s32 $0x8E00, s6;
	s12 =	sadd.s32 $0x12E00, s6;
	s8 =	smul.u32 $0x14000, s3  }
0xa: {  	_ =	strace $0x80000053;
	s9 =	sshll.u32 s3, $0x1;
	s10 =	ssub.s32 $0x2, s7  }
0xb: {  	s28 =	smul.u32 $0x50000, s3;
	s31 =	sshll.u32 s3, $0x6;
	s7 =	sor.u32 s7, s9  }
0xc: {  	s29 =	sshrl.u32 s10, $0x1;
	s8 =	sadd.s32 s8, s5;
	s5 =	sadd.s32 $0x1CE00, s6  }
0xd: {  	s7 =	smul.u32 $0x2800, s7;
	s30 =	sshrl.u32 s28, $0x2;
	s8 =	sshrl.u32 s8, $0x3  }
0xe: {  	s10 =	ssub.s32 s10, s29;
	s13 =	sadd.s32 s30, s2;
	s8 =	sadd.s32 s8, s6  }
0xf: {  	s6 =	sor.u32 $0x1C03, s31;
	s14 =	sshrl.u32 s7, $0x3;
	s13 =	sshrl.u32 s13, $0x3  }
0x10: {  	s7 =	sadd.s32 $0x96800, s8;
	s8 =	smax.u32 s10, $0x1;
	s15 =	sadd.s32 $0x280, s14  }
0x11: {  	s9 =	sadd.s32 s11, s14;
	s10 =	sadd.s32 s12, s14;
	s14 =	simm.s32 $0x3  }
0x12: {  	s11 =	sadd.s32 s11, s15;
	s12 =	sadd.s32 s12, s15;
	s15 =	simm.s32 $0x1400  }
.LBB2_1:
0x13: {  	[spmem:s13], [sflag:s6] =	dma.local [hbm:s5], $0x2800  }
0x14: {  	_ =	swait.ge [sflag:s14], $0x2800  }
0x15: {  	[sflag:s14] =	ssyncset.done $0x0  }
0x16: {  	[sflag:s14] =	ssyncadd.s32 $0xFFFFD800  }
0x17: {  	[bflag:$0x0] =	sbarrier.arrive $0xFFFF  }
0x18: {  	[tilespmem:s4], [sflag:$0x3] =	stream.linear.gather [hbm4b:s9+s4], $0x1400, $0x38;
	[tilespmem:$0x1E800] =	vst v63  }
0x19: {  	_ =	swait.ge [sflag:s14], $0x1400  }
0x1a: {  	[sflag:s14] =	ssyncset.done $0x0  }
0x1b: {  	[sflag:s14] =	ssyncadd.s32 $0xFFFFEC00  }
0x1c: {  	[tilespmem:s15], [sflag:$0x3] =	stream.linear.gather [hbm4b:s10+s4], $0x1400, $0x38;
	[tilespmem:$0x1E800] =	vst v63  }
0x1d: {  	_ =	swait.ge [sflag:s14], $0x1400  }
0x1e: {  	[sflag:s14] =	ssyncset.done $0x0  }
0x1f: {  	[sflag:s14] =	ssyncadd.s32 $0xFFFFEC00  }
0x20: {  	[tilespmem:s17], [sflag:$0x1] =	stream.indirect.gather [hbm4b:s1+s16], $0x80, s4, s16, $0xb8;
	[tilespmem:$0x1E800] =	vst v63  }
0x21: {  	_ = 	snop  }
0x22: {  	[tilespmem:s18], [sflag:$0x2] =	stream.indirect.gather [hbm4b:s1+s16], $0x80, s16, s16, $0xb8;
	[tilespmem:$0x1E800] =	vst v63  }
0x23: {  	_ =	swait.ge [sflag:s19], $0x4000  }
0x24: {  	[sflag:s19] =	ssyncset.done $0x0  }
0x25: {  	s24 =	simm.s32 $0x1400;
	[sflag:s19] =	ssyncadd.s32 $0xFFFFC000  }
0x26: {  	[spmem:s2] =	stream.indirect.scatter.add.f32 [tilespmem:s17], [sflag:$0x3], $0x80, s24, s16, $0xb8;
	[tilespmem:$0x1E800] =	vst v63  }
0x27: {  	_ =	swait.ge [sflag:s14], $0x4000  }
0x28: {  	[sflag:s14] =	ssyncset.done $0x0  }
0x29: {  	s30 =	simm.s32 $0x100;
	[sflag:s14] =	ssyncadd.s32 $0xFFFFC000  }
0x2a: {  	[tilespmem:s17], [sflag:$0x1] =	stream.indirect.gather [hbm4b:s1+s16], $0x80, s30, s16, $0xb8;
	[tilespmem:$0x1E800] =	vst v63  }
0x2b: {  	_ =	swait.ge [sflag:s20], $0x4000  }
0x2c: {  	[sflag:s20] =	ssyncset.done $0x0  }
0x2d: {  	s31 =	simm.s32 $0x1480;
	[sflag:s20] =	ssyncadd.s32 $0xFFFFC000  }
0x2e: {  	[spmem:s2] =	stream.indirect.scatter.add.f32 [tilespmem:s18], [sflag:$0x3], $0x80, s31, s16, $0xb8;
	[tilespmem:$0x1E800] =	vst v63  }
0x2f: {  	_ =	swait.ge [sflag:s14], $0x4000  }
0x30: {  	[sflag:s14] =	ssyncset.done $0x0  }
0x31: {  	s25 =	simm.s32 $0x180;
	s24 =	simm.s32 $0x400;
	[sflag:s14] =	ssyncadd.s32 $0xFFFFC000  }
.LBB2_2:
0x32: {  	[tilespmem:s18], [sflag:$0x2] =	stream.indirect.gather [hbm4b:s1+s16], $0x80, s25, s16, $0xb8;
	[tilespmem:$0x1E800] =	vst v63  }
0x33: {  	s25 =	smov.u32 s24  }
0x34: {  	p0 =	sne.s32 s24, $0x4800;
	s24 =	sadd.s32 $0x400, s24;
	_ =	swait.ge [sflag:s19], $0x4000  }
0x35: {  	s25 =	sshra.s32 s25, $0x2;
	[sflag:s19] =	ssyncset.done $0x0  }
0x36: {  	s26 =	sadd.s32 $0x1400, s25;
	[sflag:s19] =	ssyncadd.s32 $0xFFFFC000  }
0x37: {  	[spmem:s2] =	stream.indirect.scatter.add.f32 [tilespmem:s17], [sflag:$0x3], $0x80, s26, s16, $0xb8;
	[tilespmem:$0x1E800] =	vst v63  }
0x38: {  	_ =	swait.ge [sflag:s14], $0x4000  }
0x39: {  	[sflag:s14] =	ssyncset.done $0x0  }
0x3a: {  	s26 =	sadd.s32 $0x100, s25;
	[sflag:s14] =	ssyncadd.s32 $0xFFFFC000  }
0x3b: {  	[tilespmem:s17], [sflag:$0x1] =	stream.indirect.gather [hbm4b:s1+s16], $0x80, s26, s16, $0xb8;
	[tilespmem:$0x1E800] =	vst v63  }
0x3c: {  	_ =	swait.ge [sflag:s20], $0x4000  }
0x3d: {  	[sflag:s20] =	ssyncset.done $0x0  }
.Ltmp0:
0x3e: {  	s26 =	sadd.s32 $0x1480, s25;
	[sflag:s20] =	ssyncadd.s32 $0xFFFFC000;
	(pc) =	sbr.rel @p0 .LBB2_2-.Ltmp0, $4  }
0x3f: {  	[spmem:s2] =	stream.indirect.scatter.add.f32 [tilespmem:s18], [sflag:$0x3], $0x80, s26, s16, $0xb8;
	[tilespmem:$0x1E800] =	vst v63  }
0x40: {  	_ =	swait.ge [sflag:s14], $0x4000  }
0x41: {  	[sflag:s14] =	ssyncset.done $0x0  }
0x42: {  	s25 =	sadd.s32 $0x180, s25;
	[sflag:s14] =	ssyncadd.s32 $0xFFFFC000  }
0x43: {  	[tilespmem:s18], [sflag:$0x2] =	stream.indirect.gather [hbm4b:s1+s16], $0x80, s25, s16, $0xb8;
	[tilespmem:$0x1E800] =	vst v63  }
0x44: {  	_ =	swait.ge [sflag:s19], $0x4000  }
0x45: {  	[sflag:s19] =	ssyncset.done $0x0  }
0x46: {  	[sflag:s19] =	ssyncadd.s32 $0xFFFFC000  }
0x47: {  	[spmem:s2] =	stream.indirect.scatter.add.f32 [tilespmem:s17], [sflag:$0x3], $0x80, s21, s16, $0xb8;
	[tilespmem:$0x1E800] =	vst v63  }
0x48: {  	_ =	swait.ge [sflag:s14], $0x4000  }
0x49: {  	[sflag:s14] =	ssyncset.done $0x0  }
0x4a: {  	[sflag:s14] =	ssyncadd.s32 $0xFFFFC000  }
0x4b: {  	_ =	swait.ge [sflag:s20], $0x4000  }
0x4c: {  	[sflag:s20] =	ssyncset.done $0x0  }
0x4d: {  	[sflag:s20] =	ssyncadd.s32 $0xFFFFC000  }
0x4e: {  	[spmem:s2] =	stream.indirect.scatter.add.f32 [tilespmem:s18], [sflag:$0x3], $0x80, s22, s16, $0xb8;
	[tilespmem:$0x1E800] =	vst v63  }
0x4f: {  	_ =	swait.ge [sflag:s14], $0x4000  }
0x50: {  	[sflag:s14] =	ssyncset.done $0x0  }
0x51: {  	s24 =	simm.s32 $0x0;
	[sflag:s14] =	ssyncadd.s32 $0xFFFFC000  }
0x52: {  	[tilespmem:s24], [sflag:$0x3] =	stream.linear.gather [hbm4b:s11+s24], $0x1400, $0x38;
	[tilespmem:$0x1E800] =	vst v63  }
0x53: {  	_ =	swait.ge [sflag:s14], $0x1400  }
0x54: {  	[sflag:s14] =	ssyncset.done $0x0  }
0x55: {  	[sflag:s14] =	ssyncadd.s32 $0xFFFFEC00  }
0x56: {  	[tilespmem:s15], [sflag:$0x3] =	stream.linear.gather [hbm4b:s12+s24], $0x1400, $0x38;
	[tilespmem:$0x1E800] =	vst v63  }
0x57: {  	_ =	swait.ge [sflag:s14], $0x1400  }
0x58: {  	[sflag:s14] =	ssyncset.done $0x0  }
0x59: {  	[sflag:s14] =	ssyncadd.s32 $0xFFFFEC00  }
0x5a: {  	[tilespmem:s17], [sflag:$0x1] =	stream.indirect.gather [hbm4b:s1+s16], $0x80, s24, s16, $0xb8;
	[tilespmem:$0x1E800] =	vst v63  }
0x5b: {  	_ = 	snop  }
0x5c: {  	[tilespmem:s18], [sflag:$0x2] =	stream.indirect.gather [hbm4b:s1+s16], $0x80, s16, s16, $0xb8;
	[tilespmem:$0x1E800] =	vst v63  }
0x5d: {  	_ =	swait.ge [sflag:s19], $0x4000  }
0x5e: {  	[sflag:s19] =	ssyncset.done $0x0  }
0x5f: {  	s29 =	simm.s32 $0x1400;
	[sflag:s19] =	ssyncadd.s32 $0xFFFFC000  }
0x60: {  	[spmem:s2] =	stream.indirect.scatter.add.f32 [tilespmem:s17], [sflag:$0x3], $0x80, s29, s16, $0xb8;
	[tilespmem:$0x1E800] =	vst v63  }
0x61: {  	_ =	swait.ge [sflag:s14], $0x4000  }
0x62: {  	[sflag:s14] =	ssyncset.done $0x0  }
0x63: {  	s30 =	simm.s32 $0x100;
	[sflag:s14] =	ssyncadd.s32 $0xFFFFC000  }
0x64: {  	[tilespmem:s17], [sflag:$0x1] =	stream.indirect.gather [hbm4b:s1+s16], $0x80, s30, s16, $0xb8;
	[tilespmem:$0x1E800] =	vst v63  }
0x65: {  	_ =	swait.ge [sflag:s20], $0x4000  }
0x66: {  	[sflag:s20] =	ssyncset.done $0x0  }
0x67: {  	s31 =	simm.s32 $0x1480;
	[sflag:s20] =	ssyncadd.s32 $0xFFFFC000  }
0x68: {  	[spmem:s2] =	stream.indirect.scatter.add.f32 [tilespmem:s18], [sflag:$0x3], $0x80, s31, s16, $0xb8;
	[tilespmem:$0x1E800] =	vst v63  }
0x69: {  	_ =	swait.ge [sflag:s14], $0x4000  }
0x6a: {  	[sflag:s14] =	ssyncset.done $0x0  }
0x6b: {  	s25 =	simm.s32 $0x180;
	s24 =	simm.s32 $0x400;
	[sflag:s14] =	ssyncadd.s32 $0xFFFFC000  }
.LBB2_4:
0x6c: {  	[tilespmem:s18], [sflag:$0x2] =	stream.indirect.gather [hbm4b:s1+s16], $0x80, s25, s16, $0xb8;
	[tilespmem:$0x1E800] =	vst v63  }
0x6d: {  	s25 =	smov.u32 s24  }
0x6e: {  	p0 =	sne.s32 s24, $0x4800;
	s24 =	sadd.s32 $0x400, s24;
	_ =	swait.ge [sflag:s19], $0x4000  }
0x6f: {  	s25 =	sshra.s32 s25, $0x2;
	[sflag:s19] =	ssyncset.done $0x0  }
0x70: {  	s26 =	sadd.s32 $0x1400, s25;
	[sflag:s19] =	ssyncadd.s32 $0xFFFFC000  }
0x71: {  	[spmem:s2] =	stream.indirect.scatter.add.f32 [tilespmem:s17], [sflag:$0x3], $0x80, s26, s16, $0xb8;
	[tilespmem:$0x1E800] =	vst v63  }
0x72: {  	_ =	swait.ge [sflag:s14], $0x4000  }
0x73: {  	[sflag:s14] =	ssyncset.done $0x0  }
0x74: {  	s26 =	sadd.s32 $0x100, s25;
	[sflag:s14] =	ssyncadd.s32 $0xFFFFC000  }
0x75: {  	[tilespmem:s17], [sflag:$0x1] =	stream.indirect.gather [hbm4b:s1+s16], $0x80, s26, s16, $0xb8;
	[tilespmem:$0x1E800] =	vst v63  }
0x76: {  	_ =	swait.ge [sflag:s20], $0x4000  }
0x77: {  	[sflag:s20] =	ssyncset.done $0x0  }
.Ltmp1:
0x78: {  	s26 =	sadd.s32 $0x1480, s25;
	[sflag:s20] =	ssyncadd.s32 $0xFFFFC000;
	(pc) =	sbr.rel @p0 .LBB2_4-.Ltmp1, $4  }
0x79: {  	[spmem:s2] =	stream.indirect.scatter.add.f32 [tilespmem:s18], [sflag:$0x3], $0x80, s26, s16, $0xb8;
	[tilespmem:$0x1E800] =	vst v63  }
0x7a: {  	_ =	swait.ge [sflag:s14], $0x4000  }
0x7b: {  	[sflag:s14] =	ssyncset.done $0x0  }
0x7c: {  	s25 =	sadd.s32 $0x180, s25;
	[sflag:s14] =	ssyncadd.s32 $0xFFFFC000  }
0x7d: {  	[tilespmem:s18], [sflag:$0x2] =	stream.indirect.gather [hbm4b:s1+s16], $0x80, s25, s16, $0xb8;
	[tilespmem:$0x1E800] =	vst v63  }
0x7e: {  	_ =	swait.ge [sflag:s19], $0x4000  }
0x7f: {  	[sflag:s19] =	ssyncset.done $0x0  }
0x80: {  	[sflag:s19] =	ssyncadd.s32 $0xFFFFC000  }
0x81: {  	[spmem:s2] =	stream.indirect.scatter.add.f32 [tilespmem:s17], [sflag:$0x3], $0x80, s21, s16, $0xb8;
	[tilespmem:$0x1E800] =	vst v63  }
0x82: {  	_ =	swait.ge [sflag:s14], $0x4000  }
0x83: {  	[sflag:s14] =	ssyncset.done $0x0  }
0x84: {  	[sflag:s14] =	ssyncadd.s32 $0xFFFFC000  }
0x85: {  	_ =	swait.ge [sflag:s20], $0x4000  }
0x86: {  	[sflag:s20] =	ssyncset.done $0x0  }
0x87: {  	[sflag:s20] =	ssyncadd.s32 $0xFFFFC000  }
0x88: {  	[spmem:s2] =	stream.indirect.scatter.add.f32 [tilespmem:s18], [sflag:$0x3], $0x80, s22, s16, $0xb8;
	[tilespmem:$0x1E800] =	vst v63  }
0x89: {  	_ =	swait.ge [sflag:s14], $0x4000  }
0x8a: {  	s23 =	sadd.s32 $0x1, s23;
	[sflag:s14] =	ssyncset.done $0x0  }
0x8b: {  	p0 =	sne.s32 s23, s8;
	[sflag:s14] =	ssyncadd.s32 $0xFFFFC000  }
.Ltmp2:
0x8c: {  	[bflag:$0x0] =	sbarrier.arrive $0xFFFF;
	(pc) =	sbr.rel @p0 .LBB2_1-.Ltmp2, $4  }
0x8d: {  	[hbm:s7], [sflag:s6] =	dma.local [spmem:s13], $0x2800  }
0x8e: {  	_ =	swait.ge [sflag:s14], $0x2800  }
0x8f: {  	[sflag:s14] =	ssyncset.done $0x0  }
0x90: {  	[sflag:s14] =	ssyncadd.s32 $0xFFFFD800  }
0x91: {  	_ =	sfence.sel $0x180000  }
0x92: {  	[bflag:$0x0] =	sbarrier.arrive $0xFFFF  }
0x93: {  	p0 =	sne.s32 s3, $0x0;
	_ =	strace $0x90000053  }
0x94: {  	s0 =	sadd.s32 @!p0 $0x100000, s0;
	[bflag:$0x2] =	sbarrier.arrive $0xFFFF  }
0x95: {  	[sflag:s0] =	ssyncadd.tile.s32 @!p0 $0x1;
	_ =	shalt  }
.Lfunc_end2:
_tile_overlayer_lowered:
.L_overlay_start_2:
0x96: {  	(tag) =	ssettag $0x2  }
0x97: {  	s0 =	rddreg [dreg:$0x0];
	s2 =	stileid.u32  }
0x98: {  	s1 =	rddreg [dreg:$0x1];
	p0 =	sne.s32 s2, $0x0  }
0x99: {  	s3 =	rddreg [dreg:$0x2];
	[bflag:$0x3] =	sbarrier.arrive $0xFFFF;
	s2 =	simm.s32 @!p0 $0x1C03  }
0x9a: {  	[timem:s3], [sflag:s2] =	dma.local @!p0 [hbm:s0], s1  }
0x9b: {  	s0 =	simm.s32 @!p0 $0x3  }
0x9c: {  	_ =	swait.ge @!p0 [sflag:s0], s1  }
0x9d: {  	s1 =	ssub.s32 @!p0 $0x0, s1;
	[sflag:s0] =	ssyncset.done @!p0 $0x0  }
0x9e: {  	[sflag:s0] =	ssyncadd.s32 @!p0 s1  }
0x9f: {  	[bflag:$0x3] =	sbarrier.arrive $0xFFFF  }
0xa0: {  	_ =	shalt  }

// kernel: kernel.35.cloned.1.call-start
scs
__scs_entry_jumppad:
0x0: {  	(pc) =	sbr.rel $0x88, $3  }
0x1: {  	(tag) =	ssettag $0x0;
	lr =	simm.s32 $0x1  }
0x2: {  	[smem:$0x3F67] =	sst lr;
	_ =	strace $0xD0000000  }
0x3: {  	_ = 	snop  }
0x4: {  	_ = 	snop  }
0x5: {  	_ = 	snop  }
0x6: {  	_ = 	snop  }
0x7: {  	_ = 	snop  }
__scs_overlays_trampoline_lowered:
0x8: {  	[smem:$0x3F76] =	sst s0  }
0x9: {  	[smem:$0x3F77] =	sst s1  }
0xa: {  	[smem:$0x3F78] =	sst s2  }
0xb: {  	[smem:$0x3F79] =	sst s3  }
0xc: {  	[smem:$0x3F7A] =	sst s4  }
0xd: {  	[smem:$0x3F7B] =	sst s5  }
0xe: {  	[smem:$0x3F7C] =	sst s6  }
0xf: {  	[smem:$0x3F7D] =	sst s7  }
0x10: {  	[smem:$0x3F7E] =	sst s8  }
0x11: {  	[smem:$0x3F7F] =	sst s9;
	s0 =	simm.s32 @!p0 $0x0  }
0x12: {  	s1 =	sld [smem:$0x3F65];
	s0 =	simm.s32 @p0 $0x1  }
0x13: {  	[smem:$0x3F80] =	sst s0;
	s0 =	simm.s32 @!p1 $0x0  }
0x14: {  	s2 =	sld [smem:$0x3F64];
	s0 =	simm.s32 @p1 $0x1  }
0x15: {  	[smem:$0x3F81] =	sst s0;
	s0 =	simm.s32 @!p2 $0x0  }
0x16: {  	s3 =	sld [smem:$0x3FDB];
	s0 =	simm.s32 @p2 $0x1  }
0x17: {  	s4 =	simm.s32 $0x1BF5;
	[smem:$0x3F83] =	sst s0  }
0x18: {  	s0 =	sld [smem:$0x3F66];
	_ =	swait.ge [sflag:s4], $0x0  }
0x19: {  	s7 =	sld [smem:$0x3F67]  }
0x1a: {  	s8 =	sadd.s32 $0xFFFFE003, lr  }
0x1b: {  	s9 =	sadd.s32 $0xFFFFFEF7, lr;
	s5 =	simm.s32 $0xFFFFFFFF;
	p2 =	slt.u32 s8, $0xFFFFF086  }
0x1c: {  	p1 =	slt.u32 s9, $0xF7A;
	s5 =	simm.s32 @!p2 $0x0  }
0x1d: {  	s5 =	simm.s32 @p1 $0x1;
	p0 =	seq.s32 s7, s2  }
0x1e: {  	s7 =	smul.u32 @!p0 $0xF7A, s2;
	p2 =	seq.s32 @!p0 s5, $0x0  }
0x1f: {  	s9 =	smul.u32 $0xF7A, s1;
	s8 =	simm.s32 @!p0 $0x1BF5;
	p2 =	por !p2, p0  }
0x20: {  	[sflag:s8] =	ssyncset.s32 @!p0 $0xFFFFF086;
	s6 =	sadd.s32 @!p0 s3, s7;
	s7 =	simm.s32 @!p0 $0x108  }
0x21: {  	s3 =	sadd.s32 s3, s9;
	s6 =	sadd.s32 @!p0 $0x88, s6;
	s7 =	simm.s32 @p2 $0x1082  }
0x22: {  	[simem:s7], [sflag:s8] =	dma.local @!p0 [hbm:s6], $0xF7A  }
0x23: {  	s9 =	sor.u32 $0xD0000000, s2;
	s6 =	simm.s32 $0x108;
	_ =	swait.ge @!p0 [sflag:s8], $0x0  }
0x24: {  	s3 =	sadd.s32 $0x88, s3;
	s6 =	simm.s32 @!p1 $0x1082;
	[sflag:s4] =	ssyncset.s32 $0xFFFFF086  }
0x25: {  	[simem:s6], [sflag:s4] =	dma.local [hbm:s3], $0xF7A  }
0x26: {  	[smem:$0x3F67] =	sst s1;
	(tag) =	ssettag s2;
	_ =	strace s9  }
0x27: {  	s1 =	sld [smem:$0x3F77]  }
0x28: {  	s2 =	sld [smem:$0x3F78]  }
0x29: {  	s4 =	sld [smem:$0x3F7A]  }
0x2a: {  	p0 =	seq.s32 s5, $0x0;
	s5 =	sld [smem:$0x3F7B]  }
0x2b: {  	s6 =	sld [smem:$0x3F7C]  }
0x2c: {  	s7 =	sld [smem:$0x3F7D]  }
0x2d: {  	s3 =	simm.s32 $0x108;
	s8 =	sld [smem:$0x3F7E]  }
0x2e: {  	s3 =	simm.s32 @!p0 $0x1082;
	s9 =	sld [smem:$0x3F7F]  }
0x2f: {  	lr =	sadd.s32 s0, s3;
	s0 =	sld [smem:$0x3F76]  }
0x30: {  	s3 =	sld [smem:$0x3F79]  }
0x31: {  	[smem:$0x3F82] =	sst s10  }
0x32: {  	s10 =	sld [smem:$0x3F80];
	_ =	sdelay $0x3  }
0x33: {  	p0 =	seq.s32 s10, $0x1;
	s10 =	sld [smem:$0x3F82];
	_ =	sdelay $0x3  }
0x34: {  	[smem:$0x3F82] =	sst s10  }
0x35: {  	s10 =	sld [smem:$0x3F81];
	_ =	sdelay $0x3  }
0x36: {  	p1 =	seq.s32 s10, $0x1;
	s10 =	sld [smem:$0x3F82];
	_ =	sdelay $0x3  }
0x37: {  	[smem:$0x3F82] =	sst s10  }
0x38: {  	s10 =	sld [smem:$0x3F83]  }
0x39: {  	_ = 	snop;
	(pc) =	sbr.ind lr, $3  }
0x3a: {  	_ = 	snop  }
0x3b: {  	_ = 	snop  }
0x3c: {  	p2 =	seq.s32 s10, $0x1;
	s10 =	sld [smem:$0x3F82]  }
0x3d: {  	_ =	shalt  }
0x3e: {  	_ =	shalt  }
0x3f: {  	_ =	shalt  }
0x40: {  	_ =	shalt  }
0x41: {  	_ =	shalt  }
0x42: {  	_ =	shalt  }
0x43: {  	_ =	shalt  }
0x44: {  	_ =	shalt  }
0x45: {  	_ =	shalt  }
0x46: {  	_ =	shalt  }
0x47: {  	_ =	shalt  }
0x48: {  	_ =	shalt  }
0x49: {  	_ =	shalt  }
0x4a: {  	_ =	shalt  }
0x4b: {  	_ =	shalt  }
0x4c: {  	_ =	shalt  }
0x4d: {  	_ =	shalt  }
0x4e: {  	_ =	shalt  }
0x4f: {  	_ =	shalt  }
0x50: {  	_ =	shalt  }
0x51: {  	_ =	shalt  }
0x52: {  	_ =	shalt  }
0x53: {  	_ =	shalt  }
0x54: {  	_ =	shalt  }
0x55: {  	_ =	shalt  }
0x56: {  	_ =	shalt  }
0x57: {  	_ =	shalt  }
0x58: {  	_ =	shalt  }
0x59: {  	_ =	shalt  }
0x5a: {  	_ =	shalt  }
0x5b: {  	_ =	shalt  }
0x5c: {  	_ =	shalt  }
0x5d: {  	_ =	shalt  }
0x5e: {  	_ =	shalt  }
0x5f: {  	_ =	shalt  }
0x60: {  	_ =	shalt  }
0x61: {  	_ =	shalt  }
0x62: {  	_ =	shalt  }
0x63: {  	_ =	shalt  }
0x64: {  	_ =	shalt  }
0x65: {  	_ =	shalt  }
0x66: {  	_ =	shalt  }
0x67: {  	_ =	shalt  }
0x68: {  	_ =	shalt  }
0x69: {  	_ =	shalt  }
0x6a: {  	_ =	shalt  }
0x6b: {  	_ =	shalt  }
0x6c: {  	_ =	shalt  }
0x6d: {  	_ =	shalt  }
0x6e: {  	_ =	shalt  }
0x6f: {  	_ =	shalt  }
0x70: {  	_ =	shalt  }
0x71: {  	_ =	shalt  }
0x72: {  	_ =	shalt  }
0x73: {  	_ =	shalt  }
0x74: {  	_ =	shalt  }
0x75: {  	_ =	shalt  }
0x76: {  	_ =	shalt  }
0x77: {  	_ =	shalt  }
0x78: {  	_ =	shalt  }
0x79: {  	_ =	shalt  }
0x7a: {  	_ =	shalt  }
0x7b: {  	_ =	shalt  }
0x7c: {  	_ =	shalt  }
0x7d: {  	_ =	shalt  }
0x7e: {  	_ =	shalt  }
0x7f: {  	_ =	shalt  }
0x80: {  	_ =	shalt  }
0x81: {  	_ =	shalt  }
0x82: {  	_ =	shalt  }
0x83: {  	_ =	shalt  }
0x84: {  	_ =	shalt  }
0x85: {  	_ =	shalt  }
0x86: {  	_ =	shalt  }
0x87: {  	_ =	shalt  }
.Lfunc_end0:
.L_simem_size_0:
called_computation.5_lowered:
.L_overlay_start_0:
0x88: {  	s2 =	sld [smem:$0x3FD9]  }
0x89: {  	s3 =	sld [smem:$0x3FFE];
	_ =	sdelay $0x1  }
0x8a: {  	s1 =	srdreg.scid  }
0x8b: {  	s0 =	sand.u32 $0x1, s1  }
0x8c: {  	s17 =	sshll.u32 s0, $0xA;
	s2 =	sadd.s32 s3, s2  }
0x8d: {  	s2 =	sadd.s32 s2, s17  }
0x8e: {  	[smem:$0x3F8E] =	sst s2  }
0x8f: {  	_ = 	snop  }
0x90: {  	s2 =	sld [smem:$0x3FD0];
	(tm) =	ssettm $0x1  }
0x91: {  	s18 =	sld [smem:$0x3FFB];
	_ =	sdelay $0x3  }
0x92: {  	_ =	strace s18  }
0x93: {  	s3 =	sld [smem:$0x3FFC];
	_ =	sdelay $0x3  }
0x94: {  	_ =	strace s3  }
0x95: {  	s3 =	sld [smem:$0x3FFD];
	_ =	sdelay $0x3  }
0x96: {  	_ =	strace s3  }
0x97: {  	_ =	strace $0x8FFFFFFF  }
0x98: {  	s19 =	sld [smem:$0x3FDB];
	_ =	sdelay $0x1  }
0x99: {  	s4 =	simm.s32 $_scs_section_size  }
0x9a: {  	s5 =	simm.s32 $_size__tile_overlayer_lowered;
	s6 =	simm.s32 $_tile_overlayer_lowered  }
0x9b: {  	s22 =	simm.s32 $0x1BFF;
	s21 =	sshll.u32 s6, $0x1;
	s3 =	sadd.s32 s4, s19  }
0x9c: {  	s7 =	simm.s32 $0x0;
	s20 =	sshll.u32 s5, $0x1;
	s5 =	sadd.s32 s21, s3  }
0x9d: {  	[timem:s7], [sflag:s22] =	dma.local [hbm:s5], s20  }
0x9e: {  	_ =	swait.ge [sflag:s22], s20  }
0x9f: {  	s4 =	ssub.s32 $0x0, s20;
	[sflag:s22] =	ssyncset.done $0x0  }
0xa0: {  	[sflag:s22] =	ssyncadd.s32 s4;
	_ =	sdelay $0x1  }
0xa1: {  	s23 =	simm.s32 $0x1B8B  }
0xa2: {  	_ =	swait.ge [sflag:s23], $0x1  }
0xa3: {  	[sflag:s23] =	ssyncset.done $0x0  }
0xa4: {  	s25 =	simm.s32 $0x1B8E;
	s24 =	sld [smem:$0x3FFE];
	[sflag:s23] =	ssyncadd.s32 $0xFFFFFFFF  }
0xa5: {  	s26 =	simm.s32 $execute0_lowered;
	[smem:$0x3FD2] =	sst s25  }
0xa6: {  	s5 =	sshll.u32 s26, $0x1;
	_ =	strace $0x80000055;
	[dreg:$0x1] =	wrdreg $0xFFFFFFFF  }
0xa7: {  	s28 =	simm.s32 $_size_execute0_lowered;
	s3 =	sadd.s32 s3, s5;
	[dreg:$0x0] =	wrdreg $0x0  }
0xa8: {  	s5 =	sshll.u32 s28, $0x1;
	[dreg:$0x2] =	wrdreg s3  }
0xa9: {  	[dreg:$0x3] =	wrdreg s5  }
0xaa: {  	[dreg:$0x4] =	wrdreg $0xC0  }
0xab: {  	_ =	task [dreg:s7], $0x5FFFF  }
0xac: {  	[dreg:$0x1] =	wrdreg $0xFFFFFFFF  }
0xad: {  	[dreg:$0x0] =	wrdreg $0x60  }
0xae: {  	[dreg:$0x2] =	wrdreg s2  }
0xaf: {  	[dreg:$0x3] =	wrdreg s24  }
0xb0: {  	[dreg:$0x4] =	wrdreg $0xA8000  }
0xb1: {  	[dreg:$0x5] =	wrdreg $0x9  }
0xb2: {  	_ =	task.clear_ibuf [dreg:s7], $0x6FFFF;
	_ =	strace $0x90000055  }
0xb3: {  	s29 =	simm.s32 $0x9;
	_ =	strace $0x80000057  }
0xb4: {  	_ =	swait.ge [sflag:s29], $0x1  }
0xb5: {  	[sflag:s29] =	ssyncadd.s32 $0xFFFFFFFF  }
0xb6: {  	_ =	strace $0x90000057  }
0xb7: {  	_ =	sfence  }
0xb8: {  	s30 =	sld [smem:$0x0];
	_ =	sdelay $0x2  }
0xb9: {  	s31 =	sshll.u32 s1, $0xD;
	s1 =	sshrl.u32 s1, $0x2  }
0xba: {  	s3 =	sand.u32 $0x4000, s31;
	s1 =	sadd.s32 s1, s30  }
0xbb: {  	s0 =	sor.u32 s3, s0;
	s1 =	sshll.u32 s1, $0x11  }
0xbc: {  	s0 =	sor.u32 s1, s0  }
0xbd: {  	s0 =	sadd.s32 $0x8F2B, s0  }
0xbe: {  	[sflag:s0] =	ssyncadd.remote.s32 $0x1  }
0xbf: {  	_ =	sfence.sel $0xFFFF  }
0xc0: {  	[dreg:$0x0] =	wrdreg $0xFFFFFFFF;
	(pc) =	sbr.abs _section_cstart, $3  }
0xc1: {  	[dreg:$0x1] =	wrdreg $0xFFFFFFFF  }
0xc2: {  	_ =	task.clear_ibuf [dreg:s7], $0x2FFFF;
	_ =	strace $0x9FFFFFFF  }
0xc3: {  	(tm) =	ssettm $0x7FFFFFFF  }
tec
execute0_lowered:
.L_overlay_start_1:
0x0: {  	(tag) =	ssettag $0x1  }
0x1: {  	s1 =	rddreg [dreg:$0x0]  }
0x2: {  	s6 =	rddreg [dreg:$0x1]  }
0x3: {  	s2 =	rddreg [dreg:$0x2]  }
0x4: {  	s3 =	srdreg.scid;
	s0 =	rddreg [dreg:$0x3];
	s4 =	simm.s32 $0x0  }
0x5: {  	s16 =	simm.s32 $0x80;
	s17 =	simm.s32 $0x2800;
	s18 =	simm.s32 $0x6800  }
0x6: {  	s19 =	simm.s32 $0x1;
	s20 =	simm.s32 $0x2;
	s21 =	simm.s32 $0x2700  }
0x7: {  	s22 =	simm.s32 $0x2780;
	s7 =	sand.u32 $0x1, s3;
	s3 =	stileid.u32  }
0x8: {  	s23 =	simm.s32 $0x0;
	[smem:$0x7FF] =	sst s4;
	s5 =	smul.u32 $0x140000, s7  }
0x9: {  	s11 =	sadd.s32 $0x8E00, s6;
	s12 =	sadd.s32 $0x12E00, s6;
	s8 =	smul.u32 $0x14000, s3  }
0xa: {  	_ =	strace $0x80000056;
	s9 =	sshll.u32 s3, $0x1;
	s10 =	ssub.s32 $0x2, s7  }
0xb: {  	s28 =	smul.u32 $0x50000, s3;
	s31 =	sshll.u32 s3, $0x6;
	s7 =	sor.u32 s7, s9  }
0xc: {  	s29 =	sshrl.u32 s10, $0x1;
	s8 =	sadd.s32 s8, s5;
	s5 =	sadd.s32 $0x1CE00, s6  }
0xd: {  	s7 =	smul.u32 $0x2800, s7;
	s30 =	sshrl.u32 s28, $0x2;
	s8 =	sshrl.u32 s8, $0x3  }
0xe: {  	s10 =	ssub.s32 s10, s29;
	s13 =	sadd.s32 s30, s2;
	s8 =	sadd.s32 s8, s6  }
0xf: {  	s6 =	sor.u32 $0x1C03, s31;
	s14 =	sshrl.u32 s7, $0x3;
	s13 =	sshrl.u32 s13, $0x3  }
0x10: {  	s7 =	sadd.s32 $0xBDA00, s8;
	s8 =	smax.u32 s10, $0x1;
	s15 =	sadd.s32 $0x280, s14  }
0x11: {  	s9 =	sadd.s32 s11, s14;
	s10 =	sadd.s32 s12, s14;
	s14 =	simm.s32 $0x3  }
0x12: {  	s11 =	sadd.s32 s11, s15;
	s12 =	sadd.s32 s12, s15;
	s15 =	simm.s32 $0x1400  }
.LBB2_1:
0x13: {  	[spmem:s13], [sflag:s6] =	dma.local [hbm:s5], $0x2800  }
0x14: {  	_ =	swait.ge [sflag:s14], $0x2800  }
0x15: {  	[sflag:s14] =	ssyncset.done $0x0  }
0x16: {  	[sflag:s14] =	ssyncadd.s32 $0xFFFFD800  }
0x17: {  	[bflag:$0x0] =	sbarrier.arrive $0xFFFF  }
0x18: {  	[tilespmem:s4], [sflag:$0x3] =	stream.linear.gather [hbm4b:s9+s4], $0x1400, $0x38;
	[tilespmem:$0x1E800] =	vst v63  }
0x19: {  	_ =	swait.ge [sflag:s14], $0x1400  }
0x1a: {  	[sflag:s14] =	ssyncset.done $0x0  }
0x1b: {  	[sflag:s14] =	ssyncadd.s32 $0xFFFFEC00  }
0x1c: {  	[tilespmem:s15], [sflag:$0x3] =	stream.linear.gather [hbm4b:s10+s4], $0x1400, $0x38;
	[tilespmem:$0x1E800] =	vst v63  }
0x1d: {  	_ =	swait.ge [sflag:s14], $0x1400  }
0x1e: {  	[sflag:s14] =	ssyncset.done $0x0  }
0x1f: {  	[sflag:s14] =	ssyncadd.s32 $0xFFFFEC00  }
0x20: {  	[tilespmem:s17], [sflag:$0x1] =	stream.indirect.gather [hbm4b:s1+s16], $0x80, s4, s16, $0xb8;
	[tilespmem:$0x1E800] =	vst v63  }
0x21: {  	_ = 	snop  }
0x22: {  	[tilespmem:s18], [sflag:$0x2] =	stream.indirect.gather [hbm4b:s1+s16], $0x80, s16, s16, $0xb8;
	[tilespmem:$0x1E800] =	vst v63  }
0x23: {  	_ =	swait.ge [sflag:s19], $0x4000  }
0x24: {  	[sflag:s19] =	ssyncset.done $0x0  }
0x25: {  	s24 =	simm.s32 $0x1400;
	[sflag:s19] =	ssyncadd.s32 $0xFFFFC000  }
0x26: {  	[spmem:s2] =	stream.indirect.scatter.add.f32 [tilespmem:s17], [sflag:$0x3], $0x80, s24, s16, $0xb8;
	[tilespmem:$0x1E800] =	vst v63  }
0x27: {  	_ =	swait.ge [sflag:s14], $0x4000  }
0x28: {  	[sflag:s14] =	ssyncset.done $0x0  }
0x29: {  	s30 =	simm.s32 $0x100;
	[sflag:s14] =	ssyncadd.s32 $0xFFFFC000  }
0x2a: {  	[tilespmem:s17], [sflag:$0x1] =	stream.indirect.gather [hbm4b:s1+s16], $0x80, s30, s16, $0xb8;
	[tilespmem:$0x1E800] =	vst v63  }
0x2b: {  	_ =	swait.ge [sflag:s20], $0x4000  }
0x2c: {  	[sflag:s20] =	ssyncset.done $0x0  }
0x2d: {  	s31 =	simm.s32 $0x1480;
	[sflag:s20] =	ssyncadd.s32 $0xFFFFC000  }
0x2e: {  	[spmem:s2] =	stream.indirect.scatter.add.f32 [tilespmem:s18], [sflag:$0x3], $0x80, s31, s16, $0xb8;
	[tilespmem:$0x1E800] =	vst v63  }
0x2f: {  	_ =	swait.ge [sflag:s14], $0x4000  }
0x30: {  	[sflag:s14] =	ssyncset.done $0x0  }
0x31: {  	s25 =	simm.s32 $0x180;
	s24 =	simm.s32 $0x400;
	[sflag:s14] =	ssyncadd.s32 $0xFFFFC000  }
.LBB2_2:
0x32: {  	[tilespmem:s18], [sflag:$0x2] =	stream.indirect.gather [hbm4b:s1+s16], $0x80, s25, s16, $0xb8;
	[tilespmem:$0x1E800] =	vst v63  }
0x33: {  	s25 =	smov.u32 s24  }
0x34: {  	p0 =	sne.s32 s24, $0x4800;
	s24 =	sadd.s32 $0x400, s24;
	_ =	swait.ge [sflag:s19], $0x4000  }
0x35: {  	s25 =	sshra.s32 s25, $0x2;
	[sflag:s19] =	ssyncset.done $0x0  }
0x36: {  	s26 =	sadd.s32 $0x1400, s25;
	[sflag:s19] =	ssyncadd.s32 $0xFFFFC000  }
0x37: {  	[spmem:s2] =	stream.indirect.scatter.add.f32 [tilespmem:s17], [sflag:$0x3], $0x80, s26, s16, $0xb8;
	[tilespmem:$0x1E800] =	vst v63  }
0x38: {  	_ =	swait.ge [sflag:s14], $0x4000  }
0x39: {  	[sflag:s14] =	ssyncset.done $0x0  }
0x3a: {  	s26 =	sadd.s32 $0x100, s25;
	[sflag:s14] =	ssyncadd.s32 $0xFFFFC000  }
0x3b: {  	[tilespmem:s17], [sflag:$0x1] =	stream.indirect.gather [hbm4b:s1+s16], $0x80, s26, s16, $0xb8;
	[tilespmem:$0x1E800] =	vst v63  }
0x3c: {  	_ =	swait.ge [sflag:s20], $0x4000  }
0x3d: {  	[sflag:s20] =	ssyncset.done $0x0  }
.Ltmp0:
0x3e: {  	s26 =	sadd.s32 $0x1480, s25;
	[sflag:s20] =	ssyncadd.s32 $0xFFFFC000;
	(pc) =	sbr.rel @p0 .LBB2_2-.Ltmp0, $4  }
0x3f: {  	[spmem:s2] =	stream.indirect.scatter.add.f32 [tilespmem:s18], [sflag:$0x3], $0x80, s26, s16, $0xb8;
	[tilespmem:$0x1E800] =	vst v63  }
0x40: {  	_ =	swait.ge [sflag:s14], $0x4000  }
0x41: {  	[sflag:s14] =	ssyncset.done $0x0  }
0x42: {  	s25 =	sadd.s32 $0x180, s25;
	[sflag:s14] =	ssyncadd.s32 $0xFFFFC000  }
0x43: {  	[tilespmem:s18], [sflag:$0x2] =	stream.indirect.gather [hbm4b:s1+s16], $0x80, s25, s16, $0xb8;
	[tilespmem:$0x1E800] =	vst v63  }
0x44: {  	_ =	swait.ge [sflag:s19], $0x4000  }
0x45: {  	[sflag:s19] =	ssyncset.done $0x0  }
0x46: {  	[sflag:s19] =	ssyncadd.s32 $0xFFFFC000  }
0x47: {  	[spmem:s2] =	stream.indirect.scatter.add.f32 [tilespmem:s17], [sflag:$0x3], $0x80, s21, s16, $0xb8;
	[tilespmem:$0x1E800] =	vst v63  }
0x48: {  	_ =	swait.ge [sflag:s14], $0x4000  }
0x49: {  	[sflag:s14] =	ssyncset.done $0x0  }
0x4a: {  	[sflag:s14] =	ssyncadd.s32 $0xFFFFC000  }
0x4b: {  	_ =	swait.ge [sflag:s20], $0x4000  }
0x4c: {  	[sflag:s20] =	ssyncset.done $0x0  }
0x4d: {  	[sflag:s20] =	ssyncadd.s32 $0xFFFFC000  }
0x4e: {  	[spmem:s2] =	stream.indirect.scatter.add.f32 [tilespmem:s18], [sflag:$0x3], $0x80, s22, s16, $0xb8;
	[tilespmem:$0x1E800] =	vst v63  }
0x4f: {  	_ =	swait.ge [sflag:s14], $0x4000  }
0x50: {  	[sflag:s14] =	ssyncset.done $0x0  }
0x51: {  	s24 =	simm.s32 $0x0;
	[sflag:s14] =	ssyncadd.s32 $0xFFFFC000  }
0x52: {  	[tilespmem:s24], [sflag:$0x3] =	stream.linear.gather [hbm4b:s11+s24], $0x1400, $0x38;
	[tilespmem:$0x1E800] =	vst v63  }
0x53: {  	_ =	swait.ge [sflag:s14], $0x1400  }
0x54: {  	[sflag:s14] =	ssyncset.done $0x0  }
0x55: {  	[sflag:s14] =	ssyncadd.s32 $0xFFFFEC00  }
0x56: {  	[tilespmem:s15], [sflag:$0x3] =	stream.linear.gather [hbm4b:s12+s24], $0x1400, $0x38;
	[tilespmem:$0x1E800] =	vst v63  }
0x57: {  	_ =	swait.ge [sflag:s14], $0x1400  }
0x58: {  	[sflag:s14] =	ssyncset.done $0x0  }
0x59: {  	[sflag:s14] =	ssyncadd.s32 $0xFFFFEC00  }
0x5a: {  	[tilespmem:s17], [sflag:$0x1] =	stream.indirect.gather [hbm4b:s1+s16], $0x80, s24, s16, $0xb8;
	[tilespmem:$0x1E800] =	vst v63  }
0x5b: {  	_ = 	snop  }
0x5c: {  	[tilespmem:s18], [sflag:$0x2] =	stream.indirect.gather [hbm4b:s1+s16], $0x80, s16, s16, $0xb8;
	[tilespmem:$0x1E800] =	vst v63  }
0x5d: {  	_ =	swait.ge [sflag:s19], $0x4000  }
0x5e: {  	[sflag:s19] =	ssyncset.done $0x0  }
0x5f: {  	s29 =	simm.s32 $0x1400;
	[sflag:s19] =	ssyncadd.s32 $0xFFFFC000  }
0x60: {  	[spmem:s2] =	stream.indirect.scatter.add.f32 [tilespmem:s17], [sflag:$0x3], $0x80, s29, s16, $0xb8;
	[tilespmem:$0x1E800] =	vst v63  }
0x61: {  	_ =	swait.ge [sflag:s14], $0x4000  }
0x62: {  	[sflag:s14] =	ssyncset.done $0x0  }
0x63: {  	s30 =	simm.s32 $0x100;
	[sflag:s14] =	ssyncadd.s32 $0xFFFFC000  }
0x64: {  	[tilespmem:s17], [sflag:$0x1] =	stream.indirect.gather [hbm4b:s1+s16], $0x80, s30, s16, $0xb8;
	[tilespmem:$0x1E800] =	vst v63  }
0x65: {  	_ =	swait.ge [sflag:s20], $0x4000  }
0x66: {  	[sflag:s20] =	ssyncset.done $0x0  }
0x67: {  	s31 =	simm.s32 $0x1480;
	[sflag:s20] =	ssyncadd.s32 $0xFFFFC000  }
0x68: {  	[spmem:s2] =	stream.indirect.scatter.add.f32 [tilespmem:s18], [sflag:$0x3], $0x80, s31, s16, $0xb8;
	[tilespmem:$0x1E800] =	vst v63  }
0x69: {  	_ =	swait.ge [sflag:s14], $0x4000  }
0x6a: {  	[sflag:s14] =	ssyncset.done $0x0  }
0x6b: {  	s25 =	simm.s32 $0x180;
	s24 =	simm.s32 $0x400;
	[sflag:s14] =	ssyncadd.s32 $0xFFFFC000  }
.LBB2_4:
0x6c: {  	[tilespmem:s18], [sflag:$0x2] =	stream.indirect.gather [hbm4b:s1+s16], $0x80, s25, s16, $0xb8;
	[tilespmem:$0x1E800] =	vst v63  }
0x6d: {  	s25 =	smov.u32 s24  }
0x6e: {  	p0 =	sne.s32 s24, $0x4800;
	s24 =	sadd.s32 $0x400, s24;
	_ =	swait.ge [sflag:s19], $0x4000  }
0x6f: {  	s25 =	sshra.s32 s25, $0x2;
	[sflag:s19] =	ssyncset.done $0x0  }
0x70: {  	s26 =	sadd.s32 $0x1400, s25;
	[sflag:s19] =	ssyncadd.s32 $0xFFFFC000  }
0x71: {  	[spmem:s2] =	stream.indirect.scatter.add.f32 [tilespmem:s17], [sflag:$0x3], $0x80, s26, s16, $0xb8;
	[tilespmem:$0x1E800] =	vst v63  }
0x72: {  	_ =	swait.ge [sflag:s14], $0x4000  }
0x73: {  	[sflag:s14] =	ssyncset.done $0x0  }
0x74: {  	s26 =	sadd.s32 $0x100, s25;
	[sflag:s14] =	ssyncadd.s32 $0xFFFFC000  }
0x75: {  	[tilespmem:s17], [sflag:$0x1] =	stream.indirect.gather [hbm4b:s1+s16], $0x80, s26, s16, $0xb8;
	[tilespmem:$0x1E800] =	vst v63  }
0x76: {  	_ =	swait.ge [sflag:s20], $0x4000  }
0x77: {  	[sflag:s20] =	ssyncset.done $0x0  }
.Ltmp1:
0x78: {  	s26 =	sadd.s32 $0x1480, s25;
	[sflag:s20] =	ssyncadd.s32 $0xFFFFC000;
	(pc) =	sbr.rel @p0 .LBB2_4-.Ltmp1, $4  }
0x79: {  	[spmem:s2] =	stream.indirect.scatter.add.f32 [tilespmem:s18], [sflag:$0x3], $0x80, s26, s16, $0xb8;
	[tilespmem:$0x1E800] =	vst v63  }
0x7a: {  	_ =	swait.ge [sflag:s14], $0x4000  }
0x7b: {  	[sflag:s14] =	ssyncset.done $0x0  }
0x7c: {  	s25 =	sadd.s32 $0x180, s25;
	[sflag:s14] =	ssyncadd.s32 $0xFFFFC000  }
0x7d: {  	[tilespmem:s18], [sflag:$0x2] =	stream.indirect.gather [hbm4b:s1+s16], $0x80, s25, s16, $0xb8;
	[tilespmem:$0x1E800] =	vst v63  }
0x7e: {  	_ =	swait.ge [sflag:s19], $0x4000  }
0x7f: {  	[sflag:s19] =	ssyncset.done $0x0  }
0x80: {  	[sflag:s19] =	ssyncadd.s32 $0xFFFFC000  }
0x81: {  	[spmem:s2] =	stream.indirect.scatter.add.f32 [tilespmem:s17], [sflag:$0x3], $0x80, s21, s16, $0xb8;
	[tilespmem:$0x1E800] =	vst v63  }
0x82: {  	_ =	swait.ge [sflag:s14], $0x4000  }
0x83: {  	[sflag:s14] =	ssyncset.done $0x0  }
0x84: {  	[sflag:s14] =	ssyncadd.s32 $0xFFFFC000  }
0x85: {  	_ =	swait.ge [sflag:s20], $0x4000  }
0x86: {  	[sflag:s20] =	ssyncset.done $0x0  }
0x87: {  	[sflag:s20] =	ssyncadd.s32 $0xFFFFC000  }
0x88: {  	[spmem:s2] =	stream.indirect.scatter.add.f32 [tilespmem:s18], [sflag:$0x3], $0x80, s22, s16, $0xb8;
	[tilespmem:$0x1E800] =	vst v63  }
0x89: {  	_ =	swait.ge [sflag:s14], $0x4000  }
0x8a: {  	s23 =	sadd.s32 $0x1, s23;
	[sflag:s14] =	ssyncset.done $0x0  }
0x8b: {  	p0 =	sne.s32 s23, s8;
	[sflag:s14] =	ssyncadd.s32 $0xFFFFC000  }
.Ltmp2:
0x8c: {  	[bflag:$0x0] =	sbarrier.arrive $0xFFFF;
	(pc) =	sbr.rel @p0 .LBB2_1-.Ltmp2, $4  }
0x8d: {  	[hbm:s7], [sflag:s6] =	dma.local [spmem:s13], $0x2800  }
0x8e: {  	_ =	swait.ge [sflag:s14], $0x2800  }
0x8f: {  	[sflag:s14] =	ssyncset.done $0x0  }
0x90: {  	[sflag:s14] =	ssyncadd.s32 $0xFFFFD800  }
0x91: {  	_ =	sfence.sel $0x180000  }
0x92: {  	[bflag:$0x0] =	sbarrier.arrive $0xFFFF  }
0x93: {  	p0 =	sne.s32 s3, $0x0;
	_ =	strace $0x90000056  }
0x94: {  	s0 =	sadd.s32 @!p0 $0x100000, s0;
	[bflag:$0x2] =	sbarrier.arrive $0xFFFF  }
0x95: {  	[sflag:s0] =	ssyncadd.tile.s32 @!p0 $0x1;
	_ =	shalt  }
.Lfunc_end2:
_tile_overlayer_lowered:
.L_overlay_start_2:
0x96: {  	(tag) =	ssettag $0x2  }
0x97: {  	s0 =	rddreg [dreg:$0x0];
	s2 =	stileid.u32  }
0x98: {  	s1 =	rddreg [dreg:$0x1];
	p0 =	sne.s32 s2, $0x0  }
0x99: {  	s3 =	rddreg [dreg:$0x2];
	[bflag:$0x3] =	sbarrier.arrive $0xFFFF;
	s2 =	simm.s32 @!p0 $0x1C03  }
0x9a: {  	[timem:s3], [sflag:s2] =	dma.local @!p0 [hbm:s0], s1  }
0x9b: {  	s0 =	simm.s32 @!p0 $0x3  }
0x9c: {  	_ =	swait.ge @!p0 [sflag:s0], s1  }
0x9d: {  	s1 =	ssub.s32 @!p0 $0x0, s1;
	[sflag:s0] =	ssyncset.done @!p0 $0x0  }
0x9e: {  	[sflag:s0] =	ssyncadd.s32 @!p0 s1  }
0x9f: {  	[bflag:$0x3] =	sbarrier.arrive $0xFFFF  }
0xa0: {  	_ =	shalt  }

// kernel: kernel.38.cloned.1.call-start
scs
__scs_entry_jumppad:
0x0: {  	(pc) =	sbr.rel $0x88, $3  }
0x1: {  	(tag) =	ssettag $0x0;
	lr =	simm.s32 $0x1  }
0x2: {  	[smem:$0x3F67] =	sst lr;
	_ =	strace $0xD0000000  }
0x3: {  	_ = 	snop  }
0x4: {  	_ = 	snop  }
0x5: {  	_ = 	snop  }
0x6: {  	_ = 	snop  }
0x7: {  	_ = 	snop  }
__scs_overlays_trampoline_lowered:
0x8: {  	[smem:$0x3F76] =	sst s0  }
0x9: {  	[smem:$0x3F77] =	sst s1  }
0xa: {  	[smem:$0x3F78] =	sst s2  }
0xb: {  	[smem:$0x3F79] =	sst s3  }
0xc: {  	[smem:$0x3F7A] =	sst s4  }
0xd: {  	[smem:$0x3F7B] =	sst s5  }
0xe: {  	[smem:$0x3F7C] =	sst s6  }
0xf: {  	[smem:$0x3F7D] =	sst s7  }
0x10: {  	[smem:$0x3F7E] =	sst s8  }
0x11: {  	[smem:$0x3F7F] =	sst s9;
	s0 =	simm.s32 @!p0 $0x0  }
0x12: {  	s1 =	sld [smem:$0x3F65];
	s0 =	simm.s32 @p0 $0x1  }
0x13: {  	[smem:$0x3F80] =	sst s0;
	s0 =	simm.s32 @!p1 $0x0  }
0x14: {  	s2 =	sld [smem:$0x3F64];
	s0 =	simm.s32 @p1 $0x1  }
0x15: {  	[smem:$0x3F81] =	sst s0;
	s0 =	simm.s32 @!p2 $0x0  }
0x16: {  	s3 =	sld [smem:$0x3FDB];
	s0 =	simm.s32 @p2 $0x1  }
0x17: {  	s4 =	simm.s32 $0x1BF5;
	[smem:$0x3F83] =	sst s0  }
0x18: {  	s0 =	sld [smem:$0x3F66];
	_ =	swait.ge [sflag:s4], $0x0  }
0x19: {  	s7 =	sld [smem:$0x3F67]  }
0x1a: {  	s8 =	sadd.s32 $0xFFFFE003, lr  }
0x1b: {  	s9 =	sadd.s32 $0xFFFFFEF7, lr;
	s5 =	simm.s32 $0xFFFFFFFF;
	p2 =	slt.u32 s8, $0xFFFFF086  }
0x1c: {  	p1 =	slt.u32 s9, $0xF7A;
	s5 =	simm.s32 @!p2 $0x0  }
0x1d: {  	s5 =	simm.s32 @p1 $0x1;
	p0 =	seq.s32 s7, s2  }
0x1e: {  	s7 =	smul.u32 @!p0 $0xF7A, s2;
	p2 =	seq.s32 @!p0 s5, $0x0  }
0x1f: {  	s9 =	smul.u32 $0xF7A, s1;
	s8 =	simm.s32 @!p0 $0x1BF5;
	p2 =	por !p2, p0  }
0x20: {  	[sflag:s8] =	ssyncset.s32 @!p0 $0xFFFFF086;
	s6 =	sadd.s32 @!p0 s3, s7;
	s7 =	simm.s32 @!p0 $0x108  }
0x21: {  	s3 =	sadd.s32 s3, s9;
	s6 =	sadd.s32 @!p0 $0x88, s6;
	s7 =	simm.s32 @p2 $0x1082  }
0x22: {  	[simem:s7], [sflag:s8] =	dma.local @!p0 [hbm:s6], $0xF7A  }
0x23: {  	s9 =	sor.u32 $0xD0000000, s2;
	s6 =	simm.s32 $0x108;
	_ =	swait.ge @!p0 [sflag:s8], $0x0  }
0x24: {  	s3 =	sadd.s32 $0x88, s3;
	s6 =	simm.s32 @!p1 $0x1082;
	[sflag:s4] =	ssyncset.s32 $0xFFFFF086  }
0x25: {  	[simem:s6], [sflag:s4] =	dma.local [hbm:s3], $0xF7A  }
0x26: {  	[smem:$0x3F67] =	sst s1;
	(tag) =	ssettag s2;
	_ =	strace s9  }
0x27: {  	s1 =	sld [smem:$0x3F77]  }
0x28: {  	s2 =	sld [smem:$0x3F78]  }
0x29: {  	s4 =	sld [smem:$0x3F7A]  }
0x2a: {  	p0 =	seq.s32 s5, $0x0;
	s5 =	sld [smem:$0x3F7B]  }
0x2b: {  	s6 =	sld [smem:$0x3F7C]  }
0x2c: {  	s7 =	sld [smem:$0x3F7D]  }
0x2d: {  	s3 =	simm.s32 $0x108;
	s8 =	sld [smem:$0x3F7E]  }
0x2e: {  	s3 =	simm.s32 @!p0 $0x1082;
	s9 =	sld [smem:$0x3F7F]  }
0x2f: {  	lr =	sadd.s32 s0, s3;
	s0 =	sld [smem:$0x3F76]  }
0x30: {  	s3 =	sld [smem:$0x3F79]  }
0x31: {  	[smem:$0x3F82] =	sst s10  }
0x32: {  	s10 =	sld [smem:$0x3F80];
	_ =	sdelay $0x3  }
0x33: {  	p0 =	seq.s32 s10, $0x1;
	s10 =	sld [smem:$0x3F82];
	_ =	sdelay $0x3  }
0x34: {  	[smem:$0x3F82] =	sst s10  }
0x35: {  	s10 =	sld [smem:$0x3F81];
	_ =	sdelay $0x3  }
0x36: {  	p1 =	seq.s32 s10, $0x1;
	s10 =	sld [smem:$0x3F82];
	_ =	sdelay $0x3  }
0x37: {  	[smem:$0x3F82] =	sst s10  }
0x38: {  	s10 =	sld [smem:$0x3F83]  }
0x39: {  	_ = 	snop;
	(pc) =	sbr.ind lr, $3  }
0x3a: {  	_ = 	snop  }
0x3b: {  	_ = 	snop  }
0x3c: {  	p2 =	seq.s32 s10, $0x1;
	s10 =	sld [smem:$0x3F82]  }
0x3d: {  	_ =	shalt  }
0x3e: {  	_ =	shalt  }
0x3f: {  	_ =	shalt  }
0x40: {  	_ =	shalt  }
0x41: {  	_ =	shalt  }
0x42: {  	_ =	shalt  }
0x43: {  	_ =	shalt  }
0x44: {  	_ =	shalt  }
0x45: {  	_ =	shalt  }
0x46: {  	_ =	shalt  }
0x47: {  	_ =	shalt  }
0x48: {  	_ =	shalt  }
0x49: {  	_ =	shalt  }
0x4a: {  	_ =	shalt  }
0x4b: {  	_ =	shalt  }
0x4c: {  	_ =	shalt  }
0x4d: {  	_ =	shalt  }
0x4e: {  	_ =	shalt  }
0x4f: {  	_ =	shalt  }
0x50: {  	_ =	shalt  }
0x51: {  	_ =	shalt  }
0x52: {  	_ =	shalt  }
0x53: {  	_ =	shalt  }
0x54: {  	_ =	shalt  }
0x55: {  	_ =	shalt  }
0x56: {  	_ =	shalt  }
0x57: {  	_ =	shalt  }
0x58: {  	_ =	shalt  }
0x59: {  	_ =	shalt  }
0x5a: {  	_ =	shalt  }
0x5b: {  	_ =	shalt  }
0x5c: {  	_ =	shalt  }
0x5d: {  	_ =	shalt  }
0x5e: {  	_ =	shalt  }
0x5f: {  	_ =	shalt  }
0x60: {  	_ =	shalt  }
0x61: {  	_ =	shalt  }
0x62: {  	_ =	shalt  }
0x63: {  	_ =	shalt  }
0x64: {  	_ =	shalt  }
0x65: {  	_ =	shalt  }
0x66: {  	_ =	shalt  }
0x67: {  	_ =	shalt  }
0x68: {  	_ =	shalt  }
0x69: {  	_ =	shalt  }
0x6a: {  	_ =	shalt  }
0x6b: {  	_ =	shalt  }
0x6c: {  	_ =	shalt  }
0x6d: {  	_ =	shalt  }
0x6e: {  	_ =	shalt  }
0x6f: {  	_ =	shalt  }
0x70: {  	_ =	shalt  }
0x71: {  	_ =	shalt  }
0x72: {  	_ =	shalt  }
0x73: {  	_ =	shalt  }
0x74: {  	_ =	shalt  }
0x75: {  	_ =	shalt  }
0x76: {  	_ =	shalt  }
0x77: {  	_ =	shalt  }
0x78: {  	_ =	shalt  }
0x79: {  	_ =	shalt  }
0x7a: {  	_ =	shalt  }
0x7b: {  	_ =	shalt  }
0x7c: {  	_ =	shalt  }
0x7d: {  	_ =	shalt  }
0x7e: {  	_ =	shalt  }
0x7f: {  	_ =	shalt  }
0x80: {  	_ =	shalt  }
0x81: {  	_ =	shalt  }
0x82: {  	_ =	shalt  }
0x83: {  	_ =	shalt  }
0x84: {  	_ =	shalt  }
0x85: {  	_ =	shalt  }
0x86: {  	_ =	shalt  }
0x87: {  	_ =	shalt  }
.Lfunc_end0:
.L_simem_size_0:
called_computation.6_lowered:
.L_overlay_start_0:
0x88: {  	s2 =	sld [smem:$0x3FD9]  }
0x89: {  	s3 =	sld [smem:$0x3FFE];
	_ =	sdelay $0x1  }
0x8a: {  	s1 =	srdreg.scid  }
0x8b: {  	s0 =	sand.u32 $0x1, s1  }
0x8c: {  	s17 =	sshll.u32 s0, $0xA;
	s2 =	sadd.s32 s3, s2  }
0x8d: {  	s2 =	sadd.s32 s2, s17  }
0x8e: {  	[smem:$0x3F8E] =	sst s2  }
0x8f: {  	_ = 	snop  }
0x90: {  	s2 =	sld [smem:$0x3FD0];
	(tm) =	ssettm $0x1  }
0x91: {  	s18 =	sld [smem:$0x3FFB];
	_ =	sdelay $0x3  }
0x92: {  	_ =	strace s18  }
0x93: {  	s3 =	sld [smem:$0x3FFC];
	_ =	sdelay $0x3  }
0x94: {  	_ =	strace s3  }
0x95: {  	s3 =	sld [smem:$0x3FFD];
	_ =	sdelay $0x3  }
0x96: {  	_ =	strace s3  }
0x97: {  	_ =	strace $0x8FFFFFFF  }
0x98: {  	s19 =	sld [smem:$0x3FDB];
	_ =	sdelay $0x1  }
0x99: {  	s4 =	simm.s32 $_scs_section_size  }
0x9a: {  	s5 =	simm.s32 $_size__tile_overlayer_lowered;
	s6 =	simm.s32 $_tile_overlayer_lowered  }
0x9b: {  	s22 =	simm.s32 $0x1BFF;
	s21 =	sshll.u32 s6, $0x1;
	s3 =	sadd.s32 s4, s19  }
0x9c: {  	s7 =	simm.s32 $0x0;
	s20 =	sshll.u32 s5, $0x1;
	s5 =	sadd.s32 s21, s3  }
0x9d: {  	[timem:s7], [sflag:s22] =	dma.local [hbm:s5], s20  }
0x9e: {  	_ =	swait.ge [sflag:s22], s20  }
0x9f: {  	s4 =	ssub.s32 $0x0, s20;
	[sflag:s22] =	ssyncset.done $0x0  }
0xa0: {  	[sflag:s22] =	ssyncadd.s32 s4;
	_ =	sdelay $0x1  }
0xa1: {  	s23 =	simm.s32 $0x1B8B  }
0xa2: {  	_ =	swait.ge [sflag:s23], $0x1  }
0xa3: {  	[sflag:s23] =	ssyncset.done $0x0  }
0xa4: {  	s25 =	simm.s32 $0x1B8E;
	s24 =	sld [smem:$0x3FFE];
	[sflag:s23] =	ssyncadd.s32 $0xFFFFFFFF  }
0xa5: {  	s26 =	simm.s32 $execute0_lowered;
	[smem:$0x3FD2] =	sst s25  }
0xa6: {  	s5 =	sshll.u32 s26, $0x1;
	_ =	strace $0x80000058;
	[dreg:$0x1] =	wrdreg $0xFFFFFFFF  }
0xa7: {  	s28 =	simm.s32 $_size_execute0_lowered;
	s3 =	sadd.s32 s3, s5;
	[dreg:$0x0] =	wrdreg $0x0  }
0xa8: {  	s5 =	sshll.u32 s28, $0x1;
	[dreg:$0x2] =	wrdreg s3  }
0xa9: {  	[dreg:$0x3] =	wrdreg s5  }
0xaa: {  	[dreg:$0x4] =	wrdreg $0xC0  }
0xab: {  	_ =	task [dreg:s7], $0x5FFFF  }
0xac: {  	[dreg:$0x1] =	wrdreg $0xFFFFFFFF  }
0xad: {  	[dreg:$0x0] =	wrdreg $0x60  }
0xae: {  	[dreg:$0x2] =	wrdreg s2  }
0xaf: {  	[dreg:$0x3] =	wrdreg s24  }
0xb0: {  	[dreg:$0x4] =	wrdreg $0xA8000  }
0xb1: {  	[dreg:$0x5] =	wrdreg $0x9  }
0xb2: {  	_ =	task.clear_ibuf [dreg:s7], $0x6FFFF;
	_ =	strace $0x90000058  }
0xb3: {  	s29 =	simm.s32 $0x9;
	_ =	strace $0x8000005A  }
0xb4: {  	_ =	swait.ge [sflag:s29], $0x1  }
0xb5: {  	[sflag:s29] =	ssyncadd.s32 $0xFFFFFFFF  }
0xb6: {  	_ =	strace $0x9000005A  }
0xb7: {  	_ =	sfence  }
0xb8: {  	s30 =	sld [smem:$0x0];
	_ =	sdelay $0x2  }
0xb9: {  	s31 =	sshll.u32 s1, $0xD;
	s1 =	sshrl.u32 s1, $0x2  }
0xba: {  	s3 =	sand.u32 $0x4000, s31;
	s1 =	sadd.s32 s1, s30  }
0xbb: {  	s0 =	sor.u32 s3, s0;
	s1 =	sshll.u32 s1, $0x11  }
0xbc: {  	s0 =	sor.u32 s1, s0  }
0xbd: {  	s0 =	sadd.s32 $0x8F2B, s0  }
0xbe: {  	[sflag:s0] =	ssyncadd.remote.s32 $0x1  }
0xbf: {  	_ =	sfence.sel $0xFFFF  }
0xc0: {  	[dreg:$0x0] =	wrdreg $0xFFFFFFFF;
	(pc) =	sbr.abs _section_cstart, $3  }
0xc1: {  	[dreg:$0x1] =	wrdreg $0xFFFFFFFF  }
0xc2: {  	_ =	task.clear_ibuf [dreg:s7], $0x2FFFF;
	_ =	strace $0x9FFFFFFF  }
0xc3: {  	(tm) =	ssettm $0x7FFFFFFF  }
tec
execute0_lowered:
.L_overlay_start_1:
0x0: {  	(tag) =	ssettag $0x1  }
0x1: {  	s1 =	rddreg [dreg:$0x0]  }
0x2: {  	s6 =	rddreg [dreg:$0x1]  }
0x3: {  	s2 =	rddreg [dreg:$0x2]  }
0x4: {  	s3 =	srdreg.scid;
	s0 =	rddreg [dreg:$0x3];
	s4 =	simm.s32 $0x0  }
0x5: {  	s16 =	simm.s32 $0x80;
	s17 =	simm.s32 $0x2800;
	s18 =	simm.s32 $0x6800  }
0x6: {  	s19 =	simm.s32 $0x1;
	s20 =	simm.s32 $0x2;
	s21 =	simm.s32 $0x2700  }
0x7: {  	s22 =	simm.s32 $0x2780;
	s7 =	sand.u32 $0x1, s3;
	s3 =	stileid.u32  }
0x8: {  	s23 =	simm.s32 $0x0;
	[smem:$0x7FF] =	sst s4;
	s5 =	smul.u32 $0x140000, s7  }
0x9: {  	s11 =	sadd.s32 $0x8E00, s6;
	s12 =	sadd.s32 $0x12E00, s6;
	s8 =	smul.u32 $0x14000, s3  }
0xa: {  	_ =	strace $0x80000059;
	s9 =	sshll.u32 s3, $0x1;
	s10 =	ssub.s32 $0x2, s7  }
0xb: {  	s28 =	smul.u32 $0x50000, s3;
	s31 =	sshll.u32 s3, $0x6;
	s7 =	sor.u32 s7, s9  }
0xc: {  	s29 =	sshrl.u32 s10, $0x1;
	s8 =	sadd.s32 s8, s5;
	s5 =	sadd.s32 $0x1CE00, s6  }
0xd: {  	s7 =	smul.u32 $0x2800, s7;
	s30 =	sshrl.u32 s28, $0x2;
	s8 =	sshrl.u32 s8, $0x3  }
0xe: {  	s10 =	ssub.s32 s10, s29;
	s13 =	sadd.s32 s30, s2;
	s8 =	sadd.s32 s8, s6  }
0xf: {  	s6 =	sor.u32 $0x1C03, s31;
	s14 =	sshrl.u32 s7, $0x3;
	s13 =	sshrl.u32 s13, $0x3  }
0x10: {  	s7 =	sadd.s32 $0xE4C00, s8;
	s8 =	smax.u32 s10, $0x1;
	s15 =	sadd.s32 $0x280, s14  }
0x11: {  	s9 =	sadd.s32 s11, s14;
	s10 =	sadd.s32 s12, s14;
	s14 =	simm.s32 $0x3  }
0x12: {  	s11 =	sadd.s32 s11, s15;
	s12 =	sadd.s32 s12, s15;
	s15 =	simm.s32 $0x1400  }
.LBB2_1:
0x13: {  	[spmem:s13], [sflag:s6] =	dma.local [hbm:s5], $0x2800  }
0x14: {  	_ =	swait.ge [sflag:s14], $0x2800  }
0x15: {  	[sflag:s14] =	ssyncset.done $0x0  }
0x16: {  	[sflag:s14] =	ssyncadd.s32 $0xFFFFD800  }
0x17: {  	[bflag:$0x0] =	sbarrier.arrive $0xFFFF  }
0x18: {  	[tilespmem:s4], [sflag:$0x3] =	stream.linear.gather [hbm4b:s9+s4], $0x1400, $0x38;
	[tilespmem:$0x1E800] =	vst v63  }
0x19: {  	_ =	swait.ge [sflag:s14], $0x1400  }
0x1a: {  	[sflag:s14] =	ssyncset.done $0x0  }
0x1b: {  	[sflag:s14] =	ssyncadd.s32 $0xFFFFEC00  }
0x1c: {  	[tilespmem:s15], [sflag:$0x3] =	stream.linear.gather [hbm4b:s10+s4], $0x1400, $0x38;
	[tilespmem:$0x1E800] =	vst v63  }
0x1d: {  	_ =	swait.ge [sflag:s14], $0x1400  }
0x1e: {  	[sflag:s14] =	ssyncset.done $0x0  }
0x1f: {  	[sflag:s14] =	ssyncadd.s32 $0xFFFFEC00  }
0x20: {  	[tilespmem:s17], [sflag:$0x1] =	stream.indirect.gather [hbm4b:s1+s16], $0x80, s4, s16, $0xb8;
	[tilespmem:$0x1E800] =	vst v63  }
0x21: {  	_ = 	snop  }
0x22: {  	[tilespmem:s18], [sflag:$0x2] =	stream.indirect.gather [hbm4b:s1+s16], $0x80, s16, s16, $0xb8;
	[tilespmem:$0x1E800] =	vst v63  }
0x23: {  	_ =	swait.ge [sflag:s19], $0x4000  }
0x24: {  	[sflag:s19] =	ssyncset.done $0x0  }
0x25: {  	s24 =	simm.s32 $0x1400;
	[sflag:s19] =	ssyncadd.s32 $0xFFFFC000  }
0x26: {  	[spmem:s2] =	stream.indirect.scatter.add.f32 [tilespmem:s17], [sflag:$0x3], $0x80, s24, s16, $0xb8;
	[tilespmem:$0x1E800] =	vst v63  }
0x27: {  	_ =	swait.ge [sflag:s14], $0x4000  }
0x28: {  	[sflag:s14] =	ssyncset.done $0x0  }
0x29: {  	s30 =	simm.s32 $0x100;
	[sflag:s14] =	ssyncadd.s32 $0xFFFFC000  }
0x2a: {  	[tilespmem:s17], [sflag:$0x1] =	stream.indirect.gather [hbm4b:s1+s16], $0x80, s30, s16, $0xb8;
	[tilespmem:$0x1E800] =	vst v63  }
0x2b: {  	_ =	swait.ge [sflag:s20], $0x4000  }
0x2c: {  	[sflag:s20] =	ssyncset.done $0x0  }
0x2d: {  	s31 =	simm.s32 $0x1480;
	[sflag:s20] =	ssyncadd.s32 $0xFFFFC000  }
0x2e: {  	[spmem:s2] =	stream.indirect.scatter.add.f32 [tilespmem:s18], [sflag:$0x3], $0x80, s31, s16, $0xb8;
	[tilespmem:$0x1E800] =	vst v63  }
0x2f: {  	_ =	swait.ge [sflag:s14], $0x4000  }
0x30: {  	[sflag:s14] =	ssyncset.done $0x0  }
0x31: {  	s25 =	simm.s32 $0x180;
	s24 =	simm.s32 $0x400;
	[sflag:s14] =	ssyncadd.s32 $0xFFFFC000  }
.LBB2_2:
0x32: {  	[tilespmem:s18], [sflag:$0x2] =	stream.indirect.gather [hbm4b:s1+s16], $0x80, s25, s16, $0xb8;
	[tilespmem:$0x1E800] =	vst v63  }
0x33: {  	s25 =	smov.u32 s24  }
0x34: {  	p0 =	sne.s32 s24, $0x4800;
	s24 =	sadd.s32 $0x400, s24;
	_ =	swait.ge [sflag:s19], $0x4000  }
0x35: {  	s25 =	sshra.s32 s25, $0x2;
	[sflag:s19] =	ssyncset.done $0x0  }
0x36: {  	s26 =	sadd.s32 $0x1400, s25;
	[sflag:s19] =	ssyncadd.s32 $0xFFFFC000  }
0x37: {  	[spmem:s2] =	stream.indirect.scatter.add.f32 [tilespmem:s17], [sflag:$0x3], $0x80, s26, s16, $0xb8;
	[tilespmem:$0x1E800] =	vst v63  }
0x38: {  	_ =	swait.ge [sflag:s14], $0x4000  }
0x39: {  	[sflag:s14] =	ssyncset.done $0x0  }
0x3a: {  	s26 =	sadd.s32 $0x100, s25;
	[sflag:s14] =	ssyncadd.s32 $0xFFFFC000  }
0x3b: {  	[tilespmem:s17], [sflag:$0x1] =	stream.indirect.gather [hbm4b:s1+s16], $0x80, s26, s16, $0xb8;
	[tilespmem:$0x1E800] =	vst v63  }
0x3c: {  	_ =	swait.ge [sflag:s20], $0x4000  }
0x3d: {  	[sflag:s20] =	ssyncset.done $0x0  }
.Ltmp0:
0x3e: {  	s26 =	sadd.s32 $0x1480, s25;
	[sflag:s20] =	ssyncadd.s32 $0xFFFFC000;
	(pc) =	sbr.rel @p0 .LBB2_2-.Ltmp0, $4  }
0x3f: {  	[spmem:s2] =	stream.indirect.scatter.add.f32 [tilespmem:s18], [sflag:$0x3], $0x80, s26, s16, $0xb8;
	[tilespmem:$0x1E800] =	vst v63  }
0x40: {  	_ =	swait.ge [sflag:s14], $0x4000  }
0x41: {  	[sflag:s14] =	ssyncset.done $0x0  }
0x42: {  	s25 =	sadd.s32 $0x180, s25;
	[sflag:s14] =	ssyncadd.s32 $0xFFFFC000  }
0x43: {  	[tilespmem:s18], [sflag:$0x2] =	stream.indirect.gather [hbm4b:s1+s16], $0x80, s25, s16, $0xb8;
	[tilespmem:$0x1E800] =	vst v63  }
0x44: {  	_ =	swait.ge [sflag:s19], $0x4000  }
0x45: {  	[sflag:s19] =	ssyncset.done $0x0  }
0x46: {  	[sflag:s19] =	ssyncadd.s32 $0xFFFFC000  }
0x47: {  	[spmem:s2] =	stream.indirect.scatter.add.f32 [tilespmem:s17], [sflag:$0x3], $0x80, s21, s16, $0xb8;
	[tilespmem:$0x1E800] =	vst v63  }
0x48: {  	_ =	swait.ge [sflag:s14], $0x4000  }
0x49: {  	[sflag:s14] =	ssyncset.done $0x0  }
0x4a: {  	[sflag:s14] =	ssyncadd.s32 $0xFFFFC000  }
0x4b: {  	_ =	swait.ge [sflag:s20], $0x4000  }
0x4c: {  	[sflag:s20] =	ssyncset.done $0x0  }
0x4d: {  	[sflag:s20] =	ssyncadd.s32 $0xFFFFC000  }
0x4e: {  	[spmem:s2] =	stream.indirect.scatter.add.f32 [tilespmem:s18], [sflag:$0x3], $0x80, s22, s16, $0xb8;
	[tilespmem:$0x1E800] =	vst v63  }
0x4f: {  	_ =	swait.ge [sflag:s14], $0x4000  }
0x50: {  	[sflag:s14] =	ssyncset.done $0x0  }
0x51: {  	s24 =	simm.s32 $0x0;
	[sflag:s14] =	ssyncadd.s32 $0xFFFFC000  }
0x52: {  	[tilespmem:s24], [sflag:$0x3] =	stream.linear.gather [hbm4b:s11+s24], $0x1400, $0x38;
	[tilespmem:$0x1E800] =	vst v63  }
0x53: {  	_ =	swait.ge [sflag:s14], $0x1400  }
0x54: {  	[sflag:s14] =	ssyncset.done $0x0  }
0x55: {  	[sflag:s14] =	ssyncadd.s32 $0xFFFFEC00  }
0x56: {  	[tilespmem:s15], [sflag:$0x3] =	stream.linear.gather [hbm4b:s12+s24], $0x1400, $0x38;
	[tilespmem:$0x1E800] =	vst v63  }
0x57: {  	_ =	swait.ge [sflag:s14], $0x1400  }
0x58: {  	[sflag:s14] =	ssyncset.done $0x0  }
0x59: {  	[sflag:s14] =	ssyncadd.s32 $0xFFFFEC00  }
0x5a: {  	[tilespmem:s17], [sflag:$0x1] =	stream.indirect.gather [hbm4b:s1+s16], $0x80, s24, s16, $0xb8;
	[tilespmem:$0x1E800] =	vst v63  }
0x5b: {  	_ = 	snop  }
0x5c: {  	[tilespmem:s18], [sflag:$0x2] =	stream.indirect.gather [hbm4b:s1+s16], $0x80, s16, s16, $0xb8;
	[tilespmem:$0x1E800] =	vst v63  }
0x5d: {  	_ =	swait.ge [sflag:s19], $0x4000  }
0x5e: {  	[sflag:s19] =	ssyncset.done $0x0  }
0x5f: {  	s29 =	simm.s32 $0x1400;
	[sflag:s19] =	ssyncadd.s32 $0xFFFFC000  }
0x60: {  	[spmem:s2] =	stream.indirect.scatter.add.f32 [tilespmem:s17], [sflag:$0x3], $0x80, s29, s16, $0xb8;
	[tilespmem:$0x1E800] =	vst v63  }
0x61: {  	_ =	swait.ge [sflag:s14], $0x4000  }
0x62: {  	[sflag:s14] =	ssyncset.done $0x0  }
0x63: {  	s30 =	simm.s32 $0x100;
	[sflag:s14] =	ssyncadd.s32 $0xFFFFC000  }
0x64: {  	[tilespmem:s17], [sflag:$0x1] =	stream.indirect.gather [hbm4b:s1+s16], $0x80, s30, s16, $0xb8;
	[tilespmem:$0x1E800] =	vst v63  }
0x65: {  	_ =	swait.ge [sflag:s20], $0x4000  }
0x66: {  	[sflag:s20] =	ssyncset.done $0x0  }
0x67: {  	s31 =	simm.s32 $0x1480;
	[sflag:s20] =	ssyncadd.s32 $0xFFFFC000  }
0x68: {  	[spmem:s2] =	stream.indirect.scatter.add.f32 [tilespmem:s18], [sflag:$0x3], $0x80, s31, s16, $0xb8;
	[tilespmem:$0x1E800] =	vst v63  }
0x69: {  	_ =	swait.ge [sflag:s14], $0x4000  }
0x6a: {  	[sflag:s14] =	ssyncset.done $0x0  }
0x6b: {  	s25 =	simm.s32 $0x180;
	s24 =	simm.s32 $0x400;
	[sflag:s14] =	ssyncadd.s32 $0xFFFFC000  }
.LBB2_4:
0x6c: {  	[tilespmem:s18], [sflag:$0x2] =	stream.indirect.gather [hbm4b:s1+s16], $0x80, s25, s16, $0xb8;
	[tilespmem:$0x1E800] =	vst v63  }
0x6d: {  	s25 =	smov.u32 s24  }
0x6e: {  	p0 =	sne.s32 s24, $0x4800;
	s24 =	sadd.s32 $0x400, s24;
	_ =	swait.ge [sflag:s19], $0x4000  }
0x6f: {  	s25 =	sshra.s32 s25, $0x2;
	[sflag:s19] =	ssyncset.done $0x0  }
0x70: {  	s26 =	sadd.s32 $0x1400, s25;
	[sflag:s19] =	ssyncadd.s32 $0xFFFFC000  }
0x71: {  	[spmem:s2] =	stream.indirect.scatter.add.f32 [tilespmem:s17], [sflag:$0x3], $0x80, s26, s16, $0xb8;
	[tilespmem:$0x1E800] =	vst v63  }
0x72: {  	_ =	swait.ge [sflag:s14], $0x4000  }
0x73: {  	[sflag:s14] =	ssyncset.done $0x0  }
0x74: {  	s26 =	sadd.s32 $0x100, s25;
	[sflag:s14] =	ssyncadd.s32 $0xFFFFC000  }
0x75: {  	[tilespmem:s17], [sflag:$0x1] =	stream.indirect.gather [hbm4b:s1+s16], $0x80, s26, s16, $0xb8;
	[tilespmem:$0x1E800] =	vst v63  }
0x76: {  	_ =	swait.ge [sflag:s20], $0x4000  }
0x77: {  	[sflag:s20] =	ssyncset.done $0x0  }
.Ltmp1:
0x78: {  	s26 =	sadd.s32 $0x1480, s25;
	[sflag:s20] =	ssyncadd.s32 $0xFFFFC000;
	(pc) =	sbr.rel @p0 .LBB2_4-.Ltmp1, $4  }
0x79: {  	[spmem:s2] =	stream.indirect.scatter.add.f32 [tilespmem:s18], [sflag:$0x3], $0x80, s26, s16, $0xb8;
	[tilespmem:$0x1E800] =	vst v63  }
0x7a: {  	_ =	swait.ge [sflag:s14], $0x4000  }
0x7b: {  	[sflag:s14] =	ssyncset.done $0x0  }
0x7c: {  	s25 =	sadd.s32 $0x180, s25;
	[sflag:s14] =	ssyncadd.s32 $0xFFFFC000  }
0x7d: {  	[tilespmem:s18], [sflag:$0x2] =	stream.indirect.gather [hbm4b:s1+s16], $0x80, s25, s16, $0xb8;
	[tilespmem:$0x1E800] =	vst v63  }
0x7e: {  	_ =	swait.ge [sflag:s19], $0x4000  }
0x7f: {  	[sflag:s19] =	ssyncset.done $0x0  }
0x80: {  	[sflag:s19] =	ssyncadd.s32 $0xFFFFC000  }
0x81: {  	[spmem:s2] =	stream.indirect.scatter.add.f32 [tilespmem:s17], [sflag:$0x3], $0x80, s21, s16, $0xb8;
	[tilespmem:$0x1E800] =	vst v63  }
0x82: {  	_ =	swait.ge [sflag:s14], $0x4000  }
0x83: {  	[sflag:s14] =	ssyncset.done $0x0  }
0x84: {  	[sflag:s14] =	ssyncadd.s32 $0xFFFFC000  }
0x85: {  	_ =	swait.ge [sflag:s20], $0x4000  }
0x86: {  	[sflag:s20] =	ssyncset.done $0x0  }
0x87: {  	[sflag:s20] =	ssyncadd.s32 $0xFFFFC000  }
0x88: {  	[spmem:s2] =	stream.indirect.scatter.add.f32 [tilespmem:s18], [sflag:$0x3], $0x80, s22, s16, $0xb8;
	[tilespmem:$0x1E800] =	vst v63  }
0x89: {  	_ =	swait.ge [sflag:s14], $0x4000  }
0x8a: {  	s23 =	sadd.s32 $0x1, s23;
	[sflag:s14] =	ssyncset.done $0x0  }
0x8b: {  	p0 =	sne.s32 s23, s8;
	[sflag:s14] =	ssyncadd.s32 $0xFFFFC000  }
.Ltmp2:
0x8c: {  	[bflag:$0x0] =	sbarrier.arrive $0xFFFF;
	(pc) =	sbr.rel @p0 .LBB2_1-.Ltmp2, $4  }
0x8d: {  	[hbm:s7], [sflag:s6] =	dma.local [spmem:s13], $0x2800  }
0x8e: {  	_ =	swait.ge [sflag:s14], $0x2800  }
0x8f: {  	[sflag:s14] =	ssyncset.done $0x0  }
0x90: {  	[sflag:s14] =	ssyncadd.s32 $0xFFFFD800  }
0x91: {  	_ =	sfence.sel $0x180000  }
0x92: {  	[bflag:$0x0] =	sbarrier.arrive $0xFFFF  }
0x93: {  	p0 =	sne.s32 s3, $0x0;
	_ =	strace $0x90000059  }
0x94: {  	s0 =	sadd.s32 @!p0 $0x100000, s0;
	[bflag:$0x2] =	sbarrier.arrive $0xFFFF  }
0x95: {  	[sflag:s0] =	ssyncadd.tile.s32 @!p0 $0x1;
	_ =	shalt  }
.Lfunc_end2:
_tile_overlayer_lowered:
.L_overlay_start_2:
0x96: {  	(tag) =	ssettag $0x2  }
0x97: {  	s0 =	rddreg [dreg:$0x0];
	s2 =	stileid.u32  }
0x98: {  	s1 =	rddreg [dreg:$0x1];
	p0 =	sne.s32 s2, $0x0  }
0x99: {  	s3 =	rddreg [dreg:$0x2];
	[bflag:$0x3] =	sbarrier.arrive $0xFFFF;
	s2 =	simm.s32 @!p0 $0x1C03  }
0x9a: {  	[timem:s3], [sflag:s2] =	dma.local @!p0 [hbm:s0], s1  }
0x9b: {  	s0 =	simm.s32 @!p0 $0x3  }
0x9c: {  	_ =	swait.ge @!p0 [sflag:s0], s1  }
0x9d: {  	s1 =	ssub.s32 @!p0 $0x0, s1;
	[sflag:s0] =	ssyncset.done @!p0 $0x0  }
0x9e: {  	[sflag:s0] =	ssyncadd.s32 @!p0 s1  }
0x9f: {  	[bflag:$0x3] =	sbarrier.arrive $0xFFFF  }
0xa0: {  	_ =	shalt  }

// kernel: kernel.41.cloned.1.call-start
scs
__scs_entry_jumppad:
0x0: {  	(pc) =	sbr.rel $0x88, $3  }
0x1: {  	(tag) =	ssettag $0x0;
	lr =	simm.s32 $0x1  }
0x2: {  	[smem:$0x3F67] =	sst lr;
	_ =	strace $0xD0000000  }
0x3: {  	_ = 	snop  }
0x4: {  	_ = 	snop  }
0x5: {  	_ = 	snop  }
0x6: {  	_ = 	snop  }
0x7: {  	_ = 	snop  }
__scs_overlays_trampoline_lowered:
0x8: {  	[smem:$0x3F76] =	sst s0  }
0x9: {  	[smem:$0x3F77] =	sst s1  }
0xa: {  	[smem:$0x3F78] =	sst s2  }
0xb: {  	[smem:$0x3F79] =	sst s3  }
0xc: {  	[smem:$0x3F7A] =	sst s4  }
0xd: {  	[smem:$0x3F7B] =	sst s5  }
0xe: {  	[smem:$0x3F7C] =	sst s6  }
0xf: {  	[smem:$0x3F7D] =	sst s7  }
0x10: {  	[smem:$0x3F7E] =	sst s8  }
0x11: {  	[smem:$0x3F7F] =	sst s9;
	s0 =	simm.s32 @!p0 $0x0  }
0x12: {  	s1 =	sld [smem:$0x3F65];
	s0 =	simm.s32 @p0 $0x1  }
0x13: {  	[smem:$0x3F80] =	sst s0;
	s0 =	simm.s32 @!p1 $0x0  }
0x14: {  	s2 =	sld [smem:$0x3F64];
	s0 =	simm.s32 @p1 $0x1  }
0x15: {  	[smem:$0x3F81] =	sst s0;
	s0 =	simm.s32 @!p2 $0x0  }
0x16: {  	s3 =	sld [smem:$0x3FDB];
	s0 =	simm.s32 @p2 $0x1  }
0x17: {  	s4 =	simm.s32 $0x1BF5;
	[smem:$0x3F83] =	sst s0  }
0x18: {  	s0 =	sld [smem:$0x3F66];
	_ =	swait.ge [sflag:s4], $0x0  }
0x19: {  	s7 =	sld [smem:$0x3F67]  }
0x1a: {  	s8 =	sadd.s32 $0xFFFFE003, lr  }
0x1b: {  	s9 =	sadd.s32 $0xFFFFFEF7, lr;
	s5 =	simm.s32 $0xFFFFFFFF;
	p2 =	slt.u32 s8, $0xFFFFF086  }
0x1c: {  	p1 =	slt.u32 s9, $0xF7A;
	s5 =	simm.s32 @!p2 $0x0  }
0x1d: {  	s5 =	simm.s32 @p1 $0x1;
	p0 =	seq.s32 s7, s2  }
0x1e: {  	s7 =	smul.u32 @!p0 $0xF7A, s2;
	p2 =	seq.s32 @!p0 s5, $0x0  }
0x1f: {  	s9 =	smul.u32 $0xF7A, s1;
	s8 =	simm.s32 @!p0 $0x1BF5;
	p2 =	por !p2, p0  }
0x20: {  	[sflag:s8] =	ssyncset.s32 @!p0 $0xFFFFF086;
	s6 =	sadd.s32 @!p0 s3, s7;
	s7 =	simm.s32 @!p0 $0x108  }
0x21: {  	s3 =	sadd.s32 s3, s9;
	s6 =	sadd.s32 @!p0 $0x88, s6;
	s7 =	simm.s32 @p2 $0x1082  }
0x22: {  	[simem:s7], [sflag:s8] =	dma.local @!p0 [hbm:s6], $0xF7A  }
0x23: {  	s9 =	sor.u32 $0xD0000000, s2;
	s6 =	simm.s32 $0x108;
	_ =	swait.ge @!p0 [sflag:s8], $0x0  }
0x24: {  	s3 =	sadd.s32 $0x88, s3;
	s6 =	simm.s32 @!p1 $0x1082;
	[sflag:s4] =	ssyncset.s32 $0xFFFFF086  }
0x25: {  	[simem:s6], [sflag:s4] =	dma.local [hbm:s3], $0xF7A  }
0x26: {  	[smem:$0x3F67] =	sst s1;
	(tag) =	ssettag s2;
	_ =	strace s9  }
0x27: {  	s1 =	sld [smem:$0x3F77]  }
0x28: {  	s2 =	sld [smem:$0x3F78]  }
0x29: {  	s4 =	sld [smem:$0x3F7A]  }
0x2a: {  	p0 =	seq.s32 s5, $0x0;
	s5 =	sld [smem:$0x3F7B]  }
0x2b: {  	s6 =	sld [smem:$0x3F7C]  }
0x2c: {  	s7 =	sld [smem:$0x3F7D]  }
0x2d: {  	s3 =	simm.s32 $0x108;
	s8 =	sld [smem:$0x3F7E]  }
0x2e: {  	s3 =	simm.s32 @!p0 $0x1082;
	s9 =	sld [smem:$0x3F7F]  }
0x2f: {  	lr =	sadd.s32 s0, s3;
	s0 =	sld [smem:$0x3F76]  }
0x30: {  	s3 =	sld [smem:$0x3F79]  }
0x31: {  	[smem:$0x3F82] =	sst s10  }
0x32: {  	s10 =	sld [smem:$0x3F80];
	_ =	sdelay $0x3  }
0x33: {  	p0 =	seq.s32 s10, $0x1;
	s10 =	sld [smem:$0x3F82];
	_ =	sdelay $0x3  }
0x34: {  	[smem:$0x3F82] =	sst s10  }
0x35: {  	s10 =	sld [smem:$0x3F81];
	_ =	sdelay $0x3  }
0x36: {  	p1 =	seq.s32 s10, $0x1;
	s10 =	sld [smem:$0x3F82];
	_ =	sdelay $0x3  }
0x37: {  	[smem:$0x3F82] =	sst s10  }
0x38: {  	s10 =	sld [smem:$0x3F83]  }
0x39: {  	_ = 	snop;
	(pc) =	sbr.ind lr, $3  }
0x3a: {  	_ = 	snop  }
0x3b: {  	_ = 	snop  }
0x3c: {  	p2 =	seq.s32 s10, $0x1;
	s10 =	sld [smem:$0x3F82]  }
0x3d: {  	_ =	shalt  }
0x3e: {  	_ =	shalt  }
0x3f: {  	_ =	shalt  }
0x40: {  	_ =	shalt  }
0x41: {  	_ =	shalt  }
0x42: {  	_ =	shalt  }
0x43: {  	_ =	shalt  }
0x44: {  	_ =	shalt  }
0x45: {  	_ =	shalt  }
0x46: {  	_ =	shalt  }
0x47: {  	_ =	shalt  }
0x48: {  	_ =	shalt  }
0x49: {  	_ =	shalt  }
0x4a: {  	_ =	shalt  }
0x4b: {  	_ =	shalt  }
0x4c: {  	_ =	shalt  }
0x4d: {  	_ =	shalt  }
0x4e: {  	_ =	shalt  }
0x4f: {  	_ =	shalt  }
0x50: {  	_ =	shalt  }
0x51: {  	_ =	shalt  }
0x52: {  	_ =	shalt  }
0x53: {  	_ =	shalt  }
0x54: {  	_ =	shalt  }
0x55: {  	_ =	shalt  }
0x56: {  	_ =	shalt  }
0x57: {  	_ =	shalt  }
0x58: {  	_ =	shalt  }
0x59: {  	_ =	shalt  }
0x5a: {  	_ =	shalt  }
0x5b: {  	_ =	shalt  }
0x5c: {  	_ =	shalt  }
0x5d: {  	_ =	shalt  }
0x5e: {  	_ =	shalt  }
0x5f: {  	_ =	shalt  }
0x60: {  	_ =	shalt  }
0x61: {  	_ =	shalt  }
0x62: {  	_ =	shalt  }
0x63: {  	_ =	shalt  }
0x64: {  	_ =	shalt  }
0x65: {  	_ =	shalt  }
0x66: {  	_ =	shalt  }
0x67: {  	_ =	shalt  }
0x68: {  	_ =	shalt  }
0x69: {  	_ =	shalt  }
0x6a: {  	_ =	shalt  }
0x6b: {  	_ =	shalt  }
0x6c: {  	_ =	shalt  }
0x6d: {  	_ =	shalt  }
0x6e: {  	_ =	shalt  }
0x6f: {  	_ =	shalt  }
0x70: {  	_ =	shalt  }
0x71: {  	_ =	shalt  }
0x72: {  	_ =	shalt  }
0x73: {  	_ =	shalt  }
0x74: {  	_ =	shalt  }
0x75: {  	_ =	shalt  }
0x76: {  	_ =	shalt  }
0x77: {  	_ =	shalt  }
0x78: {  	_ =	shalt  }
0x79: {  	_ =	shalt  }
0x7a: {  	_ =	shalt  }
0x7b: {  	_ =	shalt  }
0x7c: {  	_ =	shalt  }
0x7d: {  	_ =	shalt  }
0x7e: {  	_ =	shalt  }
0x7f: {  	_ =	shalt  }
0x80: {  	_ =	shalt  }
0x81: {  	_ =	shalt  }
0x82: {  	_ =	shalt  }
0x83: {  	_ =	shalt  }
0x84: {  	_ =	shalt  }
0x85: {  	_ =	shalt  }
0x86: {  	_ =	shalt  }
0x87: {  	_ =	shalt  }
.Lfunc_end0:
.L_simem_size_0:
called_computation.7_lowered:
.L_overlay_start_0:
0x88: {  	s2 =	sld [smem:$0x3FD9]  }
0x89: {  	s3 =	sld [smem:$0x3FFE];
	_ =	sdelay $0x1  }
0x8a: {  	s1 =	srdreg.scid  }
0x8b: {  	s0 =	sand.u32 $0x1, s1  }
0x8c: {  	s17 =	sshll.u32 s0, $0xA;
	s2 =	sadd.s32 s3, s2  }
0x8d: {  	s2 =	sadd.s32 s2, s17  }
0x8e: {  	[smem:$0x3F8E] =	sst s2  }
0x8f: {  	_ = 	snop  }
0x90: {  	s2 =	sld [smem:$0x3FD0];
	(tm) =	ssettm $0x1  }
0x91: {  	s18 =	sld [smem:$0x3FFB];
	_ =	sdelay $0x3  }
0x92: {  	_ =	strace s18  }
0x93: {  	s3 =	sld [smem:$0x3FFC];
	_ =	sdelay $0x3  }
0x94: {  	_ =	strace s3  }
0x95: {  	s3 =	sld [smem:$0x3FFD];
	_ =	sdelay $0x3  }
0x96: {  	_ =	strace s3  }
0x97: {  	_ =	strace $0x8FFFFFFF  }
0x98: {  	s19 =	sld [smem:$0x3FDB];
	_ =	sdelay $0x1  }
0x99: {  	s4 =	simm.s32 $_scs_section_size  }
0x9a: {  	s5 =	simm.s32 $_size__tile_overlayer_lowered;
	s6 =	simm.s32 $_tile_overlayer_lowered  }
0x9b: {  	s22 =	simm.s32 $0x1BFF;
	s21 =	sshll.u32 s6, $0x1;
	s3 =	sadd.s32 s4, s19  }
0x9c: {  	s7 =	simm.s32 $0x0;
	s20 =	sshll.u32 s5, $0x1;
	s5 =	sadd.s32 s21, s3  }
0x9d: {  	[timem:s7], [sflag:s22] =	dma.local [hbm:s5], s20  }
0x9e: {  	_ =	swait.ge [sflag:s22], s20  }
0x9f: {  	s4 =	ssub.s32 $0x0, s20;
	[sflag:s22] =	ssyncset.done $0x0  }
0xa0: {  	[sflag:s22] =	ssyncadd.s32 s4;
	_ =	sdelay $0x1  }
0xa1: {  	s23 =	simm.s32 $0x1B8B  }
0xa2: {  	_ =	swait.ge [sflag:s23], $0x1  }
0xa3: {  	[sflag:s23] =	ssyncset.done $0x0  }
0xa4: {  	s25 =	simm.s32 $0x1B8E;
	s24 =	sld [smem:$0x3FFE];
	[sflag:s23] =	ssyncadd.s32 $0xFFFFFFFF  }
0xa5: {  	s26 =	simm.s32 $execute0_lowered;
	[smem:$0x3FD2] =	sst s25  }
0xa6: {  	s5 =	sshll.u32 s26, $0x1;
	_ =	strace $0x8000005B;
	[dreg:$0x1] =	wrdreg $0xFFFFFFFF  }
0xa7: {  	s28 =	simm.s32 $_size_execute0_lowered;
	s3 =	sadd.s32 s3, s5;
	[dreg:$0x0] =	wrdreg $0x0  }
0xa8: {  	s5 =	sshll.u32 s28, $0x1;
	[dreg:$0x2] =	wrdreg s3  }
0xa9: {  	[dreg:$0x3] =	wrdreg s5  }
0xaa: {  	[dreg:$0x4] =	wrdreg $0xC0  }
0xab: {  	_ =	task [dreg:s7], $0x5FFFF  }
0xac: {  	[dreg:$0x1] =	wrdreg $0xFFFFFFFF  }
0xad: {  	[dreg:$0x0] =	wrdreg $0x60  }
0xae: {  	[dreg:$0x2] =	wrdreg s2  }
0xaf: {  	[dreg:$0x3] =	wrdreg s24  }
0xb0: {  	[dreg:$0x4] =	wrdreg $0xA8000  }
0xb1: {  	[dreg:$0x5] =	wrdreg $0x9  }
0xb2: {  	_ =	task.clear_ibuf [dreg:s7], $0x6FFFF;
	_ =	strace $0x9000005B  }
0xb3: {  	s29 =	simm.s32 $0x9;
	_ =	strace $0x8000005D  }
0xb4: {  	_ =	swait.ge [sflag:s29], $0x1  }
0xb5: {  	[sflag:s29] =	ssyncadd.s32 $0xFFFFFFFF  }
0xb6: {  	_ =	strace $0x9000005D  }
0xb7: {  	_ =	sfence  }
0xb8: {  	s30 =	sld [smem:$0x0];
	_ =	sdelay $0x2  }
0xb9: {  	s31 =	sshll.u32 s1, $0xD;
	s1 =	sshrl.u32 s1, $0x2  }
0xba: {  	s3 =	sand.u32 $0x4000, s31;
	s1 =	sadd.s32 s1, s30  }
0xbb: {  	s0 =	sor.u32 s3, s0;
	s1 =	sshll.u32 s1, $0x11  }
0xbc: {  	s0 =	sor.u32 s1, s0  }
0xbd: {  	s0 =	sadd.s32 $0x8F2B, s0  }
0xbe: {  	[sflag:s0] =	ssyncadd.remote.s32 $0x1  }
0xbf: {  	_ =	sfence.sel $0xFFFF  }
0xc0: {  	[dreg:$0x0] =	wrdreg $0xFFFFFFFF;
	(pc) =	sbr.abs _section_cstart, $3  }
0xc1: {  	[dreg:$0x1] =	wrdreg $0xFFFFFFFF  }
0xc2: {  	_ =	task.clear_ibuf [dreg:s7], $0x2FFFF;
	_ =	strace $0x9FFFFFFF  }
0xc3: {  	(tm) =	ssettm $0x7FFFFFFF  }
tec
execute0_lowered:
.L_overlay_start_1:
0x0: {  	(tag) =	ssettag $0x1  }
0x1: {  	s1 =	rddreg [dreg:$0x0]  }
0x2: {  	s6 =	rddreg [dreg:$0x1]  }
0x3: {  	s2 =	rddreg [dreg:$0x2]  }
0x4: {  	s3 =	srdreg.scid;
	s0 =	rddreg [dreg:$0x3];
	s4 =	simm.s32 $0x0  }
0x5: {  	s16 =	simm.s32 $0x80;
	s17 =	simm.s32 $0x2800;
	s18 =	simm.s32 $0x6800  }
0x6: {  	s19 =	simm.s32 $0x1;
	s20 =	simm.s32 $0x2;
	s21 =	simm.s32 $0x2700  }
0x7: {  	s22 =	simm.s32 $0x2780;
	s7 =	sand.u32 $0x1, s3;
	s3 =	stileid.u32  }
0x8: {  	s23 =	simm.s32 $0x0;
	[smem:$0x7FF] =	sst s4;
	s5 =	smul.u32 $0x140000, s7  }
0x9: {  	s11 =	sadd.s32 $0x8E00, s6;
	s12 =	sadd.s32 $0x12E00, s6;
	s8 =	smul.u32 $0x14000, s3  }
0xa: {  	_ =	strace $0x8000005C;
	s9 =	sshll.u32 s3, $0x1;
	s10 =	ssub.s32 $0x2, s7  }
0xb: {  	s28 =	smul.u32 $0x50000, s3;
	s31 =	sshll.u32 s3, $0x6;
	s7 =	sor.u32 s7, s9  }
0xc: {  	s29 =	sshrl.u32 s10, $0x1;
	s8 =	sadd.s32 s8, s5;
	s5 =	sadd.s32 $0x1CE00, s6  }
0xd: {  	s7 =	smul.u32 $0x2800, s7;
	s30 =	sshrl.u32 s28, $0x2;
	s8 =	sshrl.u32 s8, $0x3  }
0xe: {  	s10 =	ssub.s32 s10, s29;
	s13 =	sadd.s32 s30, s2;
	s8 =	sadd.s32 s8, s6  }
0xf: {  	s6 =	sor.u32 $0x1C03, s31;
	s14 =	sshrl.u32 s7, $0x3;
	s13 =	sshrl.u32 s13, $0x3  }
0x10: {  	s7 =	sadd.s32 $0x10BE00, s8;
	s8 =	smax.u32 s10, $0x1;
	s15 =	sadd.s32 $0x280, s14  }
0x11: {  	s9 =	sadd.s32 s11, s14;
	s10 =	sadd.s32 s12, s14;
	s14 =	simm.s32 $0x3  }
0x12: {  	s11 =	sadd.s32 s11, s15;
	s12 =	sadd.s32 s12, s15;
	s15 =	simm.s32 $0x1400  }
.LBB2_1:
0x13: {  	[spmem:s13], [sflag:s6] =	dma.local [hbm:s5], $0x2800  }
0x14: {  	_ =	swait.ge [sflag:s14], $0x2800  }
0x15: {  	[sflag:s14] =	ssyncset.done $0x0  }
0x16: {  	[sflag:s14] =	ssyncadd.s32 $0xFFFFD800  }
0x17: {  	[bflag:$0x0] =	sbarrier.arrive $0xFFFF  }
0x18: {  	[tilespmem:s4], [sflag:$0x3] =	stream.linear.gather [hbm4b:s9+s4], $0x1400, $0x38;
	[tilespmem:$0x1E800] =	vst v63  }
0x19: {  	_ =	swait.ge [sflag:s14], $0x1400  }
0x1a: {  	[sflag:s14] =	ssyncset.done $0x0  }
0x1b: {  	[sflag:s14] =	ssyncadd.s32 $0xFFFFEC00  }
0x1c: {  	[tilespmem:s15], [sflag:$0x3] =	stream.linear.gather [hbm4b:s10+s4], $0x1400, $0x38;
	[tilespmem:$0x1E800] =	vst v63  }
0x1d: {  	_ =	swait.ge [sflag:s14], $0x1400  }
0x1e: {  	[sflag:s14] =	ssyncset.done $0x0  }
0x1f: {  	[sflag:s14] =	ssyncadd.s32 $0xFFFFEC00  }
0x20: {  	[tilespmem:s17], [sflag:$0x1] =	stream.indirect.gather [hbm4b:s1+s16], $0x80, s4, s16, $0xb8;
	[tilespmem:$0x1E800] =	vst v63  }
0x21: {  	_ = 	snop  }
0x22: {  	[tilespmem:s18], [sflag:$0x2] =	stream.indirect.gather [hbm4b:s1+s16], $0x80, s16, s16, $0xb8;
	[tilespmem:$0x1E800] =	vst v63  }
0x23: {  	_ =	swait.ge [sflag:s19], $0x4000  }
0x24: {  	[sflag:s19] =	ssyncset.done $0x0  }
0x25: {  	s24 =	simm.s32 $0x1400;
	[sflag:s19] =	ssyncadd.s32 $0xFFFFC000  }
0x26: {  	[spmem:s2] =	stream.indirect.scatter.add.f32 [tilespmem:s17], [sflag:$0x3], $0x80, s24, s16, $0xb8;
	[tilespmem:$0x1E800] =	vst v63  }
0x27: {  	_ =	swait.ge [sflag:s14], $0x4000  }
0x28: {  	[sflag:s14] =	ssyncset.done $0x0  }
0x29: {  	s30 =	simm.s32 $0x100;
	[sflag:s14] =	ssyncadd.s32 $0xFFFFC000  }
0x2a: {  	[tilespmem:s17], [sflag:$0x1] =	stream.indirect.gather [hbm4b:s1+s16], $0x80, s30, s16, $0xb8;
	[tilespmem:$0x1E800] =	vst v63  }
0x2b: {  	_ =	swait.ge [sflag:s20], $0x4000  }
0x2c: {  	[sflag:s20] =	ssyncset.done $0x0  }
0x2d: {  	s31 =	simm.s32 $0x1480;
	[sflag:s20] =	ssyncadd.s32 $0xFFFFC000  }
0x2e: {  	[spmem:s2] =	stream.indirect.scatter.add.f32 [tilespmem:s18], [sflag:$0x3], $0x80, s31, s16, $0xb8;
	[tilespmem:$0x1E800] =	vst v63  }
0x2f: {  	_ =	swait.ge [sflag:s14], $0x4000  }
0x30: {  	[sflag:s14] =	ssyncset.done $0x0  }
0x31: {  	s25 =	simm.s32 $0x180;
	s24 =	simm.s32 $0x400;
	[sflag:s14] =	ssyncadd.s32 $0xFFFFC000  }
.LBB2_2:
0x32: {  	[tilespmem:s18], [sflag:$0x2] =	stream.indirect.gather [hbm4b:s1+s16], $0x80, s25, s16, $0xb8;
	[tilespmem:$0x1E800] =	vst v63  }
0x33: {  	s25 =	smov.u32 s24  }
0x34: {  	p0 =	sne.s32 s24, $0x4800;
	s24 =	sadd.s32 $0x400, s24;
	_ =	swait.ge [sflag:s19], $0x4000  }
0x35: {  	s25 =	sshra.s32 s25, $0x2;
	[sflag:s19] =	ssyncset.done $0x0  }
0x36: {  	s26 =	sadd.s32 $0x1400, s25;
	[sflag:s19] =	ssyncadd.s32 $0xFFFFC000  }
0x37: {  	[spmem:s2] =	stream.indirect.scatter.add.f32 [tilespmem:s17], [sflag:$0x3], $0x80, s26, s16, $0xb8;
	[tilespmem:$0x1E800] =	vst v63  }
0x38: {  	_ =	swait.ge [sflag:s14], $0x4000  }
0x39: {  	[sflag:s14] =	ssyncset.done $0x0  }
0x3a: {  	s26 =	sadd.s32 $0x100, s25;
	[sflag:s14] =	ssyncadd.s32 $0xFFFFC000  }
0x3b: {  	[tilespmem:s17], [sflag:$0x1] =	stream.indirect.gather [hbm4b:s1+s16], $0x80, s26, s16, $0xb8;
	[tilespmem:$0x1E800] =	vst v63  }
0x3c: {  	_ =	swait.ge [sflag:s20], $0x4000  }
0x3d: {  	[sflag:s20] =	ssyncset.done $0x0  }
.Ltmp0:
0x3e: {  	s26 =	sadd.s32 $0x1480, s25;
	[sflag:s20] =	ssyncadd.s32 $0xFFFFC000;
	(pc) =	sbr.rel @p0 .LBB2_2-.Ltmp0, $4  }
0x3f: {  	[spmem:s2] =	stream.indirect.scatter.add.f32 [tilespmem:s18], [sflag:$0x3], $0x80, s26, s16, $0xb8;
	[tilespmem:$0x1E800] =	vst v63  }
0x40: {  	_ =	swait.ge [sflag:s14], $0x4000  }
0x41: {  	[sflag:s14] =	ssyncset.done $0x0  }
0x42: {  	s25 =	sadd.s32 $0x180, s25;
	[sflag:s14] =	ssyncadd.s32 $0xFFFFC000  }
0x43: {  	[tilespmem:s18], [sflag:$0x2] =	stream.indirect.gather [hbm4b:s1+s16], $0x80, s25, s16, $0xb8;
	[tilespmem:$0x1E800] =	vst v63  }
0x44: {  	_ =	swait.ge [sflag:s19], $0x4000  }
0x45: {  	[sflag:s19] =	ssyncset.done $0x0  }
0x46: {  	[sflag:s19] =	ssyncadd.s32 $0xFFFFC000  }
0x47: {  	[spmem:s2] =	stream.indirect.scatter.add.f32 [tilespmem:s17], [sflag:$0x3], $0x80, s21, s16, $0xb8;
	[tilespmem:$0x1E800] =	vst v63  }
0x48: {  	_ =	swait.ge [sflag:s14], $0x4000  }
0x49: {  	[sflag:s14] =	ssyncset.done $0x0  }
0x4a: {  	[sflag:s14] =	ssyncadd.s32 $0xFFFFC000  }
0x4b: {  	_ =	swait.ge [sflag:s20], $0x4000  }
0x4c: {  	[sflag:s20] =	ssyncset.done $0x0  }
0x4d: {  	[sflag:s20] =	ssyncadd.s32 $0xFFFFC000  }
0x4e: {  	[spmem:s2] =	stream.indirect.scatter.add.f32 [tilespmem:s18], [sflag:$0x3], $0x80, s22, s16, $0xb8;
	[tilespmem:$0x1E800] =	vst v63  }
0x4f: {  	_ =	swait.ge [sflag:s14], $0x4000  }
0x50: {  	[sflag:s14] =	ssyncset.done $0x0  }
0x51: {  	s24 =	simm.s32 $0x0;
	[sflag:s14] =	ssyncadd.s32 $0xFFFFC000  }
0x52: {  	[tilespmem:s24], [sflag:$0x3] =	stream.linear.gather [hbm4b:s11+s24], $0x1400, $0x38;
	[tilespmem:$0x1E800] =	vst v63  }
0x53: {  	_ =	swait.ge [sflag:s14], $0x1400  }
0x54: {  	[sflag:s14] =	ssyncset.done $0x0  }
0x55: {  	[sflag:s14] =	ssyncadd.s32 $0xFFFFEC00  }
0x56: {  	[tilespmem:s15], [sflag:$0x3] =	stream.linear.gather [hbm4b:s12+s24], $0x1400, $0x38;
	[tilespmem:$0x1E800] =	vst v63  }
0x57: {  	_ =	swait.ge [sflag:s14], $0x1400  }
0x58: {  	[sflag:s14] =	ssyncset.done $0x0  }
0x59: {  	[sflag:s14] =	ssyncadd.s32 $0xFFFFEC00  }
0x5a: {  	[tilespmem:s17], [sflag:$0x1] =	stream.indirect.gather [hbm4b:s1+s16], $0x80, s24, s16, $0xb8;
	[tilespmem:$0x1E800] =	vst v63  }
0x5b: {  	_ = 	snop  }
0x5c: {  	[tilespmem:s18], [sflag:$0x2] =	stream.indirect.gather [hbm4b:s1+s16], $0x80, s16, s16, $0xb8;
	[tilespmem:$0x1E800] =	vst v63  }
0x5d: {  	_ =	swait.ge [sflag:s19], $0x4000  }
0x5e: {  	[sflag:s19] =	ssyncset.done $0x0  }
0x5f: {  	s29 =	simm.s32 $0x1400;
	[sflag:s19] =	ssyncadd.s32 $0xFFFFC000  }
0x60: {  	[spmem:s2] =	stream.indirect.scatter.add.f32 [tilespmem:s17], [sflag:$0x3], $0x80, s29, s16, $0xb8;
	[tilespmem:$0x1E800] =	vst v63  }
0x61: {  	_ =	swait.ge [sflag:s14], $0x4000  }
0x62: {  	[sflag:s14] =	ssyncset.done $0x0  }
0x63: {  	s30 =	simm.s32 $0x100;
	[sflag:s14] =	ssyncadd.s32 $0xFFFFC000  }
0x64: {  	[tilespmem:s17], [sflag:$0x1] =	stream.indirect.gather [hbm4b:s1+s16], $0x80, s30, s16, $0xb8;
	[tilespmem:$0x1E800] =	vst v63  }
0x65: {  	_ =	swait.ge [sflag:s20], $0x4000  }
0x66: {  	[sflag:s20] =	ssyncset.done $0x0  }
0x67: {  	s31 =	simm.s32 $0x1480;
	[sflag:s20] =	ssyncadd.s32 $0xFFFFC000  }
0x68: {  	[spmem:s2] =	stream.indirect.scatter.add.f32 [tilespmem:s18], [sflag:$0x3], $0x80, s31, s16, $0xb8;
	[tilespmem:$0x1E800] =	vst v63  }
0x69: {  	_ =	swait.ge [sflag:s14], $0x4000  }
0x6a: {  	[sflag:s14] =	ssyncset.done $0x0  }
0x6b: {  	s25 =	simm.s32 $0x180;
	s24 =	simm.s32 $0x400;
	[sflag:s14] =	ssyncadd.s32 $0xFFFFC000  }
.LBB2_4:
0x6c: {  	[tilespmem:s18], [sflag:$0x2] =	stream.indirect.gather [hbm4b:s1+s16], $0x80, s25, s16, $0xb8;
	[tilespmem:$0x1E800] =	vst v63  }
0x6d: {  	s25 =	smov.u32 s24  }
0x6e: {  	p0 =	sne.s32 s24, $0x4800;
	s24 =	sadd.s32 $0x400, s24;
	_ =	swait.ge [sflag:s19], $0x4000  }
0x6f: {  	s25 =	sshra.s32 s25, $0x2;
	[sflag:s19] =	ssyncset.done $0x0  }
0x70: {  	s26 =	sadd.s32 $0x1400, s25;
	[sflag:s19] =	ssyncadd.s32 $0xFFFFC000  }
0x71: {  	[spmem:s2] =	stream.indirect.scatter.add.f32 [tilespmem:s17], [sflag:$0x3], $0x80, s26, s16, $0xb8;
	[tilespmem:$0x1E800] =	vst v63  }
0x72: {  	_ =	swait.ge [sflag:s14], $0x4000  }
0x73: {  	[sflag:s14] =	ssyncset.done $0x0  }
0x74: {  	s26 =	sadd.s32 $0x100, s25;
	[sflag:s14] =	ssyncadd.s32 $0xFFFFC000  }
0x75: {  	[tilespmem:s17], [sflag:$0x1] =	stream.indirect.gather [hbm4b:s1+s16], $0x80, s26, s16, $0xb8;
	[tilespmem:$0x1E800] =	vst v63  }
0x76: {  	_ =	swait.ge [sflag:s20], $0x4000  }
0x77: {  	[sflag:s20] =	ssyncset.done $0x0  }
.Ltmp1:
0x78: {  	s26 =	sadd.s32 $0x1480, s25;
	[sflag:s20] =	ssyncadd.s32 $0xFFFFC000;
	(pc) =	sbr.rel @p0 .LBB2_4-.Ltmp1, $4  }
0x79: {  	[spmem:s2] =	stream.indirect.scatter.add.f32 [tilespmem:s18], [sflag:$0x3], $0x80, s26, s16, $0xb8;
	[tilespmem:$0x1E800] =	vst v63  }
0x7a: {  	_ =	swait.ge [sflag:s14], $0x4000  }
0x7b: {  	[sflag:s14] =	ssyncset.done $0x0  }
0x7c: {  	s25 =	sadd.s32 $0x180, s25;
	[sflag:s14] =	ssyncadd.s32 $0xFFFFC000  }
0x7d: {  	[tilespmem:s18], [sflag:$0x2] =	stream.indirect.gather [hbm4b:s1+s16], $0x80, s25, s16, $0xb8;
	[tilespmem:$0x1E800] =	vst v63  }
0x7e: {  	_ =	swait.ge [sflag:s19], $0x4000  }
0x7f: {  	[sflag:s19] =	ssyncset.done $0x0  }
0x80: {  	[sflag:s19] =	ssyncadd.s32 $0xFFFFC000  }
0x81: {  	[spmem:s2] =	stream.indirect.scatter.add.f32 [tilespmem:s17], [sflag:$0x3], $0x80, s21, s16, $0xb8;
	[tilespmem:$0x1E800] =	vst v63  }
0x82: {  	_ =	swait.ge [sflag:s14], $0x4000  }
0x83: {  	[sflag:s14] =	ssyncset.done $0x0  }
0x84: {  	[sflag:s14] =	ssyncadd.s32 $0xFFFFC000  }
0x85: {  	_ =	swait.ge [sflag:s20], $0x4000  }
0x86: {  	[sflag:s20] =	ssyncset.done $0x0  }
0x87: {  	[sflag:s20] =	ssyncadd.s32 $0xFFFFC000  }
0x88: {  	[spmem:s2] =	stream.indirect.scatter.add.f32 [tilespmem:s18], [sflag:$0x3], $0x80, s22, s16, $0xb8;
	[tilespmem:$0x1E800] =	vst v63  }
0x89: {  	_ =	swait.ge [sflag:s14], $0x4000  }
0x8a: {  	s23 =	sadd.s32 $0x1, s23;
	[sflag:s14] =	ssyncset.done $0x0  }
0x8b: {  	p0 =	sne.s32 s23, s8;
	[sflag:s14] =	ssyncadd.s32 $0xFFFFC000  }
.Ltmp2:
0x8c: {  	[bflag:$0x0] =	sbarrier.arrive $0xFFFF;
	(pc) =	sbr.rel @p0 .LBB2_1-.Ltmp2, $4  }
0x8d: {  	[hbm:s7], [sflag:s6] =	dma.local [spmem:s13], $0x2800  }
0x8e: {  	_ =	swait.ge [sflag:s14], $0x2800  }
0x8f: {  	[sflag:s14] =	ssyncset.done $0x0  }
0x90: {  	[sflag:s14] =	ssyncadd.s32 $0xFFFFD800  }
0x91: {  	_ =	sfence.sel $0x180000  }
0x92: {  	[bflag:$0x0] =	sbarrier.arrive $0xFFFF  }
0x93: {  	p0 =	sne.s32 s3, $0x0;
	_ =	strace $0x9000005C  }
0x94: {  	s0 =	sadd.s32 @!p0 $0x100000, s0;
	[bflag:$0x2] =	sbarrier.arrive $0xFFFF  }
0x95: {  	[sflag:s0] =	ssyncadd.tile.s32 @!p0 $0x1;
	_ =	shalt  }
.Lfunc_end2:
_tile_overlayer_lowered:
.L_overlay_start_2:
0x96: {  	(tag) =	ssettag $0x2  }
0x97: {  	s0 =	rddreg [dreg:$0x0];
	s2 =	stileid.u32  }
0x98: {  	s1 =	rddreg [dreg:$0x1];
	p0 =	sne.s32 s2, $0x0  }
0x99: {  	s3 =	rddreg [dreg:$0x2];
	[bflag:$0x3] =	sbarrier.arrive $0xFFFF;
	s2 =	simm.s32 @!p0 $0x1C03  }
0x9a: {  	[timem:s3], [sflag:s2] =	dma.local @!p0 [hbm:s0], s1  }
0x9b: {  	s0 =	simm.s32 @!p0 $0x3  }
0x9c: {  	_ =	swait.ge @!p0 [sflag:s0], s1  }
0x9d: {  	s1 =	ssub.s32 @!p0 $0x0, s1;
	[sflag:s0] =	ssyncset.done @!p0 $0x0  }
0x9e: {  	[sflag:s0] =	ssyncadd.s32 @!p0 s1  }
0x9f: {  	[bflag:$0x3] =	sbarrier.arrive $0xFFFF  }
0xa0: {  	_ =	shalt  }

// kernel: kernel.44.cloned.1.call-start
scs
__scs_entry_jumppad:
0x0: {  	(pc) =	sbr.rel $0x88, $3  }
0x1: {  	(tag) =	ssettag $0x0;
	lr =	simm.s32 $0x1  }
0x2: {  	[smem:$0x3F67] =	sst lr;
	_ =	strace $0xD0000000  }
0x3: {  	_ = 	snop  }
0x4: {  	_ = 	snop  }
0x5: {  	_ = 	snop  }
0x6: {  	_ = 	snop  }
0x7: {  	_ = 	snop  }
__scs_overlays_trampoline_lowered:
0x8: {  	[smem:$0x3F76] =	sst s0  }
0x9: {  	[smem:$0x3F77] =	sst s1  }
0xa: {  	[smem:$0x3F78] =	sst s2  }
0xb: {  	[smem:$0x3F79] =	sst s3  }
0xc: {  	[smem:$0x3F7A] =	sst s4  }
0xd: {  	[smem:$0x3F7B] =	sst s5  }
0xe: {  	[smem:$0x3F7C] =	sst s6  }
0xf: {  	[smem:$0x3F7D] =	sst s7  }
0x10: {  	[smem:$0x3F7E] =	sst s8  }
0x11: {  	[smem:$0x3F7F] =	sst s9;
	s0 =	simm.s32 @!p0 $0x0  }
0x12: {  	s1 =	sld [smem:$0x3F65];
	s0 =	simm.s32 @p0 $0x1  }
0x13: {  	[smem:$0x3F80] =	sst s0;
	s0 =	simm.s32 @!p1 $0x0  }
0x14: {  	s2 =	sld [smem:$0x3F64];
	s0 =	simm.s32 @p1 $0x1  }
0x15: {  	[smem:$0x3F81] =	sst s0;
	s0 =	simm.s32 @!p2 $0x0  }
0x16: {  	s3 =	sld [smem:$0x3FDB];
	s0 =	simm.s32 @p2 $0x1  }
0x17: {  	s4 =	simm.s32 $0x1BF5;
	[smem:$0x3F83] =	sst s0  }
0x18: {  	s0 =	sld [smem:$0x3F66];
	_ =	swait.ge [sflag:s4], $0x0  }
0x19: {  	s7 =	sld [smem:$0x3F67]  }
0x1a: {  	s8 =	sadd.s32 $0xFFFFE003, lr  }
0x1b: {  	s9 =	sadd.s32 $0xFFFFFEF7, lr;
	s5 =	simm.s32 $0xFFFFFFFF;
	p2 =	slt.u32 s8, $0xFFFFF086  }
0x1c: {  	p1 =	slt.u32 s9, $0xF7A;
	s5 =	simm.s32 @!p2 $0x0  }
0x1d: {  	s5 =	simm.s32 @p1 $0x1;
	p0 =	seq.s32 s7, s2  }
0x1e: {  	s7 =	smul.u32 @!p0 $0xF7A, s2;
	p2 =	seq.s32 @!p0 s5, $0x0  }
0x1f: {  	s9 =	smul.u32 $0xF7A, s1;
	s8 =	simm.s32 @!p0 $0x1BF5;
	p2 =	por !p2, p0  }
0x20: {  	[sflag:s8] =	ssyncset.s32 @!p0 $0xFFFFF086;
	s6 =	sadd.s32 @!p0 s3, s7;
	s7 =	simm.s32 @!p0 $0x108  }
0x21: {  	s3 =	sadd.s32 s3, s9;
	s6 =	sadd.s32 @!p0 $0x88, s6;
	s7 =	simm.s32 @p2 $0x1082  }
0x22: {  	[simem:s7], [sflag:s8] =	dma.local @!p0 [hbm:s6], $0xF7A  }
0x23: {  	s9 =	sor.u32 $0xD0000000, s2;
	s6 =	simm.s32 $0x108;
	_ =	swait.ge @!p0 [sflag:s8], $0x0  }
0x24: {  	s3 =	sadd.s32 $0x88, s3;
	s6 =	simm.s32 @!p1 $0x1082;
	[sflag:s4] =	ssyncset.s32 $0xFFFFF086  }
0x25: {  	[simem:s6], [sflag:s4] =	dma.local [hbm:s3], $0xF7A  }
0x26: {  	[smem:$0x3F67] =	sst s1;
	(tag) =	ssettag s2;
	_ =	strace s9  }
0x27: {  	s1 =	sld [smem:$0x3F77]  }
0x28: {  	s2 =	sld [smem:$0x3F78]  }
0x29: {  	s4 =	sld [smem:$0x3F7A]  }
0x2a: {  	p0 =	seq.s32 s5, $0x0;
	s5 =	sld [smem:$0x3F7B]  }
0x2b: {  	s6 =	sld [smem:$0x3F7C]  }
0x2c: {  	s7 =	sld [smem:$0x3F7D]  }
0x2d: {  	s3 =	simm.s32 $0x108;
	s8 =	sld [smem:$0x3F7E]  }
0x2e: {  	s3 =	simm.s32 @!p0 $0x1082;
	s9 =	sld [smem:$0x3F7F]  }
0x2f: {  	lr =	sadd.s32 s0, s3;
	s0 =	sld [smem:$0x3F76]  }
0x30: {  	s3 =	sld [smem:$0x3F79]  }
0x31: {  	[smem:$0x3F82] =	sst s10  }
0x32: {  	s10 =	sld [smem:$0x3F80];
	_ =	sdelay $0x3  }
0x33: {  	p0 =	seq.s32 s10, $0x1;
	s10 =	sld [smem:$0x3F82];
	_ =	sdelay $0x3  }
0x34: {  	[smem:$0x3F82] =	sst s10  }
0x35: {  	s10 =	sld [smem:$0x3F81];
	_ =	sdelay $0x3  }
0x36: {  	p1 =	seq.s32 s10, $0x1;
	s10 =	sld [smem:$0x3F82];
	_ =	sdelay $0x3  }
0x37: {  	[smem:$0x3F82] =	sst s10  }
0x38: {  	s10 =	sld [smem:$0x3F83]  }
0x39: {  	_ = 	snop;
	(pc) =	sbr.ind lr, $3  }
0x3a: {  	_ = 	snop  }
0x3b: {  	_ = 	snop  }
0x3c: {  	p2 =	seq.s32 s10, $0x1;
	s10 =	sld [smem:$0x3F82]  }
0x3d: {  	_ =	shalt  }
0x3e: {  	_ =	shalt  }
0x3f: {  	_ =	shalt  }
0x40: {  	_ =	shalt  }
0x41: {  	_ =	shalt  }
0x42: {  	_ =	shalt  }
0x43: {  	_ =	shalt  }
0x44: {  	_ =	shalt  }
0x45: {  	_ =	shalt  }
0x46: {  	_ =	shalt  }
0x47: {  	_ =	shalt  }
0x48: {  	_ =	shalt  }
0x49: {  	_ =	shalt  }
0x4a: {  	_ =	shalt  }
0x4b: {  	_ =	shalt  }
0x4c: {  	_ =	shalt  }
0x4d: {  	_ =	shalt  }
0x4e: {  	_ =	shalt  }
0x4f: {  	_ =	shalt  }
0x50: {  	_ =	shalt  }
0x51: {  	_ =	shalt  }
0x52: {  	_ =	shalt  }
0x53: {  	_ =	shalt  }
0x54: {  	_ =	shalt  }
0x55: {  	_ =	shalt  }
0x56: {  	_ =	shalt  }
0x57: {  	_ =	shalt  }
0x58: {  	_ =	shalt  }
0x59: {  	_ =	shalt  }
0x5a: {  	_ =	shalt  }
0x5b: {  	_ =	shalt  }
0x5c: {  	_ =	shalt  }
0x5d: {  	_ =	shalt  }
0x5e: {  	_ =	shalt  }
0x5f: {  	_ =	shalt  }
0x60: {  	_ =	shalt  }
0x61: {  	_ =	shalt  }
0x62: {  	_ =	shalt  }
0x63: {  	_ =	shalt  }
0x64: {  	_ =	shalt  }
0x65: {  	_ =	shalt  }
0x66: {  	_ =	shalt  }
0x67: {  	_ =	shalt  }
0x68: {  	_ =	shalt  }
0x69: {  	_ =	shalt  }
0x6a: {  	_ =	shalt  }
0x6b: {  	_ =	shalt  }
0x6c: {  	_ =	shalt  }
0x6d: {  	_ =	shalt  }
0x6e: {  	_ =	shalt  }
0x6f: {  	_ =	shalt  }
0x70: {  	_ =	shalt  }
0x71: {  	_ =	shalt  }
0x72: {  	_ =	shalt  }
0x73: {  	_ =	shalt  }
0x74: {  	_ =	shalt  }
0x75: {  	_ =	shalt  }
0x76: {  	_ =	shalt  }
0x77: {  	_ =	shalt  }
0x78: {  	_ =	shalt  }
0x79: {  	_ =	shalt  }
0x7a: {  	_ =	shalt  }
0x7b: {  	_ =	shalt  }
0x7c: {  	_ =	shalt  }
0x7d: {  	_ =	shalt  }
0x7e: {  	_ =	shalt  }
0x7f: {  	_ =	shalt  }
0x80: {  	_ =	shalt  }
0x81: {  	_ =	shalt  }
0x82: {  	_ =	shalt  }
0x83: {  	_ =	shalt  }
0x84: {  	_ =	shalt  }
0x85: {  	_ =	shalt  }
0x86: {  	_ =	shalt  }
0x87: {  	_ =	shalt  }
.Lfunc_end0:
.L_simem_size_0:
called_computation.8_lowered:
.L_overlay_start_0:
0x88: {  	s2 =	sld [smem:$0x3FD9]  }
0x89: {  	s3 =	sld [smem:$0x3FFE];
	_ =	sdelay $0x1  }
0x8a: {  	s1 =	srdreg.scid  }
0x8b: {  	s0 =	sand.u32 $0x1, s1  }
0x8c: {  	s17 =	sshll.u32 s0, $0xA;
	s2 =	sadd.s32 s3, s2  }
0x8d: {  	s2 =	sadd.s32 s2, s17  }
0x8e: {  	[smem:$0x3F8E] =	sst s2  }
0x8f: {  	_ = 	snop  }
0x90: {  	s2 =	sld [smem:$0x3FD0];
	(tm) =	ssettm $0x1  }
0x91: {  	s18 =	sld [smem:$0x3FFB];
	_ =	sdelay $0x3  }
0x92: {  	_ =	strace s18  }
0x93: {  	s3 =	sld [smem:$0x3FFC];
	_ =	sdelay $0x3  }
0x94: {  	_ =	strace s3  }
0x95: {  	s3 =	sld [smem:$0x3FFD];
	_ =	sdelay $0x3  }
0x96: {  	_ =	strace s3  }
0x97: {  	_ =	strace $0x8FFFFFFF  }
0x98: {  	s19 =	sld [smem:$0x3FDB];
	_ =	sdelay $0x1  }
0x99: {  	s4 =	simm.s32 $_scs_section_size  }
0x9a: {  	s5 =	simm.s32 $_size__tile_overlayer_lowered;
	s6 =	simm.s32 $_tile_overlayer_lowered  }
0x9b: {  	s22 =	simm.s32 $0x1BFF;
	s21 =	sshll.u32 s6, $0x1;
	s3 =	sadd.s32 s4, s19  }
0x9c: {  	s7 =	simm.s32 $0x0;
	s20 =	sshll.u32 s5, $0x1;
	s5 =	sadd.s32 s21, s3  }
0x9d: {  	[timem:s7], [sflag:s22] =	dma.local [hbm:s5], s20  }
0x9e: {  	_ =	swait.ge [sflag:s22], s20  }
0x9f: {  	s4 =	ssub.s32 $0x0, s20;
	[sflag:s22] =	ssyncset.done $0x0  }
0xa0: {  	[sflag:s22] =	ssyncadd.s32 s4;
	_ =	sdelay $0x1  }
0xa1: {  	s23 =	simm.s32 $0x1B8B  }
0xa2: {  	_ =	swait.ge [sflag:s23], $0x1  }
0xa3: {  	[sflag:s23] =	ssyncset.done $0x0  }
0xa4: {  	s25 =	simm.s32 $0x1B8E;
	s24 =	sld [smem:$0x3FFE];
	[sflag:s23] =	ssyncadd.s32 $0xFFFFFFFF  }
0xa5: {  	s26 =	simm.s32 $execute0_lowered;
	[smem:$0x3FD2] =	sst s25  }
0xa6: {  	s5 =	sshll.u32 s26, $0x1;
	_ =	strace $0x8000005E;
	[dreg:$0x1] =	wrdreg $0xFFFFFFFF  }
0xa7: {  	s28 =	simm.s32 $_size_execute0_lowered;
	s3 =	sadd.s32 s3, s5;
	[dreg:$0x0] =	wrdreg $0x0  }
0xa8: {  	s5 =	sshll.u32 s28, $0x1;
	[dreg:$0x2] =	wrdreg s3  }
0xa9: {  	[dreg:$0x3] =	wrdreg s5  }
0xaa: {  	[dreg:$0x4] =	wrdreg $0xC0  }
0xab: {  	_ =	task [dreg:s7], $0x5FFFF  }
0xac: {  	[dreg:$0x1] =	wrdreg $0xFFFFFFFF  }
0xad: {  	[dreg:$0x0] =	wrdreg $0x60  }
0xae: {  	[dreg:$0x2] =	wrdreg s2  }
0xaf: {  	[dreg:$0x3] =	wrdreg s24  }
0xb0: {  	[dreg:$0x4] =	wrdreg $0xA8000  }
0xb1: {  	[dreg:$0x5] =	wrdreg $0x9  }
0xb2: {  	_ =	task.clear_ibuf [dreg:s7], $0x6FFFF;
	_ =	strace $0x9000005E  }
0xb3: {  	s29 =	simm.s32 $0x9;
	_ =	strace $0x80000060  }
0xb4: {  	_ =	swait.ge [sflag:s29], $0x1  }
0xb5: {  	[sflag:s29] =	ssyncadd.s32 $0xFFFFFFFF  }
0xb6: {  	_ =	strace $0x90000060  }
0xb7: {  	_ =	sfence  }
0xb8: {  	s30 =	sld [smem:$0x0];
	_ =	sdelay $0x2  }
0xb9: {  	s31 =	sshll.u32 s1, $0xD;
	s1 =	sshrl.u32 s1, $0x2  }
0xba: {  	s3 =	sand.u32 $0x4000, s31;
	s1 =	sadd.s32 s1, s30  }
0xbb: {  	s0 =	sor.u32 s3, s0;
	s1 =	sshll.u32 s1, $0x11  }
0xbc: {  	s0 =	sor.u32 s1, s0  }
0xbd: {  	s0 =	sadd.s32 $0x8F2B, s0  }
0xbe: {  	[sflag:s0] =	ssyncadd.remote.s32 $0x1  }
0xbf: {  	_ =	sfence.sel $0xFFFF  }
0xc0: {  	[dreg:$0x0] =	wrdreg $0xFFFFFFFF;
	(pc) =	sbr.abs _section_cstart, $3  }
0xc1: {  	[dreg:$0x1] =	wrdreg $0xFFFFFFFF  }
0xc2: {  	_ =	task.clear_ibuf [dreg:s7], $0x2FFFF;
	_ =	strace $0x9FFFFFFF  }
0xc3: {  	(tm) =	ssettm $0x7FFFFFFF  }
tec
execute0_lowered:
.L_overlay_start_1:
0x0: {  	(tag) =	ssettag $0x1  }
0x1: {  	s1 =	rddreg [dreg:$0x0]  }
0x2: {  	s6 =	rddreg [dreg:$0x1]  }
0x3: {  	s2 =	rddreg [dreg:$0x2]  }
0x4: {  	s3 =	srdreg.scid;
	s0 =	rddreg [dreg:$0x3];
	s4 =	simm.s32 $0x0  }
0x5: {  	s16 =	simm.s32 $0x80;
	s17 =	simm.s32 $0x2800;
	s18 =	simm.s32 $0x6800  }
0x6: {  	s19 =	simm.s32 $0x1;
	s20 =	simm.s32 $0x2;
	s21 =	simm.s32 $0x2700  }
0x7: {  	s22 =	simm.s32 $0x2780;
	s7 =	sand.u32 $0x1, s3;
	s3 =	stileid.u32  }
0x8: {  	s23 =	simm.s32 $0x0;
	[smem:$0x7FF] =	sst s4;
	s5 =	smul.u32 $0x140000, s7  }
0x9: {  	s11 =	sadd.s32 $0x8E00, s6;
	s12 =	sadd.s32 $0x12E00, s6;
	s8 =	smul.u32 $0x14000, s3  }
0xa: {  	_ =	strace $0x8000005F;
	s9 =	sshll.u32 s3, $0x1;
	s10 =	ssub.s32 $0x2, s7  }
0xb: {  	s28 =	smul.u32 $0x50000, s3;
	s31 =	sshll.u32 s3, $0x6;
	s7 =	sor.u32 s7, s9  }
0xc: {  	s29 =	sshrl.u32 s10, $0x1;
	s8 =	sadd.s32 s8, s5;
	s5 =	sadd.s32 $0x1CE00, s6  }
0xd: {  	s7 =	smul.u32 $0x2800, s7;
	s30 =	sshrl.u32 s28, $0x2;
	s8 =	sshrl.u32 s8, $0x3  }
0xe: {  	s10 =	ssub.s32 s10, s29;
	s13 =	sadd.s32 s30, s2;
	s8 =	sadd.s32 s8, s6  }
0xf: {  	s6 =	sor.u32 $0x1C03, s31;
	s14 =	sshrl.u32 s7, $0x3;
	s13 =	sshrl.u32 s13, $0x3  }
0x10: {  	s7 =	sadd.s32 $0x6F600, s8;
	s8 =	smax.u32 s10, $0x1;
	s15 =	sadd.s32 $0x280, s14  }
0x11: {  	s9 =	sadd.s32 s11, s14;
	s10 =	sadd.s32 s12, s14;
	s14 =	simm.s32 $0x3  }
0x12: {  	s11 =	sadd.s32 s11, s15;
	s12 =	sadd.s32 s12, s15;
	s15 =	simm.s32 $0x1400  }
.LBB2_1:
0x13: {  	[spmem:s13], [sflag:s6] =	dma.local [hbm:s5], $0x2800  }
0x14: {  	_ =	swait.ge [sflag:s14], $0x2800  }
0x15: {  	[sflag:s14] =	ssyncset.done $0x0  }
0x16: {  	[sflag:s14] =	ssyncadd.s32 $0xFFFFD800  }
0x17: {  	[bflag:$0x0] =	sbarrier.arrive $0xFFFF  }
0x18: {  	[tilespmem:s4], [sflag:$0x3] =	stream.linear.gather [hbm4b:s9+s4], $0x1400, $0x38;
	[tilespmem:$0x1E800] =	vst v63  }
0x19: {  	_ =	swait.ge [sflag:s14], $0x1400  }
0x1a: {  	[sflag:s14] =	ssyncset.done $0x0  }
0x1b: {  	[sflag:s14] =	ssyncadd.s32 $0xFFFFEC00  }
0x1c: {  	[tilespmem:s15], [sflag:$0x3] =	stream.linear.gather [hbm4b:s10+s4], $0x1400, $0x38;
	[tilespmem:$0x1E800] =	vst v63  }
0x1d: {  	_ =	swait.ge [sflag:s14], $0x1400  }
0x1e: {  	[sflag:s14] =	ssyncset.done $0x0  }
0x1f: {  	[sflag:s14] =	ssyncadd.s32 $0xFFFFEC00  }
0x20: {  	[tilespmem:s17], [sflag:$0x1] =	stream.indirect.gather [hbm4b:s1+s16], $0x80, s4, s16, $0xb8;
	[tilespmem:$0x1E800] =	vst v63  }
0x21: {  	_ = 	snop  }
0x22: {  	[tilespmem:s18], [sflag:$0x2] =	stream.indirect.gather [hbm4b:s1+s16], $0x80, s16, s16, $0xb8;
	[tilespmem:$0x1E800] =	vst v63  }
0x23: {  	_ =	swait.ge [sflag:s19], $0x4000  }
0x24: {  	[sflag:s19] =	ssyncset.done $0x0  }
0x25: {  	s24 =	simm.s32 $0x1400;
	[sflag:s19] =	ssyncadd.s32 $0xFFFFC000  }
0x26: {  	[spmem:s2] =	stream.indirect.scatter.add.f32 [tilespmem:s17], [sflag:$0x3], $0x80, s24, s16, $0xb8;
	[tilespmem:$0x1E800] =	vst v63  }
0x27: {  	_ =	swait.ge [sflag:s14], $0x4000  }
0x28: {  	[sflag:s14] =	ssyncset.done $0x0  }
0x29: {  	s30 =	simm.s32 $0x100;
	[sflag:s14] =	ssyncadd.s32 $0xFFFFC000  }
0x2a: {  	[tilespmem:s17], [sflag:$0x1] =	stream.indirect.gather [hbm4b:s1+s16], $0x80, s30, s16, $0xb8;
	[tilespmem:$0x1E800] =	vst v63  }
0x2b: {  	_ =	swait.ge [sflag:s20], $0x4000  }
0x2c: {  	[sflag:s20] =	ssyncset.done $0x0  }
0x2d: {  	s31 =	simm.s32 $0x1480;
	[sflag:s20] =	ssyncadd.s32 $0xFFFFC000  }
0x2e: {  	[spmem:s2] =	stream.indirect.scatter.add.f32 [tilespmem:s18], [sflag:$0x3], $0x80, s31, s16, $0xb8;
	[tilespmem:$0x1E800] =	vst v63  }
0x2f: {  	_ =	swait.ge [sflag:s14], $0x4000  }
0x30: {  	[sflag:s14] =	ssyncset.done $0x0  }
0x31: {  	s25 =	simm.s32 $0x180;
	s24 =	simm.s32 $0x400;
	[sflag:s14] =	ssyncadd.s32 $0xFFFFC000  }
.LBB2_2:
0x32: {  	[tilespmem:s18], [sflag:$0x2] =	stream.indirect.gather [hbm4b:s1+s16], $0x80, s25, s16, $0xb8;
	[tilespmem:$0x1E800] =	vst v63  }
0x33: {  	s25 =	smov.u32 s24  }
0x34: {  	p0 =	sne.s32 s24, $0x4800;
	s24 =	sadd.s32 $0x400, s24;
	_ =	swait.ge [sflag:s19], $0x4000  }
0x35: {  	s25 =	sshra.s32 s25, $0x2;
	[sflag:s19] =	ssyncset.done $0x0  }
0x36: {  	s26 =	sadd.s32 $0x1400, s25;
	[sflag:s19] =	ssyncadd.s32 $0xFFFFC000  }
0x37: {  	[spmem:s2] =	stream.indirect.scatter.add.f32 [tilespmem:s17], [sflag:$0x3], $0x80, s26, s16, $0xb8;
	[tilespmem:$0x1E800] =	vst v63  }
0x38: {  	_ =	swait.ge [sflag:s14], $0x4000  }
0x39: {  	[sflag:s14] =	ssyncset.done $0x0  }
0x3a: {  	s26 =	sadd.s32 $0x100, s25;
	[sflag:s14] =	ssyncadd.s32 $0xFFFFC000  }
0x3b: {  	[tilespmem:s17], [sflag:$0x1] =	stream.indirect.gather [hbm4b:s1+s16], $0x80, s26, s16, $0xb8;
	[tilespmem:$0x1E800] =	vst v63  }
0x3c: {  	_ =	swait.ge [sflag:s20], $0x4000  }
0x3d: {  	[sflag:s20] =	ssyncset.done $0x0  }
.Ltmp0:
0x3e: {  	s26 =	sadd.s32 $0x1480, s25;
	[sflag:s20] =	ssyncadd.s32 $0xFFFFC000;
	(pc) =	sbr.rel @p0 .LBB2_2-.Ltmp0, $4  }
0x3f: {  	[spmem:s2] =	stream.indirect.scatter.add.f32 [tilespmem:s18], [sflag:$0x3], $0x80, s26, s16, $0xb8;
	[tilespmem:$0x1E800] =	vst v63  }
0x40: {  	_ =	swait.ge [sflag:s14], $0x4000  }
0x41: {  	[sflag:s14] =	ssyncset.done $0x0  }
0x42: {  	s25 =	sadd.s32 $0x180, s25;
	[sflag:s14] =	ssyncadd.s32 $0xFFFFC000  }
0x43: {  	[tilespmem:s18], [sflag:$0x2] =	stream.indirect.gather [hbm4b:s1+s16], $0x80, s25, s16, $0xb8;
	[tilespmem:$0x1E800] =	vst v63  }
0x44: {  	_ =	swait.ge [sflag:s19], $0x4000  }
0x45: {  	[sflag:s19] =	ssyncset.done $0x0  }
0x46: {  	[sflag:s19] =	ssyncadd.s32 $0xFFFFC000  }
0x47: {  	[spmem:s2] =	stream.indirect.scatter.add.f32 [tilespmem:s17], [sflag:$0x3], $0x80, s21, s16, $0xb8;
	[tilespmem:$0x1E800] =	vst v63  }
0x48: {  	_ =	swait.ge [sflag:s14], $0x4000  }
0x49: {  	[sflag:s14] =	ssyncset.done $0x0  }
0x4a: {  	[sflag:s14] =	ssyncadd.s32 $0xFFFFC000  }
0x4b: {  	_ =	swait.ge [sflag:s20], $0x4000  }
0x4c: {  	[sflag:s20] =	ssyncset.done $0x0  }
0x4d: {  	[sflag:s20] =	ssyncadd.s32 $0xFFFFC000  }
0x4e: {  	[spmem:s2] =	stream.indirect.scatter.add.f32 [tilespmem:s18], [sflag:$0x3], $0x80, s22, s16, $0xb8;
	[tilespmem:$0x1E800] =	vst v63  }
0x4f: {  	_ =	swait.ge [sflag:s14], $0x4000  }
0x50: {  	[sflag:s14] =	ssyncset.done $0x0  }
0x51: {  	s24 =	simm.s32 $0x0;
	[sflag:s14] =	ssyncadd.s32 $0xFFFFC000  }
0x52: {  	[tilespmem:s24], [sflag:$0x3] =	stream.linear.gather [hbm4b:s11+s24], $0x1400, $0x38;
	[tilespmem:$0x1E800] =	vst v63  }
0x53: {  	_ =	swait.ge [sflag:s14], $0x1400  }
0x54: {  	[sflag:s14] =	ssyncset.done $0x0  }
0x55: {  	[sflag:s14] =	ssyncadd.s32 $0xFFFFEC00  }
0x56: {  	[tilespmem:s15], [sflag:$0x3] =	stream.linear.gather [hbm4b:s12+s24], $0x1400, $0x38;
	[tilespmem:$0x1E800] =	vst v63  }
0x57: {  	_ =	swait.ge [sflag:s14], $0x1400  }
0x58: {  	[sflag:s14] =	ssyncset.done $0x0  }
0x59: {  	[sflag:s14] =	ssyncadd.s32 $0xFFFFEC00  }
0x5a: {  	[tilespmem:s17], [sflag:$0x1] =	stream.indirect.gather [hbm4b:s1+s16], $0x80, s24, s16, $0xb8;
	[tilespmem:$0x1E800] =	vst v63  }
0x5b: {  	_ = 	snop  }
0x5c: {  	[tilespmem:s18], [sflag:$0x2] =	stream.indirect.gather [hbm4b:s1+s16], $0x80, s16, s16, $0xb8;
	[tilespmem:$0x1E800] =	vst v63  }
0x5d: {  	_ =	swait.ge [sflag:s19], $0x4000  }
0x5e: {  	[sflag:s19] =	ssyncset.done $0x0  }
0x5f: {  	s29 =	simm.s32 $0x1400;
	[sflag:s19] =	ssyncadd.s32 $0xFFFFC000  }
0x60: {  	[spmem:s2] =	stream.indirect.scatter.add.f32 [tilespmem:s17], [sflag:$0x3], $0x80, s29, s16, $0xb8;
	[tilespmem:$0x1E800] =	vst v63  }
0x61: {  	_ =	swait.ge [sflag:s14], $0x4000  }
0x62: {  	[sflag:s14] =	ssyncset.done $0x0  }
0x63: {  	s30 =	simm.s32 $0x100;
	[sflag:s14] =	ssyncadd.s32 $0xFFFFC000  }
0x64: {  	[tilespmem:s17], [sflag:$0x1] =	stream.indirect.gather [hbm4b:s1+s16], $0x80, s30, s16, $0xb8;
	[tilespmem:$0x1E800] =	vst v63  }
0x65: {  	_ =	swait.ge [sflag:s20], $0x4000  }
0x66: {  	[sflag:s20] =	ssyncset.done $0x0  }
0x67: {  	s31 =	simm.s32 $0x1480;
	[sflag:s20] =	ssyncadd.s32 $0xFFFFC000  }
0x68: {  	[spmem:s2] =	stream.indirect.scatter.add.f32 [tilespmem:s18], [sflag:$0x3], $0x80, s31, s16, $0xb8;
	[tilespmem:$0x1E800] =	vst v63  }
0x69: {  	_ =	swait.ge [sflag:s14], $0x4000  }
0x6a: {  	[sflag:s14] =	ssyncset.done $0x0  }
0x6b: {  	s25 =	simm.s32 $0x180;
	s24 =	simm.s32 $0x400;
	[sflag:s14] =	ssyncadd.s32 $0xFFFFC000  }
.LBB2_4:
0x6c: {  	[tilespmem:s18], [sflag:$0x2] =	stream.indirect.gather [hbm4b:s1+s16], $0x80, s25, s16, $0xb8;
	[tilespmem:$0x1E800] =	vst v63  }
0x6d: {  	s25 =	smov.u32 s24  }
0x6e: {  	p0 =	sne.s32 s24, $0x4800;
	s24 =	sadd.s32 $0x400, s24;
	_ =	swait.ge [sflag:s19], $0x4000  }
0x6f: {  	s25 =	sshra.s32 s25, $0x2;
	[sflag:s19] =	ssyncset.done $0x0  }
0x70: {  	s26 =	sadd.s32 $0x1400, s25;
	[sflag:s19] =	ssyncadd.s32 $0xFFFFC000  }
0x71: {  	[spmem:s2] =	stream.indirect.scatter.add.f32 [tilespmem:s17], [sflag:$0x3], $0x80, s26, s16, $0xb8;
	[tilespmem:$0x1E800] =	vst v63  }
0x72: {  	_ =	swait.ge [sflag:s14], $0x4000  }
0x73: {  	[sflag:s14] =	ssyncset.done $0x0  }
0x74: {  	s26 =	sadd.s32 $0x100, s25;
	[sflag:s14] =	ssyncadd.s32 $0xFFFFC000  }
0x75: {  	[tilespmem:s17], [sflag:$0x1] =	stream.indirect.gather [hbm4b:s1+s16], $0x80, s26, s16, $0xb8;
	[tilespmem:$0x1E800] =	vst v63  }
0x76: {  	_ =	swait.ge [sflag:s20], $0x4000  }
0x77: {  	[sflag:s20] =	ssyncset.done $0x0  }
.Ltmp1:
0x78: {  	s26 =	sadd.s32 $0x1480, s25;
	[sflag:s20] =	ssyncadd.s32 $0xFFFFC000;
	(pc) =	sbr.rel @p0 .LBB2_4-.Ltmp1, $4  }
0x79: {  	[spmem:s2] =	stream.indirect.scatter.add.f32 [tilespmem:s18], [sflag:$0x3], $0x80, s26, s16, $0xb8;
	[tilespmem:$0x1E800] =	vst v63  }
0x7a: {  	_ =	swait.ge [sflag:s14], $0x4000  }
0x7b: {  	[sflag:s14] =	ssyncset.done $0x0  }
0x7c: {  	s25 =	sadd.s32 $0x180, s25;
	[sflag:s14] =	ssyncadd.s32 $0xFFFFC000  }
0x7d: {  	[tilespmem:s18], [sflag:$0x2] =	stream.indirect.gather [hbm4b:s1+s16], $0x80, s25, s16, $0xb8;
	[tilespmem:$0x1E800] =	vst v63  }
0x7e: {  	_ =	swait.ge [sflag:s19], $0x4000  }
0x7f: {  	[sflag:s19] =	ssyncset.done $0x0  }
0x80: {  	[sflag:s19] =	ssyncadd.s32 $0xFFFFC000  }
0x81: {  	[spmem:s2] =	stream.indirect.scatter.add.f32 [tilespmem:s17], [sflag:$0x3], $0x80, s21, s16, $0xb8;
	[tilespmem:$0x1E800] =	vst v63  }
0x82: {  	_ =	swait.ge [sflag:s14], $0x4000  }
0x83: {  	[sflag:s14] =	ssyncset.done $0x0  }
0x84: {  	[sflag:s14] =	ssyncadd.s32 $0xFFFFC000  }
0x85: {  	_ =	swait.ge [sflag:s20], $0x4000  }
0x86: {  	[sflag:s20] =	ssyncset.done $0x0  }
0x87: {  	[sflag:s20] =	ssyncadd.s32 $0xFFFFC000  }
0x88: {  	[spmem:s2] =	stream.indirect.scatter.add.f32 [tilespmem:s18], [sflag:$0x3], $0x80, s22, s16, $0xb8;
	[tilespmem:$0x1E800] =	vst v63  }
0x89: {  	_ =	swait.ge [sflag:s14], $0x4000  }
0x8a: {  	s23 =	sadd.s32 $0x1, s23;
	[sflag:s14] =	ssyncset.done $0x0  }
0x8b: {  	p0 =	sne.s32 s23, s8;
	[sflag:s14] =	ssyncadd.s32 $0xFFFFC000  }
.Ltmp2:
0x8c: {  	[bflag:$0x0] =	sbarrier.arrive $0xFFFF;
	(pc) =	sbr.rel @p0 .LBB2_1-.Ltmp2, $4  }
0x8d: {  	[hbm:s7], [sflag:s6] =	dma.local [spmem:s13], $0x2800  }
0x8e: {  	_ =	swait.ge [sflag:s14], $0x2800  }
0x8f: {  	[sflag:s14] =	ssyncset.done $0x0  }
0x90: {  	[sflag:s14] =	ssyncadd.s32 $0xFFFFD800  }
0x91: {  	_ =	sfence.sel $0x180000  }
0x92: {  	[bflag:$0x0] =	sbarrier.arrive $0xFFFF  }
0x93: {  	p0 =	sne.s32 s3, $0x0;
	_ =	strace $0x9000005F  }
0x94: {  	s0 =	sadd.s32 @!p0 $0x100000, s0;
	[bflag:$0x2] =	sbarrier.arrive $0xFFFF  }
0x95: {  	[sflag:s0] =	ssyncadd.tile.s32 @!p0 $0x1;
	_ =	shalt  }
.Lfunc_end2:
_tile_overlayer_lowered:
.L_overlay_start_2:
0x96: {  	(tag) =	ssettag $0x2  }
0x97: {  	s0 =	rddreg [dreg:$0x0];
	s2 =	stileid.u32  }
0x98: {  	s1 =	rddreg [dreg:$0x1];
	p0 =	sne.s32 s2, $0x0  }
0x99: {  	s3 =	rddreg [dreg:$0x2];
	[bflag:$0x3] =	sbarrier.arrive $0xFFFF;
	s2 =	simm.s32 @!p0 $0x1C03  }
0x9a: {  	[timem:s3], [sflag:s2] =	dma.local @!p0 [hbm:s0], s1  }
0x9b: {  	s0 =	simm.s32 @!p0 $0x3  }
0x9c: {  	_ =	swait.ge @!p0 [sflag:s0], s1  }
0x9d: {  	s1 =	ssub.s32 @!p0 $0x0, s1;
	[sflag:s0] =	ssyncset.done @!p0 $0x0  }
0x9e: {  	[sflag:s0] =	ssyncadd.s32 @!p0 s1  }
0x9f: {  	[bflag:$0x3] =	sbarrier.arrive $0xFFFF  }
0xa0: {  	_ =	shalt  }

</sc_bundles>
